<compile_context>
chip_gen: v7x
topology: tpu7x:2x2x1
jax: 0.10.2.dev20260603
libtpu: 0.0.44.dev20260713+nightly
codegen_flags: <defaults>
</compile_context>

<pallas_src>
import functools
import math

import jax
import jax.numpy as jnp
from jax import lax
from jax.experimental import pallas as pl
from jax.experimental.pallas import tpu as pltpu
from jax.experimental.pallas import tpu_sc as plsc

N_NODES = 10000
D = 128
K = 10
B2 = 2048
N1 = B2 * K
N2 = N1 * K
NE = N2 + N1



def _add_body(m_ref, f_ref, o_ref):
    o_ref[...] = m_ref[...] + f_ref[...]


def _feats_all(memory, node_feat):
    n = memory.shape[0]
    blk = 1000
    spec = pl.BlockSpec((blk, D), lambda b: (b, 0))
    return pl.pallas_call(
        _add_body,
        grid=(n // blk,),
        in_specs=[spec, spec],
        out_specs=spec,
        out_shape=jax.ShapeDtypeStruct((n, D), jnp.float32),
    )(memory, node_feat)



def _sc_info():
    info = plsc.get_sparse_core_info()
    return info.num_cores, info.num_subcores


def _gather_stream(tab, idxv, nch, chunk, buf0, buf1, s0, s1, sw, out, base):

    def pair(p, c):
        j0 = p * 2
        g0 = pltpu.async_copy(tab.at[idxv.at[j0]], buf0, s0)
        g1 = pltpu.async_copy(tab.at[idxv.at[j0 + 1]], buf1, s1)
        g0.wait()
        w0 = pltpu.async_copy(buf0, out.at[pl.ds(base + j0 * chunk, chunk)],
                              sw)
        g1.wait()
        w1 = pltpu.async_copy(
            buf1, out.at[pl.ds(base + (j0 + 1) * chunk, chunk)], sw)
        w0.wait()
        w1.wait()
        return c

    lax.fori_loop(0, nch // 2, pair, 0)
    if nch % 2:
        j = nch - 1
        pltpu.async_copy(tab.at[idxv.at[j]], buf0, s0).wait()
        pltpu.sync_copy(buf0, out.at[pl.ds(base + j * chunk, chunk)])


def _sc_gather(table, idx, chunk):
    v, d = table.shape
    n = idx.shape[0]
    nc, ns = _sc_info()
    nw = nc * ns
    nt = n // nw
    nch = nt // chunk
    idx2d = idx.reshape(nw * nch, chunk)
    mesh = plsc.VectorSubcoreMesh(core_axis_name="c", subcore_axis_name="s")

    @functools.partial(
        pl.kernel,
        mesh=mesh,
        out_type=jax.ShapeDtypeStruct((n, d), table.dtype),
        compiler_params=pltpu.CompilerParams(use_tc_tiling_on_sc=False),
        scratch_types=[
            pltpu.VMEM((nch, chunk), jnp.int32),
            pltpu.VMEM((chunk, d), table.dtype),
            pltpu.VMEM((chunk, d), table.dtype),
            pltpu.SemaphoreType.DMA,
            pltpu.SemaphoreType.DMA,
            pltpu.SemaphoreType.DMA,
        ],
    )
    def k(tab, idxr, out, idx_v, buf0, buf1, s0, s1, sw):
        wid = lax.axis_index("s") * nc + lax.axis_index("c")
        pltpu.sync_copy(idxr.at[pl.ds(wid * nch, nch)], idx_v)
        _gather_stream(tab, idx_v, nch, chunk, buf0, buf1, s0, s1, sw,
                       out, wid * nt)

    return k(table, idx2d)


def _sc_gather_feats(feats, ef16, idx_a, idx_b, idx_c, idx_e):
    nc, ns = _sc_info()
    nw = nc * ns
    ca, cb, cc, ce = 64, 128, 128, 80
    na, nb, nch, nche = 1, (N1 // nw) // cb, (N2 // nw) // cc, (NE // nw) // ce
    idx_a2 = idx_a.reshape(nw * na, ca)
    idx_b2 = idx_b.reshape(nw * nb, cb)
    idx_c2 = idx_c.reshape(nw * nch, cc)
    idx_e2 = idx_e.reshape(nw * nche, ce)
    mesh = plsc.VectorSubcoreMesh(core_axis_name="c", subcore_axis_name="s")

    @functools.partial(
        pl.kernel,
        mesh=mesh,
        out_type=(
            jax.ShapeDtypeStruct((B2, D), jnp.float32),
            jax.ShapeDtypeStruct((N1, D), jnp.float32),
            jax.ShapeDtypeStruct((N2, D), jnp.float32),
            jax.ShapeDtypeStruct((NE, 16), jnp.float32),
        ),
        compiler_params=pltpu.CompilerParams(use_tc_tiling_on_sc=False),
        scratch_types=[
            pltpu.VMEM((na, ca), jnp.int32),
            pltpu.VMEM((nb, cb), jnp.int32),
            pltpu.VMEM((nch, cc), jnp.int32),
            pltpu.VMEM((nche, ce), jnp.int32),
            pltpu.VMEM((ca, D), jnp.float32),
            pltpu.VMEM((cb, D), jnp.float32),
            pltpu.VMEM((cb, D), jnp.float32),
            pltpu.VMEM((ce, 16), jnp.float32),
            pltpu.VMEM((ce, 16), jnp.float32),
            pltpu.SemaphoreType.DMA,
            pltpu.SemaphoreType.DMA,
            pltpu.SemaphoreType.DMA,
        ],
    )
    def k(ftab, etab, ia, ib, ic, ie, oa, ob, oc, oe,
          iva, ivb, ivc, ive, bufa, buf0, buf1, ebuf0, ebuf1, s0, s1, sw):
        wid = lax.axis_index("s") * nc + lax.axis_index("c")

        pltpu.sync_copy(ia.at[pl.ds(wid * na, na)], iva)
        pltpu.async_copy(ftab.at[iva.at[0]], bufa, s0).wait()
        pltpu.sync_copy(bufa, oa.at[pl.ds(wid * ca, ca)])

        pltpu.sync_copy(ib.at[pl.ds(wid * nb, nb)], ivb)
        _gather_stream(ftab, ivb, nb, cb, buf0, buf1, s0, s1, sw,
                       ob, wid * (nb * cb))

        pltpu.sync_copy(ic.at[pl.ds(wid * nch, nch)], ivc)
        _gather_stream(ftab, ivc, nch, cc, buf0, buf1, s0, s1, sw,
                       oc, wid * (nch * cc))

        pltpu.sync_copy(ie.at[pl.ds(wid * nche, nche)], ive)
        _gather_stream(etab, ive, nche, ce, ebuf0, ebuf1, s0, s1, sw,
                       oe, wid * (nche * ce))

    return k(feats, ef16, idx_a2, idx_b2, idx_c2, idx_e2)



_INV_2PI = 0.15915494309189535
_COS_COEF = (0.9999999890590229, -19.73920449945394, 64.93911745989782,
             -85.45013953091483, 60.167630951137724, -25.967599248953547,
             6.528658161724017)


def _cos_2pi(y):
    r = y - jnp.round(y)
    u = r * r
    acc = jnp.full_like(u, _COS_COEF[6])
    for k in (5, 4, 3, 2, 1, 0):
        acc = acc * u + _COS_COEF[k]
    return acc


def _attn_body(tsv_ref, nbts_ref, ef_ref, cf_ref, nbf_ref, tw_ref, tb_ref,
               sel_ref,
               wqa, wqb, wka, wke, wkt, wva, wve, wvt, wo, wm1a, wm1b, wm2,
               o_ref, vbuf):
    f32 = jnp.float32
    feats = cf_ref[...]
    tw = tw_ref[...]
    tb = tb_ref[...]
    tsv = tsv_ref[...]
    twc = tw * _INV_2PI
    tbc = tb * _INV_2PI
    te0 = _cos_2pi(tbc)
    q = (jnp.dot(feats, wqa[...], preferred_element_type=f32)
         + jnp.dot(te0, wqb[...], preferred_element_type=f32))
    s_all = None
    for j in range(K):
        nbj = nbf_ref[:, j * D:(j + 1) * D]
        te = _cos_2pi((tsv - nbts_ref[:, j:j + 1]) * twc + tbc)
        efj = ef_ref[:, j:j + 1]
        kj = (jnp.dot(nbj, wka[...], preferred_element_type=f32)
              + jnp.dot(te, wkt[...], preferred_element_type=f32)
              + efj * wke[...])
        vj = (jnp.dot(nbj, wva[...], preferred_element_type=f32)
              + jnp.dot(te, wvt[...], preferred_element_type=f32)
              + efj * wve[...])
        vbuf[:, j * D:(j + 1) * D] = vj
        sj = jnp.dot(q * kj, sel_ref[j * D:(j + 1) * D, :],
                     preferred_element_type=f32)
        s_all = sj if s_all is None else s_all + sj
    inv = 1.0 / math.sqrt(D // 2)
    s0 = s_all[:, :K] * inv
    s1 = s_all[:, 16:16 + K] * inv
    e0 = jnp.exp(s0 - jnp.max(s0, axis=1, keepdims=True))
    e1 = jnp.exp(s1 - jnp.max(s1, axis=1, keepdims=True))
    a0 = e0 / jnp.sum(e0, axis=1, keepdims=True)
    a1 = e1 / jnp.sum(e1, axis=1, keepdims=True)
    out0 = a0[:, 0:1] * vbuf[:, 0:D // 2]
    out1 = a1[:, 0:1] * vbuf[:, D // 2:D]
    for j in range(1, K):
        out0 = out0 + a0[:, j:j + 1] * vbuf[:, j * D:j * D + D // 2]
        out1 = out1 + a1[:, j:j + 1] * vbuf[:, j * D + D // 2:(j + 1) * D]
    out = jnp.concatenate([out0, out1], axis=1)
    ao = jnp.dot(out, wo[...], preferred_element_type=f32)
    hid = jnp.maximum(jnp.dot(ao, wm1a[...], preferred_element_type=f32)
                      + jnp.dot(feats, wm1b[...], preferred_element_type=f32),
                      0.0)
    o_ref[...] = jnp.dot(hid, wm2[...], preferred_element_type=f32)


def _head_selector():
    sel = jnp.zeros((K * D, 32), jnp.float32)
    lane = jnp.arange(D)
    rows = []
    for j in range(K):
        col = jnp.where(lane < D // 2, j, 16 + j)
        rows.append(jax.nn.one_hot(col, 32, dtype=jnp.float32))
    return jnp.concatenate(rows, axis=0)


def _attn_layer(tsv, nbts, ef, cf, nbf, tw2, tb2, w, blk):
    n = cf.shape[0]
    sel = _head_selector()
    row = lambda width: pl.BlockSpec((blk, width), lambda b: (b, 0))
    full = lambda a: pl.BlockSpec(a.shape, lambda b: (0, 0))
    in_specs = [row(1), row(16), row(16), row(D), row(K * D),
                full(tw2), full(tb2), full(sel)] + [full(x) for x in w]
    return pl.pallas_call(
        _attn_body,
        grid=(n // blk,),
        in_specs=in_specs,
        out_specs=row(D),
        out_shape=jax.ShapeDtypeStruct((n, D), jnp.float32),
        scratch_shapes=[pltpu.VMEM((blk, K * D), jnp.float32)],
    )(tsv, nbts, ef, cf, nbf, tw2, tb2, sel, *w)



def _layer_weights(Wq, Wk, Wv, Wo, Wm1, Wm2, l):
    return (Wq[l, :D], Wq[l, D:],
            Wk[l, :D], Wk[l, D:D + 1], Wk[l, D + 1:],
            Wv[l, :D], Wv[l, D:D + 1], Wv[l, D + 1:],
            Wo[l], Wm1[l, :D], Wm1[l, D:], Wm2[l])


def kernel(source_nodes, destination_nodes, edge_times, edge_idxs, node_feat,
           edge_feat, memory, time_w, time_b, nbr_idx, nbr_eidx, nbr_ts,
           Wq, Wk, Wv, Wo, Wm1, Wm2):
    i32 = jnp.int32
    nodes = jnp.concatenate([source_nodes, destination_nodes]).astype(i32)
    ts2 = jnp.concatenate([edge_times, edge_times])

    nbrtab = jnp.concatenate(
        [nbr_idx.astype(i32), nbr_eidx.astype(i32),
         lax.bitcast_convert_type(nbr_ts, i32),
         jnp.zeros((N_NODES, 2), i32)], axis=1)

    feats = _feats_all(memory, node_feat)

    ta = _sc_gather(nbrtab, nodes, 64)
    c1idx = ta[:, :K].reshape(-1)
    eidx2 = ta[:, K:2 * K].reshape(-1)
    nbts2 = jnp.pad(lax.bitcast_convert_type(ta[:, 2 * K:3 * K], jnp.float32),
                    ((0, 0), (0, 16 - K)))

    tb_rows = _sc_gather(nbrtab, c1idx, 64)
    idx2 = tb_rows[:, :K].reshape(-1)
    eidx1 = tb_rows[:, K:2 * K].reshape(-1)
    nbts1 = jnp.pad(lax.bitcast_convert_type(tb_rows[:, 2 * K:3 * K],
                                             jnp.float32),
                    ((0, 0), (0, 16 - K)))

    ef_idx = jnp.concatenate([eidx1, eidx2])
    ef16 = jnp.pad(edge_feat, ((0, 0), (0, 15)))
    cf2, cf1, nbf, efg = _sc_gather_feats(feats, ef16, nodes, c1idx,
                                          idx2, ef_idx)
    ef1 = jnp.pad(efg[:N2, :1].reshape(N1, K), ((0, 0), (0, 16 - K)))
    ef2 = jnp.pad(efg[N2:, :1].reshape(B2, K), ((0, 0), (0, 16 - K)))

    tw2 = time_w.reshape(1, D)
    tb2 = time_b.reshape(1, D)
    tsr1 = jnp.repeat(ts2, K).reshape(N1, 1)
    w0 = _layer_weights(Wq, Wk, Wv, Wo, Wm1, Wm2, 0)
    w1 = _layer_weights(Wq, Wk, Wv, Wo, Wm1, Wm2, 1)

    l1 = _attn_layer(tsr1, nbts1, ef1, cf1, nbf.reshape(N1, K * D),
                     tw2, tb2, w0, 1024)
    out = _attn_layer(ts2.reshape(B2, 1), nbts2, ef2, cf2,
                      l1.reshape(B2, K * D), tw2, tb2, w1, 1024)
    nS = source_nodes.shape[0]
    return (out[:nS], out[nS:])

# --- scband reference (transcript-rebuilt; emitter-appended) ---
"""Pipeline reference for scband-cdgp-83992380440996 (READ-ONLY COPY).

The authoritative reference and input builder live on the scoring server;
editing this copy changes nothing except your own understanding.
"""

import jax, jax.numpy as jnp
import numpy as np

N_NODES = 10000
N_EDGES = 320000
D = 128
K = 10
H = 2
L = 2
B = 1024


def setup_inputs(seed: int = 0) -> dict:
    key = jax.random.key(seed)
    ks = jax.random.split(key, 20)
    scale = 0.05
    inp = {}
    # forward args
    inp["source_nodes"] = jax.random.randint(ks[0], (B,), 0, N_NODES)
    inp["destination_nodes"] = jax.random.randint(ks[1], (B,), 0, N_NODES)
    inp["edge_times"] = jax.random.uniform(ks[2], (B,), dtype=jnp.float32) * 1e5
    inp["edge_idxs"] = jax.random.randint(ks[3], (B,), 0, N_EDGES)
    # learned / stateful parameters
    inp["node_feat"] = jax.random.normal(ks[4], (N_NODES, D), dtype=jnp.float32)
    inp["edge_feat"] = jax.random.normal(ks[5], (N_EDGES, 1), dtype=jnp.float32)
    inp["memory"] = jax.random.normal(ks[6], (N_NODES, D), dtype=jnp.float32)
    inp["time_w"] = jnp.asarray(1.0 / 10 ** np.linspace(0, 9, D), dtype=jnp.float32)
    inp["time_b"] = jnp.zeros((D,), dtype=jnp.float32)
    # static temporal neighbor tables (stand-in for neighbor_finder)
    inp["nbr_idx"] = jax.random.randint(ks[7], (N_NODES, K), 0, N_NODES)
    inp["nbr_eidx"] = jax.random.randint(ks[8], (N_NODES, K), 0, N_EDGES)
    inp["nbr_ts"] = jax.random.uniform(ks[9], (N_NODES, K), dtype=jnp.float32) * 1e5
    # per-layer temporal attention weights
    inp["Wq"] = jax.random.normal(ks[10], (L, 2 * D, D), dtype=jnp.float32) * scale
    inp["Wk"] = jax.random.normal(ks[11], (L, 2 * D + 1, D), dtype=jnp.float32) * scale
    inp["Wv"] = jax.random.normal(ks[12], (L, 2 * D + 1, D), dtype=jnp.float32) * scale
    inp["Wo"] = jax.random.normal(ks[13], (L, D, D), dtype=jnp.float32) * scale
    inp["Wm1"] = jax.random.normal(ks[14], (L, 2 * D, D), dtype=jnp.float32) * scale
    inp["Wm2"] = jax.random.normal(ks[15], (L, D, D), dtype=jnp.float32) * scale
    return inp


def reference(source_nodes, destination_nodes, edge_times, edge_idxs,
              node_feat, edge_feat, memory, time_w, time_b,
              nbr_idx, nbr_eidx, nbr_ts, Wq, Wk, Wv, Wo, Wm1, Wm2):
    def time_enc(t):
        return jnp.cos(t[..., None] * time_w + time_b)

    def embed(nodes, ts, layer):
        feats = memory[nodes] + node_feat[nodes]
        if layer == 0:
            return feats
        n = nodes.shape[0]
        nbrs = nbr_idx[nodes]  # [n, K]
        nbr_emb = embed(nbrs.reshape(-1), jnp.repeat(ts, K), layer - 1).reshape(n, K, D)
        delta = ts[:, None] - nbr_ts[nodes]  # [n, K]
        te = time_enc(delta)  # [n, K, D]
        te0 = time_enc(jnp.zeros((n,), jnp.float32))  # [n, D]
        ef = edge_feat[nbr_eidx[nodes]]  # [n, K, 1]
        q_in = jnp.concatenate([feats, te0], axis=-1)  # [n, 2D]
        k_in = jnp.concatenate([nbr_emb, ef, te], axis=-1)  # [n, K, 2D+1]
        li = layer - 1
        q = (q_in @ Wq[li]).reshape(n, H, D // H)
        k = (k_in @ Wk[li]).reshape(n, K, H, D // H)
        v = (k_in @ Wv[li]).reshape(n, K, H, D // H)
        scores = jnp.einsum('nhd,nkhd->nhk', q, k) / jnp.sqrt(float(D // H))
        attn = jax.nn.softmax(scores, axis=-1)
        out = jnp.einsum('nhk,nkhd->nhd', attn, v).reshape(n, D) @ Wo[li]
        merged = jax.nn.relu(jnp.concatenate([out, feats], axis=-1) @ Wm1[li]) @ Wm2[li]
        return merged

    nodes = jnp.concatenate([source_nodes, destination_nodes])
    ts = jnp.concatenate([edge_times, edge_times])
    emb = embed(nodes, ts, L)  # [2B, D]
    nS = source_nodes.shape[0]
    source_node_embedding = emb[:nS]
    destination_node_embedding = emb[nS:2 * nS]
    return (source_node_embedding, destination_node_embedding)

if __name__ == "__main__":
    import jax
    _d = setup_inputs()
    print(jax.jit(kernel)(*tuple(_d.values())))

</pallas_src>

<mosaic_0001>
#map = affine_map<(d0, d1) -> (0, 0)>
module attributes {stable_mosaic.version = 14 : i64} {
  func.func @k(%arg0: i32, %arg1: i32, %arg2: memref<10000x32xi32, #tpu.memory_space<hbm>>, %arg3: memref<32x64xi32, #tpu.memory_space<hbm>>, %arg4: memref<2048x32xi32, #tpu.memory_space<hbm>>, %arg5: memref<1x64xi32, #tpu.memory_space<vmem>>, %arg6: memref<64x32xi32, #tpu.memory_space<vmem>>, %arg7: memref<64x32xi32, #tpu.memory_space<vmem>>, %arg8: memref<!tpu.dma_semaphore, #tpu.memory_space<semaphore_mem>>, %arg9: memref<!tpu.dma_semaphore, #tpu.memory_space<semaphore_mem>>, %arg10: memref<!tpu.dma_semaphore, #tpu.memory_space<semaphore_mem>>) attributes {dimension_semantics = [#tpu.dimension_semantics<core_parallel>, #tpu.dimension_semantics<subcore_parallel>], iteration_bounds = array<i64: 2, 16>, scalar_prefetch = 0 : i64, scratch_operands = 6 : i64, tpu.core_type = #tpu.core_type<sc_vector_subcore>, window_params = [{transform_indices = #map}, {transform_indices = #map}, {transform_indices = #map}]} {
    %mul3A = arith.constant 2 : i32
    %mul3A_0 = arith.muli %arg1, %mul3A : i32
    %add3A = arith.addi %mul3A_0, %arg0 : i32
    %mul3A_1 = arith.constant 1 : i32
    %mul3A_2 = arith.muli %add3A, %mul3A_1 : i32
    "tpu.region"() ({
      %run_scoped3A = tpu.sem_alloc : memref<!tpu.dma_semaphore, #tpu.memory_space<semaphore_mem>>
      %dma_start3A_23 = arith.constant 0 : i32
      %dma_start3A_24 = tpu.memref_slice %arg3[%mul3A_2, %dma_start3A_23] : memref<32x64xi32, #tpu.memory_space<hbm>> -> memref<1x64xi32, #tpu.memory_space<hbm>>
      %dma_start3A_25 = arith.constant 0 : i32
      %dma_start3A_26 = tpu.memref_slice %arg3[%mul3A_2, %dma_start3A_25] : memref<32x64xi32, #tpu.memory_space<hbm>> -> memref<1x64xi32, #tpu.memory_space<hbm>>
      tpu.enqueue_dma source(%dma_start3A_26 : memref<1x64xi32, #tpu.memory_space<hbm>>) target(%arg5 : memref<1x64xi32, #tpu.memory_space<vmem>>) target_semaphore(%run_scoped3A : memref<!tpu.dma_semaphore, #tpu.memory_space<semaphore_mem>>)
      %dma_wait3A_27 = arith.constant 0 : i32
      %dma_wait3A_28 = tpu.memref_slice %arg3[%mul3A_2, %dma_wait3A_27] : memref<32x64xi32, #tpu.memory_space<hbm>> -> memref<1x64xi32, #tpu.memory_space<hbm>>
      %dma_wait3A_29 = arith.constant 0 : i32
      %dma_wait3A_30 = tpu.memref_slice %arg3[%mul3A_2, %dma_wait3A_29] : memref<32x64xi32, #tpu.memory_space<hbm>> -> memref<1x64xi32, #tpu.memory_space<hbm>>
      tpu.wait_dma2 semaphore(%run_scoped3A : memref<!tpu.dma_semaphore, #tpu.memory_space<semaphore_mem>>) src(%dma_wait3A_30 : memref<1x64xi32, #tpu.memory_space<hbm>>) dst(%arg5 : memref<1x64xi32, #tpu.memory_space<vmem>>)
      tpu.yield
    }) : () -> ()
    %mul3A_3 = arith.constant 64 : i32
    %mul3A_4 = arith.muli %add3A, %mul3A_3 : i32
    %scan3A = arith.constant 0 : i32
    %scan3A_5 = arith.constant 0 : i32
    %scan3A_6 = arith.constant 0 : i32
    %scan3A_7 = arith.addi %scan3A_5, %scan3A_6 : i32
    %scan3A_8 = arith.constant 0 : i32
    %dma_start3A = arith.constant 0 : i32
    %dma_start3A_9 = arith.constant 0 : i32
    %dma_start3A_10 = tpu.memref_slice %arg5[%dma_start3A, %dma_start3A_9] : memref<1x64xi32, #tpu.memory_space<vmem>> -> memref<1x64xi32, #tpu.memory_space<vmem>>
    %dma_start3A_11 = tpu.memref_squeeze %dma_start3A_10 : memref<1x64xi32, #tpu.memory_space<vmem>> -> memref<64xi32, #tpu.memory_space<vmem>>
    %dma_start3A_12 = arith.constant 0 : i32
    %dma_start3A_13 = arith.constant 0 : i32
    %dma_start3A_14 = tpu.memref_slice %arg2[%dma_start3A_12, %dma_start3A_13] : memref<10000x32xi32, #tpu.memory_space<hbm>> -> memref<10000x32xi32, #tpu.memory_space<hbm>>
    tpu.enqueue_indirect_dma source(%dma_start3A_14 : memref<10000x32xi32, #tpu.memory_space<hbm>>) target(%arg6 : memref<64x32xi32, #tpu.memory_space<vmem>>) offsets(%dma_start3A_11 : memref<64xi32, #tpu.memory_space<vmem>>) semaphore(%arg8 : memref<!tpu.dma_semaphore, #tpu.memory_space<semaphore_mem>>)
    %dma_wait3A = arith.constant 0 : i32
    %dma_wait3A_15 = arith.constant 0 : i32
    %dma_wait3A_16 = tpu.memref_slice %arg5[%dma_wait3A, %dma_wait3A_15] : memref<1x64xi32, #tpu.memory_space<vmem>> -> memref<1x64xi32, #tpu.memory_space<vmem>>
    %dma_wait3A_17 = tpu.memref_squeeze %dma_wait3A_16 : memref<1x64xi32, #tpu.memory_space<vmem>> -> memref<64xi32, #tpu.memory_space<vmem>>
    %dma_wait3A_18 = arith.constant 0 : i32
    %dma_wait3A_19 = arith.constant 0 : i32
    %dma_wait3A_20 = tpu.memref_slice %arg2[%dma_wait3A_18, %dma_wait3A_19] : memref<10000x32xi32, #tpu.memory_space<hbm>> -> memref<10000x32xi32, #tpu.memory_space<hbm>>
    tpu.wait_indirect_dma semaphore(%arg8 : memref<!tpu.dma_semaphore, #tpu.memory_space<semaphore_mem>>) src(%dma_wait3A_20 : memref<10000x32xi32, #tpu.memory_space<hbm>>) dst(%arg6 : memref<64x32xi32, #tpu.memory_space<vmem>>)
    %add3A_21 = arith.constant 0 : i32
    %add3A_22 = arith.addi %mul3A_4, %add3A_21 : i32
    "tpu.region"() ({
      %run_scoped3A = tpu.sem_alloc : memref<!tpu.dma_semaphore, #tpu.memory_space<semaphore_mem>>
      %dma_start3A_23 = arith.constant 0 : i32
      %dma_start3A_24 = tpu.memref_slice %arg4[%add3A_22, %dma_start3A_23] : memref<2048x32xi32, #tpu.memory_space<hbm>> -> memref<64x32xi32, #tpu.memory_space<hbm>>
      %dma_start3A_25 = arith.constant 0 : i32
      %dma_start3A_26 = tpu.memref_slice %arg4[%add3A_22, %dma_start3A_25] : memref<2048x32xi32, #tpu.memory_space<hbm>> -> memref<64x32xi32, #tpu.memory_space<hbm>>
      tpu.enqueue_dma source(%arg6 : memref<64x32xi32, #tpu.memory_space<vmem>>) target(%dma_start3A_26 : memref<64x32xi32, #tpu.memory_space<hbm>>) target_semaphore(%run_scoped3A : memref<!tpu.dma_semaphore, #tpu.memory_space<semaphore_mem>>)
      %dma_wait3A_27 = arith.constant 0 : i32
      %dma_wait3A_28 = tpu.memref_slice %arg4[%add3A_22, %dma_wait3A_27] : memref<2048x32xi32, #tpu.memory_space<hbm>> -> memref<64x32xi32, #tpu.memory_space<hbm>>
      %dma_wait3A_29 = arith.constant 0 : i32
      %dma_wait3A_30 = tpu.memref_slice %arg4[%add3A_22, %dma_wait3A_29] : memref<2048x32xi32, #tpu.memory_space<hbm>> -> memref<64x32xi32, #tpu.memory_space<hbm>>
      tpu.wait_dma2 semaphore(%run_scoped3A : memref<!tpu.dma_semaphore, #tpu.memory_space<semaphore_mem>>) src(%arg6 : memref<64x32xi32, #tpu.memory_space<vmem>>) dst(%dma_wait3A_30 : memref<64x32xi32, #tpu.memory_space<hbm>>)
      tpu.yield
    }) : () -> ()
    return
  }
}

#map = affine_map<(d0, d1) -> (0, 0)>
module attributes {stable_mosaic.version = 14 : i64} {
  func.func @k(%arg0: i32, %arg1: i32, %arg2: memref<10000x128xf32, #tpu.memory_space<hbm>>, %arg3: memref<320000x16xf32, #tpu.memory_space<hbm>>, %arg4: memref<32x64xi32, #tpu.memory_space<hbm>>, %arg5: memref<160x128xi32, #tpu.memory_space<hbm>>, %arg6: memref<1600x128xi32, #tpu.memory_space<hbm>>, %arg7: memref<2816x80xi32, #tpu.memory_space<hbm>>, %arg8: memref<2048x128xf32, #tpu.memory_space<hbm>>, %arg9: memref<20480x128xf32, #tpu.memory_space<hbm>>, %arg10: memref<204800x128xf32, #tpu.memory_space<hbm>>, %arg11: memref<225280x16xf32, #tpu.memory_space<hbm>>, %arg12: memref<1x64xi32, #tpu.memory_space<vmem>>, %arg13: memref<5x128xi32, #tpu.memory_space<vmem>>, %arg14: memref<50x128xi32, #tpu.memory_space<vmem>>, %arg15: memref<88x80xi32, #tpu.memory_space<vmem>>, %arg16: memref<64x128xf32, #tpu.memory_space<vmem>>, %arg17: memref<128x128xf32, #tpu.memory_space<vmem>>, %arg18: memref<128x128xf32, #tpu.memory_space<vmem>>, %arg19: memref<80x16xf32, #tpu.memory_space<vmem>>, %arg20: memref<80x16xf32, #tpu.memory_space<vmem>>, %arg21: memref<!tpu.dma_semaphore, #tpu.memory_space<semaphore_mem>>, %arg22: memref<!tpu.dma_semaphore, #tpu.memory_space<semaphore_mem>>, %arg23: memref<!tpu.dma_semaphore, #tpu.memory_space<semaphore_mem>>) attributes {dimension_semantics = [#tpu.dimension_semantics<core_parallel>, #tpu.dimension_semantics<subcore_parallel>], iteration_bounds = array<i64: 2, 16>, scalar_prefetch = 0 : i64, scratch_operands = 12 : i64, tpu.core_type = #tpu.core_type<sc_vector_subcore>, window_params = [{transform_indices = #map}, {transform_indices = #map}, {transform_indices = #map}, {transform_indices = #map}, {transform_indices = #map}, {transform_indices = #map}, {transform_indices = #map}, {transform_indices = #map}, {transform_indices = #map}, {transform_indices = #map}]} {
    %mul3A = arith.constant 2 : i32
    %mul3A_0 = arith.muli %arg1, %mul3A : i32
    %add3A = arith.addi %mul3A_0, %arg0 : i32
    %mul3A_1 = arith.constant 1 : i32
    %mul3A_2 = arith.muli %add3A, %mul3A_1 : i32
    "tpu.region"() ({
      %run_scoped3A = tpu.sem_alloc : memref<!tpu.dma_semaphore, #tpu.memory_space<semaphore_mem>>
      %dma_start3A_62 = arith.constant 0 : i32
      %dma_start3A_63 = tpu.memref_slice %arg4[%mul3A_2, %dma_start3A_62] : memref<32x64xi32, #tpu.memory_space<hbm>> -> memref<1x64xi32, #tpu.memory_space<hbm>>
      %dma_start3A_64 = arith.constant 0 : i32
      %dma_start3A_65 = tpu.memref_slice %arg4[%mul3A_2, %dma_start3A_64] : memref<32x64xi32, #tpu.memory_space<hbm>> -> memref<1x64xi32, #tpu.memory_space<hbm>>
      tpu.enqueue_dma source(%dma_start3A_65 : memref<1x64xi32, #tpu.memory_space<hbm>>) target(%arg12 : memref<1x64xi32, #tpu.memory_space<vmem>>) target_semaphore(%run_scoped3A : memref<!tpu.dma_semaphore, #tpu.memory_space<semaphore_mem>>)
      %dma_wait3A_66 = arith.constant 0 : i32
      %dma_wait3A_67 = tpu.memref_slice %arg4[%mul3A_2, %dma_wait3A_66] : memref<32x64xi32, #tpu.memory_space<hbm>> -> memref<1x64xi32, #tpu.memory_space<hbm>>
      %dma_wait3A_68 = arith.constant 0 : i32
      %dma_wait3A_69 = tpu.memref_slice %arg4[%mul3A_2, %dma_wait3A_68] : memref<32x64xi32, #tpu.memory_space<hbm>> -> memref<1x64xi32, #tpu.memory_space<hbm>>
      tpu.wait_dma2 semaphore(%run_scoped3A : memref<!tpu.dma_semaphore, #tpu.memory_space<semaphore_mem>>) src(%dma_wait3A_69 : memref<1x64xi32, #tpu.memory_space<hbm>>) dst(%arg12 : memref<1x64xi32, #tpu.memory_space<vmem>>)
      tpu.yield
    }) : () -> ()
    %dma_start3A = arith.constant 0 : i32
    %dma_start3A_3 = arith.constant 0 : i32
    %dma_start3A_4 = tpu.memref_slice %arg12[%dma_start3A, %dma_start3A_3] : memref<1x64xi32, #tpu.memory_space<vmem>> -> memref<1x64xi32, #tpu.memory_space<vmem>>
    %dma_start3A_5 = tpu.memref_squeeze %dma_start3A_4 : memref<1x64xi32, #tpu.memory_space<vmem>> -> memref<64xi32, #tpu.memory_space<vmem>>
    %dma_start3A_6 = arith.constant 0 : i32
    %dma_start3A_7 = arith.constant 0 : i32
    %dma_start3A_8 = tpu.memref_slice %arg2[%dma_start3A_6, %dma_start3A_7] : memref<10000x128xf32, #tpu.memory_space<hbm>> -> memref<10000x128xf32, #tpu.memory_space<hbm>>
    tpu.enqueue_indirect_dma source(%dma_start3A_8 : memref<10000x128xf32, #tpu.memory_space<hbm>>) target(%arg16 : memref<64x128xf32, #tpu.memory_space<vmem>>) offsets(%dma_start3A_5 : memref<64xi32, #tpu.memory_space<vmem>>) semaphore(%arg21 : memref<!tpu.dma_semaphore, #tpu.memory_space<semaphore_mem>>)
    %dma_wait3A = arith.constant 0 : i32
    %dma_wait3A_9 = arith.constant 0 : i32
    %dma_wait3A_10 = tpu.memref_slice %arg12[%dma_wait3A, %dma_wait3A_9] : memref<1x64xi32, #tpu.memory_space<vmem>> -> memref<1x64xi32, #tpu.memory_space<vmem>>
    %dma_wait3A_11 = tpu.memref_squeeze %dma_wait3A_10 : memref<1x64xi32, #tpu.memory_space<vmem>> -> memref<64xi32, #tpu.memory_space<vmem>>
    %dma_wait3A_12 = arith.constant 0 : i32
    %dma_wait3A_13 = arith.constant 0 : i32
    %dma_wait3A_14 = tpu.memref_slice %arg2[%dma_wait3A_12, %dma_wait3A_13] : memref<10000x128xf32, #tpu.memory_space<hbm>> -> memref<10000x128xf32, #tpu.memory_space<hbm>>
    tpu.wait_indirect_dma semaphore(%arg21 : memref<!tpu.dma_semaphore, #tpu.memory_space<semaphore_mem>>) src(%dma_wait3A_14 : memref<10000x128xf32, #tpu.memory_space<hbm>>) dst(%arg16 : memref<64x128xf32, #tpu.memory_space<vmem>>)
    %mul3A_15 = arith.constant 64 : i32
    %mul3A_16 = arith.muli %add3A, %mul3A_15 : i32
    "tpu.region"() ({
      %run_scoped3A = tpu.sem_alloc : memref<!tpu.dma_semaphore, #tpu.memory_space<semaphore_mem>>
      %dma_start3A_62 = arith.constant 0 : i32
      %dma_start3A_63 = tpu.memref_slice %arg8[%mul3A_16, %dma_start3A_62] : memref<2048x128xf32, #tpu.memory_space<hbm>> -> memref<64x128xf32, #tpu.memory_space<hbm>>
      %dma_start3A_64 = arith.constant 0 : i32
      %dma_start3A_65 = tpu.memref_slice %arg8[%mul3A_16, %dma_start3A_64] : memref<2048x128xf32, #tpu.memory_space<hbm>> -> memref<64x128xf32, #tpu.memory_space<hbm>>
      tpu.enqueue_dma source(%arg16 : memref<64x128xf32, #tpu.memory_space<vmem>>) target(%dma_start3A_65 : memref<64x128xf32, #tpu.memory_space<hbm>>) target_semaphore(%run_scoped3A : memref<!tpu.dma_semaphore, #tpu.memory_space<semaphore_mem>>)
      %dma_wait3A_66 = arith.constant 0 : i32
      %dma_wait3A_67 = tpu.memref_slice %arg8[%mul3A_16, %dma_wait3A_66] : memref<2048x128xf32, #tpu.memory_space<hbm>> -> memref<64x128xf32, #tpu.memory_space<hbm>>
      %dma_wait3A_68 = arith.constant 0 : i32
      %dma_wait3A_69 = tpu.memref_slice %arg8[%mul3A_16, %dma_wait3A_68] : memref<2048x128xf32, #tpu.memory_space<hbm>> -> memref<64x128xf32, #tpu.memory_space<hbm>>
      tpu.wait_dma2 semaphore(%run_scoped3A : memref<!tpu.dma_semaphore, #tpu.memory_space<semaphore_mem>>) src(%arg16 : memref<64x128xf32, #tpu.memory_space<vmem>>) dst(%dma_wait3A_69 : memref<64x128xf32, #tpu.memory_space<hbm>>)
      tpu.yield
    }) : () -> ()
    %mul3A_17 = arith.constant 5 : i32
    %mul3A_18 = arith.muli %add3A, %mul3A_17 : i32
    "tpu.region"() ({
      %run_scoped3A = tpu.sem_alloc : memref<!tpu.dma_semaphore, #tpu.memory_space<semaphore_mem>>
      %dma_start3A_62 = arith.constant 0 : i32
      %dma_start3A_63 = tpu.memref_slice %arg5[%mul3A_18, %dma_start3A_62] : memref<160x128xi32, #tpu.memory_space<hbm>> -> memref<5x128xi32, #tpu.memory_space<hbm>>
      %dma_start3A_64 = arith.constant 0 : i32
      %dma_start3A_65 = tpu.memref_slice %arg5[%mul3A_18, %dma_start3A_64] : memref<160x128xi32, #tpu.memory_space<hbm>> -> memref<5x128xi32, #tpu.memory_space<hbm>>
      tpu.enqueue_dma source(%dma_start3A_65 : memref<5x128xi32, #tpu.memory_space<hbm>>) target(%arg13 : memref<5x128xi32, #tpu.memory_space<vmem>>) target_semaphore(%run_scoped3A : memref<!tpu.dma_semaphore, #tpu.memory_space<semaphore_mem>>)
      %dma_wait3A_66 = arith.constant 0 : i32
      %dma_wait3A_67 = tpu.memref_slice %arg5[%mul3A_18, %dma_wait3A_66] : memref<160x128xi32, #tpu.memory_space<hbm>> -> memref<5x128xi32, #tpu.memory_space<hbm>>
      %dma_wait3A_68 = arith.constant 0 : i32
      %dma_wait3A_69 = tpu.memref_slice %arg5[%mul3A_18, %dma_wait3A_68] : memref<160x128xi32, #tpu.memory_space<hbm>> -> memref<5x128xi32, #tpu.memory_space<hbm>>
      tpu.wait_dma2 semaphore(%run_scoped3A : memref<!tpu.dma_semaphore, #tpu.memory_space<semaphore_mem>>) src(%dma_wait3A_69 : memref<5x128xi32, #tpu.memory_space<hbm>>) dst(%arg13 : memref<5x128xi32, #tpu.memory_space<vmem>>)
      tpu.yield
    }) : () -> ()
    %mul3A_19 = arith.constant 640 : i32
    %mul3A_20 = arith.muli %add3A, %mul3A_19 : i32
    %scan3A = arith.constant 0 : i32
    %scan3A_21 = arith.constant 0 : i32
    %scan3A_22 = arith.constant 2 : i32
    %scan3A_23 = arith.addi %scan3A_21, %scan3A_22 : i32
    %scan3A_24 = arith.constant 1 : i32
    scf.for %scan3A_62 = %scan3A_21 to %scan3A_23 step %scan3A_24  : i32 {
      %mul3A_63 = arith.constant 2 : i32
      %mul3A_64 = arith.muli %scan3A_62, %mul3A_63 : i32
      %dma_start3A_65 = arith.constant 0 : i32
      %dma_start3A_66 = tpu.memref_slice %arg13[%mul3A_64, %dma_start3A_65] : memref<5x128xi32, #tpu.memory_space<vmem>> -> memref<1x128xi32, #tpu.memory_space<vmem>>
      %dma_start3A_67 = tpu.memref_squeeze %dma_start3A_66 : memref<1x128xi32, #tpu.memory_space<vmem>> -> memref<128xi32, #tpu.memory_space<vmem>>
      %dma_start3A_68 = arith.constant 0 : i32
      %dma_start3A_69 = arith.constant 0 : i32
      %dma_start3A_70 = tpu.memref_slice %arg2[%dma_start3A_68, %dma_start3A_69] : memref<10000x128xf32, #tpu.memory_space<hbm>> -> memref<10000x128xf32, #tpu.memory_space<hbm>>
      tpu.enqueue_indirect_dma source(%dma_start3A_70 : memref<10000x128xf32, #tpu.memory_space<hbm>>) target(%arg17 : memref<128x128xf32, #tpu.memory_space<vmem>>) offsets(%dma_start3A_67 : memref<128xi32, #tpu.memory_space<vmem>>) semaphore(%arg21 : memref<!tpu.dma_semaphore, #tpu.memory_space<semaphore_mem>>)
      %add3A_71 = arith.constant 1 : i32
      %add3A_72 = arith.addi %mul3A_64, %add3A_71 : i32
      %dma_start3A_73 = arith.constant 0 : i32
      %dma_start3A_74 = tpu.memref_slice %arg13[%add3A_72, %dma_start3A_73] : memref<5x128xi32, #tpu.memory_space<vmem>> -> memref<1x128xi32, #tpu.memory_space<vmem>>
      %dma_start3A_75 = tpu.memref_squeeze %dma_start3A_74 : memref<1x128xi32, #tpu.memory_space<vmem>> -> memref<128xi32, #tpu.memory_space<vmem>>
      %dma_start3A_76 = arith.constant 0 : i32
      %dma_start3A_77 = arith.constant 0 : i32
      %dma_start3A_78 = tpu.memref_slice %arg2[%dma_start3A_76, %dma_start3A_77] : memref<10000x128xf32, #tpu.memory_space<hbm>> -> memref<10000x128xf32, #tpu.memory_space<hbm>>
      tpu.enqueue_indirect_dma source(%dma_start3A_78 : memref<10000x128xf32, #tpu.memory_space<hbm>>) target(%arg18 : memref<128x128xf32, #tpu.memory_space<vmem>>) offsets(%dma_start3A_75 : memref<128xi32, #tpu.memory_space<vmem>>) semaphore(%arg22 : memref<!tpu.dma_semaphore, #tpu.memory_space<semaphore_mem>>)
      %dma_wait3A_79 = arith.constant 0 : i32
      %dma_wait3A_80 = tpu.memref_slice %arg13[%mul3A_64, %dma_wait3A_79] : memref<5x128xi32, #tpu.memory_space<vmem>> -> memref<1x128xi32, #tpu.memory_space<vmem>>
      %dma_wait3A_81 = tpu.memref_squeeze %dma_wait3A_80 : memref<1x128xi32, #tpu.memory_space<vmem>> -> memref<128xi32, #tpu.memory_space<vmem>>
      %dma_wait3A_82 = arith.constant 0 : i32
      %dma_wait3A_83 = arith.constant 0 : i32
      %dma_wait3A_84 = tpu.memref_slice %arg2[%dma_wait3A_82, %dma_wait3A_83] : memref<10000x128xf32, #tpu.memory_space<hbm>> -> memref<10000x128xf32, #tpu.memory_space<hbm>>
      tpu.wait_indirect_dma semaphore(%arg21 : memref<!tpu.dma_semaphore, #tpu.memory_space<semaphore_mem>>) src(%dma_wait3A_84 : memref<10000x128xf32, #tpu.memory_space<hbm>>) dst(%arg17 : memref<128x128xf32, #tpu.memory_space<vmem>>)
      %mul3A_85 = arith.constant 128 : i32
      %mul3A_86 = arith.muli %mul3A_64, %mul3A_85 : i32
      %add3A_87 = arith.addi %mul3A_20, %mul3A_86 : i32
      %dma_start3A_88 = arith.constant 0 : i32
      %dma_start3A_89 = tpu.memref_slice %arg9[%add3A_87, %dma_start3A_88] : memref<20480x128xf32, #tpu.memory_space<hbm>> -> memref<128x128xf32, #tpu.memory_space<hbm>>
      %dma_start3A_90 = arith.constant 0 : i32
      %dma_start3A_91 = tpu.memref_slice %arg9[%add3A_87, %dma_start3A_90] : memref<20480x128xf32, #tpu.memory_space<hbm>> -> memref<128x128xf32, #tpu.memory_space<hbm>>
      tpu.enqueue_dma source(%arg17 : memref<128x128xf32, #tpu.memory_space<vmem>>) target(%dma_start3A_91 : memref<128x128xf32, #tpu.memory_space<hbm>>) target_semaphore(%arg23 : memref<!tpu.dma_semaphore, #tpu.memory_space<semaphore_mem>>)
      %dma_wait3A_92 = arith.constant 0 : i32
      %dma_wait3A_93 = tpu.memref_slice %arg13[%add3A_72, %dma_wait3A_92] : memref<5x128xi32, #tpu.memory_space<vmem>> -> memref<1x128xi32, #tpu.memory_space<vmem>>
      %dma_wait3A_94 = tpu.memref_squeeze %dma_wait3A_93 : memref<1x128xi32, #tpu.memory_space<vmem>> -> memref<128xi32, #tpu.memory_space<vmem>>
      %dma_wait3A_95 = arith.constant 0 : i32
      %dma_wait3A_96 = arith.constant 0 : i32
      %dma_wait3A_97 = tpu.memref_slice %arg2[%dma_wait3A_95, %dma_wait3A_96] : memref<10000x128xf32, #tpu.memory_space<hbm>> -> memref<10000x128xf32, #tpu.memory_space<hbm>>
      tpu.wait_indirect_dma semaphore(%arg22 : memref<!tpu.dma_semaphore, #tpu.memory_space<semaphore_mem>>) src(%dma_wait3A_97 : memref<10000x128xf32, #tpu.memory_space<hbm>>) dst(%arg18 : memref<128x128xf32, #tpu.memory_space<vmem>>)
      %add3A_98 = arith.constant 1 : i32
      %add3A_99 = arith.addi %mul3A_64, %add3A_98 : i32
      %mul3A_100 = arith.constant 128 : i32
      %mul3A_101 = arith.muli %add3A_99, %mul3A_100 : i32
      %add3A_102 = arith.addi %mul3A_20, %mul3A_101 : i32
      %dma_start3A_103 = arith.constant 0 : i32
      %dma_start3A_104 = tpu.memref_slice %arg9[%add3A_102, %dma_start3A_103] : memref<20480x128xf32, #tpu.memory_space<hbm>> -> memref<128x128xf32, #tpu.memory_space<hbm>>
      %dma_start3A_105 = arith.constant 0 : i32
      %dma_start3A_106 = tpu.memref_slice %arg9[%add3A_102, %dma_start3A_105] : memref<20480x128xf32, #tpu.memory_space<hbm>> -> memref<128x128xf32, #tpu.memory_space<hbm>>
      tpu.enqueue_dma source(%arg18 : memref<128x128xf32, #tpu.memory_space<vmem>>) target(%dma_start3A_106 : memref<128x128xf32, #tpu.memory_space<hbm>>) target_semaphore(%arg23 : memref<!tpu.dma_semaphore, #tpu.memory_space<semaphore_mem>>)
      %dma_wait3A_107 = arith.constant 0 : i32
      %dma_wait3A_108 = tpu.memref_slice %arg9[%add3A_87, %dma_wait3A_107] : memref<20480x128xf32, #tpu.memory_space<hbm>> -> memref<128x128xf32, #tpu.memory_space<hbm>>
      %dma_wait3A_109 = arith.constant 0 : i32
      %dma_wait3A_110 = tpu.memref_slice %arg9[%add3A_87, %dma_wait3A_109] : memref<20480x128xf32, #tpu.memory_space<hbm>> -> memref<128x128xf32, #tpu.memory_space<hbm>>
      tpu.wait_dma2 semaphore(%arg23 : memref<!tpu.dma_semaphore, #tpu.memory_space<semaphore_mem>>) src(%arg17 : memref<128x128xf32, #tpu.memory_space<vmem>>) dst(%dma_wait3A_110 : memref<128x128xf32, #tpu.memory_space<hbm>>)
      %dma_wait3A_111 = arith.constant 0 : i32
      %dma_wait3A_112 = tpu.memref_slice %arg9[%add3A_102, %dma_wait3A_111] : memref<20480x128xf32, #tpu.memory_space<hbm>> -> memref<128x128xf32, #tpu.memory_space<hbm>>
      %dma_wait3A_113 = arith.constant 0 : i32
      %dma_wait3A_114 = tpu.memref_slice %arg9[%add3A_102, %dma_wait3A_113] : memref<20480x128xf32, #tpu.memory_space<hbm>> -> memref<128x128xf32, #tpu.memory_space<hbm>>
      tpu.wait_dma2 semaphore(%arg23 : memref<!tpu.dma_semaphore, #tpu.memory_space<semaphore_mem>>) src(%arg18 : memref<128x128xf32, #tpu.memory_space<vmem>>) dst(%dma_wait3A_114 : memref<128x128xf32, #tpu.memory_space<hbm>>)
    }
    %scan3A_25 = arith.constant 2 : i32
    %dma_start3A_26 = arith.constant 4 : i32
    %dma_start3A_27 = arith.constant 0 : i32
    %dma_start3A_28 = tpu.memref_slice %arg13[%dma_start3A_26, %dma_start3A_27] : memref<5x128xi32, #tpu.memory_space<vmem>> -> memref<1x128xi32, #tpu.memory_space<vmem>>
    %dma_start3A_29 = tpu.memref_squeeze %dma_start3A_28 : memref<1x128xi32, #tpu.memory_space<vmem>> -> memref<128xi32, #tpu.memory_space<vmem>>
    %dma_start3A_30 = arith.constant 0 : i32
    %dma_start3A_31 = arith.constant 0 : i32
    %dma_start3A_32 = tpu.memref_slice %arg2[%dma_start3A_30, %dma_start3A_31] : memref<10000x128xf32, #tpu.memory_space<hbm>> -> memref<10000x128xf32, #tpu.memory_space<hbm>>
    tpu.enqueue_indirect_dma source(%dma_start3A_32 : memref<10000x128xf32, #tpu.memory_space<hbm>>) target(%arg17 : memref<128x128xf32, #tpu.memory_space<vmem>>) offsets(%dma_start3A_29 : memref<128xi32, #tpu.memory_space<vmem>>) semaphore(%arg21 : memref<!tpu.dma_semaphore, #tpu.memory_space<semaphore_mem>>)
    %dma_wait3A_33 = arith.constant 4 : i32
    %dma_wait3A_34 = arith.constant 0 : i32
    %dma_wait3A_35 = tpu.memref_slice %arg13[%dma_wait3A_33, %dma_wait3A_34] : memref<5x128xi32, #tpu.memory_space<vmem>> -> memref<1x128xi32, #tpu.memory_space<vmem>>
    %dma_wait3A_36 = tpu.memref_squeeze %dma_wait3A_35 : memref<1x128xi32, #tpu.memory_space<vmem>> -> memref<128xi32, #tpu.memory_space<vmem>>
    %dma_wait3A_37 = arith.constant 0 : i32
    %dma_wait3A_38 = arith.constant 0 : i32
    %dma_wait3A_39 = tpu.memref_slice %arg2[%dma_wait3A_37, %dma_wait3A_38] : memref<10000x128xf32, #tpu.memory_space<hbm>> -> memref<10000x128xf32, #tpu.memory_space<hbm>>
    tpu.wait_indirect_dma semaphore(%arg21 : memref<!tpu.dma_semaphore, #tpu.memory_space<semaphore_mem>>) src(%dma_wait3A_39 : memref<10000x128xf32, #tpu.memory_space<hbm>>) dst(%arg17 : memref<128x128xf32, #tpu.memory_space<vmem>>)
    %add3A_40 = arith.constant 512 : i32
    %add3A_41 = arith.addi %mul3A_20, %add3A_40 : i32
    "tpu.region"() ({
      %run_scoped3A = tpu.sem_alloc : memref<!tpu.dma_semaphore, #tpu.memory_space<semaphore_mem>>
      %dma_start3A_62 = arith.constant 0 : i32
      %dma_start3A_63 = tpu.memref_slice %arg9[%add3A_41, %dma_start3A_62] : memref<20480x128xf32, #tpu.memory_space<hbm>> -> memref<128x128xf32, #tpu.memory_space<hbm>>
      %dma_start3A_64 = arith.constant 0 : i32
      %dma_start3A_65 = tpu.memref_slice %arg9[%add3A_41, %dma_start3A_64] : memref<20480x128xf32, #tpu.memory_space<hbm>> -> memref<128x128xf32, #tpu.memory_space<hbm>>
      tpu.enqueue_dma source(%arg17 : memref<128x128xf32, #tpu.memory_space<vmem>>) target(%dma_start3A_65 : memref<128x128xf32, #tpu.memory_space<hbm>>) target_semaphore(%run_scoped3A : memref<!tpu.dma_semaphore, #tpu.memory_space<semaphore_mem>>)
      %dma_wait3A_66 = arith.constant 0 : i32
      %dma_wait3A_67 = tpu.memref_slice %arg9[%add3A_41, %dma_wait3A_66] : memref<20480x128xf32, #tpu.memory_space<hbm>> -> memref<128x128xf32, #tpu.memory_space<hbm>>
      %dma_wait3A_68 = arith.constant 0 : i32
      %dma_wait3A_69 = tpu.memref_slice %arg9[%add3A_41, %dma_wait3A_68] : memref<20480x128xf32, #tpu.memory_space<hbm>> -> memref<128x128xf32, #tpu.memory_space<hbm>>
      tpu.wait_dma2 semaphore(%run_scoped3A : memref<!tpu.dma_semaphore, #tpu.memory_space<semaphore_mem>>) src(%arg17 : memref<128x128xf32, #tpu.memory_space<vmem>>) dst(%dma_wait3A_69 : memref<128x128xf32, #tpu.memory_space<hbm>>)
      tpu.yield
    }) : () -> ()
    %mul3A_42 = arith.constant 50 : i32
    %mul3A_43 = arith.muli %add3A, %mul3A_42 : i32
    "tpu.region"() ({
      %run_scoped3A = tpu.sem_alloc : memref<!tpu.dma_semaphore, #tpu.memory_space<semaphore_mem>>
      %dma_start3A_62 = arith.constant 0 : i32
      %dma_start3A_63 = tpu.memref_slice %arg6[%mul3A_43, %dma_start3A_62] : memref<1600x128xi32, #tpu.memory_space<hbm>> -> memref<50x128xi32, #tpu.memory_space<hbm>>
      %dma_start3A_64 = arith.constant 0 : i32
      %dma_start3A_65 = tpu.memref_slice %arg6[%mul3A_43, %dma_start3A_64] : memref<1600x128xi32, #tpu.memory_space<hbm>> -> memref<50x128xi32, #tpu.memory_space<hbm>>
      tpu.enqueue_dma source(%dma_start3A_65 : memref<50x128xi32, #tpu.memory_space<hbm>>) target(%arg14 : memref<50x128xi32, #tpu.memory_space<vmem>>) target_semaphore(%run_scoped3A : memref<!tpu.dma_semaphore, #tpu.memory_space<semaphore_mem>>)
      %dma_wait3A_66 = arith.constant 0 : i32
      %dma_wait3A_67 = tpu.memref_slice %arg6[%mul3A_43, %dma_wait3A_66] : memref<1600x128xi32, #tpu.memory_space<hbm>> -> memref<50x128xi32, #tpu.memory_space<hbm>>
      %dma_wait3A_68 = arith.constant 0 : i32
      %dma_wait3A_69 = tpu.memref_slice %arg6[%mul3A_43, %dma_wait3A_68] : memref<1600x128xi32, #tpu.memory_space<hbm>> -> memref<50x128xi32, #tpu.memory_space<hbm>>
      tpu.wait_dma2 semaphore(%run_scoped3A : memref<!tpu.dma_semaphore, #tpu.memory_space<semaphore_mem>>) src(%dma_wait3A_69 : memref<50x128xi32, #tpu.memory_space<hbm>>) dst(%arg14 : memref<50x128xi32, #tpu.memory_space<vmem>>)
      tpu.yield
    }) : () -> ()
    %mul3A_44 = arith.constant 6400 : i32
    %mul3A_45 = arith.muli %add3A, %mul3A_44 : i32
    %scan3A_46 = arith.constant 0 : i32
    %scan3A_47 = arith.constant 0 : i32
    %scan3A_48 = arith.constant 25 : i32
    %scan3A_49 = arith.addi %scan3A_47, %scan3A_48 : i32
    %scan3A_50 = arith.constant 1 : i32
    scf.for %scan3A_62 = %scan3A_47 to %scan3A_49 step %scan3A_50  : i32 {
      %mul3A_63 = arith.constant 2 : i32
      %mul3A_64 = arith.muli %scan3A_62, %mul3A_63 : i32
      %dma_start3A_65 = arith.constant 0 : i32
      %dma_start3A_66 = tpu.memref_slice %arg14[%mul3A_64, %dma_start3A_65] : memref<50x128xi32, #tpu.memory_space<vmem>> -> memref<1x128xi32, #tpu.memory_space<vmem>>
      %dma_start3A_67 = tpu.memref_squeeze %dma_start3A_66 : memref<1x128xi32, #tpu.memory_space<vmem>> -> memref<128xi32, #tpu.memory_space<vmem>>
      %dma_start3A_68 = arith.constant 0 : i32
      %dma_start3A_69 = arith.constant 0 : i32
      %dma_start3A_70 = tpu.memref_slice %arg2[%dma_start3A_68, %dma_start3A_69] : memref<10000x128xf32, #tpu.memory_space<hbm>> -> memref<10000x128xf32, #tpu.memory_space<hbm>>
      tpu.enqueue_indirect_dma source(%dma_start3A_70 : memref<10000x128xf32, #tpu.memory_space<hbm>>) target(%arg17 : memref<128x128xf32, #tpu.memory_space<vmem>>) offsets(%dma_start3A_67 : memref<128xi32, #tpu.memory_space<vmem>>) semaphore(%arg21 : memref<!tpu.dma_semaphore, #tpu.memory_space<semaphore_mem>>)
      %add3A_71 = arith.constant 1 : i32
      %add3A_72 = arith.addi %mul3A_64, %add3A_71 : i32
      %dma_start3A_73 = arith.constant 0 : i32
      %dma_start3A_74 = tpu.memref_slice %arg14[%add3A_72, %dma_start3A_73] : memref<50x128xi32, #tpu.memory_space<vmem>> -> memref<1x128xi32, #tpu.memory_space<vmem>>
      %dma_start3A_75 = tpu.memref_squeeze %dma_start3A_74 : memref<1x128xi32, #tpu.memory_space<vmem>> -> memref<128xi32, #tpu.memory_space<vmem>>
      %dma_start3A_76 = arith.constant 0 : i32
      %dma_start3A_77 = arith.constant 0 : i32
      %dma_start3A_78 = tpu.memref_slice %arg2[%dma_start3A_76, %dma_start3A_77] : memref<10000x128xf32, #tpu.memory_space<hbm>> -> memref<10000x128xf32, #tpu.memory_space<hbm>>
      tpu.enqueue_indirect_dma source(%dma_start3A_78 : memref<10000x128xf32, #tpu.memory_space<hbm>>) target(%arg18 : memref<128x128xf32, #tpu.memory_space<vmem>>) offsets(%dma_start3A_75 : memref<128xi32, #tpu.memory_space<vmem>>) semaphore(%arg22 : memref<!tpu.dma_semaphore, #tpu.memory_space<semaphore_mem>>)
      %dma_wait3A_79 = arith.constant 0 : i32
      %dma_wait3A_80 = tpu.memref_slice %arg14[%mul3A_64, %dma_wait3A_79] : memref<50x128xi32, #tpu.memory_space<vmem>> -> memref<1x128xi32, #tpu.memory_space<vmem>>
      %dma_wait3A_81 = tpu.memref_squeeze %dma_wait3A_80 : memref<1x128xi32, #tpu.memory_space<vmem>> -> memref<128xi32, #tpu.memory_space<vmem>>
      %dma_wait3A_82 = arith.constant 0 : i32
      %dma_wait3A_83 = arith.constant 0 : i32
      %dma_wait3A_84 = tpu.memref_slice %arg2[%dma_wait3A_82, %dma_wait3A_83] : memref<10000x128xf32, #tpu.memory_space<hbm>> -> memref<10000x128xf32, #tpu.memory_space<hbm>>
      tpu.wait_indirect_dma semaphore(%arg21 : memref<!tpu.dma_semaphore, #tpu.memory_space<semaphore_mem>>) src(%dma_wait3A_84 : memref<10000x128xf32, #tpu.memory_space<hbm>>) dst(%arg17 : memref<128x128xf32, #tpu.memory_space<vmem>>)
      %mul3A_85 = arith.constant 128 : i32
      %mul3A_86 = arith.muli %mul3A_64, %mul3A_85 : i32
      %add3A_87 = arith.addi %mul3A_45, %mul3A_86 : i32
      %dma_start3A_88 = arith.constant 0 : i32
      %dma_start3A_89 = tpu.memref_slice %arg10[%add3A_87, %dma_start3A_88] : memref<204800x128xf32, #tpu.memory_space<hbm>> -> memref<128x128xf32, #tpu.memory_space<hbm>>
      %dma_start3A_90 = arith.constant 0 : i32
      %dma_start3A_91 = tpu.memref_slice %arg10[%add3A_87, %dma_start3A_90] : memref<204800x128xf32, #tpu.memory_space<hbm>> -> memref<128x128xf32, #tpu.memory_space<hbm>>
      tpu.enqueue_dma source(%arg17 : memref<128x128xf32, #tpu.memory_space<vmem>>) target(%dma_start3A_91 : memref<128x128xf32, #tpu.memory_space<hbm>>) target_semaphore(%arg23 : memref<!tpu.dma_semaphore, #tpu.memory_space<semaphore_mem>>)
      %dma_wait3A_92 = arith.constant 0 : i32
      %dma_wait3A_93 = tpu.memref_slice %arg14[%add3A_72, %dma_wait3A_92] : memref<50x128xi32, #tpu.memory_space<vmem>> -> memref<1x128xi32, #tpu.memory_space<vmem>>
      %dma_wait3A_94 = tpu.memref_squeeze %dma_wait3A_93 : memref<1x128xi32, #tpu.memory_space<vmem>> -> memref<128xi32, #tpu.memory_space<vmem>>
      %dma_wait3A_95 = arith.constant 0 : i32
      %dma_wait3A_96 = arith.constant 0 : i32
      %dma_wait3A_97 = tpu.memref_slice %arg2[%dma_wait3A_95, %dma_wait3A_96] : memref<10000x128xf32, #tpu.memory_space<hbm>> -> memref<10000x128xf32, #tpu.memory_space<hbm>>
      tpu.wait_indirect_dma semaphore(%arg22 : memref<!tpu.dma_semaphore, #tpu.memory_space<semaphore_mem>>) src(%dma_wait3A_97 : memref<10000x128xf32, #tpu.memory_space<hbm>>) dst(%arg18 : memref<128x128xf32, #tpu.memory_space<vmem>>)
      %add3A_98 = arith.constant 1 : i32
      %add3A_99 = arith.addi %mul3A_64, %add3A_98 : i32
      %mul3A_100 = arith.constant 128 : i32
      %mul3A_101 = arith.muli %add3A_99, %mul3A_100 : i32
      %add3A_102 = arith.addi %mul3A_45, %mul3A_101 : i32
      %dma_start3A_103 = arith.constant 0 : i32
      %dma_start3A_104 = tpu.memref_slice %arg10[%add3A_102, %dma_start3A_103] : memref<204800x128xf32, #tpu.memory_space<hbm>> -> memref<128x128xf32, #tpu.memory_space<hbm>>
      %dma_start3A_105 = arith.constant 0 : i32
      %dma_start3A_106 = tpu.memref_slice %arg10[%add3A_102, %dma_start3A_105] : memref<204800x128xf32, #tpu.memory_space<hbm>> -> memref<128x128xf32, #tpu.memory_space<hbm>>
      tpu.enqueue_dma source(%arg18 : memref<128x128xf32, #tpu.memory_space<vmem>>) target(%dma_start3A_106 : memref<128x128xf32, #tpu.memory_space<hbm>>) target_semaphore(%arg23 : memref<!tpu.dma_semaphore, #tpu.memory_space<semaphore_mem>>)
      %dma_wait3A_107 = arith.constant 0 : i32
      %dma_wait3A_108 = tpu.memref_slice %arg10[%add3A_87, %dma_wait3A_107] : memref<204800x128xf32, #tpu.memory_space<hbm>> -> memref<128x128xf32, #tpu.memory_space<hbm>>
      %dma_wait3A_109 = arith.constant 0 : i32
      %dma_wait3A_110 = tpu.memref_slice %arg10[%add3A_87, %dma_wait3A_109] : memref<204800x128xf32, #tpu.memory_space<hbm>> -> memref<128x128xf32, #tpu.memory_space<hbm>>
      tpu.wait_dma2 semaphore(%arg23 : memref<!tpu.dma_semaphore, #tpu.memory_space<semaphore_mem>>) src(%arg17 : memref<128x128xf32, #tpu.memory_space<vmem>>) dst(%dma_wait3A_110 : memref<128x128xf32, #tpu.memory_space<hbm>>)
      %dma_wait3A_111 = arith.constant 0 : i32
      %dma_wait3A_112 = tpu.memref_slice %arg10[%add3A_102, %dma_wait3A_111] : memref<204800x128xf32, #tpu.memory_space<hbm>> -> memref<128x128xf32, #tpu.memory_space<hbm>>
      %dma_wait3A_113 = arith.constant 0 : i32
      %dma_wait3A_114 = tpu.memref_slice %arg10[%add3A_102, %dma_wait3A_113] : memref<204800x128xf32, #tpu.memory_space<hbm>> -> memref<128x128xf32, #tpu.memory_space<hbm>>
      tpu.wait_dma2 semaphore(%arg23 : memref<!tpu.dma_semaphore, #tpu.memory_space<semaphore_mem>>) src(%arg18 : memref<128x128xf32, #tpu.memory_space<vmem>>) dst(%dma_wait3A_114 : memref<128x128xf32, #tpu.memory_space<hbm>>)
    }
    %scan3A_51 = arith.constant 25 : i32
    %mul3A_52 = arith.constant 88 : i32
    %mul3A_53 = arith.muli %add3A, %mul3A_52 : i32
    "tpu.region"() ({
      %run_scoped3A = tpu.sem_alloc : memref<!tpu.dma_semaphore, #tpu.memory_space<semaphore_mem>>
      %dma_start3A_62 = arith.constant 0 : i32
      %dma_start3A_63 = tpu.memref_slice %arg7[%mul3A_53, %dma_start3A_62] : memref<2816x80xi32, #tpu.memory_space<hbm>> -> memref<88x80xi32, #tpu.memory_space<hbm>>
      %dma_start3A_64 = arith.constant 0 : i32
      %dma_start3A_65 = tpu.memref_slice %arg7[%mul3A_53, %dma_start3A_64] : memref<2816x80xi32, #tpu.memory_space<hbm>> -> memref<88x80xi32, #tpu.memory_space<hbm>>
      tpu.enqueue_dma source(%dma_start3A_65 : memref<88x80xi32, #tpu.memory_space<hbm>>) target(%arg15 : memref<88x80xi32, #tpu.memory_space<vmem>>) target_semaphore(%run_scoped3A : memref<!tpu.dma_semaphore, #tpu.memory_space<semaphore_mem>>)
      %dma_wait3A_66 = arith.constant 0 : i32
      %dma_wait3A_67 = tpu.memref_slice %arg7[%mul3A_53, %dma_wait3A_66] : memref<2816x80xi32, #tpu.memory_space<hbm>> -> memref<88x80xi32, #tpu.memory_space<hbm>>
      %dma_wait3A_68 = arith.constant 0 : i32
      %dma_wait3A_69 = tpu.memref_slice %arg7[%mul3A_53, %dma_wait3A_68] : memref<2816x80xi32, #tpu.memory_space<hbm>> -> memref<88x80xi32, #tpu.memory_space<hbm>>
      tpu.wait_dma2 semaphore(%run_scoped3A : memref<!tpu.dma_semaphore, #tpu.memory_space<semaphore_mem>>) src(%dma_wait3A_69 : memref<88x80xi32, #tpu.memory_space<hbm>>) dst(%arg15 : memref<88x80xi32, #tpu.memory_space<vmem>>)
      tpu.yield
    }) : () -> ()
    %mul3A_54 = arith.constant 7040 : i32
    %mul3A_55 = arith.muli %add3A, %mul3A_54 : i32
    %scan3A_56 = arith.constant 0 : i32
    %scan3A_57 = arith.constant 0 : i32
    %scan3A_58 = arith.constant 44 : i32
    %scan3A_59 = arith.addi %scan3A_57, %scan3A_58 : i32
    %scan3A_60 = arith.constant 1 : i32
    scf.for %scan3A_62 = %scan3A_57 to %scan3A_59 step %scan3A_60  : i32 {
      %mul3A_63 = arith.constant 2 : i32
      %mul3A_64 = arith.muli %scan3A_62, %mul3A_63 : i32
      %dma_start3A_65 = arith.constant 0 : i32
      %dma_start3A_66 = tpu.memref_slice %arg15[%mul3A_64, %dma_start3A_65] : memref<88x80xi32, #tpu.memory_space<vmem>> -> memref<1x80xi32, #tpu.memory_space<vmem>>
      %dma_start3A_67 = tpu.memref_squeeze %dma_start3A_66 : memref<1x80xi32, #tpu.memory_space<vmem>> -> memref<80xi32, #tpu.memory_space<vmem>>
      %dma_start3A_68 = arith.constant 0 : i32
      %dma_start3A_69 = arith.constant 0 : i32
      %dma_start3A_70 = tpu.memref_slice %arg3[%dma_start3A_68, %dma_start3A_69] : memref<320000x16xf32, #tpu.memory_space<hbm>> -> memref<320000x16xf32, #tpu.memory_space<hbm>>
      tpu.enqueue_indirect_dma source(%dma_start3A_70 : memref<320000x16xf32, #tpu.memory_space<hbm>>) target(%arg19 : memref<80x16xf32, #tpu.memory_space<vmem>>) offsets(%dma_start3A_67 : memref<80xi32, #tpu.memory_space<vmem>>) semaphore(%arg21 : memref<!tpu.dma_semaphore, #tpu.memory_space<semaphore_mem>>)
      %add3A_71 = arith.constant 1 : i32
      %add3A_72 = arith.addi %mul3A_64, %add3A_71 : i32
      %dma_start3A_73 = arith.constant 0 : i32
      %dma_start3A_74 = tpu.memref_slice %arg15[%add3A_72, %dma_start3A_73] : memref<88x80xi32, #tpu.memory_space<vmem>> -> memref<1x80xi32, #tpu.memory_space<vmem>>
      %dma_start3A_75 = tpu.memref_squeeze %dma_start3A_74 : memref<1x80xi32, #tpu.memory_space<vmem>> -> memref<80xi32, #tpu.memory_space<vmem>>
      %dma_start3A_76 = arith.constant 0 : i32
      %dma_start3A_77 = arith.constant 0 : i32
      %dma_start3A_78 = tpu.memref_slice %arg3[%dma_start3A_76, %dma_start3A_77] : memref<320000x16xf32, #tpu.memory_space<hbm>> -> memref<320000x16xf32, #tpu.memory_space<hbm>>
      tpu.enqueue_indirect_dma source(%dma_start3A_78 : memref<320000x16xf32, #tpu.memory_space<hbm>>) target(%arg20 : memref<80x16xf32, #tpu.memory_space<vmem>>) offsets(%dma_start3A_75 : memref<80xi32, #tpu.memory_space<vmem>>) semaphore(%arg22 : memref<!tpu.dma_semaphore, #tpu.memory_space<semaphore_mem>>)
      %dma_wait3A_79 = arith.constant 0 : i32
      %dma_wait3A_80 = tpu.memref_slice %arg15[%mul3A_64, %dma_wait3A_79] : memref<88x80xi32, #tpu.memory_space<vmem>> -> memref<1x80xi32, #tpu.memory_space<vmem>>
      %dma_wait3A_81 = tpu.memref_squeeze %dma_wait3A_80 : memref<1x80xi32, #tpu.memory_space<vmem>> -> memref<80xi32, #tpu.memory_space<vmem>>
      %dma_wait3A_82 = arith.constant 0 : i32
      %dma_wait3A_83 = arith.constant 0 : i32
      %dma_wait3A_84 = tpu.memref_slice %arg3[%dma_wait3A_82, %dma_wait3A_83] : memref<320000x16xf32, #tpu.memory_space<hbm>> -> memref<320000x16xf32, #tpu.memory_space<hbm>>
      tpu.wait_indirect_dma semaphore(%arg21 : memref<!tpu.dma_semaphore, #tpu.memory_space<semaphore_mem>>) src(%dma_wait3A_84 : memref<320000x16xf32, #tpu.memory_space<hbm>>) dst(%arg19 : memref<80x16xf32, #tpu.memory_space<vmem>>)
      %mul3A_85 = arith.constant 80 : i32
      %mul3A_86 = arith.muli %mul3A_64, %mul3A_85 : i32
      %add3A_87 = arith.addi %mul3A_55, %mul3A_86 : i32
      %dma_start3A_88 = arith.constant 0 : i32
      %dma_start3A_89 = tpu.memref_slice %arg11[%add3A_87, %dma_start3A_88] : memref<225280x16xf32, #tpu.memory_space<hbm>> -> memref<80x16xf32, #tpu.memory_space<hbm>>
      %dma_start3A_90 = arith.constant 0 : i32
      %dma_start3A_91 = tpu.memref_slice %arg11[%add3A_87, %dma_start3A_90] : memref<225280x16xf32, #tpu.memory_space<hbm>> -> memref<80x16xf32, #tpu.memory_space<hbm>>
      tpu.enqueue_dma source(%arg19 : memref<80x16xf32, #tpu.memory_space<vmem>>) target(%dma_start3A_91 : memref<80x16xf32, #tpu.memory_space<hbm>>) target_semaphore(%arg23 : memref<!tpu.dma_semaphore, #tpu.memory_space<semaphore_mem>>)
      %dma_wait3A_92 = arith.constant 0 : i32
      %dma_wait3A_93 = tpu.memref_slice %arg15[%add3A_72, %dma_wait3A_92] : memref<88x80xi32, #tpu.memory_space<vmem>> -> memref<1x80xi32, #tpu.memory_space<vmem>>
      %dma_wait3A_94 = tpu.memref_squeeze %dma_wait3A_93 : memref<1x80xi32, #tpu.memory_space<vmem>> -> memref<80xi32, #tpu.memory_space<vmem>>
      %dma_wait3A_95 = arith.constant 0 : i32
      %dma_wait3A_96 = arith.constant 0 : i32
      %dma_wait3A_97 = tpu.memref_slice %arg3[%dma_wait3A_95, %dma_wait3A_96] : memref<320000x16xf32, #tpu.memory_space<hbm>> -> memref<320000x16xf32, #tpu.memory_space<hbm>>
      tpu.wait_indirect_dma semaphore(%arg22 : memref<!tpu.dma_semaphore, #tpu.memory_space<semaphore_mem>>) src(%dma_wait3A_97 : memref<320000x16xf32, #tpu.memory_space<hbm>>) dst(%arg20 : memref<80x16xf32, #tpu.memory_space<vmem>>)
      %add3A_98 = arith.constant 1 : i32
      %add3A_99 = arith.addi %mul3A_64, %add3A_98 : i32
      %mul3A_100 = arith.constant 80 : i32
      %mul3A_101 = arith.muli %add3A_99, %mul3A_100 : i32
      %add3A_102 = arith.addi %mul3A_55, %mul3A_101 : i32
      %dma_start3A_103 = arith.constant 0 : i32
      %dma_start3A_104 = tpu.memref_slice %arg11[%add3A_102, %dma_start3A_103] : memref<225280x16xf32, #tpu.memory_space<hbm>> -> memref<80x16xf32, #tpu.memory_space<hbm>>
      %dma_start3A_105 = arith.constant 0 : i32
      %dma_start3A_106 = tpu.memref_slice %arg11[%add3A_102, %dma_start3A_105] : memref<225280x16xf32, #tpu.memory_space<hbm>> -> memref<80x16xf32, #tpu.memory_space<hbm>>
      tpu.enqueue_dma source(%arg20 : memref<80x16xf32, #tpu.memory_space<vmem>>) target(%dma_start3A_106 : memref<80x16xf32, #tpu.memory_space<hbm>>) target_semaphore(%arg23 : memref<!tpu.dma_semaphore, #tpu.memory_space<semaphore_mem>>)
      %dma_wait3A_107 = arith.constant 0 : i32
      %dma_wait3A_108 = tpu.memref_slice %arg11[%add3A_87, %dma_wait3A_107] : memref<225280x16xf32, #tpu.memory_space<hbm>> -> memref<80x16xf32, #tpu.memory_space<hbm>>
      %dma_wait3A_109 = arith.constant 0 : i32
      %dma_wait3A_110 = tpu.memref_slice %arg11[%add3A_87, %dma_wait3A_109] : memref<225280x16xf32, #tpu.memory_space<hbm>> -> memref<80x16xf32, #tpu.memory_space<hbm>>
      tpu.wait_dma2 semaphore(%arg23 : memref<!tpu.dma_semaphore, #tpu.memory_space<semaphore_mem>>) src(%arg19 : memref<80x16xf32, #tpu.memory_space<vmem>>) dst(%dma_wait3A_110 : memref<80x16xf32, #tpu.memory_space<hbm>>)
      %dma_wait3A_111 = arith.constant 0 : i32
      %dma_wait3A_112 = tpu.memref_slice %arg11[%add3A_102, %dma_wait3A_111] : memref<225280x16xf32, #tpu.memory_space<hbm>> -> memref<80x16xf32, #tpu.memory_space<hbm>>
      %dma_wait3A_113 = arith.constant 0 : i32
      %dma_wait3A_114 = tpu.memref_slice %arg11[%add3A_102, %dma_wait3A_113] : memref<225280x16xf32, #tpu.memory_space<hbm>> -> memref<80x16xf32, #tpu.memory_space<hbm>>
      tpu.wait_dma2 semaphore(%arg23 : memref<!tpu.dma_semaphore, #tpu.memory_space<semaphore_mem>>) src(%arg20 : memref<80x16xf32, #tpu.memory_space<vmem>>) dst(%dma_wait3A_114 : memref<80x16xf32, #tpu.memory_space<hbm>>)
    }
    %scan3A_61 = arith.constant 44 : i32
    return
  }
}

#map = affine_map<(d0, d1) -> (0, 0)>
module attributes {stable_mosaic.version = 14 : i64} {
  func.func @k(%arg0: i32, %arg1: i32, %arg2: memref<10000x32xi32, #tpu.memory_space<hbm>>, %arg3: memref<320x64xi32, #tpu.memory_space<hbm>>, %arg4: memref<20480x32xi32, #tpu.memory_space<hbm>>, %arg5: memref<10x64xi32, #tpu.memory_space<vmem>>, %arg6: memref<64x32xi32, #tpu.memory_space<vmem>>, %arg7: memref<64x32xi32, #tpu.memory_space<vmem>>, %arg8: memref<!tpu.dma_semaphore, #tpu.memory_space<semaphore_mem>>, %arg9: memref<!tpu.dma_semaphore, #tpu.memory_space<semaphore_mem>>, %arg10: memref<!tpu.dma_semaphore, #tpu.memory_space<semaphore_mem>>) attributes {dimension_semantics = [#tpu.dimension_semantics<core_parallel>, #tpu.dimension_semantics<subcore_parallel>], iteration_bounds = array<i64: 2, 16>, scalar_prefetch = 0 : i64, scratch_operands = 6 : i64, tpu.core_type = #tpu.core_type<sc_vector_subcore>, window_params = [{transform_indices = #map}, {transform_indices = #map}, {transform_indices = #map}]} {
    %mul3A = arith.constant 2 : i32
    %mul3A_0 = arith.muli %arg1, %mul3A : i32
    %add3A = arith.addi %mul3A_0, %arg0 : i32
    %mul3A_1 = arith.constant 10 : i32
    %mul3A_2 = arith.muli %add3A, %mul3A_1 : i32
    "tpu.region"() ({
      %run_scoped3A = tpu.sem_alloc : memref<!tpu.dma_semaphore, #tpu.memory_space<semaphore_mem>>
      %dma_start3A = arith.constant 0 : i32
      %dma_start3A_10 = tpu.memref_slice %arg3[%mul3A_2, %dma_start3A] : memref<320x64xi32, #tpu.memory_space<hbm>> -> memref<10x64xi32, #tpu.memory_space<hbm>>
      %dma_start3A_11 = arith.constant 0 : i32
      %dma_start3A_12 = tpu.memref_slice %arg3[%mul3A_2, %dma_start3A_11] : memref<320x64xi32, #tpu.memory_space<hbm>> -> memref<10x64xi32, #tpu.memory_space<hbm>>
      tpu.enqueue_dma source(%dma_start3A_12 : memref<10x64xi32, #tpu.memory_space<hbm>>) target(%arg5 : memref<10x64xi32, #tpu.memory_space<vmem>>) target_semaphore(%run_scoped3A : memref<!tpu.dma_semaphore, #tpu.memory_space<semaphore_mem>>)
      %dma_wait3A = arith.constant 0 : i32
      %dma_wait3A_13 = tpu.memref_slice %arg3[%mul3A_2, %dma_wait3A] : memref<320x64xi32, #tpu.memory_space<hbm>> -> memref<10x64xi32, #tpu.memory_space<hbm>>
      %dma_wait3A_14 = arith.constant 0 : i32
      %dma_wait3A_15 = tpu.memref_slice %arg3[%mul3A_2, %dma_wait3A_14] : memref<320x64xi32, #tpu.memory_space<hbm>> -> memref<10x64xi32, #tpu.memory_space<hbm>>
      tpu.wait_dma2 semaphore(%run_scoped3A : memref<!tpu.dma_semaphore, #tpu.memory_space<semaphore_mem>>) src(%dma_wait3A_15 : memref<10x64xi32, #tpu.memory_space<hbm>>) dst(%arg5 : memref<10x64xi32, #tpu.memory_space<vmem>>)
      tpu.yield
    }) : () -> ()
    %mul3A_3 = arith.constant 640 : i32
    %mul3A_4 = arith.muli %add3A, %mul3A_3 : i32
    %scan3A = arith.constant 0 : i32
    %scan3A_5 = arith.constant 0 : i32
    %scan3A_6 = arith.constant 5 : i32
    %scan3A_7 = arith.addi %scan3A_5, %scan3A_6 : i32
    %scan3A_8 = arith.constant 1 : i32
    scf.for %scan3A_10 = %scan3A_5 to %scan3A_7 step %scan3A_8  : i32 {
      %mul3A_11 = arith.constant 2 : i32
      %mul3A_12 = arith.muli %scan3A_10, %mul3A_11 : i32
      %dma_start3A = arith.constant 0 : i32
      %dma_start3A_13 = tpu.memref_slice %arg5[%mul3A_12, %dma_start3A] : memref<10x64xi32, #tpu.memory_space<vmem>> -> memref<1x64xi32, #tpu.memory_space<vmem>>
      %dma_start3A_14 = tpu.memref_squeeze %dma_start3A_13 : memref<1x64xi32, #tpu.memory_space<vmem>> -> memref<64xi32, #tpu.memory_space<vmem>>
      %dma_start3A_15 = arith.constant 0 : i32
      %dma_start3A_16 = arith.constant 0 : i32
      %dma_start3A_17 = tpu.memref_slice %arg2[%dma_start3A_15, %dma_start3A_16] : memref<10000x32xi32, #tpu.memory_space<hbm>> -> memref<10000x32xi32, #tpu.memory_space<hbm>>
      tpu.enqueue_indirect_dma source(%dma_start3A_17 : memref<10000x32xi32, #tpu.memory_space<hbm>>) target(%arg6 : memref<64x32xi32, #tpu.memory_space<vmem>>) offsets(%dma_start3A_14 : memref<64xi32, #tpu.memory_space<vmem>>) semaphore(%arg8 : memref<!tpu.dma_semaphore, #tpu.memory_space<semaphore_mem>>)
      %add3A_18 = arith.constant 1 : i32
      %add3A_19 = arith.addi %mul3A_12, %add3A_18 : i32
      %dma_start3A_20 = arith.constant 0 : i32
      %dma_start3A_21 = tpu.memref_slice %arg5[%add3A_19, %dma_start3A_20] : memref<10x64xi32, #tpu.memory_space<vmem>> -> memref<1x64xi32, #tpu.memory_space<vmem>>
      %dma_start3A_22 = tpu.memref_squeeze %dma_start3A_21 : memref<1x64xi32, #tpu.memory_space<vmem>> -> memref<64xi32, #tpu.memory_space<vmem>>
      %dma_start3A_23 = arith.constant 0 : i32
      %dma_start3A_24 = arith.constant 0 : i32
      %dma_start3A_25 = tpu.memref_slice %arg2[%dma_start3A_23, %dma_start3A_24] : memref<10000x32xi32, #tpu.memory_space<hbm>> -> memref<10000x32xi32, #tpu.memory_space<hbm>>
      tpu.enqueue_indirect_dma source(%dma_start3A_25 : memref<10000x32xi32, #tpu.memory_space<hbm>>) target(%arg7 : memref<64x32xi32, #tpu.memory_space<vmem>>) offsets(%dma_start3A_22 : memref<64xi32, #tpu.memory_space<vmem>>) semaphore(%arg9 : memref<!tpu.dma_semaphore, #tpu.memory_space<semaphore_mem>>)
      %dma_wait3A = arith.constant 0 : i32
      %dma_wait3A_26 = tpu.memref_slice %arg5[%mul3A_12, %dma_wait3A] : memref<10x64xi32, #tpu.memory_space<vmem>> -> memref<1x64xi32, #tpu.memory_space<vmem>>
      %dma_wait3A_27 = tpu.memref_squeeze %dma_wait3A_26 : memref<1x64xi32, #tpu.memory_space<vmem>> -> memref<64xi32, #tpu.memory_space<vmem>>
      %dma_wait3A_28 = arith.constant 0 : i32
      %dma_wait3A_29 = arith.constant 0 : i32
      %dma_wait3A_30 = tpu.memref_slice %arg2[%dma_wait3A_28, %dma_wait3A_29] : memref<10000x32xi32, #tpu.memory_space<hbm>> -> memref<10000x32xi32, #tpu.memory_space<hbm>>
      tpu.wait_indirect_dma semaphore(%arg8 : memref<!tpu.dma_semaphore, #tpu.memory_space<semaphore_mem>>) src(%dma_wait3A_30 : memref<10000x32xi32, #tpu.memory_space<hbm>>) dst(%arg6 : memref<64x32xi32, #tpu.memory_space<vmem>>)
      %mul3A_31 = arith.constant 64 : i32
      %mul3A_32 = arith.muli %mul3A_12, %mul3A_31 : i32
      %add3A_33 = arith.addi %mul3A_4, %mul3A_32 : i32
      %dma_start3A_34 = arith.constant 0 : i32
      %dma_start3A_35 = tpu.memref_slice %arg4[%add3A_33, %dma_start3A_34] : memref<20480x32xi32, #tpu.memory_space<hbm>> -> memref<64x32xi32, #tpu.memory_space<hbm>>
      %dma_start3A_36 = arith.constant 0 : i32
      %dma_start3A_37 = tpu.memref_slice %arg4[%add3A_33, %dma_start3A_36] : memref<20480x32xi32, #tpu.memory_space<hbm>> -> memref<64x32xi32, #tpu.memory_space<hbm>>
      tpu.enqueue_dma source(%arg6 : memref<64x32xi32, #tpu.memory_space<vmem>>) target(%dma_start3A_37 : memref<64x32xi32, #tpu.memory_space<hbm>>) target_semaphore(%arg10 : memref<!tpu.dma_semaphore, #tpu.memory_space<semaphore_mem>>)
      %dma_wait3A_38 = arith.constant 0 : i32
      %dma_wait3A_39 = tpu.memref_slice %arg5[%add3A_19, %dma_wait3A_38] : memref<10x64xi32, #tpu.memory_space<vmem>> -> memref<1x64xi32, #tpu.memory_space<vmem>>
      %dma_wait3A_40 = tpu.memref_squeeze %dma_wait3A_39 : memref<1x64xi32, #tpu.memory_space<vmem>> -> memref<64xi32, #tpu.memory_space<vmem>>
      %dma_wait3A_41 = arith.constant 0 : i32
      %dma_wait3A_42 = arith.constant 0 : i32
      %dma_wait3A_43 = tpu.memref_slice %arg2[%dma_wait3A_41, %dma_wait3A_42] : memref<10000x32xi32, #tpu.memory_space<hbm>> -> memref<10000x32xi32, #tpu.memory_space<hbm>>
      tpu.wait_indirect_dma semaphore(%arg9 : memref<!tpu.dma_semaphore, #tpu.memory_space<semaphore_mem>>) src(%dma_wait3A_43 : memref<10000x32xi32, #tpu.memory_space<hbm>>) dst(%arg7 : memref<64x32xi32, #tpu.memory_space<vmem>>)
      %add3A_44 = arith.constant 1 : i32
      %add3A_45 = arith.addi %mul3A_12, %add3A_44 : i32
      %mul3A_46 = arith.constant 64 : i32
      %mul3A_47 = arith.muli %add3A_45, %mul3A_46 : i32
      %add3A_48 = arith.addi %mul3A_4, %mul3A_47 : i32
      %dma_start3A_49 = arith.constant 0 : i32
      %dma_start3A_50 = tpu.memref_slice %arg4[%add3A_48, %dma_start3A_49] : memref<20480x32xi32, #tpu.memory_space<hbm>> -> memref<64x32xi32, #tpu.memory_space<hbm>>
      %dma_start3A_51 = arith.constant 0 : i32
      %dma_start3A_52 = tpu.memref_slice %arg4[%add3A_48, %dma_start3A_51] : memref<20480x32xi32, #tpu.memory_space<hbm>> -> memref<64x32xi32, #tpu.memory_space<hbm>>
      tpu.enqueue_dma source(%arg7 : memref<64x32xi32, #tpu.memory_space<vmem>>) target(%dma_start3A_52 : memref<64x32xi32, #tpu.memory_space<hbm>>) target_semaphore(%arg10 : memref<!tpu.dma_semaphore, #tpu.memory_space<semaphore_mem>>)
      %dma_wait3A_53 = arith.constant 0 : i32
      %dma_wait3A_54 = tpu.memref_slice %arg4[%add3A_33, %dma_wait3A_53] : memref<20480x32xi32, #tpu.memory_space<hbm>> -> memref<64x32xi32, #tpu.memory_space<hbm>>
      %dma_wait3A_55 = arith.constant 0 : i32
      %dma_wait3A_56 = tpu.memref_slice %arg4[%add3A_33, %dma_wait3A_55] : memref<20480x32xi32, #tpu.memory_space<hbm>> -> memref<64x32xi32, #tpu.memory_space<hbm>>
      tpu.wait_dma2 semaphore(%arg10 : memref<!tpu.dma_semaphore, #tpu.memory_space<semaphore_mem>>) src(%arg6 : memref<64x32xi32, #tpu.memory_space<vmem>>) dst(%dma_wait3A_56 : memref<64x32xi32, #tpu.memory_space<hbm>>)
      %dma_wait3A_57 = arith.constant 0 : i32
      %dma_wait3A_58 = tpu.memref_slice %arg4[%add3A_48, %dma_wait3A_57] : memref<20480x32xi32, #tpu.memory_space<hbm>> -> memref<64x32xi32, #tpu.memory_space<hbm>>
      %dma_wait3A_59 = arith.constant 0 : i32
      %dma_wait3A_60 = tpu.memref_slice %arg4[%add3A_48, %dma_wait3A_59] : memref<20480x32xi32, #tpu.memory_space<hbm>> -> memref<64x32xi32, #tpu.memory_space<hbm>>
      tpu.wait_dma2 semaphore(%arg10 : memref<!tpu.dma_semaphore, #tpu.memory_space<semaphore_mem>>) src(%arg7 : memref<64x32xi32, #tpu.memory_space<vmem>>) dst(%dma_wait3A_60 : memref<64x32xi32, #tpu.memory_space<hbm>>)
    }
    %scan3A_9 = arith.constant 5 : i32
    return
  }
}

module attributes {stable_mosaic.version = 14 : i64} {
  func.func @_add_body(%arg0: i32, %arg1: memref<1000x128xf32, #tpu.memory_space<vmem>>, %arg2: memref<1000x128xf32, #tpu.memory_space<vmem>>, %arg3: memref<1000x128xf32, #tpu.memory_space<vmem>>) attributes {dimension_semantics = [#tpu.dimension_semantics<arbitrary>], iteration_bounds = array<i64: 10>, scalar_prefetch = 0 : i64, scratch_operands = 0 : i64, tpu.core_type = #tpu.core_type<tc>, window_params = [{transform_indices = @transform_0, window_bounds = array<i64: 1000, 128>}, {transform_indices = @transform_1, window_bounds = array<i64: 1000, 128>}, {transform_indices = @transform_2, window_bounds = array<i64: 1000, 128>}]} {
    %get3A = arith.constant 0 : index
    %get3A_0 = arith.constant 0 : index
    %get3A_1 = vector.load %arg1[%get3A, %get3A_0] : memref<1000x128xf32, #tpu.memory_space<vmem>>, vector<1000x128xf32>
    %get3A_2 = arith.constant 0 : index
    %get3A_3 = arith.constant 0 : index
    %get3A_4 = vector.load %arg2[%get3A_2, %get3A_3] : memref<1000x128xf32, #tpu.memory_space<vmem>>, vector<1000x128xf32>
    %add3A = arith.addf %get3A_1, %get3A_4 : vector<1000x128xf32>
    %swap3A = arith.constant 0 : index
    %swap3A_5 = arith.constant 0 : index
    %swap3A_6 = vector.load %arg3[%swap3A, %swap3A_5] : memref<1000x128xf32, #tpu.memory_space<vmem>>, vector<1000x128xf32>
    tpu.vector_store %arg3[%swap3A, %swap3A_5], %add3A {strides = array<i32>} : memref<1000x128xf32, #tpu.memory_space<vmem>>, vector<1000x128xf32>,
    return
  }
  func.func @transform_0(%arg0: i32) -> (i32, i32) {
    %c0_i32 = arith.constant 0 : i32
    %c0_i32_0 = arith.constant 0 : i32
    return %arg0, %c0_i32 : i32, i32
  }
  func.func @transform_1(%arg0: i32) -> (i32, i32) {
    %c0_i32 = arith.constant 0 : i32
    %c0_i32_0 = arith.constant 0 : i32
    return %arg0, %c0_i32 : i32, i32
  }
  func.func @transform_2(%arg0: i32) -> (i32, i32) {
    %c0_i32 = arith.constant 0 : i32
    %c0_i32_0 = arith.constant 0 : i32
    return %arg0, %c0_i32 : i32, i32
  }
}

module attributes {stable_mosaic.version = 14 : i64} {
  func.func @_attn_body(%arg0: i32, %arg1: memref<1024x1xf32, #tpu.memory_space<vmem>>, %arg2: memref<1024x16xf32, #tpu.memory_space<vmem>>, %arg3: memref<1024x16xf32, #tpu.memory_space<vmem>>, %arg4: memref<1024x128xf32, #tpu.memory_space<vmem>>, %arg5: memref<1024x1280xf32, #tpu.memory_space<vmem>>, %arg6: memref<1x128xf32, #tpu.memory_space<vmem>>, %arg7: memref<1x128xf32, #tpu.memory_space<vmem>>, %arg8: memref<1280x32xf32, #tpu.memory_space<vmem>>, %arg9: memref<128x128xf32, #tpu.memory_space<vmem>>, %arg10: memref<128x128xf32, #tpu.memory_space<vmem>>, %arg11: memref<128x128xf32, #tpu.memory_space<vmem>>, %arg12: memref<1x128xf32, #tpu.memory_space<vmem>>, %arg13: memref<128x128xf32, #tpu.memory_space<vmem>>, %arg14: memref<128x128xf32, #tpu.memory_space<vmem>>, %arg15: memref<1x128xf32, #tpu.memory_space<vmem>>, %arg16: memref<128x128xf32, #tpu.memory_space<vmem>>, %arg17: memref<128x128xf32, #tpu.memory_space<vmem>>, %arg18: memref<128x128xf32, #tpu.memory_space<vmem>>, %arg19: memref<128x128xf32, #tpu.memory_space<vmem>>, %arg20: memref<128x128xf32, #tpu.memory_space<vmem>>, %arg21: memref<1024x128xf32, #tpu.memory_space<vmem>>, %arg22: memref<1024x1280xf32, #tpu.memory_space<vmem>>) attributes {dimension_semantics = [#tpu.dimension_semantics<arbitrary>], iteration_bounds = array<i64: 20>, scalar_prefetch = 0 : i64, scratch_operands = 1 : i64, tpu.core_type = #tpu.core_type<tc>, window_params = [{transform_indices = @transform_0, window_bounds = array<i64: 1024, 1>}, {transform_indices = @transform_1, window_bounds = array<i64: 1024, 16>}, {transform_indices = @transform_2, window_bounds = array<i64: 1024, 16>}, {transform_indices = @transform_3, window_bounds = array<i64: 1024, 128>}, {transform_indices = @transform_4, window_bounds = array<i64: 1024, 1280>}, {pipeline_mode = #tpu.pipeline_mode<synchronous>, transform_indices = @transform_5, window_bounds = array<i64: 1, 128>}, {pipeline_mode = #tpu.pipeline_mode<synchronous>, transform_indices = @transform_6, window_bounds = array<i64: 1, 128>}, {pipeline_mode = #tpu.pipeline_mode<synchronous>, transform_indices = @transform_7, window_bounds = array<i64: 1280, 32>}, {pipeline_mode = #tpu.pipeline_mode<synchronous>, transform_indices = @transform_8, window_bounds = array<i64: 128, 128>}, {pipeline_mode = #tpu.pipeline_mode<synchronous>, transform_indices = @transform_9, window_bounds = array<i64: 128, 128>}, {pipeline_mode = #tpu.pipeline_mode<synchronous>, transform_indices = @transform_10, window_bounds = array<i64: 128, 128>}, {pipeline_mode = #tpu.pipeline_mode<synchronous>, transform_indices = @transform_11, window_bounds = array<i64: 1, 128>}, {pipeline_mode = #tpu.pipeline_mode<synchronous>, transform_indices = @transform_12, window_bounds = array<i64: 128, 128>}, {pipeline_mode = #tpu.pipeline_mode<synchronous>, transform_indices = @transform_13, window_bounds = array<i64: 128, 128>}, {pipeline_mode = #tpu.pipeline_mode<synchronous>, transform_indices = @transform_14, window_bounds = array<i64: 1, 128>}, {pipeline_mode = #tpu.pipeline_mode<synchronous>, transform_indices = @transform_15, window_bounds = array<i64: 128, 128>}, {pipeline_mode = #tpu.pipeline_mode<synchronous>, transform_indices = @transform_16, window_bounds = array<i64: 128, 128>}, {pipeline_mode = #tpu.pipeline_mode<synchronous>, transform_indices = @transform_17, window_bounds = array<i64: 128, 128>}, {pipeline_mode = #tpu.pipeline_mode<synchronous>, transform_indices = @transform_18, window_bounds = array<i64: 128, 128>}, {pipeline_mode = #tpu.pipeline_mode<synchronous>, transform_indices = @transform_19, window_bounds = array<i64: 128, 128>}, {transform_indices = @transform_20, window_bounds = array<i64: 1024, 128>}]} {
    %get3A = arith.constant 0 : index
    %get3A_0 = arith.constant 0 : index
    %get3A_1 = vector.load %arg4[%get3A, %get3A_0] : memref<1024x128xf32, #tpu.memory_space<vmem>>, vector<1024x128xf32>
    %get3A_2 = arith.constant 0 : index
    %get3A_3 = arith.constant 0 : index
    %get3A_4 = vector.load %arg6[%get3A_2, %get3A_3] : memref<1x128xf32, #tpu.memory_space<vmem>>, vector<1x128xf32>
    %get3A_5 = arith.constant 0 : index
    %get3A_6 = arith.constant 0 : index
    %get3A_7 = vector.load %arg7[%get3A_5, %get3A_6] : memref<1x128xf32, #tpu.memory_space<vmem>>, vector<1x128xf32>
    %get3A_8 = arith.constant 0 : index
    %get3A_9 = arith.constant 0 : index
    %get3A_10 = vector.load %arg1[%get3A_8, %get3A_9] : memref<1024x1xf32, #tpu.memory_space<vmem>>, vector<1024x1xf32>
    %mul3A = arith.constant 0.159154937 : f32
    %mul3A_11 = vector.broadcast %mul3A : f32 to vector<1x128xf32>
    %mul3A_12 = arith.mulf %get3A_4, %mul3A_11 : vector<1x128xf32>
    %mul3A_13 = arith.constant 0.159154937 : f32
    %mul3A_14 = vector.broadcast %mul3A_13 : f32 to vector<1x128xf32>
    %mul3A_15 = arith.mulf %get3A_7, %mul3A_14 : vector<1x128xf32>
    %round3A = math.roundeven %mul3A_15 : vector<1x128xf32>
    %sub3A = arith.subf %mul3A_15, %round3A : vector<1x128xf32>
    %mul3A_16 = arith.mulf %sub3A, %sub3A : vector<1x128xf32>
    %broadcast_in_dim3A = arith.constant 6.52865839 : f32
    %broadcast_in_dim3A_17 = vector.broadcast %broadcast_in_dim3A : f32 to vector<1x128xf32>
    %mul3A_18 = arith.mulf %broadcast_in_dim3A_17, %mul3A_16 : vector<1x128xf32>
    %add3A = arith.constant -2.596760e+01 : f32
    %add3A_19 = vector.broadcast %add3A : f32 to vector<1x128xf32>
    %add3A_20 = arith.addf %mul3A_18, %add3A_19 : vector<1x128xf32>
    %mul3A_21 = arith.mulf %add3A_20, %mul3A_16 : vector<1x128xf32>
    %add3A_22 = arith.constant 60.1676292 : f32
    %add3A_23 = vector.broadcast %add3A_22 : f32 to vector<1x128xf32>
    %add3A_24 = arith.addf %mul3A_21, %add3A_23 : vector<1x128xf32>
    %mul3A_25 = arith.mulf %add3A_24, %mul3A_16 : vector<1x128xf32>
    %add3A_26 = arith.constant -85.4501419 : f32
    %add3A_27 = vector.broadcast %add3A_26 : f32 to vector<1x128xf32>
    %add3A_28 = arith.addf %mul3A_25, %add3A_27 : vector<1x128xf32>
    %mul3A_29 = arith.mulf %add3A_28, %mul3A_16 : vector<1x128xf32>
    %add3A_30 = arith.constant 64.9391174 : f32
    %add3A_31 = vector.broadcast %add3A_30 : f32 to vector<1x128xf32>
    %add3A_32 = arith.addf %mul3A_29, %add3A_31 : vector<1x128xf32>
    %mul3A_33 = arith.mulf %add3A_32, %mul3A_16 : vector<1x128xf32>
    %add3A_34 = arith.constant -19.7392044 : f32
    %add3A_35 = vector.broadcast %add3A_34 : f32 to vector<1x128xf32>
    %add3A_36 = arith.addf %mul3A_33, %add3A_35 : vector<1x128xf32>
    %mul3A_37 = arith.mulf %add3A_36, %mul3A_16 : vector<1x128xf32>
    %add3A_38 = arith.constant 1.000000e+00 : f32
    %add3A_39 = vector.broadcast %add3A_38 : f32 to vector<1x128xf32>
    %add3A_40 = arith.addf %mul3A_37, %add3A_39 : vector<1x128xf32>
    %get3A_41 = arith.constant 0 : index
    %get3A_42 = arith.constant 0 : index
    %get3A_43 = vector.load %arg9[%get3A_41, %get3A_42] : memref<128x128xf32, #tpu.memory_space<vmem>>, vector<128x128xf32>
    %dot_general3A = arith.constant dense<0.000000e+00> : vector<1024x128xf32>
    %dot_general3A_44 = tpu.matmul %get3A_1, %get3A_43, %dot_general3A {dimension_numbers = #tpu.dot_dimension_numbers<[1], [0], [0], [1], [0, 0, 1, 1], [], []>, transpose_lhs_hint = false} : vector<1024x128xf32>, vector<128x128xf32>, vector<1024x128xf32> -> vector<1024x128xf32>
    %get3A_45 = arith.constant 0 : index
    %get3A_46 = arith.constant 0 : index
    %get3A_47 = vector.load %arg10[%get3A_45, %get3A_46] : memref<128x128xf32, #tpu.memory_space<vmem>>, vector<128x128xf32>
    %dot_general3A_48 = arith.constant dense<0.000000e+00> : vector<1x128xf32>
    %dot_general3A_49 = tpu.matmul %add3A_40, %get3A_47, %dot_general3A_48 {dimension_numbers = #tpu.dot_dimension_numbers<[1], [0], [0], [1], [0, 0, 1, 1], [], []>, transpose_lhs_hint = false} : vector<1x128xf32>, vector<128x128xf32>, vector<1x128xf32> -> vector<1x128xf32>
    %add3A_50 = vector.broadcast %dot_general3A_49 : vector<1x128xf32> to vector<1024x128xf32>
    %add3A_51 = arith.addf %dot_general3A_44, %add3A_50 : vector<1024x128xf32>
    %get3A_52 = arith.constant 0 : index
    %get3A_53 = arith.constant 0 : index
    %get3A_54 = vector.load %arg5[%get3A_52, %get3A_53] : memref<1024x1280xf32, #tpu.memory_space<vmem>>, vector<1024x128xf32>
    %get3A_55 = arith.constant 0 : index
    %get3A_56 = arith.constant 0 : index
    %get3A_57 = vector.load %arg2[%get3A_55, %get3A_56] : memref<1024x16xf32, #tpu.memory_space<vmem>>, vector<1024x1xf32>
    %sub3A_58 = arith.subf %get3A_10, %get3A_57 : vector<1024x1xf32>
    %mul3A_59 = vector.broadcast %sub3A_58 : vector<1024x1xf32> to vector<1024x128xf32>
    %mul3A_60 = vector.broadcast %mul3A_12 : vector<1x128xf32> to vector<1024x128xf32>
    %mul3A_61 = arith.mulf %mul3A_59, %mul3A_60 : vector<1024x128xf32>
    %add3A_62 = vector.broadcast %mul3A_15 : vector<1x128xf32> to vector<1024x128xf32>
    %add3A_63 = arith.addf %mul3A_61, %add3A_62 : vector<1024x128xf32>
    %round3A_64 = math.roundeven %add3A_63 : vector<1024x128xf32>
    %sub3A_65 = arith.subf %add3A_63, %round3A_64 : vector<1024x128xf32>
    %mul3A_66 = arith.mulf %sub3A_65, %sub3A_65 : vector<1024x128xf32>
    %broadcast_in_dim3A_67 = arith.constant 6.52865839 : f32
    %broadcast_in_dim3A_68 = vector.broadcast %broadcast_in_dim3A_67 : f32 to vector<1024x128xf32>
    %mul3A_69 = arith.mulf %broadcast_in_dim3A_68, %mul3A_66 : vector<1024x128xf32>
    %add3A_70 = arith.constant -2.596760e+01 : f32
    %add3A_71 = vector.broadcast %add3A_70 : f32 to vector<1024x128xf32>
    %add3A_72 = arith.addf %mul3A_69, %add3A_71 : vector<1024x128xf32>
    %mul3A_73 = arith.mulf %add3A_72, %mul3A_66 : vector<1024x128xf32>
    %add3A_74 = arith.constant 60.1676292 : f32
    %add3A_75 = vector.broadcast %add3A_74 : f32 to vector<1024x128xf32>
    %add3A_76 = arith.addf %mul3A_73, %add3A_75 : vector<1024x128xf32>
    %mul3A_77 = arith.mulf %add3A_76, %mul3A_66 : vector<1024x128xf32>
    %add3A_78 = arith.constant -85.4501419 : f32
    %add3A_79 = vector.broadcast %add3A_78 : f32 to vector<1024x128xf32>
    %add3A_80 = arith.addf %mul3A_77, %add3A_79 : vector<1024x128xf32>
    %mul3A_81 = arith.mulf %add3A_80, %mul3A_66 : vector<1024x128xf32>
    %add3A_82 = arith.constant 64.9391174 : f32
    %add3A_83 = vector.broadcast %add3A_82 : f32 to vector<1024x128xf32>
    %add3A_84 = arith.addf %mul3A_81, %add3A_83 : vector<1024x128xf32>
    %mul3A_85 = arith.mulf %add3A_84, %mul3A_66 : vector<1024x128xf32>
    %add3A_86 = arith.constant -19.7392044 : f32
    %add3A_87 = vector.broadcast %add3A_86 : f32 to vector<1024x128xf32>
    %add3A_88 = arith.addf %mul3A_85, %add3A_87 : vector<1024x128xf32>
    %mul3A_89 = arith.mulf %add3A_88, %mul3A_66 : vector<1024x128xf32>
    %add3A_90 = arith.constant 1.000000e+00 : f32
    %add3A_91 = vector.broadcast %add3A_90 : f32 to vector<1024x128xf32>
    %add3A_92 = arith.addf %mul3A_89, %add3A_91 : vector<1024x128xf32>
    %get3A_93 = arith.constant 0 : index
    %get3A_94 = arith.constant 0 : index
    %get3A_95 = vector.load %arg3[%get3A_93, %get3A_94] : memref<1024x16xf32, #tpu.memory_space<vmem>>, vector<1024x1xf32>
    %get3A_96 = arith.constant 0 : index
    %get3A_97 = arith.constant 0 : index
    %get3A_98 = vector.load %arg11[%get3A_96, %get3A_97] : memref<128x128xf32, #tpu.memory_space<vmem>>, vector<128x128xf32>
    %dot_general3A_99 = arith.constant dense<0.000000e+00> : vector<1024x128xf32>
    %dot_general3A_100 = tpu.matmul %get3A_54, %get3A_98, %dot_general3A_99 {dimension_numbers = #tpu.dot_dimension_numbers<[1], [0], [0], [1], [0, 0, 1, 1], [], []>, transpose_lhs_hint = false} : vector<1024x128xf32>, vector<128x128xf32>, vector<1024x128xf32> -> vector<1024x128xf32>
    %get3A_101 = arith.constant 0 : index
    %get3A_102 = arith.constant 0 : index
    %get3A_103 = vector.load %arg13[%get3A_101, %get3A_102] : memref<128x128xf32, #tpu.memory_space<vmem>>, vector<128x128xf32>
    %dot_general3A_104 = arith.constant dense<0.000000e+00> : vector<1024x128xf32>
    %dot_general3A_105 = tpu.matmul %add3A_92, %get3A_103, %dot_general3A_104 {dimension_numbers = #tpu.dot_dimension_numbers<[1], [0], [0], [1], [0, 0, 1, 1], [], []>, transpose_lhs_hint = false} : vector<1024x128xf32>, vector<128x128xf32>, vector<1024x128xf32> -> vector<1024x128xf32>
    %add3A_106 = arith.addf %dot_general3A_100, %dot_general3A_105 : vector<1024x128xf32>
    %get3A_107 = arith.constant 0 : index
    %get3A_108 = arith.constant 0 : index
    %get3A_109 = vector.load %arg12[%get3A_107, %get3A_108] : memref<1x128xf32, #tpu.memory_space<vmem>>, vector<1x128xf32>
    %mul3A_110 = vector.broadcast %get3A_95 : vector<1024x1xf32> to vector<1024x128xf32>
    %mul3A_111 = vector.broadcast %get3A_109 : vector<1x128xf32> to vector<1024x128xf32>
    %mul3A_112 = arith.mulf %mul3A_110, %mul3A_111 : vector<1024x128xf32>
    %add3A_113 = arith.addf %add3A_106, %mul3A_112 : vector<1024x128xf32>
    %get3A_114 = arith.constant 0 : index
    %get3A_115 = arith.constant 0 : index
    %get3A_116 = vector.load %arg14[%get3A_114, %get3A_115] : memref<128x128xf32, #tpu.memory_space<vmem>>, vector<128x128xf32>
    %dot_general3A_117 = arith.constant dense<0.000000e+00> : vector<1024x128xf32>
    %dot_general3A_118 = tpu.matmul %get3A_54, %get3A_116, %dot_general3A_117 {dimension_numbers = #tpu.dot_dimension_numbers<[1], [0], [0], [1], [0, 0, 1, 1], [], []>, transpose_lhs_hint = false} : vector<1024x128xf32>, vector<128x128xf32>, vector<1024x128xf32> -> vector<1024x128xf32>
    %get3A_119 = arith.constant 0 : index
    %get3A_120 = arith.constant 0 : index
    %get3A_121 = vector.load %arg16[%get3A_119, %get3A_120] : memref<128x128xf32, #tpu.memory_space<vmem>>, vector<128x128xf32>
    %dot_general3A_122 = arith.constant dense<0.000000e+00> : vector<1024x128xf32>
    %dot_general3A_123 = tpu.matmul %add3A_92, %get3A_121, %dot_general3A_122 {dimension_numbers = #tpu.dot_dimension_numbers<[1], [0], [0], [1], [0, 0, 1, 1], [], []>, transpose_lhs_hint = false} : vector<1024x128xf32>, vector<128x128xf32>, vector<1024x128xf32> -> vector<1024x128xf32>
    %add3A_124 = arith.addf %dot_general3A_118, %dot_general3A_123 : vector<1024x128xf32>
    %get3A_125 = arith.constant 0 : index
    %get3A_126 = arith.constant 0 : index
    %get3A_127 = vector.load %arg15[%get3A_125, %get3A_126] : memref<1x128xf32, #tpu.memory_space<vmem>>, vector<1x128xf32>
    %mul3A_128 = vector.broadcast %get3A_95 : vector<1024x1xf32> to vector<1024x128xf32>
    %mul3A_129 = vector.broadcast %get3A_127 : vector<1x128xf32> to vector<1024x128xf32>
    %mul3A_130 = arith.mulf %mul3A_128, %mul3A_129 : vector<1024x128xf32>
    %add3A_131 = arith.addf %add3A_124, %mul3A_130 : vector<1024x128xf32>
    %swap3A = arith.constant 0 : index
    %swap3A_132 = arith.constant 0 : index
    %swap3A_133 = vector.load %arg22[%swap3A, %swap3A_132] : memref<1024x1280xf32, #tpu.memory_space<vmem>>, vector<1024x128xf32>
    tpu.vector_store %arg22[%swap3A, %swap3A_132], %add3A_131 {strides = array<i32>} : memref<1024x1280xf32, #tpu.memory_space<vmem>>, vector<1024x128xf32>,
    %mul3A_134 = arith.mulf %add3A_51, %add3A_113 : vector<1024x128xf32>
    %get3A_135 = arith.constant 0 : index
    %get3A_136 = arith.constant 0 : index
    %get3A_137 = vector.load %arg8[%get3A_135, %get3A_136] : memref<1280x32xf32, #tpu.memory_space<vmem>>, vector<128x32xf32>
    %dot_general3A_138 = arith.constant dense<0.000000e+00> : vector<1024x32xf32>
    %dot_general3A_139 = tpu.matmul %mul3A_134, %get3A_137, %dot_general3A_138 {dimension_numbers = #tpu.dot_dimension_numbers<[1], [0], [0], [1], [0, 0, 1, 1], [], []>, transpose_lhs_hint = false} : vector<1024x128xf32>, vector<128x32xf32>, vector<1024x32xf32> -> vector<1024x32xf32>
    %get3A_140 = arith.constant 0 : index
    %get3A_141 = arith.constant 128 : index
    %get3A_142 = vector.load %arg5[%get3A_140, %get3A_141] : memref<1024x1280xf32, #tpu.memory_space<vmem>>, vector<1024x128xf32>
    %get3A_143 = arith.constant 0 : index
    %get3A_144 = arith.constant 1 : index
    %get3A_145 = vector.load %arg2[%get3A_143, %get3A_144] : memref<1024x16xf32, #tpu.memory_space<vmem>>, vector<1024x1xf32>
    %sub3A_146 = arith.subf %get3A_10, %get3A_145 : vector<1024x1xf32>
    %mul3A_147 = vector.broadcast %sub3A_146 : vector<1024x1xf32> to vector<1024x128xf32>
    %mul3A_148 = vector.broadcast %mul3A_12 : vector<1x128xf32> to vector<1024x128xf32>
    %mul3A_149 = arith.mulf %mul3A_147, %mul3A_148 : vector<1024x128xf32>
    %add3A_150 = vector.broadcast %mul3A_15 : vector<1x128xf32> to vector<1024x128xf32>
    %add3A_151 = arith.addf %mul3A_149, %add3A_150 : vector<1024x128xf32>
    %round3A_152 = math.roundeven %add3A_151 : vector<1024x128xf32>
    %sub3A_153 = arith.subf %add3A_151, %round3A_152 : vector<1024x128xf32>
    %mul3A_154 = arith.mulf %sub3A_153, %sub3A_153 : vector<1024x128xf32>
    %broadcast_in_dim3A_155 = arith.constant 6.52865839 : f32
    %broadcast_in_dim3A_156 = vector.broadcast %broadcast_in_dim3A_155 : f32 to vector<1024x128xf32>
    %mul3A_157 = arith.mulf %broadcast_in_dim3A_156, %mul3A_154 : vector<1024x128xf32>
    %add3A_158 = arith.constant -2.596760e+01 : f32
    %add3A_159 = vector.broadcast %add3A_158 : f32 to vector<1024x128xf32>
    %add3A_160 = arith.addf %mul3A_157, %add3A_159 : vector<1024x128xf32>
    %mul3A_161 = arith.mulf %add3A_160, %mul3A_154 : vector<1024x128xf32>
    %add3A_162 = arith.constant 60.1676292 : f32
    %add3A_163 = vector.broadcast %add3A_162 : f32 to vector<1024x128xf32>
    %add3A_164 = arith.addf %mul3A_161, %add3A_163 : vector<1024x128xf32>
    %mul3A_165 = arith.mulf %add3A_164, %mul3A_154 : vector<1024x128xf32>
    %add3A_166 = arith.constant -85.4501419 : f32
    %add3A_167 = vector.broadcast %add3A_166 : f32 to vector<1024x128xf32>
    %add3A_168 = arith.addf %mul3A_165, %add3A_167 : vector<1024x128xf32>
    %mul3A_169 = arith.mulf %add3A_168, %mul3A_154 : vector<1024x128xf32>
    %add3A_170 = arith.constant 64.9391174 : f32
    %add3A_171 = vector.broadcast %add3A_170 : f32 to vector<1024x128xf32>
    %add3A_172 = arith.addf %mul3A_169, %add3A_171 : vector<1024x128xf32>
    %mul3A_173 = arith.mulf %add3A_172, %mul3A_154 : vector<1024x128xf32>
    %add3A_174 = arith.constant -19.7392044 : f32
    %add3A_175 = vector.broadcast %add3A_174 : f32 to vector<1024x128xf32>
    %add3A_176 = arith.addf %mul3A_173, %add3A_175 : vector<1024x128xf32>
    %mul3A_177 = arith.mulf %add3A_176, %mul3A_154 : vector<1024x128xf32>
    %add3A_178 = arith.constant 1.000000e+00 : f32
    %add3A_179 = vector.broadcast %add3A_178 : f32 to vector<1024x128xf32>
    %add3A_180 = arith.addf %mul3A_177, %add3A_179 : vector<1024x128xf32>
    %get3A_181 = arith.constant 0 : index
    %get3A_182 = arith.constant 1 : index
    %get3A_183 = vector.load %arg3[%get3A_181, %get3A_182] : memref<1024x16xf32, #tpu.memory_space<vmem>>, vector<1024x1xf32>
    %get3A_184 = arith.constant 0 : index
    %get3A_185 = arith.constant 0 : index
    %get3A_186 = vector.load %arg11[%get3A_184, %get3A_185] : memref<128x128xf32, #tpu.memory_space<vmem>>, vector<128x128xf32>
    %dot_general3A_187 = arith.constant dense<0.000000e+00> : vector<1024x128xf32>
    %dot_general3A_188 = tpu.matmul %get3A_142, %get3A_186, %dot_general3A_187 {dimension_numbers = #tpu.dot_dimension_numbers<[1], [0], [0], [1], [0, 0, 1, 1], [], []>, transpose_lhs_hint = false} : vector<1024x128xf32>, vector<128x128xf32>, vector<1024x128xf32> -> vector<1024x128xf32>
    %get3A_189 = arith.constant 0 : index
    %get3A_190 = arith.constant 0 : index
    %get3A_191 = vector.load %arg13[%get3A_189, %get3A_190] : memref<128x128xf32, #tpu.memory_space<vmem>>, vector<128x128xf32>
    %dot_general3A_192 = arith.constant dense<0.000000e+00> : vector<1024x128xf32>
    %dot_general3A_193 = tpu.matmul %add3A_180, %get3A_191, %dot_general3A_192 {dimension_numbers = #tpu.dot_dimension_numbers<[1], [0], [0], [1], [0, 0, 1, 1], [], []>, transpose_lhs_hint = false} : vector<1024x128xf32>, vector<128x128xf32>, vector<1024x128xf32> -> vector<1024x128xf32>
    %add3A_194 = arith.addf %dot_general3A_188, %dot_general3A_193 : vector<1024x128xf32>
    %get3A_195 = arith.constant 0 : index
    %get3A_196 = arith.constant 0 : index
    %get3A_197 = vector.load %arg12[%get3A_195, %get3A_196] : memref<1x128xf32, #tpu.memory_space<vmem>>, vector<1x128xf32>
    %mul3A_198 = vector.broadcast %get3A_183 : vector<1024x1xf32> to vector<1024x128xf32>
    %mul3A_199 = vector.broadcast %get3A_197 : vector<1x128xf32> to vector<1024x128xf32>
    %mul3A_200 = arith.mulf %mul3A_198, %mul3A_199 : vector<1024x128xf32>
    %add3A_201 = arith.addf %add3A_194, %mul3A_200 : vector<1024x128xf32>
    %get3A_202 = arith.constant 0 : index
    %get3A_203 = arith.constant 0 : index
    %get3A_204 = vector.load %arg14[%get3A_202, %get3A_203] : memref<128x128xf32, #tpu.memory_space<vmem>>, vector<128x128xf32>
    %dot_general3A_205 = arith.constant dense<0.000000e+00> : vector<1024x128xf32>
    %dot_general3A_206 = tpu.matmul %get3A_142, %get3A_204, %dot_general3A_205 {dimension_numbers = #tpu.dot_dimension_numbers<[1], [0], [0], [1], [0, 0, 1, 1], [], []>, transpose_lhs_hint = false} : vector<1024x128xf32>, vector<128x128xf32>, vector<1024x128xf32> -> vector<1024x128xf32>
    %get3A_207 = arith.constant 0 : index
    %get3A_208 = arith.constant 0 : index
    %get3A_209 = vector.load %arg16[%get3A_207, %get3A_208] : memref<128x128xf32, #tpu.memory_space<vmem>>, vector<128x128xf32>
    %dot_general3A_210 = arith.constant dense<0.000000e+00> : vector<1024x128xf32>
    %dot_general3A_211 = tpu.matmul %add3A_180, %get3A_209, %dot_general3A_210 {dimension_numbers = #tpu.dot_dimension_numbers<[1], [0], [0], [1], [0, 0, 1, 1], [], []>, transpose_lhs_hint = false} : vector<1024x128xf32>, vector<128x128xf32>, vector<1024x128xf32> -> vector<1024x128xf32>
    %add3A_212 = arith.addf %dot_general3A_206, %dot_general3A_211 : vector<1024x128xf32>
    %get3A_213 = arith.constant 0 : index
    %get3A_214 = arith.constant 0 : index
    %get3A_215 = vector.load %arg15[%get3A_213, %get3A_214] : memref<1x128xf32, #tpu.memory_space<vmem>>, vector<1x128xf32>
    %mul3A_216 = vector.broadcast %get3A_183 : vector<1024x1xf32> to vector<1024x128xf32>
    %mul3A_217 = vector.broadcast %get3A_215 : vector<1x128xf32> to vector<1024x128xf32>
    %mul3A_218 = arith.mulf %mul3A_216, %mul3A_217 : vector<1024x128xf32>
    %add3A_219 = arith.addf %add3A_212, %mul3A_218 : vector<1024x128xf32>
    %swap3A_220 = arith.constant 0 : index
    %swap3A_221 = arith.constant 128 : index
    %swap3A_222 = vector.load %arg22[%swap3A_220, %swap3A_221] : memref<1024x1280xf32, #tpu.memory_space<vmem>>, vector<1024x128xf32>
    tpu.vector_store %arg22[%swap3A_220, %swap3A_221], %add3A_219 {strides = array<i32>} : memref<1024x1280xf32, #tpu.memory_space<vmem>>, vector<1024x128xf32>,
    %mul3A_223 = arith.mulf %add3A_51, %add3A_201 : vector<1024x128xf32>
    %get3A_224 = arith.constant 128 : index
    %get3A_225 = arith.constant 0 : index
    %get3A_226 = vector.load %arg8[%get3A_224, %get3A_225] : memref<1280x32xf32, #tpu.memory_space<vmem>>, vector<128x32xf32>
    %dot_general3A_227 = arith.constant dense<0.000000e+00> : vector<1024x32xf32>
    %dot_general3A_228 = tpu.matmul %mul3A_223, %get3A_226, %dot_general3A_227 {dimension_numbers = #tpu.dot_dimension_numbers<[1], [0], [0], [1], [0, 0, 1, 1], [], []>, transpose_lhs_hint = false} : vector<1024x128xf32>, vector<128x32xf32>, vector<1024x32xf32> -> vector<1024x32xf32>
    %add3A_229 = arith.addf %dot_general3A_139, %dot_general3A_228 : vector<1024x32xf32>
    %get3A_230 = arith.constant 0 : index
    %get3A_231 = arith.constant 256 : index
    %get3A_232 = vector.load %arg5[%get3A_230, %get3A_231] : memref<1024x1280xf32, #tpu.memory_space<vmem>>, vector<1024x128xf32>
    %get3A_233 = arith.constant 0 : index
    %get3A_234 = arith.constant 2 : index
    %get3A_235 = vector.load %arg2[%get3A_233, %get3A_234] : memref<1024x16xf32, #tpu.memory_space<vmem>>, vector<1024x1xf32>
    %sub3A_236 = arith.subf %get3A_10, %get3A_235 : vector<1024x1xf32>
    %mul3A_237 = vector.broadcast %sub3A_236 : vector<1024x1xf32> to vector<1024x128xf32>
    %mul3A_238 = vector.broadcast %mul3A_12 : vector<1x128xf32> to vector<1024x128xf32>
    %mul3A_239 = arith.mulf %mul3A_237, %mul3A_238 : vector<1024x128xf32>
    %add3A_240 = vector.broadcast %mul3A_15 : vector<1x128xf32> to vector<1024x128xf32>
    %add3A_241 = arith.addf %mul3A_239, %add3A_240 : vector<1024x128xf32>
    %round3A_242 = math.roundeven %add3A_241 : vector<1024x128xf32>
    %sub3A_243 = arith.subf %add3A_241, %round3A_242 : vector<1024x128xf32>
    %mul3A_244 = arith.mulf %sub3A_243, %sub3A_243 : vector<1024x128xf32>
    %broadcast_in_dim3A_245 = arith.constant 6.52865839 : f32
    %broadcast_in_dim3A_246 = vector.broadcast %broadcast_in_dim3A_245 : f32 to vector<1024x128xf32>
    %mul3A_247 = arith.mulf %broadcast_in_dim3A_246, %mul3A_244 : vector<1024x128xf32>
    %add3A_248 = arith.constant -2.596760e+01 : f32
    %add3A_249 = vector.broadcast %add3A_248 : f32 to vector<1024x128xf32>
    %add3A_250 = arith.addf %mul3A_247, %add3A_249 : vector<1024x128xf32>
    %mul3A_251 = arith.mulf %add3A_250, %mul3A_244 : vector<1024x128xf32>
    %add3A_252 = arith.constant 60.1676292 : f32
    %add3A_253 = vector.broadcast %add3A_252 : f32 to vector<1024x128xf32>
    %add3A_254 = arith.addf %mul3A_251, %add3A_253 : vector<1024x128xf32>
    %mul3A_255 = arith.mulf %add3A_254, %mul3A_244 : vector<1024x128xf32>
    %add3A_256 = arith.constant -85.4501419 : f32
    %add3A_257 = vector.broadcast %add3A_256 : f32 to vector<1024x128xf32>
    %add3A_258 = arith.addf %mul3A_255, %add3A_257 : vector<1024x128xf32>
    %mul3A_259 = arith.mulf %add3A_258, %mul3A_244 : vector<1024x128xf32>
    %add3A_260 = arith.constant 64.9391174 : f32
    %add3A_261 = vector.broadcast %add3A_260 : f32 to vector<1024x128xf32>
    %add3A_262 = arith.addf %mul3A_259, %add3A_261 : vector<1024x128xf32>
    %mul3A_263 = arith.mulf %add3A_262, %mul3A_244 : vector<1024x128xf32>
    %add3A_264 = arith.constant -19.7392044 : f32
    %add3A_265 = vector.broadcast %add3A_264 : f32 to vector<1024x128xf32>
    %add3A_266 = arith.addf %mul3A_263, %add3A_265 : vector<1024x128xf32>
    %mul3A_267 = arith.mulf %add3A_266, %mul3A_244 : vector<1024x128xf32>
    %add3A_268 = arith.constant 1.000000e+00 : f32
    %add3A_269 = vector.broadcast %add3A_268 : f32 to vector<1024x128xf32>
    %add3A_270 = arith.addf %mul3A_267, %add3A_269 : vector<1024x128xf32>
    %get3A_271 = arith.constant 0 : index
    %get3A_272 = arith.constant 2 : index
    %get3A_273 = vector.load %arg3[%get3A_271, %get3A_272] : memref<1024x16xf32, #tpu.memory_space<vmem>>, vector<1024x1xf32>
    %get3A_274 = arith.constant 0 : index
    %get3A_275 = arith.constant 0 : index
    %get3A_276 = vector.load %arg11[%get3A_274, %get3A_275] : memref<128x128xf32, #tpu.memory_space<vmem>>, vector<128x128xf32>
    %dot_general3A_277 = arith.constant dense<0.000000e+00> : vector<1024x128xf32>
    %dot_general3A_278 = tpu.matmul %get3A_232, %get3A_276, %dot_general3A_277 {dimension_numbers = #tpu.dot_dimension_numbers<[1], [0], [0], [1], [0, 0, 1, 1], [], []>, transpose_lhs_hint = false} : vector<1024x128xf32>, vector<128x128xf32>, vector<1024x128xf32> -> vector<1024x128xf32>
    %get3A_279 = arith.constant 0 : index
    %get3A_280 = arith.constant 0 : index
    %get3A_281 = vector.load %arg13[%get3A_279, %get3A_280] : memref<128x128xf32, #tpu.memory_space<vmem>>, vector<128x128xf32>
    %dot_general3A_282 = arith.constant dense<0.000000e+00> : vector<1024x128xf32>
    %dot_general3A_283 = tpu.matmul %add3A_270, %get3A_281, %dot_general3A_282 {dimension_numbers = #tpu.dot_dimension_numbers<[1], [0], [0], [1], [0, 0, 1, 1], [], []>, transpose_lhs_hint = false} : vector<1024x128xf32>, vector<128x128xf32>, vector<1024x128xf32> -> vector<1024x128xf32>
    %add3A_284 = arith.addf %dot_general3A_278, %dot_general3A_283 : vector<1024x128xf32>
    %get3A_285 = arith.constant 0 : index
    %get3A_286 = arith.constant 0 : index
    %get3A_287 = vector.load %arg12[%get3A_285, %get3A_286] : memref<1x128xf32, #tpu.memory_space<vmem>>, vector<1x128xf32>
    %mul3A_288 = vector.broadcast %get3A_273 : vector<1024x1xf32> to vector<1024x128xf32>
    %mul3A_289 = vector.broadcast %get3A_287 : vector<1x128xf32> to vector<1024x128xf32>
    %mul3A_290 = arith.mulf %mul3A_288, %mul3A_289 : vector<1024x128xf32>
    %add3A_291 = arith.addf %add3A_284, %mul3A_290 : vector<1024x128xf32>
    %get3A_292 = arith.constant 0 : index
    %get3A_293 = arith.constant 0 : index
    %get3A_294 = vector.load %arg14[%get3A_292, %get3A_293] : memref<128x128xf32, #tpu.memory_space<vmem>>, vector<128x128xf32>
    %dot_general3A_295 = arith.constant dense<0.000000e+00> : vector<1024x128xf32>
    %dot_general3A_296 = tpu.matmul %get3A_232, %get3A_294, %dot_general3A_295 {dimension_numbers = #tpu.dot_dimension_numbers<[1], [0], [0], [1], [0, 0, 1, 1], [], []>, transpose_lhs_hint = false} : vector<1024x128xf32>, vector<128x128xf32>, vector<1024x128xf32> -> vector<1024x128xf32>
    %get3A_297 = arith.constant 0 : index
    %get3A_298 = arith.constant 0 : index
    %get3A_299 = vector.load %arg16[%get3A_297, %get3A_298] : memref<128x128xf32, #tpu.memory_space<vmem>>, vector<128x128xf32>
    %dot_general3A_300 = arith.constant dense<0.000000e+00> : vector<1024x128xf32>
    %dot_general3A_301 = tpu.matmul %add3A_270, %get3A_299, %dot_general3A_300 {dimension_numbers = #tpu.dot_dimension_numbers<[1], [0], [0], [1], [0, 0, 1, 1], [], []>, transpose_lhs_hint = false} : vector<1024x128xf32>, vector<128x128xf32>, vector<1024x128xf32> -> vector<1024x128xf32>
    %add3A_302 = arith.addf %dot_general3A_296, %dot_general3A_301 : vector<1024x128xf32>
    %get3A_303 = arith.constant 0 : index
    %get3A_304 = arith.constant 0 : index
    %get3A_305 = vector.load %arg15[%get3A_303, %get3A_304] : memref<1x128xf32, #tpu.memory_space<vmem>>, vector<1x128xf32>
    %mul3A_306 = vector.broadcast %get3A_273 : vector<1024x1xf32> to vector<1024x128xf32>
    %mul3A_307 = vector.broadcast %get3A_305 : vector<1x128xf32> to vector<1024x128xf32>
    %mul3A_308 = arith.mulf %mul3A_306, %mul3A_307 : vector<1024x128xf32>
    %add3A_309 = arith.addf %add3A_302, %mul3A_308 : vector<1024x128xf32>
    %swap3A_310 = arith.constant 0 : index
    %swap3A_311 = arith.constant 256 : index
    %swap3A_312 = vector.load %arg22[%swap3A_310, %swap3A_311] : memref<1024x1280xf32, #tpu.memory_space<vmem>>, vector<1024x128xf32>
    tpu.vector_store %arg22[%swap3A_310, %swap3A_311], %add3A_309 {strides = array<i32>} : memref<1024x1280xf32, #tpu.memory_space<vmem>>, vector<1024x128xf32>,
    %mul3A_313 = arith.mulf %add3A_51, %add3A_291 : vector<1024x128xf32>
    %get3A_314 = arith.constant 256 : index
    %get3A_315 = arith.constant 0 : index
    %get3A_316 = vector.load %arg8[%get3A_314, %get3A_315] : memref<1280x32xf32, #tpu.memory_space<vmem>>, vector<128x32xf32>
    %dot_general3A_317 = arith.constant dense<0.000000e+00> : vector<1024x32xf32>
    %dot_general3A_318 = tpu.matmul %mul3A_313, %get3A_316, %dot_general3A_317 {dimension_numbers = #tpu.dot_dimension_numbers<[1], [0], [0], [1], [0, 0, 1, 1], [], []>, transpose_lhs_hint = false} : vector<1024x128xf32>, vector<128x32xf32>, vector<1024x32xf32> -> vector<1024x32xf32>
    %add3A_319 = arith.addf %add3A_229, %dot_general3A_318 : vector<1024x32xf32>
    %get3A_320 = arith.constant 0 : index
    %get3A_321 = arith.constant 384 : index
    %get3A_322 = vector.load %arg5[%get3A_320, %get3A_321] : memref<1024x1280xf32, #tpu.memory_space<vmem>>, vector<1024x128xf32>
    %get3A_323 = arith.constant 0 : index
    %get3A_324 = arith.constant 3 : index
    %get3A_325 = vector.load %arg2[%get3A_323, %get3A_324] : memref<1024x16xf32, #tpu.memory_space<vmem>>, vector<1024x1xf32>
    %sub3A_326 = arith.subf %get3A_10, %get3A_325 : vector<1024x1xf32>
    %mul3A_327 = vector.broadcast %sub3A_326 : vector<1024x1xf32> to vector<1024x128xf32>
    %mul3A_328 = vector.broadcast %mul3A_12 : vector<1x128xf32> to vector<1024x128xf32>
    %mul3A_329 = arith.mulf %mul3A_327, %mul3A_328 : vector<1024x128xf32>
    %add3A_330 = vector.broadcast %mul3A_15 : vector<1x128xf32> to vector<1024x128xf32>
    %add3A_331 = arith.addf %mul3A_329, %add3A_330 : vector<1024x128xf32>
    %round3A_332 = math.roundeven %add3A_331 : vector<1024x128xf32>
    %sub3A_333 = arith.subf %add3A_331, %round3A_332 : vector<1024x128xf32>
    %mul3A_334 = arith.mulf %sub3A_333, %sub3A_333 : vector<1024x128xf32>
    %broadcast_in_dim3A_335 = arith.constant 6.52865839 : f32
    %broadcast_in_dim3A_336 = vector.broadcast %broadcast_in_dim3A_335 : f32 to vector<1024x128xf32>
    %mul3A_337 = arith.mulf %broadcast_in_dim3A_336, %mul3A_334 : vector<1024x128xf32>
    %add3A_338 = arith.constant -2.596760e+01 : f32
    %add3A_339 = vector.broadcast %add3A_338 : f32 to vector<1024x128xf32>
    %add3A_340 = arith.addf %mul3A_337, %add3A_339 : vector<1024x128xf32>
    %mul3A_341 = arith.mulf %add3A_340, %mul3A_334 : vector<1024x128xf32>
    %add3A_342 = arith.constant 60.1676292 : f32
    %add3A_343 = vector.broadcast %add3A_342 : f32 to vector<1024x128xf32>
    %add3A_344 = arith.addf %mul3A_341, %add3A_343 : vector<1024x128xf32>
    %mul3A_345 = arith.mulf %add3A_344, %mul3A_334 : vector<1024x128xf32>
    %add3A_346 = arith.constant -85.4501419 : f32
    %add3A_347 = vector.broadcast %add3A_346 : f32 to vector<1024x128xf32>
    %add3A_348 = arith.addf %mul3A_345, %add3A_347 : vector<1024x128xf32>
    %mul3A_349 = arith.mulf %add3A_348, %mul3A_334 : vector<1024x128xf32>
    %add3A_350 = arith.constant 64.9391174 : f32
    %add3A_351 = vector.broadcast %add3A_350 : f32 to vector<1024x128xf32>
    %add3A_352 = arith.addf %mul3A_349, %add3A_351 : vector<1024x128xf32>
    %mul3A_353 = arith.mulf %add3A_352, %mul3A_334 : vector<1024x128xf32>
    %add3A_354 = arith.constant -19.7392044 : f32
    %add3A_355 = vector.broadcast %add3A_354 : f32 to vector<1024x128xf32>
    %add3A_356 = arith.addf %mul3A_353, %add3A_355 : vector<1024x128xf32>
    %mul3A_357 = arith.mulf %add3A_356, %mul3A_334 : vector<1024x128xf32>
    %add3A_358 = arith.constant 1.000000e+00 : f32
    %add3A_359 = vector.broadcast %add3A_358 : f32 to vector<1024x128xf32>
    %add3A_360 = arith.addf %mul3A_357, %add3A_359 : vector<1024x128xf32>
    %get3A_361 = arith.constant 0 : index
    %get3A_362 = arith.constant 3 : index
    %get3A_363 = vector.load %arg3[%get3A_361, %get3A_362] : memref<1024x16xf32, #tpu.memory_space<vmem>>, vector<1024x1xf32>
    %get3A_364 = arith.constant 0 : index
    %get3A_365 = arith.constant 0 : index
    %get3A_366 = vector.load %arg11[%get3A_364, %get3A_365] : memref<128x128xf32, #tpu.memory_space<vmem>>, vector<128x128xf32>
    %dot_general3A_367 = arith.constant dense<0.000000e+00> : vector<1024x128xf32>
    %dot_general3A_368 = tpu.matmul %get3A_322, %get3A_366, %dot_general3A_367 {dimension_numbers = #tpu.dot_dimension_numbers<[1], [0], [0], [1], [0, 0, 1, 1], [], []>, transpose_lhs_hint = false} : vector<1024x128xf32>, vector<128x128xf32>, vector<1024x128xf32> -> vector<1024x128xf32>
    %get3A_369 = arith.constant 0 : index
    %get3A_370 = arith.constant 0 : index
    %get3A_371 = vector.load %arg13[%get3A_369, %get3A_370] : memref<128x128xf32, #tpu.memory_space<vmem>>, vector<128x128xf32>
    %dot_general3A_372 = arith.constant dense<0.000000e+00> : vector<1024x128xf32>
    %dot_general3A_373 = tpu.matmul %add3A_360, %get3A_371, %dot_general3A_372 {dimension_numbers = #tpu.dot_dimension_numbers<[1], [0], [0], [1], [0, 0, 1, 1], [], []>, transpose_lhs_hint = false} : vector<1024x128xf32>, vector<128x128xf32>, vector<1024x128xf32> -> vector<1024x128xf32>
    %add3A_374 = arith.addf %dot_general3A_368, %dot_general3A_373 : vector<1024x128xf32>
    %get3A_375 = arith.constant 0 : index
    %get3A_376 = arith.constant 0 : index
    %get3A_377 = vector.load %arg12[%get3A_375, %get3A_376] : memref<1x128xf32, #tpu.memory_space<vmem>>, vector<1x128xf32>
    %mul3A_378 = vector.broadcast %get3A_363 : vector<1024x1xf32> to vector<1024x128xf32>
    %mul3A_379 = vector.broadcast %get3A_377 : vector<1x128xf32> to vector<1024x128xf32>
    %mul3A_380 = arith.mulf %mul3A_378, %mul3A_379 : vector<1024x128xf32>
    %add3A_381 = arith.addf %add3A_374, %mul3A_380 : vector<1024x128xf32>
    %get3A_382 = arith.constant 0 : index
    %get3A_383 = arith.constant 0 : index
    %get3A_384 = vector.load %arg14[%get3A_382, %get3A_383] : memref<128x128xf32, #tpu.memory_space<vmem>>, vector<128x128xf32>
    %dot_general3A_385 = arith.constant dense<0.000000e+00> : vector<1024x128xf32>
    %dot_general3A_386 = tpu.matmul %get3A_322, %get3A_384, %dot_general3A_385 {dimension_numbers = #tpu.dot_dimension_numbers<[1], [0], [0], [1], [0, 0, 1, 1], [], []>, transpose_lhs_hint = false} : vector<1024x128xf32>, vector<128x128xf32>, vector<1024x128xf32> -> vector<1024x128xf32>
    %get3A_387 = arith.constant 0 : index
    %get3A_388 = arith.constant 0 : index
    %get3A_389 = vector.load %arg16[%get3A_387, %get3A_388] : memref<128x128xf32, #tpu.memory_space<vmem>>, vector<128x128xf32>
    %dot_general3A_390 = arith.constant dense<0.000000e+00> : vector<1024x128xf32>
    %dot_general3A_391 = tpu.matmul %add3A_360, %get3A_389, %dot_general3A_390 {dimension_numbers = #tpu.dot_dimension_numbers<[1], [0], [0], [1], [0, 0, 1, 1], [], []>, transpose_lhs_hint = false} : vector<1024x128xf32>, vector<128x128xf32>, vector<1024x128xf32> -> vector<1024x128xf32>
    %add3A_392 = arith.addf %dot_general3A_386, %dot_general3A_391 : vector<1024x128xf32>
    %get3A_393 = arith.constant 0 : index
    %get3A_394 = arith.constant 0 : index
    %get3A_395 = vector.load %arg15[%get3A_393, %get3A_394] : memref<1x128xf32, #tpu.memory_space<vmem>>, vector<1x128xf32>
    %mul3A_396 = vector.broadcast %get3A_363 : vector<1024x1xf32> to vector<1024x128xf32>
    %mul3A_397 = vector.broadcast %get3A_395 : vector<1x128xf32> to vector<1024x128xf32>
    %mul3A_398 = arith.mulf %mul3A_396, %mul3A_397 : vector<1024x128xf32>
    %add3A_399 = arith.addf %add3A_392, %mul3A_398 : vector<1024x128xf32>
    %swap3A_400 = arith.constant 0 : index
    %swap3A_401 = arith.constant 384 : index
    %swap3A_402 = vector.load %arg22[%swap3A_400, %swap3A_401] : memref<1024x1280xf32, #tpu.memory_space<vmem>>, vector<1024x128xf32>
    tpu.vector_store %arg22[%swap3A_400, %swap3A_401], %add3A_399 {strides = array<i32>} : memref<1024x1280xf32, #tpu.memory_space<vmem>>, vector<1024x128xf32>,
    %mul3A_403 = arith.mulf %add3A_51, %add3A_381 : vector<1024x128xf32>
    %get3A_404 = arith.constant 384 : index
    %get3A_405 = arith.constant 0 : index
    %get3A_406 = vector.load %arg8[%get3A_404, %get3A_405] : memref<1280x32xf32, #tpu.memory_space<vmem>>, vector<128x32xf32>
    %dot_general3A_407 = arith.constant dense<0.000000e+00> : vector<1024x32xf32>
    %dot_general3A_408 = tpu.matmul %mul3A_403, %get3A_406, %dot_general3A_407 {dimension_numbers = #tpu.dot_dimension_numbers<[1], [0], [0], [1], [0, 0, 1, 1], [], []>, transpose_lhs_hint = false} : vector<1024x128xf32>, vector<128x32xf32>, vector<1024x32xf32> -> vector<1024x32xf32>
    %add3A_409 = arith.addf %add3A_319, %dot_general3A_408 : vector<1024x32xf32>
    %get3A_410 = arith.constant 0 : index
    %get3A_411 = arith.constant 512 : index
    %get3A_412 = vector.load %arg5[%get3A_410, %get3A_411] : memref<1024x1280xf32, #tpu.memory_space<vmem>>, vector<1024x128xf32>
    %get3A_413 = arith.constant 0 : index
    %get3A_414 = arith.constant 4 : index
    %get3A_415 = vector.load %arg2[%get3A_413, %get3A_414] : memref<1024x16xf32, #tpu.memory_space<vmem>>, vector<1024x1xf32>
    %sub3A_416 = arith.subf %get3A_10, %get3A_415 : vector<1024x1xf32>
    %mul3A_417 = vector.broadcast %sub3A_416 : vector<1024x1xf32> to vector<1024x128xf32>
    %mul3A_418 = vector.broadcast %mul3A_12 : vector<1x128xf32> to vector<1024x128xf32>
    %mul3A_419 = arith.mulf %mul3A_417, %mul3A_418 : vector<1024x128xf32>
    %add3A_420 = vector.broadcast %mul3A_15 : vector<1x128xf32> to vector<1024x128xf32>
    %add3A_421 = arith.addf %mul3A_419, %add3A_420 : vector<1024x128xf32>
    %round3A_422 = math.roundeven %add3A_421 : vector<1024x128xf32>
    %sub3A_423 = arith.subf %add3A_421, %round3A_422 : vector<1024x128xf32>
    %mul3A_424 = arith.mulf %sub3A_423, %sub3A_423 : vector<1024x128xf32>
    %broadcast_in_dim3A_425 = arith.constant 6.52865839 : f32
    %broadcast_in_dim3A_426 = vector.broadcast %broadcast_in_dim3A_425 : f32 to vector<1024x128xf32>
    %mul3A_427 = arith.mulf %broadcast_in_dim3A_426, %mul3A_424 : vector<1024x128xf32>
    %add3A_428 = arith.constant -2.596760e+01 : f32
    %add3A_429 = vector.broadcast %add3A_428 : f32 to vector<1024x128xf32>
    %add3A_430 = arith.addf %mul3A_427, %add3A_429 : vector<1024x128xf32>
    %mul3A_431 = arith.mulf %add3A_430, %mul3A_424 : vector<1024x128xf32>
    %add3A_432 = arith.constant 60.1676292 : f32
    %add3A_433 = vector.broadcast %add3A_432 : f32 to vector<1024x128xf32>
    %add3A_434 = arith.addf %mul3A_431, %add3A_433 : vector<1024x128xf32>
    %mul3A_435 = arith.mulf %add3A_434, %mul3A_424 : vector<1024x128xf32>
    %add3A_436 = arith.constant -85.4501419 : f32
    %add3A_437 = vector.broadcast %add3A_436 : f32 to vector<1024x128xf32>
    %add3A_438 = arith.addf %mul3A_435, %add3A_437 : vector<1024x128xf32>
    %mul3A_439 = arith.mulf %add3A_438, %mul3A_424 : vector<1024x128xf32>
    %add3A_440 = arith.constant 64.9391174 : f32
    %add3A_441 = vector.broadcast %add3A_440 : f32 to vector<1024x128xf32>
    %add3A_442 = arith.addf %mul3A_439, %add3A_441 : vector<1024x128xf32>
    %mul3A_443 = arith.mulf %add3A_442, %mul3A_424 : vector<1024x128xf32>
    %add3A_444 = arith.constant -19.7392044 : f32
    %add3A_445 = vector.broadcast %add3A_444 : f32 to vector<1024x128xf32>
    %add3A_446 = arith.addf %mul3A_443, %add3A_445 : vector<1024x128xf32>
    %mul3A_447 = arith.mulf %add3A_446, %mul3A_424 : vector<1024x128xf32>
    %add3A_448 = arith.constant 1.000000e+00 : f32
    %add3A_449 = vector.broadcast %add3A_448 : f32 to vector<1024x128xf32>
    %add3A_450 = arith.addf %mul3A_447, %add3A_449 : vector<1024x128xf32>
    %get3A_451 = arith.constant 0 : index
    %get3A_452 = arith.constant 4 : index
    %get3A_453 = vector.load %arg3[%get3A_451, %get3A_452] : memref<1024x16xf32, #tpu.memory_space<vmem>>, vector<1024x1xf32>
    %get3A_454 = arith.constant 0 : index
    %get3A_455 = arith.constant 0 : index
    %get3A_456 = vector.load %arg11[%get3A_454, %get3A_455] : memref<128x128xf32, #tpu.memory_space<vmem>>, vector<128x128xf32>
    %dot_general3A_457 = arith.constant dense<0.000000e+00> : vector<1024x128xf32>
    %dot_general3A_458 = tpu.matmul %get3A_412, %get3A_456, %dot_general3A_457 {dimension_numbers = #tpu.dot_dimension_numbers<[1], [0], [0], [1], [0, 0, 1, 1], [], []>, transpose_lhs_hint = false} : vector<1024x128xf32>, vector<128x128xf32>, vector<1024x128xf32> -> vector<1024x128xf32>
    %get3A_459 = arith.constant 0 : index
    %get3A_460 = arith.constant 0 : index
    %get3A_461 = vector.load %arg13[%get3A_459, %get3A_460] : memref<128x128xf32, #tpu.memory_space<vmem>>, vector<128x128xf32>
    %dot_general3A_462 = arith.constant dense<0.000000e+00> : vector<1024x128xf32>
    %dot_general3A_463 = tpu.matmul %add3A_450, %get3A_461, %dot_general3A_462 {dimension_numbers = #tpu.dot_dimension_numbers<[1], [0], [0], [1], [0, 0, 1, 1], [], []>, transpose_lhs_hint = false} : vector<1024x128xf32>, vector<128x128xf32>, vector<1024x128xf32> -> vector<1024x128xf32>
    %add3A_464 = arith.addf %dot_general3A_458, %dot_general3A_463 : vector<1024x128xf32>
    %get3A_465 = arith.constant 0 : index
    %get3A_466 = arith.constant 0 : index
    %get3A_467 = vector.load %arg12[%get3A_465, %get3A_466] : memref<1x128xf32, #tpu.memory_space<vmem>>, vector<1x128xf32>
    %mul3A_468 = vector.broadcast %get3A_453 : vector<1024x1xf32> to vector<1024x128xf32>
    %mul3A_469 = vector.broadcast %get3A_467 : vector<1x128xf32> to vector<1024x128xf32>
    %mul3A_470 = arith.mulf %mul3A_468, %mul3A_469 : vector<1024x128xf32>
    %add3A_471 = arith.addf %add3A_464, %mul3A_470 : vector<1024x128xf32>
    %get3A_472 = arith.constant 0 : index
    %get3A_473 = arith.constant 0 : index
    %get3A_474 = vector.load %arg14[%get3A_472, %get3A_473] : memref<128x128xf32, #tpu.memory_space<vmem>>, vector<128x128xf32>
    %dot_general3A_475 = arith.constant dense<0.000000e+00> : vector<1024x128xf32>
    %dot_general3A_476 = tpu.matmul %get3A_412, %get3A_474, %dot_general3A_475 {dimension_numbers = #tpu.dot_dimension_numbers<[1], [0], [0], [1], [0, 0, 1, 1], [], []>, transpose_lhs_hint = false} : vector<1024x128xf32>, vector<128x128xf32>, vector<1024x128xf32> -> vector<1024x128xf32>
    %get3A_477 = arith.constant 0 : index
    %get3A_478 = arith.constant 0 : index
    %get3A_479 = vector.load %arg16[%get3A_477, %get3A_478] : memref<128x128xf32, #tpu.memory_space<vmem>>, vector<128x128xf32>
    %dot_general3A_480 = arith.constant dense<0.000000e+00> : vector<1024x128xf32>
    %dot_general3A_481 = tpu.matmul %add3A_450, %get3A_479, %dot_general3A_480 {dimension_numbers = #tpu.dot_dimension_numbers<[1], [0], [0], [1], [0, 0, 1, 1], [], []>, transpose_lhs_hint = false} : vector<1024x128xf32>, vector<128x128xf32>, vector<1024x128xf32> -> vector<1024x128xf32>
    %add3A_482 = arith.addf %dot_general3A_476, %dot_general3A_481 : vector<1024x128xf32>
    %get3A_483 = arith.constant 0 : index
    %get3A_484 = arith.constant 0 : index
    %get3A_485 = vector.load %arg15[%get3A_483, %get3A_484] : memref<1x128xf32, #tpu.memory_space<vmem>>, vector<1x128xf32>
    %mul3A_486 = vector.broadcast %get3A_453 : vector<1024x1xf32> to vector<1024x128xf32>
    %mul3A_487 = vector.broadcast %get3A_485 : vector<1x128xf32> to vector<1024x128xf32>
    %mul3A_488 = arith.mulf %mul3A_486, %mul3A_487 : vector<1024x128xf32>
    %add3A_489 = arith.addf %add3A_482, %mul3A_488 : vector<1024x128xf32>
    %swap3A_490 = arith.constant 0 : index
    %swap3A_491 = arith.constant 512 : index
    %swap3A_492 = vector.load %arg22[%swap3A_490, %swap3A_491] : memref<1024x1280xf32, #tpu.memory_space<vmem>>, vector<1024x128xf32>
    tpu.vector_store %arg22[%swap3A_490, %swap3A_491], %add3A_489 {strides = array<i32>} : memref<1024x1280xf32, #tpu.memory_space<vmem>>, vector<1024x128xf32>,
    %mul3A_493 = arith.mulf %add3A_51, %add3A_471 : vector<1024x128xf32>
    %get3A_494 = arith.constant 512 : index
    %get3A_495 = arith.constant 0 : index
    %get3A_496 = vector.load %arg8[%get3A_494, %get3A_495] : memref<1280x32xf32, #tpu.memory_space<vmem>>, vector<128x32xf32>
    %dot_general3A_497 = arith.constant dense<0.000000e+00> : vector<1024x32xf32>
    %dot_general3A_498 = tpu.matmul %mul3A_493, %get3A_496, %dot_general3A_497 {dimension_numbers = #tpu.dot_dimension_numbers<[1], [0], [0], [1], [0, 0, 1, 1], [], []>, transpose_lhs_hint = false} : vector<1024x128xf32>, vector<128x32xf32>, vector<1024x32xf32> -> vector<1024x32xf32>
    %add3A_499 = arith.addf %add3A_409, %dot_general3A_498 : vector<1024x32xf32>
    %get3A_500 = arith.constant 0 : index
    %get3A_501 = arith.constant 640 : index
    %get3A_502 = vector.load %arg5[%get3A_500, %get3A_501] : memref<1024x1280xf32, #tpu.memory_space<vmem>>, vector<1024x128xf32>
    %get3A_503 = arith.constant 0 : index
    %get3A_504 = arith.constant 5 : index
    %get3A_505 = vector.load %arg2[%get3A_503, %get3A_504] : memref<1024x16xf32, #tpu.memory_space<vmem>>, vector<1024x1xf32>
    %sub3A_506 = arith.subf %get3A_10, %get3A_505 : vector<1024x1xf32>
    %mul3A_507 = vector.broadcast %sub3A_506 : vector<1024x1xf32> to vector<1024x128xf32>
    %mul3A_508 = vector.broadcast %mul3A_12 : vector<1x128xf32> to vector<1024x128xf32>
    %mul3A_509 = arith.mulf %mul3A_507, %mul3A_508 : vector<1024x128xf32>
    %add3A_510 = vector.broadcast %mul3A_15 : vector<1x128xf32> to vector<1024x128xf32>
    %add3A_511 = arith.addf %mul3A_509, %add3A_510 : vector<1024x128xf32>
    %round3A_512 = math.roundeven %add3A_511 : vector<1024x128xf32>
    %sub3A_513 = arith.subf %add3A_511, %round3A_512 : vector<1024x128xf32>
    %mul3A_514 = arith.mulf %sub3A_513, %sub3A_513 : vector<1024x128xf32>
    %broadcast_in_dim3A_515 = arith.constant 6.52865839 : f32
    %broadcast_in_dim3A_516 = vector.broadcast %broadcast_in_dim3A_515 : f32 to vector<1024x128xf32>
    %mul3A_517 = arith.mulf %broadcast_in_dim3A_516, %mul3A_514 : vector<1024x128xf32>
    %add3A_518 = arith.constant -2.596760e+01 : f32
    %add3A_519 = vector.broadcast %add3A_518 : f32 to vector<1024x128xf32>
    %add3A_520 = arith.addf %mul3A_517, %add3A_519 : vector<1024x128xf32>
    %mul3A_521 = arith.mulf %add3A_520, %mul3A_514 : vector<1024x128xf32>
    %add3A_522 = arith.constant 60.1676292 : f32
    %add3A_523 = vector.broadcast %add3A_522 : f32 to vector<1024x128xf32>
    %add3A_524 = arith.addf %mul3A_521, %add3A_523 : vector<1024x128xf32>
    %mul3A_525 = arith.mulf %add3A_524, %mul3A_514 : vector<1024x128xf32>
    %add3A_526 = arith.constant -85.4501419 : f32
    %add3A_527 = vector.broadcast %add3A_526 : f32 to vector<1024x128xf32>
    %add3A_528 = arith.addf %mul3A_525, %add3A_527 : vector<1024x128xf32>
    %mul3A_529 = arith.mulf %add3A_528, %mul3A_514 : vector<1024x128xf32>
    %add3A_530 = arith.constant 64.9391174 : f32
    %add3A_531 = vector.broadcast %add3A_530 : f32 to vector<1024x128xf32>
    %add3A_532 = arith.addf %mul3A_529, %add3A_531 : vector<1024x128xf32>
    %mul3A_533 = arith.mulf %add3A_532, %mul3A_514 : vector<1024x128xf32>
    %add3A_534 = arith.constant -19.7392044 : f32
    %add3A_535 = vector.broadcast %add3A_534 : f32 to vector<1024x128xf32>
    %add3A_536 = arith.addf %mul3A_533, %add3A_535 : vector<1024x128xf32>
    %mul3A_537 = arith.mulf %add3A_536, %mul3A_514 : vector<1024x128xf32>
    %add3A_538 = arith.constant 1.000000e+00 : f32
    %add3A_539 = vector.broadcast %add3A_538 : f32 to vector<1024x128xf32>
    %add3A_540 = arith.addf %mul3A_537, %add3A_539 : vector<1024x128xf32>
    %get3A_541 = arith.constant 0 : index
    %get3A_542 = arith.constant 5 : index
    %get3A_543 = vector.load %arg3[%get3A_541, %get3A_542] : memref<1024x16xf32, #tpu.memory_space<vmem>>, vector<1024x1xf32>
    %get3A_544 = arith.constant 0 : index
    %get3A_545 = arith.constant 0 : index
    %get3A_546 = vector.load %arg11[%get3A_544, %get3A_545] : memref<128x128xf32, #tpu.memory_space<vmem>>, vector<128x128xf32>
    %dot_general3A_547 = arith.constant dense<0.000000e+00> : vector<1024x128xf32>
    %dot_general3A_548 = tpu.matmul %get3A_502, %get3A_546, %dot_general3A_547 {dimension_numbers = #tpu.dot_dimension_numbers<[1], [0], [0], [1], [0, 0, 1, 1], [], []>, transpose_lhs_hint = false} : vector<1024x128xf32>, vector<128x128xf32>, vector<1024x128xf32> -> vector<1024x128xf32>
    %get3A_549 = arith.constant 0 : index
    %get3A_550 = arith.constant 0 : index
    %get3A_551 = vector.load %arg13[%get3A_549, %get3A_550] : memref<128x128xf32, #tpu.memory_space<vmem>>, vector<128x128xf32>
    %dot_general3A_552 = arith.constant dense<0.000000e+00> : vector<1024x128xf32>
    %dot_general3A_553 = tpu.matmul %add3A_540, %get3A_551, %dot_general3A_552 {dimension_numbers = #tpu.dot_dimension_numbers<[1], [0], [0], [1], [0, 0, 1, 1], [], []>, transpose_lhs_hint = false} : vector<1024x128xf32>, vector<128x128xf32>, vector<1024x128xf32> -> vector<1024x128xf32>
    %add3A_554 = arith.addf %dot_general3A_548, %dot_general3A_553 : vector<1024x128xf32>
    %get3A_555 = arith.constant 0 : index
    %get3A_556 = arith.constant 0 : index
    %get3A_557 = vector.load %arg12[%get3A_555, %get3A_556] : memref<1x128xf32, #tpu.memory_space<vmem>>, vector<1x128xf32>
    %mul3A_558 = vector.broadcast %get3A_543 : vector<1024x1xf32> to vector<1024x128xf32>
    %mul3A_559 = vector.broadcast %get3A_557 : vector<1x128xf32> to vector<1024x128xf32>
    %mul3A_560 = arith.mulf %mul3A_558, %mul3A_559 : vector<1024x128xf32>
    %add3A_561 = arith.addf %add3A_554, %mul3A_560 : vector<1024x128xf32>
    %get3A_562 = arith.constant 0 : index
    %get3A_563 = arith.constant 0 : index
    %get3A_564 = vector.load %arg14[%get3A_562, %get3A_563] : memref<128x128xf32, #tpu.memory_space<vmem>>, vector<128x128xf32>
    %dot_general3A_565 = arith.constant dense<0.000000e+00> : vector<1024x128xf32>
    %dot_general3A_566 = tpu.matmul %get3A_502, %get3A_564, %dot_general3A_565 {dimension_numbers = #tpu.dot_dimension_numbers<[1], [0], [0], [1], [0, 0, 1, 1], [], []>, transpose_lhs_hint = false} : vector<1024x128xf32>, vector<128x128xf32>, vector<1024x128xf32> -> vector<1024x128xf32>
    %get3A_567 = arith.constant 0 : index
    %get3A_568 = arith.constant 0 : index
    %get3A_569 = vector.load %arg16[%get3A_567, %get3A_568] : memref<128x128xf32, #tpu.memory_space<vmem>>, vector<128x128xf32>
    %dot_general3A_570 = arith.constant dense<0.000000e+00> : vector<1024x128xf32>
    %dot_general3A_571 = tpu.matmul %add3A_540, %get3A_569, %dot_general3A_570 {dimension_numbers = #tpu.dot_dimension_numbers<[1], [0], [0], [1], [0, 0, 1, 1], [], []>, transpose_lhs_hint = false} : vector<1024x128xf32>, vector<128x128xf32>, vector<1024x128xf32> -> vector<1024x128xf32>
    %add3A_572 = arith.addf %dot_general3A_566, %dot_general3A_571 : vector<1024x128xf32>
    %get3A_573 = arith.constant 0 : index
    %get3A_574 = arith.constant 0 : index
    %get3A_575 = vector.load %arg15[%get3A_573, %get3A_574] : memref<1x128xf32, #tpu.memory_space<vmem>>, vector<1x128xf32>
    %mul3A_576 = vector.broadcast %get3A_543 : vector<1024x1xf32> to vector<1024x128xf32>
    %mul3A_577 = vector.broadcast %get3A_575 : vector<1x128xf32> to vector<1024x128xf32>
    %mul3A_578 = arith.mulf %mul3A_576, %mul3A_577 : vector<1024x128xf32>
    %add3A_579 = arith.addf %add3A_572, %mul3A_578 : vector<1024x128xf32>
    %swap3A_580 = arith.constant 0 : index
    %swap3A_581 = arith.constant 640 : index
    %swap3A_582 = vector.load %arg22[%swap3A_580, %swap3A_581] : memref<1024x1280xf32, #tpu.memory_space<vmem>>, vector<1024x128xf32>
    tpu.vector_store %arg22[%swap3A_580, %swap3A_581], %add3A_579 {strides = array<i32>} : memref<1024x1280xf32, #tpu.memory_space<vmem>>, vector<1024x128xf32>,
    %mul3A_583 = arith.mulf %add3A_51, %add3A_561 : vector<1024x128xf32>
    %get3A_584 = arith.constant 640 : index
    %get3A_585 = arith.constant 0 : index
    %get3A_586 = vector.load %arg8[%get3A_584, %get3A_585] : memref<1280x32xf32, #tpu.memory_space<vmem>>, vector<128x32xf32>
    %dot_general3A_587 = arith.constant dense<0.000000e+00> : vector<1024x32xf32>
    %dot_general3A_588 = tpu.matmul %mul3A_583, %get3A_586, %dot_general3A_587 {dimension_numbers = #tpu.dot_dimension_numbers<[1], [0], [0], [1], [0, 0, 1, 1], [], []>, transpose_lhs_hint = false} : vector<1024x128xf32>, vector<128x32xf32>, vector<1024x32xf32> -> vector<1024x32xf32>
    %add3A_589 = arith.addf %add3A_499, %dot_general3A_588 : vector<1024x32xf32>
    %get3A_590 = arith.constant 0 : index
    %get3A_591 = arith.constant 768 : index
    %get3A_592 = vector.load %arg5[%get3A_590, %get3A_591] : memref<1024x1280xf32, #tpu.memory_space<vmem>>, vector<1024x128xf32>
    %get3A_593 = arith.constant 0 : index
    %get3A_594 = arith.constant 6 : index
    %get3A_595 = vector.load %arg2[%get3A_593, %get3A_594] : memref<1024x16xf32, #tpu.memory_space<vmem>>, vector<1024x1xf32>
    %sub3A_596 = arith.subf %get3A_10, %get3A_595 : vector<1024x1xf32>
    %mul3A_597 = vector.broadcast %sub3A_596 : vector<1024x1xf32> to vector<1024x128xf32>
    %mul3A_598 = vector.broadcast %mul3A_12 : vector<1x128xf32> to vector<1024x128xf32>
    %mul3A_599 = arith.mulf %mul3A_597, %mul3A_598 : vector<1024x128xf32>
    %add3A_600 = vector.broadcast %mul3A_15 : vector<1x128xf32> to vector<1024x128xf32>
    %add3A_601 = arith.addf %mul3A_599, %add3A_600 : vector<1024x128xf32>
    %round3A_602 = math.roundeven %add3A_601 : vector<1024x128xf32>
    %sub3A_603 = arith.subf %add3A_601, %round3A_602 : vector<1024x128xf32>
    %mul3A_604 = arith.mulf %sub3A_603, %sub3A_603 : vector<1024x128xf32>
    %broadcast_in_dim3A_605 = arith.constant 6.52865839 : f32
    %broadcast_in_dim3A_606 = vector.broadcast %broadcast_in_dim3A_605 : f32 to vector<1024x128xf32>
    %mul3A_607 = arith.mulf %broadcast_in_dim3A_606, %mul3A_604 : vector<1024x128xf32>
    %add3A_608 = arith.constant -2.596760e+01 : f32
    %add3A_609 = vector.broadcast %add3A_608 : f32 to vector<1024x128xf32>
    %add3A_610 = arith.addf %mul3A_607, %add3A_609 : vector<1024x128xf32>
    %mul3A_611 = arith.mulf %add3A_610, %mul3A_604 : vector<1024x128xf32>
    %add3A_612 = arith.constant 60.1676292 : f32
    %add3A_613 = vector.broadcast %add3A_612 : f32 to vector<1024x128xf32>
    %add3A_614 = arith.addf %mul3A_611, %add3A_613 : vector<1024x128xf32>
    %mul3A_615 = arith.mulf %add3A_614, %mul3A_604 : vector<1024x128xf32>
    %add3A_616 = arith.constant -85.4501419 : f32
    %add3A_617 = vector.broadcast %add3A_616 : f32 to vector<1024x128xf32>
    %add3A_618 = arith.addf %mul3A_615, %add3A_617 : vector<1024x128xf32>
    %mul3A_619 = arith.mulf %add3A_618, %mul3A_604 : vector<1024x128xf32>
    %add3A_620 = arith.constant 64.9391174 : f32
    %add3A_621 = vector.broadcast %add3A_620 : f32 to vector<1024x128xf32>
    %add3A_622 = arith.addf %mul3A_619, %add3A_621 : vector<1024x128xf32>
    %mul3A_623 = arith.mulf %add3A_622, %mul3A_604 : vector<1024x128xf32>
    %add3A_624 = arith.constant -19.7392044 : f32
    %add3A_625 = vector.broadcast %add3A_624 : f32 to vector<1024x128xf32>
    %add3A_626 = arith.addf %mul3A_623, %add3A_625 : vector<1024x128xf32>
    %mul3A_627 = arith.mulf %add3A_626, %mul3A_604 : vector<1024x128xf32>
    %add3A_628 = arith.constant 1.000000e+00 : f32
    %add3A_629 = vector.broadcast %add3A_628 : f32 to vector<1024x128xf32>
    %add3A_630 = arith.addf %mul3A_627, %add3A_629 : vector<1024x128xf32>
    %get3A_631 = arith.constant 0 : index
    %get3A_632 = arith.constant 6 : index
    %get3A_633 = vector.load %arg3[%get3A_631, %get3A_632] : memref<1024x16xf32, #tpu.memory_space<vmem>>, vector<1024x1xf32>
    %get3A_634 = arith.constant 0 : index
    %get3A_635 = arith.constant 0 : index
    %get3A_636 = vector.load %arg11[%get3A_634, %get3A_635] : memref<128x128xf32, #tpu.memory_space<vmem>>, vector<128x128xf32>
    %dot_general3A_637 = arith.constant dense<0.000000e+00> : vector<1024x128xf32>
    %dot_general3A_638 = tpu.matmul %get3A_592, %get3A_636, %dot_general3A_637 {dimension_numbers = #tpu.dot_dimension_numbers<[1], [0], [0], [1], [0, 0, 1, 1], [], []>, transpose_lhs_hint = false} : vector<1024x128xf32>, vector<128x128xf32>, vector<1024x128xf32> -> vector<1024x128xf32>
    %get3A_639 = arith.constant 0 : index
    %get3A_640 = arith.constant 0 : index
    %get3A_641 = vector.load %arg13[%get3A_639, %get3A_640] : memref<128x128xf32, #tpu.memory_space<vmem>>, vector<128x128xf32>
    %dot_general3A_642 = arith.constant dense<0.000000e+00> : vector<1024x128xf32>
    %dot_general3A_643 = tpu.matmul %add3A_630, %get3A_641, %dot_general3A_642 {dimension_numbers = #tpu.dot_dimension_numbers<[1], [0], [0], [1], [0, 0, 1, 1], [], []>, transpose_lhs_hint = false} : vector<1024x128xf32>, vector<128x128xf32>, vector<1024x128xf32> -> vector<1024x128xf32>
    %add3A_644 = arith.addf %dot_general3A_638, %dot_general3A_643 : vector<1024x128xf32>
    %get3A_645 = arith.constant 0 : index
    %get3A_646 = arith.constant 0 : index
    %get3A_647 = vector.load %arg12[%get3A_645, %get3A_646] : memref<1x128xf32, #tpu.memory_space<vmem>>, vector<1x128xf32>
    %mul3A_648 = vector.broadcast %get3A_633 : vector<1024x1xf32> to vector<1024x128xf32>
    %mul3A_649 = vector.broadcast %get3A_647 : vector<1x128xf32> to vector<1024x128xf32>
    %mul3A_650 = arith.mulf %mul3A_648, %mul3A_649 : vector<1024x128xf32>
    %add3A_651 = arith.addf %add3A_644, %mul3A_650 : vector<1024x128xf32>
    %get3A_652 = arith.constant 0 : index
    %get3A_653 = arith.constant 0 : index
    %get3A_654 = vector.load %arg14[%get3A_652, %get3A_653] : memref<128x128xf32, #tpu.memory_space<vmem>>, vector<128x128xf32>
    %dot_general3A_655 = arith.constant dense<0.000000e+00> : vector<1024x128xf32>
    %dot_general3A_656 = tpu.matmul %get3A_592, %get3A_654, %dot_general3A_655 {dimension_numbers = #tpu.dot_dimension_numbers<[1], [0], [0], [1], [0, 0, 1, 1], [], []>, transpose_lhs_hint = false} : vector<1024x128xf32>, vector<128x128xf32>, vector<1024x128xf32> -> vector<1024x128xf32>
    %get3A_657 = arith.constant 0 : index
    %get3A_658 = arith.constant 0 : index
    %get3A_659 = vector.load %arg16[%get3A_657, %get3A_658] : memref<128x128xf32, #tpu.memory_space<vmem>>, vector<128x128xf32>
    %dot_general3A_660 = arith.constant dense<0.000000e+00> : vector<1024x128xf32>
    %dot_general3A_661 = tpu.matmul %add3A_630, %get3A_659, %dot_general3A_660 {dimension_numbers = #tpu.dot_dimension_numbers<[1], [0], [0], [1], [0, 0, 1, 1], [], []>, transpose_lhs_hint = false} : vector<1024x128xf32>, vector<128x128xf32>, vector<1024x128xf32> -> vector<1024x128xf32>
    %add3A_662 = arith.addf %dot_general3A_656, %dot_general3A_661 : vector<1024x128xf32>
    %get3A_663 = arith.constant 0 : index
    %get3A_664 = arith.constant 0 : index
    %get3A_665 = vector.load %arg15[%get3A_663, %get3A_664] : memref<1x128xf32, #tpu.memory_space<vmem>>, vector<1x128xf32>
    %mul3A_666 = vector.broadcast %get3A_633 : vector<1024x1xf32> to vector<1024x128xf32>
    %mul3A_667 = vector.broadcast %get3A_665 : vector<1x128xf32> to vector<1024x128xf32>
    %mul3A_668 = arith.mulf %mul3A_666, %mul3A_667 : vector<1024x128xf32>
    %add3A_669 = arith.addf %add3A_662, %mul3A_668 : vector<1024x128xf32>
    %swap3A_670 = arith.constant 0 : index
    %swap3A_671 = arith.constant 768 : index
    %swap3A_672 = vector.load %arg22[%swap3A_670, %swap3A_671] : memref<1024x1280xf32, #tpu.memory_space<vmem>>, vector<1024x128xf32>
    tpu.vector_store %arg22[%swap3A_670, %swap3A_671], %add3A_669 {strides = array<i32>} : memref<1024x1280xf32, #tpu.memory_space<vmem>>, vector<1024x128xf32>,
    %mul3A_673 = arith.mulf %add3A_51, %add3A_651 : vector<1024x128xf32>
    %get3A_674 = arith.constant 768 : index
    %get3A_675 = arith.constant 0 : index
    %get3A_676 = vector.load %arg8[%get3A_674, %get3A_675] : memref<1280x32xf32, #tpu.memory_space<vmem>>, vector<128x32xf32>
    %dot_general3A_677 = arith.constant dense<0.000000e+00> : vector<1024x32xf32>
    %dot_general3A_678 = tpu.matmul %mul3A_673, %get3A_676, %dot_general3A_677 {dimension_numbers = #tpu.dot_dimension_numbers<[1], [0], [0], [1], [0, 0, 1, 1], [], []>, transpose_lhs_hint = false} : vector<1024x128xf32>, vector<128x32xf32>, vector<1024x32xf32> -> vector<1024x32xf32>
    %add3A_679 = arith.addf %add3A_589, %dot_general3A_678 : vector<1024x32xf32>
    %get3A_680 = arith.constant 0 : index
    %get3A_681 = arith.constant 896 : index
    %get3A_682 = vector.load %arg5[%get3A_680, %get3A_681] : memref<1024x1280xf32, #tpu.memory_space<vmem>>, vector<1024x128xf32>
    %get3A_683 = arith.constant 0 : index
    %get3A_684 = arith.constant 7 : index
    %get3A_685 = vector.load %arg2[%get3A_683, %get3A_684] : memref<1024x16xf32, #tpu.memory_space<vmem>>, vector<1024x1xf32>
    %sub3A_686 = arith.subf %get3A_10, %get3A_685 : vector<1024x1xf32>
    %mul3A_687 = vector.broadcast %sub3A_686 : vector<1024x1xf32> to vector<1024x128xf32>
    %mul3A_688 = vector.broadcast %mul3A_12 : vector<1x128xf32> to vector<1024x128xf32>
    %mul3A_689 = arith.mulf %mul3A_687, %mul3A_688 : vector<1024x128xf32>
    %add3A_690 = vector.broadcast %mul3A_15 : vector<1x128xf32> to vector<1024x128xf32>
    %add3A_691 = arith.addf %mul3A_689, %add3A_690 : vector<1024x128xf32>
    %round3A_692 = math.roundeven %add3A_691 : vector<1024x128xf32>
    %sub3A_693 = arith.subf %add3A_691, %round3A_692 : vector<1024x128xf32>
    %mul3A_694 = arith.mulf %sub3A_693, %sub3A_693 : vector<1024x128xf32>
    %broadcast_in_dim3A_695 = arith.constant 6.52865839 : f32
    %broadcast_in_dim3A_696 = vector.broadcast %broadcast_in_dim3A_695 : f32 to vector<1024x128xf32>
    %mul3A_697 = arith.mulf %broadcast_in_dim3A_696, %mul3A_694 : vector<1024x128xf32>
    %add3A_698 = arith.constant -2.596760e+01 : f32
    %add3A_699 = vector.broadcast %add3A_698 : f32 to vector<1024x128xf32>
    %add3A_700 = arith.addf %mul3A_697, %add3A_699 : vector<1024x128xf32>
    %mul3A_701 = arith.mulf %add3A_700, %mul3A_694 : vector<1024x128xf32>
    %add3A_702 = arith.constant 60.1676292 : f32
    %add3A_703 = vector.broadcast %add3A_702 : f32 to vector<1024x128xf32>
    %add3A_704 = arith.addf %mul3A_701, %add3A_703 : vector<1024x128xf32>
    %mul3A_705 = arith.mulf %add3A_704, %mul3A_694 : vector<1024x128xf32>
    %add3A_706 = arith.constant -85.4501419 : f32
    %add3A_707 = vector.broadcast %add3A_706 : f32 to vector<1024x128xf32>
    %add3A_708 = arith.addf %mul3A_705, %add3A_707 : vector<1024x128xf32>
    %mul3A_709 = arith.mulf %add3A_708, %mul3A_694 : vector<1024x128xf32>
    %add3A_710 = arith.constant 64.9391174 : f32
    %add3A_711 = vector.broadcast %add3A_710 : f32 to vector<1024x128xf32>
    %add3A_712 = arith.addf %mul3A_709, %add3A_711 : vector<1024x128xf32>
    %mul3A_713 = arith.mulf %add3A_712, %mul3A_694 : vector<1024x128xf32>
    %add3A_714 = arith.constant -19.7392044 : f32
    %add3A_715 = vector.broadcast %add3A_714 : f32 to vector<1024x128xf32>
    %add3A_716 = arith.addf %mul3A_713, %add3A_715 : vector<1024x128xf32>
    %mul3A_717 = arith.mulf %add3A_716, %mul3A_694 : vector<1024x128xf32>
    %add3A_718 = arith.constant 1.000000e+00 : f32
    %add3A_719 = vector.broadcast %add3A_718 : f32 to vector<1024x128xf32>
    %add3A_720 = arith.addf %mul3A_717, %add3A_719 : vector<1024x128xf32>
    %get3A_721 = arith.constant 0 : index
    %get3A_722 = arith.constant 7 : index
    %get3A_723 = vector.load %arg3[%get3A_721, %get3A_722] : memref<1024x16xf32, #tpu.memory_space<vmem>>, vector<1024x1xf32>
    %get3A_724 = arith.constant 0 : index
    %get3A_725 = arith.constant 0 : index
    %get3A_726 = vector.load %arg11[%get3A_724, %get3A_725] : memref<128x128xf32, #tpu.memory_space<vmem>>, vector<128x128xf32>
    %dot_general3A_727 = arith.constant dense<0.000000e+00> : vector<1024x128xf32>
    %dot_general3A_728 = tpu.matmul %get3A_682, %get3A_726, %dot_general3A_727 {dimension_numbers = #tpu.dot_dimension_numbers<[1], [0], [0], [1], [0, 0, 1, 1], [], []>, transpose_lhs_hint = false} : vector<1024x128xf32>, vector<128x128xf32>, vector<1024x128xf32> -> vector<1024x128xf32>
    %get3A_729 = arith.constant 0 : index
    %get3A_730 = arith.constant 0 : index
    %get3A_731 = vector.load %arg13[%get3A_729, %get3A_730] : memref<128x128xf32, #tpu.memory_space<vmem>>, vector<128x128xf32>
    %dot_general3A_732 = arith.constant dense<0.000000e+00> : vector<1024x128xf32>
    %dot_general3A_733 = tpu.matmul %add3A_720, %get3A_731, %dot_general3A_732 {dimension_numbers = #tpu.dot_dimension_numbers<[1], [0], [0], [1], [0, 0, 1, 1], [], []>, transpose_lhs_hint = false} : vector<1024x128xf32>, vector<128x128xf32>, vector<1024x128xf32> -> vector<1024x128xf32>
    %add3A_734 = arith.addf %dot_general3A_728, %dot_general3A_733 : vector<1024x128xf32>
    %get3A_735 = arith.constant 0 : index
    %get3A_736 = arith.constant 0 : index
    %get3A_737 = vector.load %arg12[%get3A_735, %get3A_736] : memref<1x128xf32, #tpu.memory_space<vmem>>, vector<1x128xf32>
    %mul3A_738 = vector.broadcast %get3A_723 : vector<1024x1xf32> to vector<1024x128xf32>
    %mul3A_739 = vector.broadcast %get3A_737 : vector<1x128xf32> to vector<1024x128xf32>
    %mul3A_740 = arith.mulf %mul3A_738, %mul3A_739 : vector<1024x128xf32>
    %add3A_741 = arith.addf %add3A_734, %mul3A_740 : vector<1024x128xf32>
    %get3A_742 = arith.constant 0 : index
    %get3A_743 = arith.constant 0 : index
    %get3A_744 = vector.load %arg14[%get3A_742, %get3A_743] : memref<128x128xf32, #tpu.memory_space<vmem>>, vector<128x128xf32>
    %dot_general3A_745 = arith.constant dense<0.000000e+00> : vector<1024x128xf32>
    %dot_general3A_746 = tpu.matmul %get3A_682, %get3A_744, %dot_general3A_745 {dimension_numbers = #tpu.dot_dimension_numbers<[1], [0], [0], [1], [0, 0, 1, 1], [], []>, transpose_lhs_hint = false} : vector<1024x128xf32>, vector<128x128xf32>, vector<1024x128xf32> -> vector<1024x128xf32>
    %get3A_747 = arith.constant 0 : index
    %get3A_748 = arith.constant 0 : index
    %get3A_749 = vector.load %arg16[%get3A_747, %get3A_748] : memref<128x128xf32, #tpu.memory_space<vmem>>, vector<128x128xf32>
    %dot_general3A_750 = arith.constant dense<0.000000e+00> : vector<1024x128xf32>
    %dot_general3A_751 = tpu.matmul %add3A_720, %get3A_749, %dot_general3A_750 {dimension_numbers = #tpu.dot_dimension_numbers<[1], [0], [0], [1], [0, 0, 1, 1], [], []>, transpose_lhs_hint = false} : vector<1024x128xf32>, vector<128x128xf32>, vector<1024x128xf32> -> vector<1024x128xf32>
    %add3A_752 = arith.addf %dot_general3A_746, %dot_general3A_751 : vector<1024x128xf32>
    %get3A_753 = arith.constant 0 : index
    %get3A_754 = arith.constant 0 : index
    %get3A_755 = vector.load %arg15[%get3A_753, %get3A_754] : memref<1x128xf32, #tpu.memory_space<vmem>>, vector<1x128xf32>
    %mul3A_756 = vector.broadcast %get3A_723 : vector<1024x1xf32> to vector<1024x128xf32>
    %mul3A_757 = vector.broadcast %get3A_755 : vector<1x128xf32> to vector<1024x128xf32>
    %mul3A_758 = arith.mulf %mul3A_756, %mul3A_757 : vector<1024x128xf32>
    %add3A_759 = arith.addf %add3A_752, %mul3A_758 : vector<1024x128xf32>
    %swap3A_760 = arith.constant 0 : index
    %swap3A_761 = arith.constant 896 : index
    %swap3A_762 = vector.load %arg22[%swap3A_760, %swap3A_761] : memref<1024x1280xf32, #tpu.memory_space<vmem>>, vector<1024x128xf32>
    tpu.vector_store %arg22[%swap3A_760, %swap3A_761], %add3A_759 {strides = array<i32>} : memref<1024x1280xf32, #tpu.memory_space<vmem>>, vector<1024x128xf32>,
    %mul3A_763 = arith.mulf %add3A_51, %add3A_741 : vector<1024x128xf32>
    %get3A_764 = arith.constant 896 : index
    %get3A_765 = arith.constant 0 : index
    %get3A_766 = vector.load %arg8[%get3A_764, %get3A_765] : memref<1280x32xf32, #tpu.memory_space<vmem>>, vector<128x32xf32>
    %dot_general3A_767 = arith.constant dense<0.000000e+00> : vector<1024x32xf32>
    %dot_general3A_768 = tpu.matmul %mul3A_763, %get3A_766, %dot_general3A_767 {dimension_numbers = #tpu.dot_dimension_numbers<[1], [0], [0], [1], [0, 0, 1, 1], [], []>, transpose_lhs_hint = false} : vector<1024x128xf32>, vector<128x32xf32>, vector<1024x32xf32> -> vector<1024x32xf32>
    %add3A_769 = arith.addf %add3A_679, %dot_general3A_768 : vector<1024x32xf32>
    %get3A_770 = arith.constant 0 : index
    %get3A_771 = arith.constant 1024 : index
    %get3A_772 = vector.load %arg5[%get3A_770, %get3A_771] : memref<1024x1280xf32, #tpu.memory_space<vmem>>, vector<1024x128xf32>
    %get3A_773 = arith.constant 0 : index
    %get3A_774 = arith.constant 8 : index
    %get3A_775 = vector.load %arg2[%get3A_773, %get3A_774] : memref<1024x16xf32, #tpu.memory_space<vmem>>, vector<1024x1xf32>
    %sub3A_776 = arith.subf %get3A_10, %get3A_775 : vector<1024x1xf32>
    %mul3A_777 = vector.broadcast %sub3A_776 : vector<1024x1xf32> to vector<1024x128xf32>
    %mul3A_778 = vector.broadcast %mul3A_12 : vector<1x128xf32> to vector<1024x128xf32>
    %mul3A_779 = arith.mulf %mul3A_777, %mul3A_778 : vector<1024x128xf32>
    %add3A_780 = vector.broadcast %mul3A_15 : vector<1x128xf32> to vector<1024x128xf32>
    %add3A_781 = arith.addf %mul3A_779, %add3A_780 : vector<1024x128xf32>
    %round3A_782 = math.roundeven %add3A_781 : vector<1024x128xf32>
    %sub3A_783 = arith.subf %add3A_781, %round3A_782 : vector<1024x128xf32>
    %mul3A_784 = arith.mulf %sub3A_783, %sub3A_783 : vector<1024x128xf32>
    %broadcast_in_dim3A_785 = arith.constant 6.52865839 : f32
    %broadcast_in_dim3A_786 = vector.broadcast %broadcast_in_dim3A_785 : f32 to vector<1024x128xf32>
    %mul3A_787 = arith.mulf %broadcast_in_dim3A_786, %mul3A_784 : vector<1024x128xf32>
    %add3A_788 = arith.constant -2.596760e+01 : f32
    %add3A_789 = vector.broadcast %add3A_788 : f32 to vector<1024x128xf32>
    %add3A_790 = arith.addf %mul3A_787, %add3A_789 : vector<1024x128xf32>
    %mul3A_791 = arith.mulf %add3A_790, %mul3A_784 : vector<1024x128xf32>
    %add3A_792 = arith.constant 60.1676292 : f32
    %add3A_793 = vector.broadcast %add3A_792 : f32 to vector<1024x128xf32>
    %add3A_794 = arith.addf %mul3A_791, %add3A_793 : vector<1024x128xf32>
    %mul3A_795 = arith.mulf %add3A_794, %mul3A_784 : vector<1024x128xf32>
    %add3A_796 = arith.constant -85.4501419 : f32
    %add3A_797 = vector.broadcast %add3A_796 : f32 to vector<1024x128xf32>
    %add3A_798 = arith.addf %mul3A_795, %add3A_797 : vector<1024x128xf32>
    %mul3A_799 = arith.mulf %add3A_798, %mul3A_784 : vector<1024x128xf32>
    %add3A_800 = arith.constant 64.9391174 : f32
    %add3A_801 = vector.broadcast %add3A_800 : f32 to vector<1024x128xf32>
    %add3A_802 = arith.addf %mul3A_799, %add3A_801 : vector<1024x128xf32>
    %mul3A_803 = arith.mulf %add3A_802, %mul3A_784 : vector<1024x128xf32>
    %add3A_804 = arith.constant -19.7392044 : f32
    %add3A_805 = vector.broadcast %add3A_804 : f32 to vector<1024x128xf32>
    %add3A_806 = arith.addf %mul3A_803, %add3A_805 : vector<1024x128xf32>
    %mul3A_807 = arith.mulf %add3A_806, %mul3A_784 : vector<1024x128xf32>
    %add3A_808 = arith.constant 1.000000e+00 : f32
    %add3A_809 = vector.broadcast %add3A_808 : f32 to vector<1024x128xf32>
    %add3A_810 = arith.addf %mul3A_807, %add3A_809 : vector<1024x128xf32>
    %get3A_811 = arith.constant 0 : index
    %get3A_812 = arith.constant 8 : index
    %get3A_813 = vector.load %arg3[%get3A_811, %get3A_812] : memref<1024x16xf32, #tpu.memory_space<vmem>>, vector<1024x1xf32>
    %get3A_814 = arith.constant 0 : index
    %get3A_815 = arith.constant 0 : index
    %get3A_816 = vector.load %arg11[%get3A_814, %get3A_815] : memref<128x128xf32, #tpu.memory_space<vmem>>, vector<128x128xf32>
    %dot_general3A_817 = arith.constant dense<0.000000e+00> : vector<1024x128xf32>
    %dot_general3A_818 = tpu.matmul %get3A_772, %get3A_816, %dot_general3A_817 {dimension_numbers = #tpu.dot_dimension_numbers<[1], [0], [0], [1], [0, 0, 1, 1], [], []>, transpose_lhs_hint = false} : vector<1024x128xf32>, vector<128x128xf32>, vector<1024x128xf32> -> vector<1024x128xf32>
    %get3A_819 = arith.constant 0 : index
    %get3A_820 = arith.constant 0 : index
    %get3A_821 = vector.load %arg13[%get3A_819, %get3A_820] : memref<128x128xf32, #tpu.memory_space<vmem>>, vector<128x128xf32>
    %dot_general3A_822 = arith.constant dense<0.000000e+00> : vector<1024x128xf32>
    %dot_general3A_823 = tpu.matmul %add3A_810, %get3A_821, %dot_general3A_822 {dimension_numbers = #tpu.dot_dimension_numbers<[1], [0], [0], [1], [0, 0, 1, 1], [], []>, transpose_lhs_hint = false} : vector<1024x128xf32>, vector<128x128xf32>, vector<1024x128xf32> -> vector<1024x128xf32>
    %add3A_824 = arith.addf %dot_general3A_818, %dot_general3A_823 : vector<1024x128xf32>
    %get3A_825 = arith.constant 0 : index
    %get3A_826 = arith.constant 0 : index
    %get3A_827 = vector.load %arg12[%get3A_825, %get3A_826] : memref<1x128xf32, #tpu.memory_space<vmem>>, vector<1x128xf32>
    %mul3A_828 = vector.broadcast %get3A_813 : vector<1024x1xf32> to vector<1024x128xf32>
    %mul3A_829 = vector.broadcast %get3A_827 : vector<1x128xf32> to vector<1024x128xf32>
    %mul3A_830 = arith.mulf %mul3A_828, %mul3A_829 : vector<1024x128xf32>
    %add3A_831 = arith.addf %add3A_824, %mul3A_830 : vector<1024x128xf32>
    %get3A_832 = arith.constant 0 : index
    %get3A_833 = arith.constant 0 : index
    %get3A_834 = vector.load %arg14[%get3A_832, %get3A_833] : memref<128x128xf32, #tpu.memory_space<vmem>>, vector<128x128xf32>
    %dot_general3A_835 = arith.constant dense<0.000000e+00> : vector<1024x128xf32>
    %dot_general3A_836 = tpu.matmul %get3A_772, %get3A_834, %dot_general3A_835 {dimension_numbers = #tpu.dot_dimension_numbers<[1], [0], [0], [1], [0, 0, 1, 1], [], []>, transpose_lhs_hint = false} : vector<1024x128xf32>, vector<128x128xf32>, vector<1024x128xf32> -> vector<1024x128xf32>
    %get3A_837 = arith.constant 0 : index
    %get3A_838 = arith.constant 0 : index
    %get3A_839 = vector.load %arg16[%get3A_837, %get3A_838] : memref<128x128xf32, #tpu.memory_space<vmem>>, vector<128x128xf32>
    %dot_general3A_840 = arith.constant dense<0.000000e+00> : vector<1024x128xf32>
    %dot_general3A_841 = tpu.matmul %add3A_810, %get3A_839, %dot_general3A_840 {dimension_numbers = #tpu.dot_dimension_numbers<[1], [0], [0], [1], [0, 0, 1, 1], [], []>, transpose_lhs_hint = false} : vector<1024x128xf32>, vector<128x128xf32>, vector<1024x128xf32> -> vector<1024x128xf32>
    %add3A_842 = arith.addf %dot_general3A_836, %dot_general3A_841 : vector<1024x128xf32>
    %get3A_843 = arith.constant 0 : index
    %get3A_844 = arith.constant 0 : index
    %get3A_845 = vector.load %arg15[%get3A_843, %get3A_844] : memref<1x128xf32, #tpu.memory_space<vmem>>, vector<1x128xf32>
    %mul3A_846 = vector.broadcast %get3A_813 : vector<1024x1xf32> to vector<1024x128xf32>
    %mul3A_847 = vector.broadcast %get3A_845 : vector<1x128xf32> to vector<1024x128xf32>
    %mul3A_848 = arith.mulf %mul3A_846, %mul3A_847 : vector<1024x128xf32>
    %add3A_849 = arith.addf %add3A_842, %mul3A_848 : vector<1024x128xf32>
    %swap3A_850 = arith.constant 0 : index
    %swap3A_851 = arith.constant 1024 : index
    %swap3A_852 = vector.load %arg22[%swap3A_850, %swap3A_851] : memref<1024x1280xf32, #tpu.memory_space<vmem>>, vector<1024x128xf32>
    tpu.vector_store %arg22[%swap3A_850, %swap3A_851], %add3A_849 {strides = array<i32>} : memref<1024x1280xf32, #tpu.memory_space<vmem>>, vector<1024x128xf32>,
    %mul3A_853 = arith.mulf %add3A_51, %add3A_831 : vector<1024x128xf32>
    %get3A_854 = arith.constant 1024 : index
    %get3A_855 = arith.constant 0 : index
    %get3A_856 = vector.load %arg8[%get3A_854, %get3A_855] : memref<1280x32xf32, #tpu.memory_space<vmem>>, vector<128x32xf32>
    %dot_general3A_857 = arith.constant dense<0.000000e+00> : vector<1024x32xf32>
    %dot_general3A_858 = tpu.matmul %mul3A_853, %get3A_856, %dot_general3A_857 {dimension_numbers = #tpu.dot_dimension_numbers<[1], [0], [0], [1], [0, 0, 1, 1], [], []>, transpose_lhs_hint = false} : vector<1024x128xf32>, vector<128x32xf32>, vector<1024x32xf32> -> vector<1024x32xf32>
    %add3A_859 = arith.addf %add3A_769, %dot_general3A_858 : vector<1024x32xf32>
    %get3A_860 = arith.constant 0 : index
    %get3A_861 = arith.constant 1152 : index
    %get3A_862 = vector.load %arg5[%get3A_860, %get3A_861] : memref<1024x1280xf32, #tpu.memory_space<vmem>>, vector<1024x128xf32>
    %get3A_863 = arith.constant 0 : index
    %get3A_864 = arith.constant 9 : index
    %get3A_865 = vector.load %arg2[%get3A_863, %get3A_864] : memref<1024x16xf32, #tpu.memory_space<vmem>>, vector<1024x1xf32>
    %sub3A_866 = arith.subf %get3A_10, %get3A_865 : vector<1024x1xf32>
    %mul3A_867 = vector.broadcast %sub3A_866 : vector<1024x1xf32> to vector<1024x128xf32>
    %mul3A_868 = vector.broadcast %mul3A_12 : vector<1x128xf32> to vector<1024x128xf32>
    %mul3A_869 = arith.mulf %mul3A_867, %mul3A_868 : vector<1024x128xf32>
    %add3A_870 = vector.broadcast %mul3A_15 : vector<1x128xf32> to vector<1024x128xf32>
    %add3A_871 = arith.addf %mul3A_869, %add3A_870 : vector<1024x128xf32>
    %round3A_872 = math.roundeven %add3A_871 : vector<1024x128xf32>
    %sub3A_873 = arith.subf %add3A_871, %round3A_872 : vector<1024x128xf32>
    %mul3A_874 = arith.mulf %sub3A_873, %sub3A_873 : vector<1024x128xf32>
    %broadcast_in_dim3A_875 = arith.constant 6.52865839 : f32
    %broadcast_in_dim3A_876 = vector.broadcast %broadcast_in_dim3A_875 : f32 to vector<1024x128xf32>
    %mul3A_877 = arith.mulf %broadcast_in_dim3A_876, %mul3A_874 : vector<1024x128xf32>
    %add3A_878 = arith.constant -2.596760e+01 : f32
    %add3A_879 = vector.broadcast %add3A_878 : f32 to vector<1024x128xf32>
    %add3A_880 = arith.addf %mul3A_877, %add3A_879 : vector<1024x128xf32>
    %mul3A_881 = arith.mulf %add3A_880, %mul3A_874 : vector<1024x128xf32>
    %add3A_882 = arith.constant 60.1676292 : f32
    %add3A_883 = vector.broadcast %add3A_882 : f32 to vector<1024x128xf32>
    %add3A_884 = arith.addf %mul3A_881, %add3A_883 : vector<1024x128xf32>
    %mul3A_885 = arith.mulf %add3A_884, %mul3A_874 : vector<1024x128xf32>
    %add3A_886 = arith.constant -85.4501419 : f32
    %add3A_887 = vector.broadcast %add3A_886 : f32 to vector<1024x128xf32>
    %add3A_888 = arith.addf %mul3A_885, %add3A_887 : vector<1024x128xf32>
    %mul3A_889 = arith.mulf %add3A_888, %mul3A_874 : vector<1024x128xf32>
    %add3A_890 = arith.constant 64.9391174 : f32
    %add3A_891 = vector.broadcast %add3A_890 : f32 to vector<1024x128xf32>
    %add3A_892 = arith.addf %mul3A_889, %add3A_891 : vector<1024x128xf32>
    %mul3A_893 = arith.mulf %add3A_892, %mul3A_874 : vector<1024x128xf32>
    %add3A_894 = arith.constant -19.7392044 : f32
    %add3A_895 = vector.broadcast %add3A_894 : f32 to vector<1024x128xf32>
    %add3A_896 = arith.addf %mul3A_893, %add3A_895 : vector<1024x128xf32>
    %mul3A_897 = arith.mulf %add3A_896, %mul3A_874 : vector<1024x128xf32>
    %add3A_898 = arith.constant 1.000000e+00 : f32
    %add3A_899 = vector.broadcast %add3A_898 : f32 to vector<1024x128xf32>
    %add3A_900 = arith.addf %mul3A_897, %add3A_899 : vector<1024x128xf32>
    %get3A_901 = arith.constant 0 : index
    %get3A_902 = arith.constant 9 : index
    %get3A_903 = vector.load %arg3[%get3A_901, %get3A_902] : memref<1024x16xf32, #tpu.memory_space<vmem>>, vector<1024x1xf32>
    %get3A_904 = arith.constant 0 : index
    %get3A_905 = arith.constant 0 : index
    %get3A_906 = vector.load %arg11[%get3A_904, %get3A_905] : memref<128x128xf32, #tpu.memory_space<vmem>>, vector<128x128xf32>
    %dot_general3A_907 = arith.constant dense<0.000000e+00> : vector<1024x128xf32>
    %dot_general3A_908 = tpu.matmul %get3A_862, %get3A_906, %dot_general3A_907 {dimension_numbers = #tpu.dot_dimension_numbers<[1], [0], [0], [1], [0, 0, 1, 1], [], []>, transpose_lhs_hint = false} : vector<1024x128xf32>, vector<128x128xf32>, vector<1024x128xf32> -> vector<1024x128xf32>
    %get3A_909 = arith.constant 0 : index
    %get3A_910 = arith.constant 0 : index
    %get3A_911 = vector.load %arg13[%get3A_909, %get3A_910] : memref<128x128xf32, #tpu.memory_space<vmem>>, vector<128x128xf32>
    %dot_general3A_912 = arith.constant dense<0.000000e+00> : vector<1024x128xf32>
    %dot_general3A_913 = tpu.matmul %add3A_900, %get3A_911, %dot_general3A_912 {dimension_numbers = #tpu.dot_dimension_numbers<[1], [0], [0], [1], [0, 0, 1, 1], [], []>, transpose_lhs_hint = false} : vector<1024x128xf32>, vector<128x128xf32>, vector<1024x128xf32> -> vector<1024x128xf32>
    %add3A_914 = arith.addf %dot_general3A_908, %dot_general3A_913 : vector<1024x128xf32>
    %get3A_915 = arith.constant 0 : index
    %get3A_916 = arith.constant 0 : index
    %get3A_917 = vector.load %arg12[%get3A_915, %get3A_916] : memref<1x128xf32, #tpu.memory_space<vmem>>, vector<1x128xf32>
    %mul3A_918 = vector.broadcast %get3A_903 : vector<1024x1xf32> to vector<1024x128xf32>
    %mul3A_919 = vector.broadcast %get3A_917 : vector<1x128xf32> to vector<1024x128xf32>
    %mul3A_920 = arith.mulf %mul3A_918, %mul3A_919 : vector<1024x128xf32>
    %add3A_921 = arith.addf %add3A_914, %mul3A_920 : vector<1024x128xf32>
    %get3A_922 = arith.constant 0 : index
    %get3A_923 = arith.constant 0 : index
    %get3A_924 = vector.load %arg14[%get3A_922, %get3A_923] : memref<128x128xf32, #tpu.memory_space<vmem>>, vector<128x128xf32>
    %dot_general3A_925 = arith.constant dense<0.000000e+00> : vector<1024x128xf32>
    %dot_general3A_926 = tpu.matmul %get3A_862, %get3A_924, %dot_general3A_925 {dimension_numbers = #tpu.dot_dimension_numbers<[1], [0], [0], [1], [0, 0, 1, 1], [], []>, transpose_lhs_hint = false} : vector<1024x128xf32>, vector<128x128xf32>, vector<1024x128xf32> -> vector<1024x128xf32>
    %get3A_927 = arith.constant 0 : index
    %get3A_928 = arith.constant 0 : index
    %get3A_929 = vector.load %arg16[%get3A_927, %get3A_928] : memref<128x128xf32, #tpu.memory_space<vmem>>, vector<128x128xf32>
    %dot_general3A_930 = arith.constant dense<0.000000e+00> : vector<1024x128xf32>
    %dot_general3A_931 = tpu.matmul %add3A_900, %get3A_929, %dot_general3A_930 {dimension_numbers = #tpu.dot_dimension_numbers<[1], [0], [0], [1], [0, 0, 1, 1], [], []>, transpose_lhs_hint = false} : vector<1024x128xf32>, vector<128x128xf32>, vector<1024x128xf32> -> vector<1024x128xf32>
    %add3A_932 = arith.addf %dot_general3A_926, %dot_general3A_931 : vector<1024x128xf32>
    %get3A_933 = arith.constant 0 : index
    %get3A_934 = arith.constant 0 : index
    %get3A_935 = vector.load %arg15[%get3A_933, %get3A_934] : memref<1x128xf32, #tpu.memory_space<vmem>>, vector<1x128xf32>
    %mul3A_936 = vector.broadcast %get3A_903 : vector<1024x1xf32> to vector<1024x128xf32>
    %mul3A_937 = vector.broadcast %get3A_935 : vector<1x128xf32> to vector<1024x128xf32>
    %mul3A_938 = arith.mulf %mul3A_936, %mul3A_937 : vector<1024x128xf32>
    %add3A_939 = arith.addf %add3A_932, %mul3A_938 : vector<1024x128xf32>
    %swap3A_940 = arith.constant 0 : index
    %swap3A_941 = arith.constant 1152 : index
    %swap3A_942 = vector.load %arg22[%swap3A_940, %swap3A_941] : memref<1024x1280xf32, #tpu.memory_space<vmem>>, vector<1024x128xf32>
    tpu.vector_store %arg22[%swap3A_940, %swap3A_941], %add3A_939 {strides = array<i32>} : memref<1024x1280xf32, #tpu.memory_space<vmem>>, vector<1024x128xf32>,
    %mul3A_943 = arith.mulf %add3A_51, %add3A_921 : vector<1024x128xf32>
    %get3A_944 = arith.constant 1152 : index
    %get3A_945 = arith.constant 0 : index
    %get3A_946 = vector.load %arg8[%get3A_944, %get3A_945] : memref<1280x32xf32, #tpu.memory_space<vmem>>, vector<128x32xf32>
    %dot_general3A_947 = arith.constant dense<0.000000e+00> : vector<1024x32xf32>
    %dot_general3A_948 = tpu.matmul %mul3A_943, %get3A_946, %dot_general3A_947 {dimension_numbers = #tpu.dot_dimension_numbers<[1], [0], [0], [1], [0, 0, 1, 1], [], []>, transpose_lhs_hint = false} : vector<1024x128xf32>, vector<128x32xf32>, vector<1024x32xf32> -> vector<1024x32xf32>
    %add3A_949 = arith.addf %add3A_859, %dot_general3A_948 : vector<1024x32xf32>
    %slice3A = vector.extract_strided_slice %add3A_949 {offsets = [0, 0], sizes = [1024, 10], strides = [1, 1]} : vector<1024x32xf32> to vector<1024x10xf32>
    %mul3A_950 = arith.constant 1.250000e-01 : f32
    %mul3A_951 = vector.broadcast %mul3A_950 : f32 to vector<1024x10xf32>
    %mul3A_952 = arith.mulf %slice3A, %mul3A_951 : vector<1024x10xf32>
    %slice3A_953 = vector.extract_strided_slice %add3A_949 {offsets = [0, 16], sizes = [1024, 10], strides = [1, 1]} : vector<1024x32xf32> to vector<1024x10xf32>
    %mul3A_954 = arith.constant 1.250000e-01 : f32
    %mul3A_955 = vector.broadcast %mul3A_954 : f32 to vector<1024x10xf32>
    %mul3A_956 = arith.mulf %slice3A_953, %mul3A_955 : vector<1024x10xf32>
    %reduce_max3A = arith.constant dense<0xFF800000> : vector<1024xf32>
    %reduce_max3A_957 = vector.multi_reduction <maximumf>, %mul3A_952, %reduce_max3A [1] : vector<1024x10xf32> to vector<1024xf32>
    %broadcast_in_dim3A_958 = vector.shape_cast %reduce_max3A_957 : vector<1024xf32> to vector<1024x1xf32>
    %sub3A_959 = vector.broadcast %broadcast_in_dim3A_958 : vector<1024x1xf32> to vector<1024x10xf32>
    %sub3A_960 = arith.subf %mul3A_952, %sub3A_959 : vector<1024x10xf32>
    %exp3A = math.exp %sub3A_960 : vector<1024x10xf32>
    %reduce_max3A_961 = arith.constant dense<0xFF800000> : vector<1024xf32>
    %reduce_max3A_962 = vector.multi_reduction <maximumf>, %mul3A_956, %reduce_max3A_961 [1] : vector<1024x10xf32> to vector<1024xf32>
    %broadcast_in_dim3A_963 = vector.shape_cast %reduce_max3A_962 : vector<1024xf32> to vector<1024x1xf32>
    %sub3A_964 = vector.broadcast %broadcast_in_dim3A_963 : vector<1024x1xf32> to vector<1024x10xf32>
    %sub3A_965 = arith.subf %mul3A_956, %sub3A_964 : vector<1024x10xf32>
    %exp3A_966 = math.exp %sub3A_965 : vector<1024x10xf32>
    %reduce_sum3A = arith.constant dense<0.000000e+00> : vector<1024xf32>
    %reduce_sum3A_967 = vector.multi_reduction <add>, %exp3A, %reduce_sum3A [1] : vector<1024x10xf32> to vector<1024xf32>
    %broadcast_in_dim3A_968 = vector.shape_cast %reduce_sum3A_967 : vector<1024xf32> to vector<1024x1xf32>
    %div3A = vector.broadcast %broadcast_in_dim3A_968 : vector<1024x1xf32> to vector<1024x10xf32>
    %div3A_969 = arith.divf %exp3A, %div3A : vector<1024x10xf32>
    %reduce_sum3A_970 = arith.constant dense<0.000000e+00> : vector<1024xf32>
    %reduce_sum3A_971 = vector.multi_reduction <add>, %exp3A_966, %reduce_sum3A_970 [1] : vector<1024x10xf32> to vector<1024xf32>
    %broadcast_in_dim3A_972 = vector.shape_cast %reduce_sum3A_971 : vector<1024xf32> to vector<1024x1xf32>
    %div3A_973 = vector.broadcast %broadcast_in_dim3A_972 : vector<1024x1xf32> to vector<1024x10xf32>
    %div3A_974 = arith.divf %exp3A_966, %div3A_973 : vector<1024x10xf32>
    %slice3A_975 = vector.extract_strided_slice %div3A_969 {offsets = [0, 0], sizes = [1024, 1], strides = [1, 1]} : vector<1024x10xf32> to vector<1024x1xf32>
    %get3A_976 = arith.constant 0 : index
    %get3A_977 = arith.constant 0 : index
    %get3A_978 = vector.load %arg22[%get3A_976, %get3A_977] : memref<1024x1280xf32, #tpu.memory_space<vmem>>, vector<1024x64xf32>
    %mul3A_979 = vector.broadcast %slice3A_975 : vector<1024x1xf32> to vector<1024x64xf32>
    %mul3A_980 = arith.mulf %mul3A_979, %get3A_978 : vector<1024x64xf32>
    %slice3A_981 = vector.extract_strided_slice %div3A_974 {offsets = [0, 0], sizes = [1024, 1], strides = [1, 1]} : vector<1024x10xf32> to vector<1024x1xf32>
    %get3A_982 = arith.constant 0 : index
    %get3A_983 = arith.constant 64 : index
    %get3A_984 = vector.load %arg22[%get3A_982, %get3A_983] : memref<1024x1280xf32, #tpu.memory_space<vmem>>, vector<1024x64xf32>
    %mul3A_985 = vector.broadcast %slice3A_981 : vector<1024x1xf32> to vector<1024x64xf32>
    %mul3A_986 = arith.mulf %mul3A_985, %get3A_984 : vector<1024x64xf32>
    %slice3A_987 = vector.extract_strided_slice %div3A_969 {offsets = [0, 1], sizes = [1024, 1], strides = [1, 1]} : vector<1024x10xf32> to vector<1024x1xf32>
    %get3A_988 = arith.constant 0 : index
    %get3A_989 = arith.constant 128 : index
    %get3A_990 = vector.load %arg22[%get3A_988, %get3A_989] : memref<1024x1280xf32, #tpu.memory_space<vmem>>, vector<1024x64xf32>
    %mul3A_991 = vector.broadcast %slice3A_987 : vector<1024x1xf32> to vector<1024x64xf32>
    %mul3A_992 = arith.mulf %mul3A_991, %get3A_990 : vector<1024x64xf32>
    %add3A_993 = arith.addf %mul3A_980, %mul3A_992 : vector<1024x64xf32>
    %slice3A_994 = vector.extract_strided_slice %div3A_974 {offsets = [0, 1], sizes = [1024, 1], strides = [1, 1]} : vector<1024x10xf32> to vector<1024x1xf32>
    %get3A_995 = arith.constant 0 : index
    %get3A_996 = arith.constant 192 : index
    %get3A_997 = vector.load %arg22[%get3A_995, %get3A_996] : memref<1024x1280xf32, #tpu.memory_space<vmem>>, vector<1024x64xf32>
    %mul3A_998 = vector.broadcast %slice3A_994 : vector<1024x1xf32> to vector<1024x64xf32>
    %mul3A_999 = arith.mulf %mul3A_998, %get3A_997 : vector<1024x64xf32>
    %add3A_1000 = arith.addf %mul3A_986, %mul3A_999 : vector<1024x64xf32>
    %slice3A_1001 = vector.extract_strided_slice %div3A_969 {offsets = [0, 2], sizes = [1024, 1], strides = [1, 1]} : vector<1024x10xf32> to vector<1024x1xf32>
    %get3A_1002 = arith.constant 0 : index
    %get3A_1003 = arith.constant 256 : index
    %get3A_1004 = vector.load %arg22[%get3A_1002, %get3A_1003] : memref<1024x1280xf32, #tpu.memory_space<vmem>>, vector<1024x64xf32>
    %mul3A_1005 = vector.broadcast %slice3A_1001 : vector<1024x1xf32> to vector<1024x64xf32>
    %mul3A_1006 = arith.mulf %mul3A_1005, %get3A_1004 : vector<1024x64xf32>
    %add3A_1007 = arith.addf %add3A_993, %mul3A_1006 : vector<1024x64xf32>
    %slice3A_1008 = vector.extract_strided_slice %div3A_974 {offsets = [0, 2], sizes = [1024, 1], strides = [1, 1]} : vector<1024x10xf32> to vector<1024x1xf32>
    %get3A_1009 = arith.constant 0 : index
    %get3A_1010 = arith.constant 320 : index
    %get3A_1011 = vector.load %arg22[%get3A_1009, %get3A_1010] : memref<1024x1280xf32, #tpu.memory_space<vmem>>, vector<1024x64xf32>
    %mul3A_1012 = vector.broadcast %slice3A_1008 : vector<1024x1xf32> to vector<1024x64xf32>
    %mul3A_1013 = arith.mulf %mul3A_1012, %get3A_1011 : vector<1024x64xf32>
    %add3A_1014 = arith.addf %add3A_1000, %mul3A_1013 : vector<1024x64xf32>
    %slice3A_1015 = vector.extract_strided_slice %div3A_969 {offsets = [0, 3], sizes = [1024, 1], strides = [1, 1]} : vector<1024x10xf32> to vector<1024x1xf32>
    %get3A_1016 = arith.constant 0 : index
    %get3A_1017 = arith.constant 384 : index
    %get3A_1018 = vector.load %arg22[%get3A_1016, %get3A_1017] : memref<1024x1280xf32, #tpu.memory_space<vmem>>, vector<1024x64xf32>
    %mul3A_1019 = vector.broadcast %slice3A_1015 : vector<1024x1xf32> to vector<1024x64xf32>
    %mul3A_1020 = arith.mulf %mul3A_1019, %get3A_1018 : vector<1024x64xf32>
    %add3A_1021 = arith.addf %add3A_1007, %mul3A_1020 : vector<1024x64xf32>
    %slice3A_1022 = vector.extract_strided_slice %div3A_974 {offsets = [0, 3], sizes = [1024, 1], strides = [1, 1]} : vector<1024x10xf32> to vector<1024x1xf32>
    %get3A_1023 = arith.constant 0 : index
    %get3A_1024 = arith.constant 448 : index
    %get3A_1025 = vector.load %arg22[%get3A_1023, %get3A_1024] : memref<1024x1280xf32, #tpu.memory_space<vmem>>, vector<1024x64xf32>
    %mul3A_1026 = vector.broadcast %slice3A_1022 : vector<1024x1xf32> to vector<1024x64xf32>
    %mul3A_1027 = arith.mulf %mul3A_1026, %get3A_1025 : vector<1024x64xf32>
    %add3A_1028 = arith.addf %add3A_1014, %mul3A_1027 : vector<1024x64xf32>
    %slice3A_1029 = vector.extract_strided_slice %div3A_969 {offsets = [0, 4], sizes = [1024, 1], strides = [1, 1]} : vector<1024x10xf32> to vector<1024x1xf32>
    %get3A_1030 = arith.constant 0 : index
    %get3A_1031 = arith.constant 512 : index
    %get3A_1032 = vector.load %arg22[%get3A_1030, %get3A_1031] : memref<1024x1280xf32, #tpu.memory_space<vmem>>, vector<1024x64xf32>
    %mul3A_1033 = vector.broadcast %slice3A_1029 : vector<1024x1xf32> to vector<1024x64xf32>
    %mul3A_1034 = arith.mulf %mul3A_1033, %get3A_1032 : vector<1024x64xf32>
    %add3A_1035 = arith.addf %add3A_1021, %mul3A_1034 : vector<1024x64xf32>
    %slice3A_1036 = vector.extract_strided_slice %div3A_974 {offsets = [0, 4], sizes = [1024, 1], strides = [1, 1]} : vector<1024x10xf32> to vector<1024x1xf32>
    %get3A_1037 = arith.constant 0 : index
    %get3A_1038 = arith.constant 576 : index
    %get3A_1039 = vector.load %arg22[%get3A_1037, %get3A_1038] : memref<1024x1280xf32, #tpu.memory_space<vmem>>, vector<1024x64xf32>
    %mul3A_1040 = vector.broadcast %slice3A_1036 : vector<1024x1xf32> to vector<1024x64xf32>
    %mul3A_1041 = arith.mulf %mul3A_1040, %get3A_1039 : vector<1024x64xf32>
    %add3A_1042 = arith.addf %add3A_1028, %mul3A_1041 : vector<1024x64xf32>
    %slice3A_1043 = vector.extract_strided_slice %div3A_969 {offsets = [0, 5], sizes = [1024, 1], strides = [1, 1]} : vector<1024x10xf32> to vector<1024x1xf32>
    %get3A_1044 = arith.constant 0 : index
    %get3A_1045 = arith.constant 640 : index
    %get3A_1046 = vector.load %arg22[%get3A_1044, %get3A_1045] : memref<1024x1280xf32, #tpu.memory_space<vmem>>, vector<1024x64xf32>
    %mul3A_1047 = vector.broadcast %slice3A_1043 : vector<1024x1xf32> to vector<1024x64xf32>
    %mul3A_1048 = arith.mulf %mul3A_1047, %get3A_1046 : vector<1024x64xf32>
    %add3A_1049 = arith.addf %add3A_1035, %mul3A_1048 : vector<1024x64xf32>
    %slice3A_1050 = vector.extract_strided_slice %div3A_974 {offsets = [0, 5], sizes = [1024, 1], strides = [1, 1]} : vector<1024x10xf32> to vector<1024x1xf32>
    %get3A_1051 = arith.constant 0 : index
    %get3A_1052 = arith.constant 704 : index
    %get3A_1053 = vector.load %arg22[%get3A_1051, %get3A_1052] : memref<1024x1280xf32, #tpu.memory_space<vmem>>, vector<1024x64xf32>
    %mul3A_1054 = vector.broadcast %slice3A_1050 : vector<1024x1xf32> to vector<1024x64xf32>
    %mul3A_1055 = arith.mulf %mul3A_1054, %get3A_1053 : vector<1024x64xf32>
    %add3A_1056 = arith.addf %add3A_1042, %mul3A_1055 : vector<1024x64xf32>
    %slice3A_1057 = vector.extract_strided_slice %div3A_969 {offsets = [0, 6], sizes = [1024, 1], strides = [1, 1]} : vector<1024x10xf32> to vector<1024x1xf32>
    %get3A_1058 = arith.constant 0 : index
    %get3A_1059 = arith.constant 768 : index
    %get3A_1060 = vector.load %arg22[%get3A_1058, %get3A_1059] : memref<1024x1280xf32, #tpu.memory_space<vmem>>, vector<1024x64xf32>
    %mul3A_1061 = vector.broadcast %slice3A_1057 : vector<1024x1xf32> to vector<1024x64xf32>
    %mul3A_1062 = arith.mulf %mul3A_1061, %get3A_1060 : vector<1024x64xf32>
    %add3A_1063 = arith.addf %add3A_1049, %mul3A_1062 : vector<1024x64xf32>
    %slice3A_1064 = vector.extract_strided_slice %div3A_974 {offsets = [0, 6], sizes = [1024, 1], strides = [1, 1]} : vector<1024x10xf32> to vector<1024x1xf32>
    %get3A_1065 = arith.constant 0 : index
    %get3A_1066 = arith.constant 832 : index
    %get3A_1067 = vector.load %arg22[%get3A_1065, %get3A_1066] : memref<1024x1280xf32, #tpu.memory_space<vmem>>, vector<1024x64xf32>
    %mul3A_1068 = vector.broadcast %slice3A_1064 : vector<1024x1xf32> to vector<1024x64xf32>
    %mul3A_1069 = arith.mulf %mul3A_1068, %get3A_1067 : vector<1024x64xf32>
    %add3A_1070 = arith.addf %add3A_1056, %mul3A_1069 : vector<1024x64xf32>
    %slice3A_1071 = vector.extract_strided_slice %div3A_969 {offsets = [0, 7], sizes = [1024, 1], strides = [1, 1]} : vector<1024x10xf32> to vector<1024x1xf32>
    %get3A_1072 = arith.constant 0 : index
    %get3A_1073 = arith.constant 896 : index
    %get3A_1074 = vector.load %arg22[%get3A_1072, %get3A_1073] : memref<1024x1280xf32, #tpu.memory_space<vmem>>, vector<1024x64xf32>
    %mul3A_1075 = vector.broadcast %slice3A_1071 : vector<1024x1xf32> to vector<1024x64xf32>
    %mul3A_1076 = arith.mulf %mul3A_1075, %get3A_1074 : vector<1024x64xf32>
    %add3A_1077 = arith.addf %add3A_1063, %mul3A_1076 : vector<1024x64xf32>
    %slice3A_1078 = vector.extract_strided_slice %div3A_974 {offsets = [0, 7], sizes = [1024, 1], strides = [1, 1]} : vector<1024x10xf32> to vector<1024x1xf32>
    %get3A_1079 = arith.constant 0 : index
    %get3A_1080 = arith.constant 960 : index
    %get3A_1081 = vector.load %arg22[%get3A_1079, %get3A_1080] : memref<1024x1280xf32, #tpu.memory_space<vmem>>, vector<1024x64xf32>
    %mul3A_1082 = vector.broadcast %slice3A_1078 : vector<1024x1xf32> to vector<1024x64xf32>
    %mul3A_1083 = arith.mulf %mul3A_1082, %get3A_1081 : vector<1024x64xf32>
    %add3A_1084 = arith.addf %add3A_1070, %mul3A_1083 : vector<1024x64xf32>
    %slice3A_1085 = vector.extract_strided_slice %div3A_969 {offsets = [0, 8], sizes = [1024, 1], strides = [1, 1]} : vector<1024x10xf32> to vector<1024x1xf32>
    %get3A_1086 = arith.constant 0 : index
    %get3A_1087 = arith.constant 1024 : index
    %get3A_1088 = vector.load %arg22[%get3A_1086, %get3A_1087] : memref<1024x1280xf32, #tpu.memory_space<vmem>>, vector<1024x64xf32>
    %mul3A_1089 = vector.broadcast %slice3A_1085 : vector<1024x1xf32> to vector<1024x64xf32>
    %mul3A_1090 = arith.mulf %mul3A_1089, %get3A_1088 : vector<1024x64xf32>
    %add3A_1091 = arith.addf %add3A_1077, %mul3A_1090 : vector<1024x64xf32>
    %slice3A_1092 = vector.extract_strided_slice %div3A_974 {offsets = [0, 8], sizes = [1024, 1], strides = [1, 1]} : vector<1024x10xf32> to vector<1024x1xf32>
    %get3A_1093 = arith.constant 0 : index
    %get3A_1094 = arith.constant 1088 : index
    %get3A_1095 = vector.load %arg22[%get3A_1093, %get3A_1094] : memref<1024x1280xf32, #tpu.memory_space<vmem>>, vector<1024x64xf32>
    %mul3A_1096 = vector.broadcast %slice3A_1092 : vector<1024x1xf32> to vector<1024x64xf32>
    %mul3A_1097 = arith.mulf %mul3A_1096, %get3A_1095 : vector<1024x64xf32>
    %add3A_1098 = arith.addf %add3A_1084, %mul3A_1097 : vector<1024x64xf32>
    %slice3A_1099 = vector.extract_strided_slice %div3A_969 {offsets = [0, 9], sizes = [1024, 1], strides = [1, 1]} : vector<1024x10xf32> to vector<1024x1xf32>
    %get3A_1100 = arith.constant 0 : index
    %get3A_1101 = arith.constant 1152 : index
    %get3A_1102 = vector.load %arg22[%get3A_1100, %get3A_1101] : memref<1024x1280xf32, #tpu.memory_space<vmem>>, vector<1024x64xf32>
    %mul3A_1103 = vector.broadcast %slice3A_1099 : vector<1024x1xf32> to vector<1024x64xf32>
    %mul3A_1104 = arith.mulf %mul3A_1103, %get3A_1102 : vector<1024x64xf32>
    %add3A_1105 = arith.addf %add3A_1091, %mul3A_1104 : vector<1024x64xf32>
    %slice3A_1106 = vector.extract_strided_slice %div3A_974 {offsets = [0, 9], sizes = [1024, 1], strides = [1, 1]} : vector<1024x10xf32> to vector<1024x1xf32>
    %get3A_1107 = arith.constant 0 : index
    %get3A_1108 = arith.constant 1216 : index
    %get3A_1109 = vector.load %arg22[%get3A_1107, %get3A_1108] : memref<1024x1280xf32, #tpu.memory_space<vmem>>, vector<1024x64xf32>
    %mul3A_1110 = vector.broadcast %slice3A_1106 : vector<1024x1xf32> to vector<1024x64xf32>
    %mul3A_1111 = arith.mulf %mul3A_1110, %get3A_1109 : vector<1024x64xf32>
    %add3A_1112 = arith.addf %add3A_1098, %mul3A_1111 : vector<1024x64xf32>
    %concatenate3A = tpu.concatenate %add3A_1105, %add3A_1112 in 1 : vector<1024x64xf32>, vector<1024x64xf32> -> vector<1024x128xf32>
    %get3A_1113 = arith.constant 0 : index
    %get3A_1114 = arith.constant 0 : index
    %get3A_1115 = vector.load %arg17[%get3A_1113, %get3A_1114] : memref<128x128xf32, #tpu.memory_space<vmem>>, vector<128x128xf32>
    %dot_general3A_1116 = arith.constant dense<0.000000e+00> : vector<1024x128xf32>
    %dot_general3A_1117 = tpu.matmul %concatenate3A, %get3A_1115, %dot_general3A_1116 {dimension_numbers = #tpu.dot_dimension_numbers<[1], [0], [0], [1], [0, 0, 1, 1], [], []>, transpose_lhs_hint = false} : vector<1024x128xf32>, vector<128x128xf32>, vector<1024x128xf32> -> vector<1024x128xf32>
    %get3A_1118 = arith.constant 0 : index
    %get3A_1119 = arith.constant 0 : index
    %get3A_1120 = vector.load %arg18[%get3A_1118, %get3A_1119] : memref<128x128xf32, #tpu.memory_space<vmem>>, vector<128x128xf32>
    %dot_general3A_1121 = arith.constant dense<0.000000e+00> : vector<1024x128xf32>
    %dot_general3A_1122 = tpu.matmul %dot_general3A_1117, %get3A_1120, %dot_general3A_1121 {dimension_numbers = #tpu.dot_dimension_numbers<[1], [0], [0], [1], [0, 0, 1, 1], [], []>, transpose_lhs_hint = false} : vector<1024x128xf32>, vector<128x128xf32>, vector<1024x128xf32> -> vector<1024x128xf32>
    %get3A_1123 = arith.constant 0 : index
    %get3A_1124 = arith.constant 0 : index
    %get3A_1125 = vector.load %arg19[%get3A_1123, %get3A_1124] : memref<128x128xf32, #tpu.memory_space<vmem>>, vector<128x128xf32>
    %dot_general3A_1126 = arith.constant dense<0.000000e+00> : vector<1024x128xf32>
    %dot_general3A_1127 = tpu.matmul %get3A_1, %get3A_1125, %dot_general3A_1126 {dimension_numbers = #tpu.dot_dimension_numbers<[1], [0], [0], [1], [0, 0, 1, 1], [], []>, transpose_lhs_hint = false} : vector<1024x128xf32>, vector<128x128xf32>, vector<1024x128xf32> -> vector<1024x128xf32>
    %add3A_1128 = arith.addf %dot_general3A_1122, %dot_general3A_1127 : vector<1024x128xf32>
    %max3A = arith.constant 0.000000e+00 : f32
    %max3A_1129 = vector.broadcast %max3A : f32 to vector<1024x128xf32>
    %max3A_1130 = arith.maximumf %add3A_1128, %max3A_1129 : vector<1024x128xf32>
    %get3A_1131 = arith.constant 0 : index
    %get3A_1132 = arith.constant 0 : index
    %get3A_1133 = vector.load %arg20[%get3A_1131, %get3A_1132] : memref<128x128xf32, #tpu.memory_space<vmem>>, vector<128x128xf32>
    %dot_general3A_1134 = arith.constant dense<0.000000e+00> : vector<1024x128xf32>
    %dot_general3A_1135 = tpu.matmul %max3A_1130, %get3A_1133, %dot_general3A_1134 {dimension_numbers = #tpu.dot_dimension_numbers<[1], [0], [0], [1], [0, 0, 1, 1], [], []>, transpose_lhs_hint = false} : vector<1024x128xf32>, vector<128x128xf32>, vector<1024x128xf32> -> vector<1024x128xf32>
    %swap3A_1136 = arith.constant 0 : index
    %swap3A_1137 = arith.constant 0 : index
    %swap3A_1138 = vector.load %arg21[%swap3A_1136, %swap3A_1137] : memref<1024x128xf32, #tpu.memory_space<vmem>>, vector<1024x128xf32>
    tpu.vector_store %arg21[%swap3A_1136, %swap3A_1137], %dot_general3A_1135 {strides = array<i32>} : memref<1024x128xf32, #tpu.memory_space<vmem>>, vector<1024x128xf32>,
    return
  }
  func.func @transform_0(%arg0: i32) -> (i32, i32) {
    %c0_i32 = arith.constant 0 : i32
    %c0_i32_0 = arith.constant 0 : i32
    return %arg0, %c0_i32 : i32, i32
  }
  func.func @transform_1(%arg0: i32) -> (i32, i32) {
    %c0_i32 = arith.constant 0 : i32
    %c0_i32_0 = arith.constant 0 : i32
    return %arg0, %c0_i32 : i32, i32
  }
  func.func @transform_2(%arg0: i32) -> (i32, i32) {
    %c0_i32 = arith.constant 0 : i32
    %c0_i32_0 = arith.constant 0 : i32
    return %arg0, %c0_i32 : i32, i32
  }
  func.func @transform_3(%arg0: i32) -> (i32, i32) {
    %c0_i32 = arith.constant 0 : i32
    %c0_i32_0 = arith.constant 0 : i32
    return %arg0, %c0_i32 : i32, i32
  }
  func.func @transform_4(%arg0: i32) -> (i32, i32) {
    %c0_i32 = arith.constant 0 : i32
    %c0_i32_0 = arith.constant 0 : i32
    return %arg0, %c0_i32 : i32, i32
  }
  func.func @transform_5(%arg0: i32) -> (i32, i32) {
    %c0_i32 = arith.constant 0 : i32
    %c0_i32_0 = arith.constant 0 : i32
    %c0_i32_1 = arith.constant 0 : i32
    return %c0_i32, %c0_i32_0 : i32, i32
  }
  func.func @transform_6(%arg0: i32) -> (i32, i32) {
    %c0_i32 = arith.constant 0 : i32
    %c0_i32_0 = arith.constant 0 : i32
    %c0_i32_1 = arith.constant 0 : i32
    return %c0_i32, %c0_i32_0 : i32, i32
  }
  func.func @transform_7(%arg0: i32) -> (i32, i32) {
    %c0_i32 = arith.constant 0 : i32
    %c0_i32_0 = arith.constant 0 : i32
    %c0_i32_1 = arith.constant 0 : i32
    return %c0_i32, %c0_i32_0 : i32, i32
  }
  func.func @transform_8(%arg0: i32) -> (i32, i32) {
    %c0_i32 = arith.constant 0 : i32
    %c0_i32_0 = arith.constant 0 : i32
    %c0_i32_1 = arith.constant 0 : i32
    return %c0_i32, %c0_i32_0 : i32, i32
  }
  func.func @transform_9(%arg0: i32) -> (i32, i32) {
    %c0_i32 = arith.constant 0 : i32
    %c0_i32_0 = arith.constant 0 : i32
    %c0_i32_1 = arith.constant 0 : i32
    return %c0_i32, %c0_i32_0 : i32, i32
  }
  func.func @transform_10(%arg0: i32) -> (i32, i32) {
    %c0_i32 = arith.constant 0 : i32
    %c0_i32_0 = arith.constant 0 : i32
    %c0_i32_1 = arith.constant 0 : i32
    return %c0_i32, %c0_i32_0 : i32, i32
  }
  func.func @transform_11(%arg0: i32) -> (i32, i32) {
    %c0_i32 = arith.constant 0 : i32
    %c0_i32_0 = arith.constant 0 : i32
    %c0_i32_1 = arith.constant 0 : i32
    return %c0_i32, %c0_i32_0 : i32, i32
  }
  func.func @transform_12(%arg0: i32) -> (i32, i32) {
    %c0_i32 = arith.constant 0 : i32
    %c0_i32_0 = arith.constant 0 : i32
    %c0_i32_1 = arith.constant 0 : i32
    return %c0_i32, %c0_i32_0 : i32, i32
  }
  func.func @transform_13(%arg0: i32) -> (i32, i32) {
    %c0_i32 = arith.constant 0 : i32
    %c0_i32_0 = arith.constant 0 : i32
    %c0_i32_1 = arith.constant 0 : i32
    return %c0_i32, %c0_i32_0 : i32, i32
  }
  func.func @transform_14(%arg0: i32) -> (i32, i32) {
    %c0_i32 = arith.constant 0 : i32
    %c0_i32_0 = arith.constant 0 : i32
    %c0_i32_1 = arith.constant 0 : i32
    return %c0_i32, %c0_i32_0 : i32, i32
  }
  func.func @transform_15(%arg0: i32) -> (i32, i32) {
    %c0_i32 = arith.constant 0 : i32
    %c0_i32_0 = arith.constant 0 : i32
    %c0_i32_1 = arith.constant 0 : i32
    return %c0_i32, %c0_i32_0 : i32, i32
  }
  func.func @transform_16(%arg0: i32) -> (i32, i32) {
    %c0_i32 = arith.constant 0 : i32
    %c0_i32_0 = arith.constant 0 : i32
    %c0_i32_1 = arith.constant 0 : i32
    return %c0_i32, %c0_i32_0 : i32, i32
  }
  func.func @transform_17(%arg0: i32) -> (i32, i32) {
    %c0_i32 = arith.constant 0 : i32
    %c0_i32_0 = arith.constant 0 : i32
    %c0_i32_1 = arith.constant 0 : i32
    return %c0_i32, %c0_i32_0 : i32, i32
  }
  func.func @transform_18(%arg0: i32) -> (i32, i32) {
    %c0_i32 = arith.constant 0 : i32
    %c0_i32_0 = arith.constant 0 : i32
    %c0_i32_1 = arith.constant 0 : i32
    return %c0_i32, %c0_i32_0 : i32, i32
  }
  func.func @transform_19(%arg0: i32) -> (i32, i32) {
    %c0_i32 = arith.constant 0 : i32
    %c0_i32_0 = arith.constant 0 : i32
    %c0_i32_1 = arith.constant 0 : i32
    return %c0_i32, %c0_i32_0 : i32, i32
  }
  func.func @transform_20(%arg0: i32) -> (i32, i32) {
    %c0_i32 = arith.constant 0 : i32
    %c0_i32_0 = arith.constant 0 : i32
    return %arg0, %c0_i32 : i32, i32
  }
}

module attributes {stable_mosaic.version = 14 : i64} {
  func.func @_attn_body(%arg0: i32, %arg1: memref<1024x1xf32, #tpu.memory_space<vmem>>, %arg2: memref<1024x16xf32, #tpu.memory_space<vmem>>, %arg3: memref<1024x16xf32, #tpu.memory_space<vmem>>, %arg4: memref<1024x128xf32, #tpu.memory_space<vmem>>, %arg5: memref<1024x1280xf32, #tpu.memory_space<vmem>>, %arg6: memref<1x128xf32, #tpu.memory_space<vmem>>, %arg7: memref<1x128xf32, #tpu.memory_space<vmem>>, %arg8: memref<1280x32xf32, #tpu.memory_space<vmem>>, %arg9: memref<128x128xf32, #tpu.memory_space<vmem>>, %arg10: memref<128x128xf32, #tpu.memory_space<vmem>>, %arg11: memref<128x128xf32, #tpu.memory_space<vmem>>, %arg12: memref<1x128xf32, #tpu.memory_space<vmem>>, %arg13: memref<128x128xf32, #tpu.memory_space<vmem>>, %arg14: memref<128x128xf32, #tpu.memory_space<vmem>>, %arg15: memref<1x128xf32, #tpu.memory_space<vmem>>, %arg16: memref<128x128xf32, #tpu.memory_space<vmem>>, %arg17: memref<128x128xf32, #tpu.memory_space<vmem>>, %arg18: memref<128x128xf32, #tpu.memory_space<vmem>>, %arg19: memref<128x128xf32, #tpu.memory_space<vmem>>, %arg20: memref<128x128xf32, #tpu.memory_space<vmem>>, %arg21: memref<1024x128xf32, #tpu.memory_space<vmem>>, %arg22: memref<1024x1280xf32, #tpu.memory_space<vmem>>) attributes {dimension_semantics = [#tpu.dimension_semantics<arbitrary>], iteration_bounds = array<i64: 2>, scalar_prefetch = 0 : i64, scratch_operands = 1 : i64, tpu.core_type = #tpu.core_type<tc>, window_params = [{transform_indices = @transform_0, window_bounds = array<i64: 1024, 1>}, {transform_indices = @transform_1, window_bounds = array<i64: 1024, 16>}, {transform_indices = @transform_2, window_bounds = array<i64: 1024, 16>}, {transform_indices = @transform_3, window_bounds = array<i64: 1024, 128>}, {transform_indices = @transform_4, window_bounds = array<i64: 1024, 1280>}, {pipeline_mode = #tpu.pipeline_mode<synchronous>, transform_indices = @transform_5, window_bounds = array<i64: 1, 128>}, {pipeline_mode = #tpu.pipeline_mode<synchronous>, transform_indices = @transform_6, window_bounds = array<i64: 1, 128>}, {pipeline_mode = #tpu.pipeline_mode<synchronous>, transform_indices = @transform_7, window_bounds = array<i64: 1280, 32>}, {pipeline_mode = #tpu.pipeline_mode<synchronous>, transform_indices = @transform_8, window_bounds = array<i64: 128, 128>}, {pipeline_mode = #tpu.pipeline_mode<synchronous>, transform_indices = @transform_9, window_bounds = array<i64: 128, 128>}, {pipeline_mode = #tpu.pipeline_mode<synchronous>, transform_indices = @transform_10, window_bounds = array<i64: 128, 128>}, {pipeline_mode = #tpu.pipeline_mode<synchronous>, transform_indices = @transform_11, window_bounds = array<i64: 1, 128>}, {pipeline_mode = #tpu.pipeline_mode<synchronous>, transform_indices = @transform_12, window_bounds = array<i64: 128, 128>}, {pipeline_mode = #tpu.pipeline_mode<synchronous>, transform_indices = @transform_13, window_bounds = array<i64: 128, 128>}, {pipeline_mode = #tpu.pipeline_mode<synchronous>, transform_indices = @transform_14, window_bounds = array<i64: 1, 128>}, {pipeline_mode = #tpu.pipeline_mode<synchronous>, transform_indices = @transform_15, window_bounds = array<i64: 128, 128>}, {pipeline_mode = #tpu.pipeline_mode<synchronous>, transform_indices = @transform_16, window_bounds = array<i64: 128, 128>}, {pipeline_mode = #tpu.pipeline_mode<synchronous>, transform_indices = @transform_17, window_bounds = array<i64: 128, 128>}, {pipeline_mode = #tpu.pipeline_mode<synchronous>, transform_indices = @transform_18, window_bounds = array<i64: 128, 128>}, {pipeline_mode = #tpu.pipeline_mode<synchronous>, transform_indices = @transform_19, window_bounds = array<i64: 128, 128>}, {transform_indices = @transform_20, window_bounds = array<i64: 1024, 128>}]} {
    %get3A = arith.constant 0 : index
    %get3A_0 = arith.constant 0 : index
    %get3A_1 = vector.load %arg4[%get3A, %get3A_0] : memref<1024x128xf32, #tpu.memory_space<vmem>>, vector<1024x128xf32>
    %get3A_2 = arith.constant 0 : index
    %get3A_3 = arith.constant 0 : index
    %get3A_4 = vector.load %arg6[%get3A_2, %get3A_3] : memref<1x128xf32, #tpu.memory_space<vmem>>, vector<1x128xf32>
    %get3A_5 = arith.constant 0 : index
    %get3A_6 = arith.constant 0 : index
    %get3A_7 = vector.load %arg7[%get3A_5, %get3A_6] : memref<1x128xf32, #tpu.memory_space<vmem>>, vector<1x128xf32>
    %get3A_8 = arith.constant 0 : index
    %get3A_9 = arith.constant 0 : index
    %get3A_10 = vector.load %arg1[%get3A_8, %get3A_9] : memref<1024x1xf32, #tpu.memory_space<vmem>>, vector<1024x1xf32>
    %mul3A = arith.constant 0.159154937 : f32
    %mul3A_11 = vector.broadcast %mul3A : f32 to vector<1x128xf32>
    %mul3A_12 = arith.mulf %get3A_4, %mul3A_11 : vector<1x128xf32>
    %mul3A_13 = arith.constant 0.159154937 : f32
    %mul3A_14 = vector.broadcast %mul3A_13 : f32 to vector<1x128xf32>
    %mul3A_15 = arith.mulf %get3A_7, %mul3A_14 : vector<1x128xf32>
    %round3A = math.roundeven %mul3A_15 : vector<1x128xf32>
    %sub3A = arith.subf %mul3A_15, %round3A : vector<1x128xf32>
    %mul3A_16 = arith.mulf %sub3A, %sub3A : vector<1x128xf32>
    %broadcast_in_dim3A = arith.constant 6.52865839 : f32
    %broadcast_in_dim3A_17 = vector.broadcast %broadcast_in_dim3A : f32 to vector<1x128xf32>
    %mul3A_18 = arith.mulf %broadcast_in_dim3A_17, %mul3A_16 : vector<1x128xf32>
    %add3A = arith.constant -2.596760e+01 : f32
    %add3A_19 = vector.broadcast %add3A : f32 to vector<1x128xf32>
    %add3A_20 = arith.addf %mul3A_18, %add3A_19 : vector<1x128xf32>
    %mul3A_21 = arith.mulf %add3A_20, %mul3A_16 : vector<1x128xf32>
    %add3A_22 = arith.constant 60.1676292 : f32
    %add3A_23 = vector.broadcast %add3A_22 : f32 to vector<1x128xf32>
    %add3A_24 = arith.addf %mul3A_21, %add3A_23 : vector<1x128xf32>
    %mul3A_25 = arith.mulf %add3A_24, %mul3A_16 : vector<1x128xf32>
    %add3A_26 = arith.constant -85.4501419 : f32
    %add3A_27 = vector.broadcast %add3A_26 : f32 to vector<1x128xf32>
    %add3A_28 = arith.addf %mul3A_25, %add3A_27 : vector<1x128xf32>
    %mul3A_29 = arith.mulf %add3A_28, %mul3A_16 : vector<1x128xf32>
    %add3A_30 = arith.constant 64.9391174 : f32
    %add3A_31 = vector.broadcast %add3A_30 : f32 to vector<1x128xf32>
    %add3A_32 = arith.addf %mul3A_29, %add3A_31 : vector<1x128xf32>
    %mul3A_33 = arith.mulf %add3A_32, %mul3A_16 : vector<1x128xf32>
    %add3A_34 = arith.constant -19.7392044 : f32
    %add3A_35 = vector.broadcast %add3A_34 : f32 to vector<1x128xf32>
    %add3A_36 = arith.addf %mul3A_33, %add3A_35 : vector<1x128xf32>
    %mul3A_37 = arith.mulf %add3A_36, %mul3A_16 : vector<1x128xf32>
    %add3A_38 = arith.constant 1.000000e+00 : f32
    %add3A_39 = vector.broadcast %add3A_38 : f32 to vector<1x128xf32>
    %add3A_40 = arith.addf %mul3A_37, %add3A_39 : vector<1x128xf32>
    %get3A_41 = arith.constant 0 : index
    %get3A_42 = arith.constant 0 : index
    %get3A_43 = vector.load %arg9[%get3A_41, %get3A_42] : memref<128x128xf32, #tpu.memory_space<vmem>>, vector<128x128xf32>
    %dot_general3A = arith.constant dense<0.000000e+00> : vector<1024x128xf32>
    %dot_general3A_44 = tpu.matmul %get3A_1, %get3A_43, %dot_general3A {dimension_numbers = #tpu.dot_dimension_numbers<[1], [0], [0], [1], [0, 0, 1, 1], [], []>, transpose_lhs_hint = false} : vector<1024x128xf32>, vector<128x128xf32>, vector<1024x128xf32> -> vector<1024x128xf32>
    %get3A_45 = arith.constant 0 : index
    %get3A_46 = arith.constant 0 : index
    %get3A_47 = vector.load %arg10[%get3A_45, %get3A_46] : memref<128x128xf32, #tpu.memory_space<vmem>>, vector<128x128xf32>
    %dot_general3A_48 = arith.constant dense<0.000000e+00> : vector<1x128xf32>
    %dot_general3A_49 = tpu.matmul %add3A_40, %get3A_47, %dot_general3A_48 {dimension_numbers = #tpu.dot_dimension_numbers<[1], [0], [0], [1], [0, 0, 1, 1], [], []>, transpose_lhs_hint = false} : vector<1x128xf32>, vector<128x128xf32>, vector<1x128xf32> -> vector<1x128xf32>
    %add3A_50 = vector.broadcast %dot_general3A_49 : vector<1x128xf32> to vector<1024x128xf32>
    %add3A_51 = arith.addf %dot_general3A_44, %add3A_50 : vector<1024x128xf32>
    %get3A_52 = arith.constant 0 : index
    %get3A_53 = arith.constant 0 : index
    %get3A_54 = vector.load %arg5[%get3A_52, %get3A_53] : memref<1024x1280xf32, #tpu.memory_space<vmem>>, vector<1024x128xf32>
    %get3A_55 = arith.constant 0 : index
    %get3A_56 = arith.constant 0 : index
    %get3A_57 = vector.load %arg2[%get3A_55, %get3A_56] : memref<1024x16xf32, #tpu.memory_space<vmem>>, vector<1024x1xf32>
    %sub3A_58 = arith.subf %get3A_10, %get3A_57 : vector<1024x1xf32>
    %mul3A_59 = vector.broadcast %sub3A_58 : vector<1024x1xf32> to vector<1024x128xf32>
    %mul3A_60 = vector.broadcast %mul3A_12 : vector<1x128xf32> to vector<1024x128xf32>
    %mul3A_61 = arith.mulf %mul3A_59, %mul3A_60 : vector<1024x128xf32>
    %add3A_62 = vector.broadcast %mul3A_15 : vector<1x128xf32> to vector<1024x128xf32>
    %add3A_63 = arith.addf %mul3A_61, %add3A_62 : vector<1024x128xf32>
    %round3A_64 = math.roundeven %add3A_63 : vector<1024x128xf32>
    %sub3A_65 = arith.subf %add3A_63, %round3A_64 : vector<1024x128xf32>
    %mul3A_66 = arith.mulf %sub3A_65, %sub3A_65 : vector<1024x128xf32>
    %broadcast_in_dim3A_67 = arith.constant 6.52865839 : f32
    %broadcast_in_dim3A_68 = vector.broadcast %broadcast_in_dim3A_67 : f32 to vector<1024x128xf32>
    %mul3A_69 = arith.mulf %broadcast_in_dim3A_68, %mul3A_66 : vector<1024x128xf32>
    %add3A_70 = arith.constant -2.596760e+01 : f32
    %add3A_71 = vector.broadcast %add3A_70 : f32 to vector<1024x128xf32>
    %add3A_72 = arith.addf %mul3A_69, %add3A_71 : vector<1024x128xf32>
    %mul3A_73 = arith.mulf %add3A_72, %mul3A_66 : vector<1024x128xf32>
    %add3A_74 = arith.constant 60.1676292 : f32
    %add3A_75 = vector.broadcast %add3A_74 : f32 to vector<1024x128xf32>
    %add3A_76 = arith.addf %mul3A_73, %add3A_75 : vector<1024x128xf32>
    %mul3A_77 = arith.mulf %add3A_76, %mul3A_66 : vector<1024x128xf32>
    %add3A_78 = arith.constant -85.4501419 : f32
    %add3A_79 = vector.broadcast %add3A_78 : f32 to vector<1024x128xf32>
    %add3A_80 = arith.addf %mul3A_77, %add3A_79 : vector<1024x128xf32>
    %mul3A_81 = arith.mulf %add3A_80, %mul3A_66 : vector<1024x128xf32>
    %add3A_82 = arith.constant 64.9391174 : f32
    %add3A_83 = vector.broadcast %add3A_82 : f32 to vector<1024x128xf32>
    %add3A_84 = arith.addf %mul3A_81, %add3A_83 : vector<1024x128xf32>
    %mul3A_85 = arith.mulf %add3A_84, %mul3A_66 : vector<1024x128xf32>
    %add3A_86 = arith.constant -19.7392044 : f32
    %add3A_87 = vector.broadcast %add3A_86 : f32 to vector<1024x128xf32>
    %add3A_88 = arith.addf %mul3A_85, %add3A_87 : vector<1024x128xf32>
    %mul3A_89 = arith.mulf %add3A_88, %mul3A_66 : vector<1024x128xf32>
    %add3A_90 = arith.constant 1.000000e+00 : f32
    %add3A_91 = vector.broadcast %add3A_90 : f32 to vector<1024x128xf32>
    %add3A_92 = arith.addf %mul3A_89, %add3A_91 : vector<1024x128xf32>
    %get3A_93 = arith.constant 0 : index
    %get3A_94 = arith.constant 0 : index
    %get3A_95 = vector.load %arg3[%get3A_93, %get3A_94] : memref<1024x16xf32, #tpu.memory_space<vmem>>, vector<1024x1xf32>
    %get3A_96 = arith.constant 0 : index
    %get3A_97 = arith.constant 0 : index
    %get3A_98 = vector.load %arg11[%get3A_96, %get3A_97] : memref<128x128xf32, #tpu.memory_space<vmem>>, vector<128x128xf32>
    %dot_general3A_99 = arith.constant dense<0.000000e+00> : vector<1024x128xf32>
    %dot_general3A_100 = tpu.matmul %get3A_54, %get3A_98, %dot_general3A_99 {dimension_numbers = #tpu.dot_dimension_numbers<[1], [0], [0], [1], [0, 0, 1, 1], [], []>, transpose_lhs_hint = false} : vector<1024x128xf32>, vector<128x128xf32>, vector<1024x128xf32> -> vector<1024x128xf32>
    %get3A_101 = arith.constant 0 : index
    %get3A_102 = arith.constant 0 : index
    %get3A_103 = vector.load %arg13[%get3A_101, %get3A_102] : memref<128x128xf32, #tpu.memory_space<vmem>>, vector<128x128xf32>
    %dot_general3A_104 = arith.constant dense<0.000000e+00> : vector<1024x128xf32>
    %dot_general3A_105 = tpu.matmul %add3A_92, %get3A_103, %dot_general3A_104 {dimension_numbers = #tpu.dot_dimension_numbers<[1], [0], [0], [1], [0, 0, 1, 1], [], []>, transpose_lhs_hint = false} : vector<1024x128xf32>, vector<128x128xf32>, vector<1024x128xf32> -> vector<1024x128xf32>
    %add3A_106 = arith.addf %dot_general3A_100, %dot_general3A_105 : vector<1024x128xf32>
    %get3A_107 = arith.constant 0 : index
    %get3A_108 = arith.constant 0 : index
    %get3A_109 = vector.load %arg12[%get3A_107, %get3A_108] : memref<1x128xf32, #tpu.memory_space<vmem>>, vector<1x128xf32>
    %mul3A_110 = vector.broadcast %get3A_95 : vector<1024x1xf32> to vector<1024x128xf32>
    %mul3A_111 = vector.broadcast %get3A_109 : vector<1x128xf32> to vector<1024x128xf32>
    %mul3A_112 = arith.mulf %mul3A_110, %mul3A_111 : vector<1024x128xf32>
    %add3A_113 = arith.addf %add3A_106, %mul3A_112 : vector<1024x128xf32>
    %get3A_114 = arith.constant 0 : index
    %get3A_115 = arith.constant 0 : index
    %get3A_116 = vector.load %arg14[%get3A_114, %get3A_115] : memref<128x128xf32, #tpu.memory_space<vmem>>, vector<128x128xf32>
    %dot_general3A_117 = arith.constant dense<0.000000e+00> : vector<1024x128xf32>
    %dot_general3A_118 = tpu.matmul %get3A_54, %get3A_116, %dot_general3A_117 {dimension_numbers = #tpu.dot_dimension_numbers<[1], [0], [0], [1], [0, 0, 1, 1], [], []>, transpose_lhs_hint = false} : vector<1024x128xf32>, vector<128x128xf32>, vector<1024x128xf32> -> vector<1024x128xf32>
    %get3A_119 = arith.constant 0 : index
    %get3A_120 = arith.constant 0 : index
    %get3A_121 = vector.load %arg16[%get3A_119, %get3A_120] : memref<128x128xf32, #tpu.memory_space<vmem>>, vector<128x128xf32>
    %dot_general3A_122 = arith.constant dense<0.000000e+00> : vector<1024x128xf32>
    %dot_general3A_123 = tpu.matmul %add3A_92, %get3A_121, %dot_general3A_122 {dimension_numbers = #tpu.dot_dimension_numbers<[1], [0], [0], [1], [0, 0, 1, 1], [], []>, transpose_lhs_hint = false} : vector<1024x128xf32>, vector<128x128xf32>, vector<1024x128xf32> -> vector<1024x128xf32>
    %add3A_124 = arith.addf %dot_general3A_118, %dot_general3A_123 : vector<1024x128xf32>
    %get3A_125 = arith.constant 0 : index
    %get3A_126 = arith.constant 0 : index
    %get3A_127 = vector.load %arg15[%get3A_125, %get3A_126] : memref<1x128xf32, #tpu.memory_space<vmem>>, vector<1x128xf32>
    %mul3A_128 = vector.broadcast %get3A_95 : vector<1024x1xf32> to vector<1024x128xf32>
    %mul3A_129 = vector.broadcast %get3A_127 : vector<1x128xf32> to vector<1024x128xf32>
    %mul3A_130 = arith.mulf %mul3A_128, %mul3A_129 : vector<1024x128xf32>
    %add3A_131 = arith.addf %add3A_124, %mul3A_130 : vector<1024x128xf32>
    %swap3A = arith.constant 0 : index
    %swap3A_132 = arith.constant 0 : index
    %swap3A_133 = vector.load %arg22[%swap3A, %swap3A_132] : memref<1024x1280xf32, #tpu.memory_space<vmem>>, vector<1024x128xf32>
    tpu.vector_store %arg22[%swap3A, %swap3A_132], %add3A_131 {strides = array<i32>} : memref<1024x1280xf32, #tpu.memory_space<vmem>>, vector<1024x128xf32>,
    %mul3A_134 = arith.mulf %add3A_51, %add3A_113 : vector<1024x128xf32>
    %get3A_135 = arith.constant 0 : index
    %get3A_136 = arith.constant 0 : index
    %get3A_137 = vector.load %arg8[%get3A_135, %get3A_136] : memref<1280x32xf32, #tpu.memory_space<vmem>>, vector<128x32xf32>
    %dot_general3A_138 = arith.constant dense<0.000000e+00> : vector<1024x32xf32>
    %dot_general3A_139 = tpu.matmul %mul3A_134, %get3A_137, %dot_general3A_138 {dimension_numbers = #tpu.dot_dimension_numbers<[1], [0], [0], [1], [0, 0, 1, 1], [], []>, transpose_lhs_hint = false} : vector<1024x128xf32>, vector<128x32xf32>, vector<1024x32xf32> -> vector<1024x32xf32>
    %get3A_140 = arith.constant 0 : index
    %get3A_141 = arith.constant 128 : index
    %get3A_142 = vector.load %arg5[%get3A_140, %get3A_141] : memref<1024x1280xf32, #tpu.memory_space<vmem>>, vector<1024x128xf32>
    %get3A_143 = arith.constant 0 : index
    %get3A_144 = arith.constant 1 : index
    %get3A_145 = vector.load %arg2[%get3A_143, %get3A_144] : memref<1024x16xf32, #tpu.memory_space<vmem>>, vector<1024x1xf32>
    %sub3A_146 = arith.subf %get3A_10, %get3A_145 : vector<1024x1xf32>
    %mul3A_147 = vector.broadcast %sub3A_146 : vector<1024x1xf32> to vector<1024x128xf32>
    %mul3A_148 = vector.broadcast %mul3A_12 : vector<1x128xf32> to vector<1024x128xf32>
    %mul3A_149 = arith.mulf %mul3A_147, %mul3A_148 : vector<1024x128xf32>
    %add3A_150 = vector.broadcast %mul3A_15 : vector<1x128xf32> to vector<1024x128xf32>
    %add3A_151 = arith.addf %mul3A_149, %add3A_150 : vector<1024x128xf32>
    %round3A_152 = math.roundeven %add3A_151 : vector<1024x128xf32>
    %sub3A_153 = arith.subf %add3A_151, %round3A_152 : vector<1024x128xf32>
    %mul3A_154 = arith.mulf %sub3A_153, %sub3A_153 : vector<1024x128xf32>
    %broadcast_in_dim3A_155 = arith.constant 6.52865839 : f32
    %broadcast_in_dim3A_156 = vector.broadcast %broadcast_in_dim3A_155 : f32 to vector<1024x128xf32>
    %mul3A_157 = arith.mulf %broadcast_in_dim3A_156, %mul3A_154 : vector<1024x128xf32>
    %add3A_158 = arith.constant -2.596760e+01 : f32
    %add3A_159 = vector.broadcast %add3A_158 : f32 to vector<1024x128xf32>
    %add3A_160 = arith.addf %mul3A_157, %add3A_159 : vector<1024x128xf32>
    %mul3A_161 = arith.mulf %add3A_160, %mul3A_154 : vector<1024x128xf32>
    %add3A_162 = arith.constant 60.1676292 : f32
    %add3A_163 = vector.broadcast %add3A_162 : f32 to vector<1024x128xf32>
    %add3A_164 = arith.addf %mul3A_161, %add3A_163 : vector<1024x128xf32>
    %mul3A_165 = arith.mulf %add3A_164, %mul3A_154 : vector<1024x128xf32>
    %add3A_166 = arith.constant -85.4501419 : f32
    %add3A_167 = vector.broadcast %add3A_166 : f32 to vector<1024x128xf32>
    %add3A_168 = arith.addf %mul3A_165, %add3A_167 : vector<1024x128xf32>
    %mul3A_169 = arith.mulf %add3A_168, %mul3A_154 : vector<1024x128xf32>
    %add3A_170 = arith.constant 64.9391174 : f32
    %add3A_171 = vector.broadcast %add3A_170 : f32 to vector<1024x128xf32>
    %add3A_172 = arith.addf %mul3A_169, %add3A_171 : vector<1024x128xf32>
    %mul3A_173 = arith.mulf %add3A_172, %mul3A_154 : vector<1024x128xf32>
    %add3A_174 = arith.constant -19.7392044 : f32
    %add3A_175 = vector.broadcast %add3A_174 : f32 to vector<1024x128xf32>
    %add3A_176 = arith.addf %mul3A_173, %add3A_175 : vector<1024x128xf32>
    %mul3A_177 = arith.mulf %add3A_176, %mul3A_154 : vector<1024x128xf32>
    %add3A_178 = arith.constant 1.000000e+00 : f32
    %add3A_179 = vector.broadcast %add3A_178 : f32 to vector<1024x128xf32>
    %add3A_180 = arith.addf %mul3A_177, %add3A_179 : vector<1024x128xf32>
    %get3A_181 = arith.constant 0 : index
    %get3A_182 = arith.constant 1 : index
    %get3A_183 = vector.load %arg3[%get3A_181, %get3A_182] : memref<1024x16xf32, #tpu.memory_space<vmem>>, vector<1024x1xf32>
    %get3A_184 = arith.constant 0 : index
    %get3A_185 = arith.constant 0 : index
    %get3A_186 = vector.load %arg11[%get3A_184, %get3A_185] : memref<128x128xf32, #tpu.memory_space<vmem>>, vector<128x128xf32>
    %dot_general3A_187 = arith.constant dense<0.000000e+00> : vector<1024x128xf32>
    %dot_general3A_188 = tpu.matmul %get3A_142, %get3A_186, %dot_general3A_187 {dimension_numbers = #tpu.dot_dimension_numbers<[1], [0], [0], [1], [0, 0, 1, 1], [], []>, transpose_lhs_hint = false} : vector<1024x128xf32>, vector<128x128xf32>, vector<1024x128xf32> -> vector<1024x128xf32>
    %get3A_189 = arith.constant 0 : index
    %get3A_190 = arith.constant 0 : index
    %get3A_191 = vector.load %arg13[%get3A_189, %get3A_190] : memref<128x128xf32, #tpu.memory_space<vmem>>, vector<128x128xf32>
    %dot_general3A_192 = arith.constant dense<0.000000e+00> : vector<1024x128xf32>
    %dot_general3A_193 = tpu.matmul %add3A_180, %get3A_191, %dot_general3A_192 {dimension_numbers = #tpu.dot_dimension_numbers<[1], [0], [0], [1], [0, 0, 1, 1], [], []>, transpose_lhs_hint = false} : vector<1024x128xf32>, vector<128x128xf32>, vector<1024x128xf32> -> vector<1024x128xf32>
    %add3A_194 = arith.addf %dot_general3A_188, %dot_general3A_193 : vector<1024x128xf32>
    %get3A_195 = arith.constant 0 : index
    %get3A_196 = arith.constant 0 : index
    %get3A_197 = vector.load %arg12[%get3A_195, %get3A_196] : memref<1x128xf32, #tpu.memory_space<vmem>>, vector<1x128xf32>
    %mul3A_198 = vector.broadcast %get3A_183 : vector<1024x1xf32> to vector<1024x128xf32>
    %mul3A_199 = vector.broadcast %get3A_197 : vector<1x128xf32> to vector<1024x128xf32>
    %mul3A_200 = arith.mulf %mul3A_198, %mul3A_199 : vector<1024x128xf32>
    %add3A_201 = arith.addf %add3A_194, %mul3A_200 : vector<1024x128xf32>
    %get3A_202 = arith.constant 0 : index
    %get3A_203 = arith.constant 0 : index
    %get3A_204 = vector.load %arg14[%get3A_202, %get3A_203] : memref<128x128xf32, #tpu.memory_space<vmem>>, vector<128x128xf32>
    %dot_general3A_205 = arith.constant dense<0.000000e+00> : vector<1024x128xf32>
    %dot_general3A_206 = tpu.matmul %get3A_142, %get3A_204, %dot_general3A_205 {dimension_numbers = #tpu.dot_dimension_numbers<[1], [0], [0], [1], [0, 0, 1, 1], [], []>, transpose_lhs_hint = false} : vector<1024x128xf32>, vector<128x128xf32>, vector<1024x128xf32> -> vector<1024x128xf32>
    %get3A_207 = arith.constant 0 : index
    %get3A_208 = arith.constant 0 : index
    %get3A_209 = vector.load %arg16[%get3A_207, %get3A_208] : memref<128x128xf32, #tpu.memory_space<vmem>>, vector<128x128xf32>
    %dot_general3A_210 = arith.constant dense<0.000000e+00> : vector<1024x128xf32>
    %dot_general3A_211 = tpu.matmul %add3A_180, %get3A_209, %dot_general3A_210 {dimension_numbers = #tpu.dot_dimension_numbers<[1], [0], [0], [1], [0, 0, 1, 1], [], []>, transpose_lhs_hint = false} : vector<1024x128xf32>, vector<128x128xf32>, vector<1024x128xf32> -> vector<1024x128xf32>
    %add3A_212 = arith.addf %dot_general3A_206, %dot_general3A_211 : vector<1024x128xf32>
    %get3A_213 = arith.constant 0 : index
    %get3A_214 = arith.constant 0 : index
    %get3A_215 = vector.load %arg15[%get3A_213, %get3A_214] : memref<1x128xf32, #tpu.memory_space<vmem>>, vector<1x128xf32>
    %mul3A_216 = vector.broadcast %get3A_183 : vector<1024x1xf32> to vector<1024x128xf32>
    %mul3A_217 = vector.broadcast %get3A_215 : vector<1x128xf32> to vector<1024x128xf32>
    %mul3A_218 = arith.mulf %mul3A_216, %mul3A_217 : vector<1024x128xf32>
    %add3A_219 = arith.addf %add3A_212, %mul3A_218 : vector<1024x128xf32>
    %swap3A_220 = arith.constant 0 : index
    %swap3A_221 = arith.constant 128 : index
    %swap3A_222 = vector.load %arg22[%swap3A_220, %swap3A_221] : memref<1024x1280xf32, #tpu.memory_space<vmem>>, vector<1024x128xf32>
    tpu.vector_store %arg22[%swap3A_220, %swap3A_221], %add3A_219 {strides = array<i32>} : memref<1024x1280xf32, #tpu.memory_space<vmem>>, vector<1024x128xf32>,
    %mul3A_223 = arith.mulf %add3A_51, %add3A_201 : vector<1024x128xf32>
    %get3A_224 = arith.constant 128 : index
    %get3A_225 = arith.constant 0 : index
    %get3A_226 = vector.load %arg8[%get3A_224, %get3A_225] : memref<1280x32xf32, #tpu.memory_space<vmem>>, vector<128x32xf32>
    %dot_general3A_227 = arith.constant dense<0.000000e+00> : vector<1024x32xf32>
    %dot_general3A_228 = tpu.matmul %mul3A_223, %get3A_226, %dot_general3A_227 {dimension_numbers = #tpu.dot_dimension_numbers<[1], [0], [0], [1], [0, 0, 1, 1], [], []>, transpose_lhs_hint = false} : vector<1024x128xf32>, vector<128x32xf32>, vector<1024x32xf32> -> vector<1024x32xf32>
    %add3A_229 = arith.addf %dot_general3A_139, %dot_general3A_228 : vector<1024x32xf32>
    %get3A_230 = arith.constant 0 : index
    %get3A_231 = arith.constant 256 : index
    %get3A_232 = vector.load %arg5[%get3A_230, %get3A_231] : memref<1024x1280xf32, #tpu.memory_space<vmem>>, vector<1024x128xf32>
    %get3A_233 = arith.constant 0 : index
    %get3A_234 = arith.constant 2 : index
    %get3A_235 = vector.load %arg2[%get3A_233, %get3A_234] : memref<1024x16xf32, #tpu.memory_space<vmem>>, vector<1024x1xf32>
    %sub3A_236 = arith.subf %get3A_10, %get3A_235 : vector<1024x1xf32>
    %mul3A_237 = vector.broadcast %sub3A_236 : vector<1024x1xf32> to vector<1024x128xf32>
    %mul3A_238 = vector.broadcast %mul3A_12 : vector<1x128xf32> to vector<1024x128xf32>
    %mul3A_239 = arith.mulf %mul3A_237, %mul3A_238 : vector<1024x128xf32>
    %add3A_240 = vector.broadcast %mul3A_15 : vector<1x128xf32> to vector<1024x128xf32>
    %add3A_241 = arith.addf %mul3A_239, %add3A_240 : vector<1024x128xf32>
    %round3A_242 = math.roundeven %add3A_241 : vector<1024x128xf32>
    %sub3A_243 = arith.subf %add3A_241, %round3A_242 : vector<1024x128xf32>
    %mul3A_244 = arith.mulf %sub3A_243, %sub3A_243 : vector<1024x128xf32>
    %broadcast_in_dim3A_245 = arith.constant 6.52865839 : f32
    %broadcast_in_dim3A_246 = vector.broadcast %broadcast_in_dim3A_245 : f32 to vector<1024x128xf32>
    %mul3A_247 = arith.mulf %broadcast_in_dim3A_246, %mul3A_244 : vector<1024x128xf32>
    %add3A_248 = arith.constant -2.596760e+01 : f32
    %add3A_249 = vector.broadcast %add3A_248 : f32 to vector<1024x128xf32>
    %add3A_250 = arith.addf %mul3A_247, %add3A_249 : vector<1024x128xf32>
    %mul3A_251 = arith.mulf %add3A_250, %mul3A_244 : vector<1024x128xf32>
    %add3A_252 = arith.constant 60.1676292 : f32
    %add3A_253 = vector.broadcast %add3A_252 : f32 to vector<1024x128xf32>
    %add3A_254 = arith.addf %mul3A_251, %add3A_253 : vector<1024x128xf32>
    %mul3A_255 = arith.mulf %add3A_254, %mul3A_244 : vector<1024x128xf32>
    %add3A_256 = arith.constant -85.4501419 : f32
    %add3A_257 = vector.broadcast %add3A_256 : f32 to vector<1024x128xf32>
    %add3A_258 = arith.addf %mul3A_255, %add3A_257 : vector<1024x128xf32>
    %mul3A_259 = arith.mulf %add3A_258, %mul3A_244 : vector<1024x128xf32>
    %add3A_260 = arith.constant 64.9391174 : f32
    %add3A_261 = vector.broadcast %add3A_260 : f32 to vector<1024x128xf32>
    %add3A_262 = arith.addf %mul3A_259, %add3A_261 : vector<1024x128xf32>
    %mul3A_263 = arith.mulf %add3A_262, %mul3A_244 : vector<1024x128xf32>
    %add3A_264 = arith.constant -19.7392044 : f32
    %add3A_265 = vector.broadcast %add3A_264 : f32 to vector<1024x128xf32>
    %add3A_266 = arith.addf %mul3A_263, %add3A_265 : vector<1024x128xf32>
    %mul3A_267 = arith.mulf %add3A_266, %mul3A_244 : vector<1024x128xf32>
    %add3A_268 = arith.constant 1.000000e+00 : f32
    %add3A_269 = vector.broadcast %add3A_268 : f32 to vector<1024x128xf32>
    %add3A_270 = arith.addf %mul3A_267, %add3A_269 : vector<1024x128xf32>
    %get3A_271 = arith.constant 0 : index
    %get3A_272 = arith.constant 2 : index
    %get3A_273 = vector.load %arg3[%get3A_271, %get3A_272] : memref<1024x16xf32, #tpu.memory_space<vmem>>, vector<1024x1xf32>
    %get3A_274 = arith.constant 0 : index
    %get3A_275 = arith.constant 0 : index
    %get3A_276 = vector.load %arg11[%get3A_274, %get3A_275] : memref<128x128xf32, #tpu.memory_space<vmem>>, vector<128x128xf32>
    %dot_general3A_277 = arith.constant dense<0.000000e+00> : vector<1024x128xf32>
    %dot_general3A_278 = tpu.matmul %get3A_232, %get3A_276, %dot_general3A_277 {dimension_numbers = #tpu.dot_dimension_numbers<[1], [0], [0], [1], [0, 0, 1, 1], [], []>, transpose_lhs_hint = false} : vector<1024x128xf32>, vector<128x128xf32>, vector<1024x128xf32> -> vector<1024x128xf32>
    %get3A_279 = arith.constant 0 : index
    %get3A_280 = arith.constant 0 : index
    %get3A_281 = vector.load %arg13[%get3A_279, %get3A_280] : memref<128x128xf32, #tpu.memory_space<vmem>>, vector<128x128xf32>
    %dot_general3A_282 = arith.constant dense<0.000000e+00> : vector<1024x128xf32>
    %dot_general3A_283 = tpu.matmul %add3A_270, %get3A_281, %dot_general3A_282 {dimension_numbers = #tpu.dot_dimension_numbers<[1], [0], [0], [1], [0, 0, 1, 1], [], []>, transpose_lhs_hint = false} : vector<1024x128xf32>, vector<128x128xf32>, vector<1024x128xf32> -> vector<1024x128xf32>
    %add3A_284 = arith.addf %dot_general3A_278, %dot_general3A_283 : vector<1024x128xf32>
    %get3A_285 = arith.constant 0 : index
    %get3A_286 = arith.constant 0 : index
    %get3A_287 = vector.load %arg12[%get3A_285, %get3A_286] : memref<1x128xf32, #tpu.memory_space<vmem>>, vector<1x128xf32>
    %mul3A_288 = vector.broadcast %get3A_273 : vector<1024x1xf32> to vector<1024x128xf32>
    %mul3A_289 = vector.broadcast %get3A_287 : vector<1x128xf32> to vector<1024x128xf32>
    %mul3A_290 = arith.mulf %mul3A_288, %mul3A_289 : vector<1024x128xf32>
    %add3A_291 = arith.addf %add3A_284, %mul3A_290 : vector<1024x128xf32>
    %get3A_292 = arith.constant 0 : index
    %get3A_293 = arith.constant 0 : index
    %get3A_294 = vector.load %arg14[%get3A_292, %get3A_293] : memref<128x128xf32, #tpu.memory_space<vmem>>, vector<128x128xf32>
    %dot_general3A_295 = arith.constant dense<0.000000e+00> : vector<1024x128xf32>
    %dot_general3A_296 = tpu.matmul %get3A_232, %get3A_294, %dot_general3A_295 {dimension_numbers = #tpu.dot_dimension_numbers<[1], [0], [0], [1], [0, 0, 1, 1], [], []>, transpose_lhs_hint = false} : vector<1024x128xf32>, vector<128x128xf32>, vector<1024x128xf32> -> vector<1024x128xf32>
    %get3A_297 = arith.constant 0 : index
    %get3A_298 = arith.constant 0 : index
    %get3A_299 = vector.load %arg16[%get3A_297, %get3A_298] : memref<128x128xf32, #tpu.memory_space<vmem>>, vector<128x128xf32>
    %dot_general3A_300 = arith.constant dense<0.000000e+00> : vector<1024x128xf32>
    %dot_general3A_301 = tpu.matmul %add3A_270, %get3A_299, %dot_general3A_300 {dimension_numbers = #tpu.dot_dimension_numbers<[1], [0], [0], [1], [0, 0, 1, 1], [], []>, transpose_lhs_hint = false} : vector<1024x128xf32>, vector<128x128xf32>, vector<1024x128xf32> -> vector<1024x128xf32>
    %add3A_302 = arith.addf %dot_general3A_296, %dot_general3A_301 : vector<1024x128xf32>
    %get3A_303 = arith.constant 0 : index
    %get3A_304 = arith.constant 0 : index
    %get3A_305 = vector.load %arg15[%get3A_303, %get3A_304] : memref<1x128xf32, #tpu.memory_space<vmem>>, vector<1x128xf32>
    %mul3A_306 = vector.broadcast %get3A_273 : vector<1024x1xf32> to vector<1024x128xf32>
    %mul3A_307 = vector.broadcast %get3A_305 : vector<1x128xf32> to vector<1024x128xf32>
    %mul3A_308 = arith.mulf %mul3A_306, %mul3A_307 : vector<1024x128xf32>
    %add3A_309 = arith.addf %add3A_302, %mul3A_308 : vector<1024x128xf32>
    %swap3A_310 = arith.constant 0 : index
    %swap3A_311 = arith.constant 256 : index
    %swap3A_312 = vector.load %arg22[%swap3A_310, %swap3A_311] : memref<1024x1280xf32, #tpu.memory_space<vmem>>, vector<1024x128xf32>
    tpu.vector_store %arg22[%swap3A_310, %swap3A_311], %add3A_309 {strides = array<i32>} : memref<1024x1280xf32, #tpu.memory_space<vmem>>, vector<1024x128xf32>,
    %mul3A_313 = arith.mulf %add3A_51, %add3A_291 : vector<1024x128xf32>
    %get3A_314 = arith.constant 256 : index
    %get3A_315 = arith.constant 0 : index
    %get3A_316 = vector.load %arg8[%get3A_314, %get3A_315] : memref<1280x32xf32, #tpu.memory_space<vmem>>, vector<128x32xf32>
    %dot_general3A_317 = arith.constant dense<0.000000e+00> : vector<1024x32xf32>
    %dot_general3A_318 = tpu.matmul %mul3A_313, %get3A_316, %dot_general3A_317 {dimension_numbers = #tpu.dot_dimension_numbers<[1], [0], [0], [1], [0, 0, 1, 1], [], []>, transpose_lhs_hint = false} : vector<1024x128xf32>, vector<128x32xf32>, vector<1024x32xf32> -> vector<1024x32xf32>
    %add3A_319 = arith.addf %add3A_229, %dot_general3A_318 : vector<1024x32xf32>
    %get3A_320 = arith.constant 0 : index
    %get3A_321 = arith.constant 384 : index
    %get3A_322 = vector.load %arg5[%get3A_320, %get3A_321] : memref<1024x1280xf32, #tpu.memory_space<vmem>>, vector<1024x128xf32>
    %get3A_323 = arith.constant 0 : index
    %get3A_324 = arith.constant 3 : index
    %get3A_325 = vector.load %arg2[%get3A_323, %get3A_324] : memref<1024x16xf32, #tpu.memory_space<vmem>>, vector<1024x1xf32>
    %sub3A_326 = arith.subf %get3A_10, %get3A_325 : vector<1024x1xf32>
    %mul3A_327 = vector.broadcast %sub3A_326 : vector<1024x1xf32> to vector<1024x128xf32>
    %mul3A_328 = vector.broadcast %mul3A_12 : vector<1x128xf32> to vector<1024x128xf32>
    %mul3A_329 = arith.mulf %mul3A_327, %mul3A_328 : vector<1024x128xf32>
    %add3A_330 = vector.broadcast %mul3A_15 : vector<1x128xf32> to vector<1024x128xf32>
    %add3A_331 = arith.addf %mul3A_329, %add3A_330 : vector<1024x128xf32>
    %round3A_332 = math.roundeven %add3A_331 : vector<1024x128xf32>
    %sub3A_333 = arith.subf %add3A_331, %round3A_332 : vector<1024x128xf32>
    %mul3A_334 = arith.mulf %sub3A_333, %sub3A_333 : vector<1024x128xf32>
    %broadcast_in_dim3A_335 = arith.constant 6.52865839 : f32
    %broadcast_in_dim3A_336 = vector.broadcast %broadcast_in_dim3A_335 : f32 to vector<1024x128xf32>
    %mul3A_337 = arith.mulf %broadcast_in_dim3A_336, %mul3A_334 : vector<1024x128xf32>
    %add3A_338 = arith.constant -2.596760e+01 : f32
    %add3A_339 = vector.broadcast %add3A_338 : f32 to vector<1024x128xf32>
    %add3A_340 = arith.addf %mul3A_337, %add3A_339 : vector<1024x128xf32>
    %mul3A_341 = arith.mulf %add3A_340, %mul3A_334 : vector<1024x128xf32>
    %add3A_342 = arith.constant 60.1676292 : f32
    %add3A_343 = vector.broadcast %add3A_342 : f32 to vector<1024x128xf32>
    %add3A_344 = arith.addf %mul3A_341, %add3A_343 : vector<1024x128xf32>
    %mul3A_345 = arith.mulf %add3A_344, %mul3A_334 : vector<1024x128xf32>
    %add3A_346 = arith.constant -85.4501419 : f32
    %add3A_347 = vector.broadcast %add3A_346 : f32 to vector<1024x128xf32>
    %add3A_348 = arith.addf %mul3A_345, %add3A_347 : vector<1024x128xf32>
    %mul3A_349 = arith.mulf %add3A_348, %mul3A_334 : vector<1024x128xf32>
    %add3A_350 = arith.constant 64.9391174 : f32
    %add3A_351 = vector.broadcast %add3A_350 : f32 to vector<1024x128xf32>
    %add3A_352 = arith.addf %mul3A_349, %add3A_351 : vector<1024x128xf32>
    %mul3A_353 = arith.mulf %add3A_352, %mul3A_334 : vector<1024x128xf32>
    %add3A_354 = arith.constant -19.7392044 : f32
    %add3A_355 = vector.broadcast %add3A_354 : f32 to vector<1024x128xf32>
    %add3A_356 = arith.addf %mul3A_353, %add3A_355 : vector<1024x128xf32>
    %mul3A_357 = arith.mulf %add3A_356, %mul3A_334 : vector<1024x128xf32>
    %add3A_358 = arith.constant 1.000000e+00 : f32
    %add3A_359 = vector.broadcast %add3A_358 : f32 to vector<1024x128xf32>
    %add3A_360 = arith.addf %mul3A_357, %add3A_359 : vector<1024x128xf32>
    %get3A_361 = arith.constant 0 : index
    %get3A_362 = arith.constant 3 : index
    %get3A_363 = vector.load %arg3[%get3A_361, %get3A_362] : memref<1024x16xf32, #tpu.memory_space<vmem>>, vector<1024x1xf32>
    %get3A_364 = arith.constant 0 : index
    %get3A_365 = arith.constant 0 : index
    %get3A_366 = vector.load %arg11[%get3A_364, %get3A_365] : memref<128x128xf32, #tpu.memory_space<vmem>>, vector<128x128xf32>
    %dot_general3A_367 = arith.constant dense<0.000000e+00> : vector<1024x128xf32>
    %dot_general3A_368 = tpu.matmul %get3A_322, %get3A_366, %dot_general3A_367 {dimension_numbers = #tpu.dot_dimension_numbers<[1], [0], [0], [1], [0, 0, 1, 1], [], []>, transpose_lhs_hint = false} : vector<1024x128xf32>, vector<128x128xf32>, vector<1024x128xf32> -> vector<1024x128xf32>
    %get3A_369 = arith.constant 0 : index
    %get3A_370 = arith.constant 0 : index
    %get3A_371 = vector.load %arg13[%get3A_369, %get3A_370] : memref<128x128xf32, #tpu.memory_space<vmem>>, vector<128x128xf32>
    %dot_general3A_372 = arith.constant dense<0.000000e+00> : vector<1024x128xf32>
    %dot_general3A_373 = tpu.matmul %add3A_360, %get3A_371, %dot_general3A_372 {dimension_numbers = #tpu.dot_dimension_numbers<[1], [0], [0], [1], [0, 0, 1, 1], [], []>, transpose_lhs_hint = false} : vector<1024x128xf32>, vector<128x128xf32>, vector<1024x128xf32> -> vector<1024x128xf32>
    %add3A_374 = arith.addf %dot_general3A_368, %dot_general3A_373 : vector<1024x128xf32>
    %get3A_375 = arith.constant 0 : index
    %get3A_376 = arith.constant 0 : index
    %get3A_377 = vector.load %arg12[%get3A_375, %get3A_376] : memref<1x128xf32, #tpu.memory_space<vmem>>, vector<1x128xf32>
    %mul3A_378 = vector.broadcast %get3A_363 : vector<1024x1xf32> to vector<1024x128xf32>
    %mul3A_379 = vector.broadcast %get3A_377 : vector<1x128xf32> to vector<1024x128xf32>
    %mul3A_380 = arith.mulf %mul3A_378, %mul3A_379 : vector<1024x128xf32>
    %add3A_381 = arith.addf %add3A_374, %mul3A_380 : vector<1024x128xf32>
    %get3A_382 = arith.constant 0 : index
    %get3A_383 = arith.constant 0 : index
    %get3A_384 = vector.load %arg14[%get3A_382, %get3A_383] : memref<128x128xf32, #tpu.memory_space<vmem>>, vector<128x128xf32>
    %dot_general3A_385 = arith.constant dense<0.000000e+00> : vector<1024x128xf32>
    %dot_general3A_386 = tpu.matmul %get3A_322, %get3A_384, %dot_general3A_385 {dimension_numbers = #tpu.dot_dimension_numbers<[1], [0], [0], [1], [0, 0, 1, 1], [], []>, transpose_lhs_hint = false} : vector<1024x128xf32>, vector<128x128xf32>, vector<1024x128xf32> -> vector<1024x128xf32>
    %get3A_387 = arith.constant 0 : index
    %get3A_388 = arith.constant 0 : index
    %get3A_389 = vector.load %arg16[%get3A_387, %get3A_388] : memref<128x128xf32, #tpu.memory_space<vmem>>, vector<128x128xf32>
    %dot_general3A_390 = arith.constant dense<0.000000e+00> : vector<1024x128xf32>
    %dot_general3A_391 = tpu.matmul %add3A_360, %get3A_389, %dot_general3A_390 {dimension_numbers = #tpu.dot_dimension_numbers<[1], [0], [0], [1], [0, 0, 1, 1], [], []>, transpose_lhs_hint = false} : vector<1024x128xf32>, vector<128x128xf32>, vector<1024x128xf32> -> vector<1024x128xf32>
    %add3A_392 = arith.addf %dot_general3A_386, %dot_general3A_391 : vector<1024x128xf32>
    %get3A_393 = arith.constant 0 : index
    %get3A_394 = arith.constant 0 : index
    %get3A_395 = vector.load %arg15[%get3A_393, %get3A_394] : memref<1x128xf32, #tpu.memory_space<vmem>>, vector<1x128xf32>
    %mul3A_396 = vector.broadcast %get3A_363 : vector<1024x1xf32> to vector<1024x128xf32>
    %mul3A_397 = vector.broadcast %get3A_395 : vector<1x128xf32> to vector<1024x128xf32>
    %mul3A_398 = arith.mulf %mul3A_396, %mul3A_397 : vector<1024x128xf32>
    %add3A_399 = arith.addf %add3A_392, %mul3A_398 : vector<1024x128xf32>
    %swap3A_400 = arith.constant 0 : index
    %swap3A_401 = arith.constant 384 : index
    %swap3A_402 = vector.load %arg22[%swap3A_400, %swap3A_401] : memref<1024x1280xf32, #tpu.memory_space<vmem>>, vector<1024x128xf32>
    tpu.vector_store %arg22[%swap3A_400, %swap3A_401], %add3A_399 {strides = array<i32>} : memref<1024x1280xf32, #tpu.memory_space<vmem>>, vector<1024x128xf32>,
    %mul3A_403 = arith.mulf %add3A_51, %add3A_381 : vector<1024x128xf32>
    %get3A_404 = arith.constant 384 : index
    %get3A_405 = arith.constant 0 : index
    %get3A_406 = vector.load %arg8[%get3A_404, %get3A_405] : memref<1280x32xf32, #tpu.memory_space<vmem>>, vector<128x32xf32>
    %dot_general3A_407 = arith.constant dense<0.000000e+00> : vector<1024x32xf32>
    %dot_general3A_408 = tpu.matmul %mul3A_403, %get3A_406, %dot_general3A_407 {dimension_numbers = #tpu.dot_dimension_numbers<[1], [0], [0], [1], [0, 0, 1, 1], [], []>, transpose_lhs_hint = false} : vector<1024x128xf32>, vector<128x32xf32>, vector<1024x32xf32> -> vector<1024x32xf32>
    %add3A_409 = arith.addf %add3A_319, %dot_general3A_408 : vector<1024x32xf32>
    %get3A_410 = arith.constant 0 : index
    %get3A_411 = arith.constant 512 : index
    %get3A_412 = vector.load %arg5[%get3A_410, %get3A_411] : memref<1024x1280xf32, #tpu.memory_space<vmem>>, vector<1024x128xf32>
    %get3A_413 = arith.constant 0 : index
    %get3A_414 = arith.constant 4 : index
    %get3A_415 = vector.load %arg2[%get3A_413, %get3A_414] : memref<1024x16xf32, #tpu.memory_space<vmem>>, vector<1024x1xf32>
    %sub3A_416 = arith.subf %get3A_10, %get3A_415 : vector<1024x1xf32>
    %mul3A_417 = vector.broadcast %sub3A_416 : vector<1024x1xf32> to vector<1024x128xf32>
    %mul3A_418 = vector.broadcast %mul3A_12 : vector<1x128xf32> to vector<1024x128xf32>
    %mul3A_419 = arith.mulf %mul3A_417, %mul3A_418 : vector<1024x128xf32>
    %add3A_420 = vector.broadcast %mul3A_15 : vector<1x128xf32> to vector<1024x128xf32>
    %add3A_421 = arith.addf %mul3A_419, %add3A_420 : vector<1024x128xf32>
    %round3A_422 = math.roundeven %add3A_421 : vector<1024x128xf32>
    %sub3A_423 = arith.subf %add3A_421, %round3A_422 : vector<1024x128xf32>
    %mul3A_424 = arith.mulf %sub3A_423, %sub3A_423 : vector<1024x128xf32>
    %broadcast_in_dim3A_425 = arith.constant 6.52865839 : f32
    %broadcast_in_dim3A_426 = vector.broadcast %broadcast_in_dim3A_425 : f32 to vector<1024x128xf32>
    %mul3A_427 = arith.mulf %broadcast_in_dim3A_426, %mul3A_424 : vector<1024x128xf32>
    %add3A_428 = arith.constant -2.596760e+01 : f32
    %add3A_429 = vector.broadcast %add3A_428 : f32 to vector<1024x128xf32>
    %add3A_430 = arith.addf %mul3A_427, %add3A_429 : vector<1024x128xf32>
    %mul3A_431 = arith.mulf %add3A_430, %mul3A_424 : vector<1024x128xf32>
    %add3A_432 = arith.constant 60.1676292 : f32
    %add3A_433 = vector.broadcast %add3A_432 : f32 to vector<1024x128xf32>
    %add3A_434 = arith.addf %mul3A_431, %add3A_433 : vector<1024x128xf32>
    %mul3A_435 = arith.mulf %add3A_434, %mul3A_424 : vector<1024x128xf32>
    %add3A_436 = arith.constant -85.4501419 : f32
    %add3A_437 = vector.broadcast %add3A_436 : f32 to vector<1024x128xf32>
    %add3A_438 = arith.addf %mul3A_435, %add3A_437 : vector<1024x128xf32>
    %mul3A_439 = arith.mulf %add3A_438, %mul3A_424 : vector<1024x128xf32>
    %add3A_440 = arith.constant 64.9391174 : f32
    %add3A_441 = vector.broadcast %add3A_440 : f32 to vector<1024x128xf32>
    %add3A_442 = arith.addf %mul3A_439, %add3A_441 : vector<1024x128xf32>
    %mul3A_443 = arith.mulf %add3A_442, %mul3A_424 : vector<1024x128xf32>
    %add3A_444 = arith.constant -19.7392044 : f32
    %add3A_445 = vector.broadcast %add3A_444 : f32 to vector<1024x128xf32>
    %add3A_446 = arith.addf %mul3A_443, %add3A_445 : vector<1024x128xf32>
    %mul3A_447 = arith.mulf %add3A_446, %mul3A_424 : vector<1024x128xf32>
    %add3A_448 = arith.constant 1.000000e+00 : f32
    %add3A_449 = vector.broadcast %add3A_448 : f32 to vector<1024x128xf32>
    %add3A_450 = arith.addf %mul3A_447, %add3A_449 : vector<1024x128xf32>
    %get3A_451 = arith.constant 0 : index
    %get3A_452 = arith.constant 4 : index
    %get3A_453 = vector.load %arg3[%get3A_451, %get3A_452] : memref<1024x16xf32, #tpu.memory_space<vmem>>, vector<1024x1xf32>
    %get3A_454 = arith.constant 0 : index
    %get3A_455 = arith.constant 0 : index
    %get3A_456 = vector.load %arg11[%get3A_454, %get3A_455] : memref<128x128xf32, #tpu.memory_space<vmem>>, vector<128x128xf32>
    %dot_general3A_457 = arith.constant dense<0.000000e+00> : vector<1024x128xf32>
    %dot_general3A_458 = tpu.matmul %get3A_412, %get3A_456, %dot_general3A_457 {dimension_numbers = #tpu.dot_dimension_numbers<[1], [0], [0], [1], [0, 0, 1, 1], [], []>, transpose_lhs_hint = false} : vector<1024x128xf32>, vector<128x128xf32>, vector<1024x128xf32> -> vector<1024x128xf32>
    %get3A_459 = arith.constant 0 : index
    %get3A_460 = arith.constant 0 : index
    %get3A_461 = vector.load %arg13[%get3A_459, %get3A_460] : memref<128x128xf32, #tpu.memory_space<vmem>>, vector<128x128xf32>
    %dot_general3A_462 = arith.constant dense<0.000000e+00> : vector<1024x128xf32>
    %dot_general3A_463 = tpu.matmul %add3A_450, %get3A_461, %dot_general3A_462 {dimension_numbers = #tpu.dot_dimension_numbers<[1], [0], [0], [1], [0, 0, 1, 1], [], []>, transpose_lhs_hint = false} : vector<1024x128xf32>, vector<128x128xf32>, vector<1024x128xf32> -> vector<1024x128xf32>
    %add3A_464 = arith.addf %dot_general3A_458, %dot_general3A_463 : vector<1024x128xf32>
    %get3A_465 = arith.constant 0 : index
    %get3A_466 = arith.constant 0 : index
    %get3A_467 = vector.load %arg12[%get3A_465, %get3A_466] : memref<1x128xf32, #tpu.memory_space<vmem>>, vector<1x128xf32>
    %mul3A_468 = vector.broadcast %get3A_453 : vector<1024x1xf32> to vector<1024x128xf32>
    %mul3A_469 = vector.broadcast %get3A_467 : vector<1x128xf32> to vector<1024x128xf32>
    %mul3A_470 = arith.mulf %mul3A_468, %mul3A_469 : vector<1024x128xf32>
    %add3A_471 = arith.addf %add3A_464, %mul3A_470 : vector<1024x128xf32>
    %get3A_472 = arith.constant 0 : index
    %get3A_473 = arith.constant 0 : index
    %get3A_474 = vector.load %arg14[%get3A_472, %get3A_473] : memref<128x128xf32, #tpu.memory_space<vmem>>, vector<128x128xf32>
    %dot_general3A_475 = arith.constant dense<0.000000e+00> : vector<1024x128xf32>
    %dot_general3A_476 = tpu.matmul %get3A_412, %get3A_474, %dot_general3A_475 {dimension_numbers = #tpu.dot_dimension_numbers<[1], [0], [0], [1], [0, 0, 1, 1], [], []>, transpose_lhs_hint = false} : vector<1024x128xf32>, vector<128x128xf32>, vector<1024x128xf32> -> vector<1024x128xf32>
    %get3A_477 = arith.constant 0 : index
    %get3A_478 = arith.constant 0 : index
    %get3A_479 = vector.load %arg16[%get3A_477, %get3A_478] : memref<128x128xf32, #tpu.memory_space<vmem>>, vector<128x128xf32>
    %dot_general3A_480 = arith.constant dense<0.000000e+00> : vector<1024x128xf32>
    %dot_general3A_481 = tpu.matmul %add3A_450, %get3A_479, %dot_general3A_480 {dimension_numbers = #tpu.dot_dimension_numbers<[1], [0], [0], [1], [0, 0, 1, 1], [], []>, transpose_lhs_hint = false} : vector<1024x128xf32>, vector<128x128xf32>, vector<1024x128xf32> -> vector<1024x128xf32>
    %add3A_482 = arith.addf %dot_general3A_476, %dot_general3A_481 : vector<1024x128xf32>
    %get3A_483 = arith.constant 0 : index
    %get3A_484 = arith.constant 0 : index
    %get3A_485 = vector.load %arg15[%get3A_483, %get3A_484] : memref<1x128xf32, #tpu.memory_space<vmem>>, vector<1x128xf32>
    %mul3A_486 = vector.broadcast %get3A_453 : vector<1024x1xf32> to vector<1024x128xf32>
    %mul3A_487 = vector.broadcast %get3A_485 : vector<1x128xf32> to vector<1024x128xf32>
    %mul3A_488 = arith.mulf %mul3A_486, %mul3A_487 : vector<1024x128xf32>
    %add3A_489 = arith.addf %add3A_482, %mul3A_488 : vector<1024x128xf32>
    %swap3A_490 = arith.constant 0 : index
    %swap3A_491 = arith.constant 512 : index
    %swap3A_492 = vector.load %arg22[%swap3A_490, %swap3A_491] : memref<1024x1280xf32, #tpu.memory_space<vmem>>, vector<1024x128xf32>
    tpu.vector_store %arg22[%swap3A_490, %swap3A_491], %add3A_489 {strides = array<i32>} : memref<1024x1280xf32, #tpu.memory_space<vmem>>, vector<1024x128xf32>,
    %mul3A_493 = arith.mulf %add3A_51, %add3A_471 : vector<1024x128xf32>
    %get3A_494 = arith.constant 512 : index
    %get3A_495 = arith.constant 0 : index
    %get3A_496 = vector.load %arg8[%get3A_494, %get3A_495] : memref<1280x32xf32, #tpu.memory_space<vmem>>, vector<128x32xf32>
    %dot_general3A_497 = arith.constant dense<0.000000e+00> : vector<1024x32xf32>
    %dot_general3A_498 = tpu.matmul %mul3A_493, %get3A_496, %dot_general3A_497 {dimension_numbers = #tpu.dot_dimension_numbers<[1], [0], [0], [1], [0, 0, 1, 1], [], []>, transpose_lhs_hint = false} : vector<1024x128xf32>, vector<128x32xf32>, vector<1024x32xf32> -> vector<1024x32xf32>
    %add3A_499 = arith.addf %add3A_409, %dot_general3A_498 : vector<1024x32xf32>
    %get3A_500 = arith.constant 0 : index
    %get3A_501 = arith.constant 640 : index
    %get3A_502 = vector.load %arg5[%get3A_500, %get3A_501] : memref<1024x1280xf32, #tpu.memory_space<vmem>>, vector<1024x128xf32>
    %get3A_503 = arith.constant 0 : index
    %get3A_504 = arith.constant 5 : index
    %get3A_505 = vector.load %arg2[%get3A_503, %get3A_504] : memref<1024x16xf32, #tpu.memory_space<vmem>>, vector<1024x1xf32>
    %sub3A_506 = arith.subf %get3A_10, %get3A_505 : vector<1024x1xf32>
    %mul3A_507 = vector.broadcast %sub3A_506 : vector<1024x1xf32> to vector<1024x128xf32>
    %mul3A_508 = vector.broadcast %mul3A_12 : vector<1x128xf32> to vector<1024x128xf32>
    %mul3A_509 = arith.mulf %mul3A_507, %mul3A_508 : vector<1024x128xf32>
    %add3A_510 = vector.broadcast %mul3A_15 : vector<1x128xf32> to vector<1024x128xf32>
    %add3A_511 = arith.addf %mul3A_509, %add3A_510 : vector<1024x128xf32>
    %round3A_512 = math.roundeven %add3A_511 : vector<1024x128xf32>
    %sub3A_513 = arith.subf %add3A_511, %round3A_512 : vector<1024x128xf32>
    %mul3A_514 = arith.mulf %sub3A_513, %sub3A_513 : vector<1024x128xf32>
    %broadcast_in_dim3A_515 = arith.constant 6.52865839 : f32
    %broadcast_in_dim3A_516 = vector.broadcast %broadcast_in_dim3A_515 : f32 to vector<1024x128xf32>
    %mul3A_517 = arith.mulf %broadcast_in_dim3A_516, %mul3A_514 : vector<1024x128xf32>
    %add3A_518 = arith.constant -2.596760e+01 : f32
    %add3A_519 = vector.broadcast %add3A_518 : f32 to vector<1024x128xf32>
    %add3A_520 = arith.addf %mul3A_517, %add3A_519 : vector<1024x128xf32>
    %mul3A_521 = arith.mulf %add3A_520, %mul3A_514 : vector<1024x128xf32>
    %add3A_522 = arith.constant 60.1676292 : f32
    %add3A_523 = vector.broadcast %add3A_522 : f32 to vector<1024x128xf32>
    %add3A_524 = arith.addf %mul3A_521, %add3A_523 : vector<1024x128xf32>
    %mul3A_525 = arith.mulf %add3A_524, %mul3A_514 : vector<1024x128xf32>
    %add3A_526 = arith.constant -85.4501419 : f32
    %add3A_527 = vector.broadcast %add3A_526 : f32 to vector<1024x128xf32>
    %add3A_528 = arith.addf %mul3A_525, %add3A_527 : vector<1024x128xf32>
    %mul3A_529 = arith.mulf %add3A_528, %mul3A_514 : vector<1024x128xf32>
    %add3A_530 = arith.constant 64.9391174 : f32
    %add3A_531 = vector.broadcast %add3A_530 : f32 to vector<1024x128xf32>
    %add3A_532 = arith.addf %mul3A_529, %add3A_531 : vector<1024x128xf32>
    %mul3A_533 = arith.mulf %add3A_532, %mul3A_514 : vector<1024x128xf32>
    %add3A_534 = arith.constant -19.7392044 : f32
    %add3A_535 = vector.broadcast %add3A_534 : f32 to vector<1024x128xf32>
    %add3A_536 = arith.addf %mul3A_533, %add3A_535 : vector<1024x128xf32>
    %mul3A_537 = arith.mulf %add3A_536, %mul3A_514 : vector<1024x128xf32>
    %add3A_538 = arith.constant 1.000000e+00 : f32
    %add3A_539 = vector.broadcast %add3A_538 : f32 to vector<1024x128xf32>
    %add3A_540 = arith.addf %mul3A_537, %add3A_539 : vector<1024x128xf32>
    %get3A_541 = arith.constant 0 : index
    %get3A_542 = arith.constant 5 : index
    %get3A_543 = vector.load %arg3[%get3A_541, %get3A_542] : memref<1024x16xf32, #tpu.memory_space<vmem>>, vector<1024x1xf32>
    %get3A_544 = arith.constant 0 : index
    %get3A_545 = arith.constant 0 : index
    %get3A_546 = vector.load %arg11[%get3A_544, %get3A_545] : memref<128x128xf32, #tpu.memory_space<vmem>>, vector<128x128xf32>
    %dot_general3A_547 = arith.constant dense<0.000000e+00> : vector<1024x128xf32>
    %dot_general3A_548 = tpu.matmul %get3A_502, %get3A_546, %dot_general3A_547 {dimension_numbers = #tpu.dot_dimension_numbers<[1], [0], [0], [1], [0, 0, 1, 1], [], []>, transpose_lhs_hint = false} : vector<1024x128xf32>, vector<128x128xf32>, vector<1024x128xf32> -> vector<1024x128xf32>
    %get3A_549 = arith.constant 0 : index
    %get3A_550 = arith.constant 0 : index
    %get3A_551 = vector.load %arg13[%get3A_549, %get3A_550] : memref<128x128xf32, #tpu.memory_space<vmem>>, vector<128x128xf32>
    %dot_general3A_552 = arith.constant dense<0.000000e+00> : vector<1024x128xf32>
    %dot_general3A_553 = tpu.matmul %add3A_540, %get3A_551, %dot_general3A_552 {dimension_numbers = #tpu.dot_dimension_numbers<[1], [0], [0], [1], [0, 0, 1, 1], [], []>, transpose_lhs_hint = false} : vector<1024x128xf32>, vector<128x128xf32>, vector<1024x128xf32> -> vector<1024x128xf32>
    %add3A_554 = arith.addf %dot_general3A_548, %dot_general3A_553 : vector<1024x128xf32>
    %get3A_555 = arith.constant 0 : index
    %get3A_556 = arith.constant 0 : index
    %get3A_557 = vector.load %arg12[%get3A_555, %get3A_556] : memref<1x128xf32, #tpu.memory_space<vmem>>, vector<1x128xf32>
    %mul3A_558 = vector.broadcast %get3A_543 : vector<1024x1xf32> to vector<1024x128xf32>
    %mul3A_559 = vector.broadcast %get3A_557 : vector<1x128xf32> to vector<1024x128xf32>
    %mul3A_560 = arith.mulf %mul3A_558, %mul3A_559 : vector<1024x128xf32>
    %add3A_561 = arith.addf %add3A_554, %mul3A_560 : vector<1024x128xf32>
    %get3A_562 = arith.constant 0 : index
    %get3A_563 = arith.constant 0 : index
    %get3A_564 = vector.load %arg14[%get3A_562, %get3A_563] : memref<128x128xf32, #tpu.memory_space<vmem>>, vector<128x128xf32>
    %dot_general3A_565 = arith.constant dense<0.000000e+00> : vector<1024x128xf32>
    %dot_general3A_566 = tpu.matmul %get3A_502, %get3A_564, %dot_general3A_565 {dimension_numbers = #tpu.dot_dimension_numbers<[1], [0], [0], [1], [0, 0, 1, 1], [], []>, transpose_lhs_hint = false} : vector<1024x128xf32>, vector<128x128xf32>, vector<1024x128xf32> -> vector<1024x128xf32>
    %get3A_567 = arith.constant 0 : index
    %get3A_568 = arith.constant 0 : index
    %get3A_569 = vector.load %arg16[%get3A_567, %get3A_568] : memref<128x128xf32, #tpu.memory_space<vmem>>, vector<128x128xf32>
    %dot_general3A_570 = arith.constant dense<0.000000e+00> : vector<1024x128xf32>
    %dot_general3A_571 = tpu.matmul %add3A_540, %get3A_569, %dot_general3A_570 {dimension_numbers = #tpu.dot_dimension_numbers<[1], [0], [0], [1], [0, 0, 1, 1], [], []>, transpose_lhs_hint = false} : vector<1024x128xf32>, vector<128x128xf32>, vector<1024x128xf32> -> vector<1024x128xf32>
    %add3A_572 = arith.addf %dot_general3A_566, %dot_general3A_571 : vector<1024x128xf32>
    %get3A_573 = arith.constant 0 : index
    %get3A_574 = arith.constant 0 : index
    %get3A_575 = vector.load %arg15[%get3A_573, %get3A_574] : memref<1x128xf32, #tpu.memory_space<vmem>>, vector<1x128xf32>
    %mul3A_576 = vector.broadcast %get3A_543 : vector<1024x1xf32> to vector<1024x128xf32>
    %mul3A_577 = vector.broadcast %get3A_575 : vector<1x128xf32> to vector<1024x128xf32>
    %mul3A_578 = arith.mulf %mul3A_576, %mul3A_577 : vector<1024x128xf32>
    %add3A_579 = arith.addf %add3A_572, %mul3A_578 : vector<1024x128xf32>
    %swap3A_580 = arith.constant 0 : index
    %swap3A_581 = arith.constant 640 : index
    %swap3A_582 = vector.load %arg22[%swap3A_580, %swap3A_581] : memref<1024x1280xf32, #tpu.memory_space<vmem>>, vector<1024x128xf32>
    tpu.vector_store %arg22[%swap3A_580, %swap3A_581], %add3A_579 {strides = array<i32>} : memref<1024x1280xf32, #tpu.memory_space<vmem>>, vector<1024x128xf32>,
    %mul3A_583 = arith.mulf %add3A_51, %add3A_561 : vector<1024x128xf32>
    %get3A_584 = arith.constant 640 : index
    %get3A_585 = arith.constant 0 : index
    %get3A_586 = vector.load %arg8[%get3A_584, %get3A_585] : memref<1280x32xf32, #tpu.memory_space<vmem>>, vector<128x32xf32>
    %dot_general3A_587 = arith.constant dense<0.000000e+00> : vector<1024x32xf32>
    %dot_general3A_588 = tpu.matmul %mul3A_583, %get3A_586, %dot_general3A_587 {dimension_numbers = #tpu.dot_dimension_numbers<[1], [0], [0], [1], [0, 0, 1, 1], [], []>, transpose_lhs_hint = false} : vector<1024x128xf32>, vector<128x32xf32>, vector<1024x32xf32> -> vector<1024x32xf32>
    %add3A_589 = arith.addf %add3A_499, %dot_general3A_588 : vector<1024x32xf32>
    %get3A_590 = arith.constant 0 : index
    %get3A_591 = arith.constant 768 : index
    %get3A_592 = vector.load %arg5[%get3A_590, %get3A_591] : memref<1024x1280xf32, #tpu.memory_space<vmem>>, vector<1024x128xf32>
    %get3A_593 = arith.constant 0 : index
    %get3A_594 = arith.constant 6 : index
    %get3A_595 = vector.load %arg2[%get3A_593, %get3A_594] : memref<1024x16xf32, #tpu.memory_space<vmem>>, vector<1024x1xf32>
    %sub3A_596 = arith.subf %get3A_10, %get3A_595 : vector<1024x1xf32>
    %mul3A_597 = vector.broadcast %sub3A_596 : vector<1024x1xf32> to vector<1024x128xf32>
    %mul3A_598 = vector.broadcast %mul3A_12 : vector<1x128xf32> to vector<1024x128xf32>
    %mul3A_599 = arith.mulf %mul3A_597, %mul3A_598 : vector<1024x128xf32>
    %add3A_600 = vector.broadcast %mul3A_15 : vector<1x128xf32> to vector<1024x128xf32>
    %add3A_601 = arith.addf %mul3A_599, %add3A_600 : vector<1024x128xf32>
    %round3A_602 = math.roundeven %add3A_601 : vector<1024x128xf32>
    %sub3A_603 = arith.subf %add3A_601, %round3A_602 : vector<1024x128xf32>
    %mul3A_604 = arith.mulf %sub3A_603, %sub3A_603 : vector<1024x128xf32>
    %broadcast_in_dim3A_605 = arith.constant 6.52865839 : f32
    %broadcast_in_dim3A_606 = vector.broadcast %broadcast_in_dim3A_605 : f32 to vector<1024x128xf32>
    %mul3A_607 = arith.mulf %broadcast_in_dim3A_606, %mul3A_604 : vector<1024x128xf32>
    %add3A_608 = arith.constant -2.596760e+01 : f32
    %add3A_609 = vector.broadcast %add3A_608 : f32 to vector<1024x128xf32>
    %add3A_610 = arith.addf %mul3A_607, %add3A_609 : vector<1024x128xf32>
    %mul3A_611 = arith.mulf %add3A_610, %mul3A_604 : vector<1024x128xf32>
    %add3A_612 = arith.constant 60.1676292 : f32
    %add3A_613 = vector.broadcast %add3A_612 : f32 to vector<1024x128xf32>
    %add3A_614 = arith.addf %mul3A_611, %add3A_613 : vector<1024x128xf32>
    %mul3A_615 = arith.mulf %add3A_614, %mul3A_604 : vector<1024x128xf32>
    %add3A_616 = arith.constant -85.4501419 : f32
    %add3A_617 = vector.broadcast %add3A_616 : f32 to vector<1024x128xf32>
    %add3A_618 = arith.addf %mul3A_615, %add3A_617 : vector<1024x128xf32>
    %mul3A_619 = arith.mulf %add3A_618, %mul3A_604 : vector<1024x128xf32>
    %add3A_620 = arith.constant 64.9391174 : f32
    %add3A_621 = vector.broadcast %add3A_620 : f32 to vector<1024x128xf32>
    %add3A_622 = arith.addf %mul3A_619, %add3A_621 : vector<1024x128xf32>
    %mul3A_623 = arith.mulf %add3A_622, %mul3A_604 : vector<1024x128xf32>
    %add3A_624 = arith.constant -19.7392044 : f32
    %add3A_625 = vector.broadcast %add3A_624 : f32 to vector<1024x128xf32>
    %add3A_626 = arith.addf %mul3A_623, %add3A_625 : vector<1024x128xf32>
    %mul3A_627 = arith.mulf %add3A_626, %mul3A_604 : vector<1024x128xf32>
    %add3A_628 = arith.constant 1.000000e+00 : f32
    %add3A_629 = vector.broadcast %add3A_628 : f32 to vector<1024x128xf32>
    %add3A_630 = arith.addf %mul3A_627, %add3A_629 : vector<1024x128xf32>
    %get3A_631 = arith.constant 0 : index
    %get3A_632 = arith.constant 6 : index
    %get3A_633 = vector.load %arg3[%get3A_631, %get3A_632] : memref<1024x16xf32, #tpu.memory_space<vmem>>, vector<1024x1xf32>
    %get3A_634 = arith.constant 0 : index
    %get3A_635 = arith.constant 0 : index
    %get3A_636 = vector.load %arg11[%get3A_634, %get3A_635] : memref<128x128xf32, #tpu.memory_space<vmem>>, vector<128x128xf32>
    %dot_general3A_637 = arith.constant dense<0.000000e+00> : vector<1024x128xf32>
    %dot_general3A_638 = tpu.matmul %get3A_592, %get3A_636, %dot_general3A_637 {dimension_numbers = #tpu.dot_dimension_numbers<[1], [0], [0], [1], [0, 0, 1, 1], [], []>, transpose_lhs_hint = false} : vector<1024x128xf32>, vector<128x128xf32>, vector<1024x128xf32> -> vector<1024x128xf32>
    %get3A_639 = arith.constant 0 : index
    %get3A_640 = arith.constant 0 : index
    %get3A_641 = vector.load %arg13[%get3A_639, %get3A_640] : memref<128x128xf32, #tpu.memory_space<vmem>>, vector<128x128xf32>
    %dot_general3A_642 = arith.constant dense<0.000000e+00> : vector<1024x128xf32>
    %dot_general3A_643 = tpu.matmul %add3A_630, %get3A_641, %dot_general3A_642 {dimension_numbers = #tpu.dot_dimension_numbers<[1], [0], [0], [1], [0, 0, 1, 1], [], []>, transpose_lhs_hint = false} : vector<1024x128xf32>, vector<128x128xf32>, vector<1024x128xf32> -> vector<1024x128xf32>
    %add3A_644 = arith.addf %dot_general3A_638, %dot_general3A_643 : vector<1024x128xf32>
    %get3A_645 = arith.constant 0 : index
    %get3A_646 = arith.constant 0 : index
    %get3A_647 = vector.load %arg12[%get3A_645, %get3A_646] : memref<1x128xf32, #tpu.memory_space<vmem>>, vector<1x128xf32>
    %mul3A_648 = vector.broadcast %get3A_633 : vector<1024x1xf32> to vector<1024x128xf32>
    %mul3A_649 = vector.broadcast %get3A_647 : vector<1x128xf32> to vector<1024x128xf32>
    %mul3A_650 = arith.mulf %mul3A_648, %mul3A_649 : vector<1024x128xf32>
    %add3A_651 = arith.addf %add3A_644, %mul3A_650 : vector<1024x128xf32>
    %get3A_652 = arith.constant 0 : index
    %get3A_653 = arith.constant 0 : index
    %get3A_654 = vector.load %arg14[%get3A_652, %get3A_653] : memref<128x128xf32, #tpu.memory_space<vmem>>, vector<128x128xf32>
    %dot_general3A_655 = arith.constant dense<0.000000e+00> : vector<1024x128xf32>
    %dot_general3A_656 = tpu.matmul %get3A_592, %get3A_654, %dot_general3A_655 {dimension_numbers = #tpu.dot_dimension_numbers<[1], [0], [0], [1], [0, 0, 1, 1], [], []>, transpose_lhs_hint = false} : vector<1024x128xf32>, vector<128x128xf32>, vector<1024x128xf32> -> vector<1024x128xf32>
    %get3A_657 = arith.constant 0 : index
    %get3A_658 = arith.constant 0 : index
    %get3A_659 = vector.load %arg16[%get3A_657, %get3A_658] : memref<128x128xf32, #tpu.memory_space<vmem>>, vector<128x128xf32>
    %dot_general3A_660 = arith.constant dense<0.000000e+00> : vector<1024x128xf32>
    %dot_general3A_661 = tpu.matmul %add3A_630, %get3A_659, %dot_general3A_660 {dimension_numbers = #tpu.dot_dimension_numbers<[1], [0], [0], [1], [0, 0, 1, 1], [], []>, transpose_lhs_hint = false} : vector<1024x128xf32>, vector<128x128xf32>, vector<1024x128xf32> -> vector<1024x128xf32>
    %add3A_662 = arith.addf %dot_general3A_656, %dot_general3A_661 : vector<1024x128xf32>
    %get3A_663 = arith.constant 0 : index
    %get3A_664 = arith.constant 0 : index
    %get3A_665 = vector.load %arg15[%get3A_663, %get3A_664] : memref<1x128xf32, #tpu.memory_space<vmem>>, vector<1x128xf32>
    %mul3A_666 = vector.broadcast %get3A_633 : vector<1024x1xf32> to vector<1024x128xf32>
    %mul3A_667 = vector.broadcast %get3A_665 : vector<1x128xf32> to vector<1024x128xf32>
    %mul3A_668 = arith.mulf %mul3A_666, %mul3A_667 : vector<1024x128xf32>
    %add3A_669 = arith.addf %add3A_662, %mul3A_668 : vector<1024x128xf32>
    %swap3A_670 = arith.constant 0 : index
    %swap3A_671 = arith.constant 768 : index
    %swap3A_672 = vector.load %arg22[%swap3A_670, %swap3A_671] : memref<1024x1280xf32, #tpu.memory_space<vmem>>, vector<1024x128xf32>
    tpu.vector_store %arg22[%swap3A_670, %swap3A_671], %add3A_669 {strides = array<i32>} : memref<1024x1280xf32, #tpu.memory_space<vmem>>, vector<1024x128xf32>,
    %mul3A_673 = arith.mulf %add3A_51, %add3A_651 : vector<1024x128xf32>
    %get3A_674 = arith.constant 768 : index
    %get3A_675 = arith.constant 0 : index
    %get3A_676 = vector.load %arg8[%get3A_674, %get3A_675] : memref<1280x32xf32, #tpu.memory_space<vmem>>, vector<128x32xf32>
    %dot_general3A_677 = arith.constant dense<0.000000e+00> : vector<1024x32xf32>
    %dot_general3A_678 = tpu.matmul %mul3A_673, %get3A_676, %dot_general3A_677 {dimension_numbers = #tpu.dot_dimension_numbers<[1], [0], [0], [1], [0, 0, 1, 1], [], []>, transpose_lhs_hint = false} : vector<1024x128xf32>, vector<128x32xf32>, vector<1024x32xf32> -> vector<1024x32xf32>
    %add3A_679 = arith.addf %add3A_589, %dot_general3A_678 : vector<1024x32xf32>
    %get3A_680 = arith.constant 0 : index
    %get3A_681 = arith.constant 896 : index
    %get3A_682 = vector.load %arg5[%get3A_680, %get3A_681] : memref<1024x1280xf32, #tpu.memory_space<vmem>>, vector<1024x128xf32>
    %get3A_683 = arith.constant 0 : index
    %get3A_684 = arith.constant 7 : index
    %get3A_685 = vector.load %arg2[%get3A_683, %get3A_684] : memref<1024x16xf32, #tpu.memory_space<vmem>>, vector<1024x1xf32>
    %sub3A_686 = arith.subf %get3A_10, %get3A_685 : vector<1024x1xf32>
    %mul3A_687 = vector.broadcast %sub3A_686 : vector<1024x1xf32> to vector<1024x128xf32>
    %mul3A_688 = vector.broadcast %mul3A_12 : vector<1x128xf32> to vector<1024x128xf32>
    %mul3A_689 = arith.mulf %mul3A_687, %mul3A_688 : vector<1024x128xf32>
    %add3A_690 = vector.broadcast %mul3A_15 : vector<1x128xf32> to vector<1024x128xf32>
    %add3A_691 = arith.addf %mul3A_689, %add3A_690 : vector<1024x128xf32>
    %round3A_692 = math.roundeven %add3A_691 : vector<1024x128xf32>
    %sub3A_693 = arith.subf %add3A_691, %round3A_692 : vector<1024x128xf32>
    %mul3A_694 = arith.mulf %sub3A_693, %sub3A_693 : vector<1024x128xf32>
    %broadcast_in_dim3A_695 = arith.constant 6.52865839 : f32
    %broadcast_in_dim3A_696 = vector.broadcast %broadcast_in_dim3A_695 : f32 to vector<1024x128xf32>
    %mul3A_697 = arith.mulf %broadcast_in_dim3A_696, %mul3A_694 : vector<1024x128xf32>
    %add3A_698 = arith.constant -2.596760e+01 : f32
    %add3A_699 = vector.broadcast %add3A_698 : f32 to vector<1024x128xf32>
    %add3A_700 = arith.addf %mul3A_697, %add3A_699 : vector<1024x128xf32>
    %mul3A_701 = arith.mulf %add3A_700, %mul3A_694 : vector<1024x128xf32>
    %add3A_702 = arith.constant 60.1676292 : f32
    %add3A_703 = vector.broadcast %add3A_702 : f32 to vector<1024x128xf32>
    %add3A_704 = arith.addf %mul3A_701, %add3A_703 : vector<1024x128xf32>
    %mul3A_705 = arith.mulf %add3A_704, %mul3A_694 : vector<1024x128xf32>
    %add3A_706 = arith.constant -85.4501419 : f32
    %add3A_707 = vector.broadcast %add3A_706 : f32 to vector<1024x128xf32>
    %add3A_708 = arith.addf %mul3A_705, %add3A_707 : vector<1024x128xf32>
    %mul3A_709 = arith.mulf %add3A_708, %mul3A_694 : vector<1024x128xf32>
    %add3A_710 = arith.constant 64.9391174 : f32
    %add3A_711 = vector.broadcast %add3A_710 : f32 to vector<1024x128xf32>
    %add3A_712 = arith.addf %mul3A_709, %add3A_711 : vector<1024x128xf32>
    %mul3A_713 = arith.mulf %add3A_712, %mul3A_694 : vector<1024x128xf32>
    %add3A_714 = arith.constant -19.7392044 : f32
    %add3A_715 = vector.broadcast %add3A_714 : f32 to vector<1024x128xf32>
    %add3A_716 = arith.addf %mul3A_713, %add3A_715 : vector<1024x128xf32>
    %mul3A_717 = arith.mulf %add3A_716, %mul3A_694 : vector<1024x128xf32>
    %add3A_718 = arith.constant 1.000000e+00 : f32
    %add3A_719 = vector.broadcast %add3A_718 : f32 to vector<1024x128xf32>
    %add3A_720 = arith.addf %mul3A_717, %add3A_719 : vector<1024x128xf32>
    %get3A_721 = arith.constant 0 : index
    %get3A_722 = arith.constant 7 : index
    %get3A_723 = vector.load %arg3[%get3A_721, %get3A_722] : memref<1024x16xf32, #tpu.memory_space<vmem>>, vector<1024x1xf32>
    %get3A_724 = arith.constant 0 : index
    %get3A_725 = arith.constant 0 : index
    %get3A_726 = vector.load %arg11[%get3A_724, %get3A_725] : memref<128x128xf32, #tpu.memory_space<vmem>>, vector<128x128xf32>
    %dot_general3A_727 = arith.constant dense<0.000000e+00> : vector<1024x128xf32>
    %dot_general3A_728 = tpu.matmul %get3A_682, %get3A_726, %dot_general3A_727 {dimension_numbers = #tpu.dot_dimension_numbers<[1], [0], [0], [1], [0, 0, 1, 1], [], []>, transpose_lhs_hint = false} : vector<1024x128xf32>, vector<128x128xf32>, vector<1024x128xf32> -> vector<1024x128xf32>
    %get3A_729 = arith.constant 0 : index
    %get3A_730 = arith.constant 0 : index
    %get3A_731 = vector.load %arg13[%get3A_729, %get3A_730] : memref<128x128xf32, #tpu.memory_space<vmem>>, vector<128x128xf32>
    %dot_general3A_732 = arith.constant dense<0.000000e+00> : vector<1024x128xf32>
    %dot_general3A_733 = tpu.matmul %add3A_720, %get3A_731, %dot_general3A_732 {dimension_numbers = #tpu.dot_dimension_numbers<[1], [0], [0], [1], [0, 0, 1, 1], [], []>, transpose_lhs_hint = false} : vector<1024x128xf32>, vector<128x128xf32>, vector<1024x128xf32> -> vector<1024x128xf32>
    %add3A_734 = arith.addf %dot_general3A_728, %dot_general3A_733 : vector<1024x128xf32>
    %get3A_735 = arith.constant 0 : index
    %get3A_736 = arith.constant 0 : index
    %get3A_737 = vector.load %arg12[%get3A_735, %get3A_736] : memref<1x128xf32, #tpu.memory_space<vmem>>, vector<1x128xf32>
    %mul3A_738 = vector.broadcast %get3A_723 : vector<1024x1xf32> to vector<1024x128xf32>
    %mul3A_739 = vector.broadcast %get3A_737 : vector<1x128xf32> to vector<1024x128xf32>
    %mul3A_740 = arith.mulf %mul3A_738, %mul3A_739 : vector<1024x128xf32>
    %add3A_741 = arith.addf %add3A_734, %mul3A_740 : vector<1024x128xf32>
    %get3A_742 = arith.constant 0 : index
    %get3A_743 = arith.constant 0 : index
    %get3A_744 = vector.load %arg14[%get3A_742, %get3A_743] : memref<128x128xf32, #tpu.memory_space<vmem>>, vector<128x128xf32>
    %dot_general3A_745 = arith.constant dense<0.000000e+00> : vector<1024x128xf32>
    %dot_general3A_746 = tpu.matmul %get3A_682, %get3A_744, %dot_general3A_745 {dimension_numbers = #tpu.dot_dimension_numbers<[1], [0], [0], [1], [0, 0, 1, 1], [], []>, transpose_lhs_hint = false} : vector<1024x128xf32>, vector<128x128xf32>, vector<1024x128xf32> -> vector<1024x128xf32>
    %get3A_747 = arith.constant 0 : index
    %get3A_748 = arith.constant 0 : index
    %get3A_749 = vector.load %arg16[%get3A_747, %get3A_748] : memref<128x128xf32, #tpu.memory_space<vmem>>, vector<128x128xf32>
    %dot_general3A_750 = arith.constant dense<0.000000e+00> : vector<1024x128xf32>
    %dot_general3A_751 = tpu.matmul %add3A_720, %get3A_749, %dot_general3A_750 {dimension_numbers = #tpu.dot_dimension_numbers<[1], [0], [0], [1], [0, 0, 1, 1], [], []>, transpose_lhs_hint = false} : vector<1024x128xf32>, vector<128x128xf32>, vector<1024x128xf32> -> vector<1024x128xf32>
    %add3A_752 = arith.addf %dot_general3A_746, %dot_general3A_751 : vector<1024x128xf32>
    %get3A_753 = arith.constant 0 : index
    %get3A_754 = arith.constant 0 : index
    %get3A_755 = vector.load %arg15[%get3A_753, %get3A_754] : memref<1x128xf32, #tpu.memory_space<vmem>>, vector<1x128xf32>
    %mul3A_756 = vector.broadcast %get3A_723 : vector<1024x1xf32> to vector<1024x128xf32>
    %mul3A_757 = vector.broadcast %get3A_755 : vector<1x128xf32> to vector<1024x128xf32>
    %mul3A_758 = arith.mulf %mul3A_756, %mul3A_757 : vector<1024x128xf32>
    %add3A_759 = arith.addf %add3A_752, %mul3A_758 : vector<1024x128xf32>
    %swap3A_760 = arith.constant 0 : index
    %swap3A_761 = arith.constant 896 : index
    %swap3A_762 = vector.load %arg22[%swap3A_760, %swap3A_761] : memref<1024x1280xf32, #tpu.memory_space<vmem>>, vector<1024x128xf32>
    tpu.vector_store %arg22[%swap3A_760, %swap3A_761], %add3A_759 {strides = array<i32>} : memref<1024x1280xf32, #tpu.memory_space<vmem>>, vector<1024x128xf32>,
    %mul3A_763 = arith.mulf %add3A_51, %add3A_741 : vector<1024x128xf32>
    %get3A_764 = arith.constant 896 : index
    %get3A_765 = arith.constant 0 : index
    %get3A_766 = vector.load %arg8[%get3A_764, %get3A_765] : memref<1280x32xf32, #tpu.memory_space<vmem>>, vector<128x32xf32>
    %dot_general3A_767 = arith.constant dense<0.000000e+00> : vector<1024x32xf32>
    %dot_general3A_768 = tpu.matmul %mul3A_763, %get3A_766, %dot_general3A_767 {dimension_numbers = #tpu.dot_dimension_numbers<[1], [0], [0], [1], [0, 0, 1, 1], [], []>, transpose_lhs_hint = false} : vector<1024x128xf32>, vector<128x32xf32>, vector<1024x32xf32> -> vector<1024x32xf32>
    %add3A_769 = arith.addf %add3A_679, %dot_general3A_768 : vector<1024x32xf32>
    %get3A_770 = arith.constant 0 : index
    %get3A_771 = arith.constant 1024 : index
    %get3A_772 = vector.load %arg5[%get3A_770, %get3A_771] : memref<1024x1280xf32, #tpu.memory_space<vmem>>, vector<1024x128xf32>
    %get3A_773 = arith.constant 0 : index
    %get3A_774 = arith.constant 8 : index
    %get3A_775 = vector.load %arg2[%get3A_773, %get3A_774] : memref<1024x16xf32, #tpu.memory_space<vmem>>, vector<1024x1xf32>
    %sub3A_776 = arith.subf %get3A_10, %get3A_775 : vector<1024x1xf32>
    %mul3A_777 = vector.broadcast %sub3A_776 : vector<1024x1xf32> to vector<1024x128xf32>
    %mul3A_778 = vector.broadcast %mul3A_12 : vector<1x128xf32> to vector<1024x128xf32>
    %mul3A_779 = arith.mulf %mul3A_777, %mul3A_778 : vector<1024x128xf32>
    %add3A_780 = vector.broadcast %mul3A_15 : vector<1x128xf32> to vector<1024x128xf32>
    %add3A_781 = arith.addf %mul3A_779, %add3A_780 : vector<1024x128xf32>
    %round3A_782 = math.roundeven %add3A_781 : vector<1024x128xf32>
    %sub3A_783 = arith.subf %add3A_781, %round3A_782 : vector<1024x128xf32>
    %mul3A_784 = arith.mulf %sub3A_783, %sub3A_783 : vector<1024x128xf32>
    %broadcast_in_dim3A_785 = arith.constant 6.52865839 : f32
    %broadcast_in_dim3A_786 = vector.broadcast %broadcast_in_dim3A_785 : f32 to vector<1024x128xf32>
    %mul3A_787 = arith.mulf %broadcast_in_dim3A_786, %mul3A_784 : vector<1024x128xf32>
    %add3A_788 = arith.constant -2.596760e+01 : f32
    %add3A_789 = vector.broadcast %add3A_788 : f32 to vector<1024x128xf32>
    %add3A_790 = arith.addf %mul3A_787, %add3A_789 : vector<1024x128xf32>
    %mul3A_791 = arith.mulf %add3A_790, %mul3A_784 : vector<1024x128xf32>
    %add3A_792 = arith.constant 60.1676292 : f32
    %add3A_793 = vector.broadcast %add3A_792 : f32 to vector<1024x128xf32>
    %add3A_794 = arith.addf %mul3A_791, %add3A_793 : vector<1024x128xf32>
    %mul3A_795 = arith.mulf %add3A_794, %mul3A_784 : vector<1024x128xf32>
    %add3A_796 = arith.constant -85.4501419 : f32
    %add3A_797 = vector.broadcast %add3A_796 : f32 to vector<1024x128xf32>
    %add3A_798 = arith.addf %mul3A_795, %add3A_797 : vector<1024x128xf32>
    %mul3A_799 = arith.mulf %add3A_798, %mul3A_784 : vector<1024x128xf32>
    %add3A_800 = arith.constant 64.9391174 : f32
    %add3A_801 = vector.broadcast %add3A_800 : f32 to vector<1024x128xf32>
    %add3A_802 = arith.addf %mul3A_799, %add3A_801 : vector<1024x128xf32>
    %mul3A_803 = arith.mulf %add3A_802, %mul3A_784 : vector<1024x128xf32>
    %add3A_804 = arith.constant -19.7392044 : f32
    %add3A_805 = vector.broadcast %add3A_804 : f32 to vector<1024x128xf32>
    %add3A_806 = arith.addf %mul3A_803, %add3A_805 : vector<1024x128xf32>
    %mul3A_807 = arith.mulf %add3A_806, %mul3A_784 : vector<1024x128xf32>
    %add3A_808 = arith.constant 1.000000e+00 : f32
    %add3A_809 = vector.broadcast %add3A_808 : f32 to vector<1024x128xf32>
    %add3A_810 = arith.addf %mul3A_807, %add3A_809 : vector<1024x128xf32>
    %get3A_811 = arith.constant 0 : index
    %get3A_812 = arith.constant 8 : index
    %get3A_813 = vector.load %arg3[%get3A_811, %get3A_812] : memref<1024x16xf32, #tpu.memory_space<vmem>>, vector<1024x1xf32>
    %get3A_814 = arith.constant 0 : index
    %get3A_815 = arith.constant 0 : index
    %get3A_816 = vector.load %arg11[%get3A_814, %get3A_815] : memref<128x128xf32, #tpu.memory_space<vmem>>, vector<128x128xf32>
    %dot_general3A_817 = arith.constant dense<0.000000e+00> : vector<1024x128xf32>
    %dot_general3A_818 = tpu.matmul %get3A_772, %get3A_816, %dot_general3A_817 {dimension_numbers = #tpu.dot_dimension_numbers<[1], [0], [0], [1], [0, 0, 1, 1], [], []>, transpose_lhs_hint = false} : vector<1024x128xf32>, vector<128x128xf32>, vector<1024x128xf32> -> vector<1024x128xf32>
    %get3A_819 = arith.constant 0 : index
    %get3A_820 = arith.constant 0 : index
    %get3A_821 = vector.load %arg13[%get3A_819, %get3A_820] : memref<128x128xf32, #tpu.memory_space<vmem>>, vector<128x128xf32>
    %dot_general3A_822 = arith.constant dense<0.000000e+00> : vector<1024x128xf32>
    %dot_general3A_823 = tpu.matmul %add3A_810, %get3A_821, %dot_general3A_822 {dimension_numbers = #tpu.dot_dimension_numbers<[1], [0], [0], [1], [0, 0, 1, 1], [], []>, transpose_lhs_hint = false} : vector<1024x128xf32>, vector<128x128xf32>, vector<1024x128xf32> -> vector<1024x128xf32>
    %add3A_824 = arith.addf %dot_general3A_818, %dot_general3A_823 : vector<1024x128xf32>
    %get3A_825 = arith.constant 0 : index
    %get3A_826 = arith.constant 0 : index
    %get3A_827 = vector.load %arg12[%get3A_825, %get3A_826] : memref<1x128xf32, #tpu.memory_space<vmem>>, vector<1x128xf32>
    %mul3A_828 = vector.broadcast %get3A_813 : vector<1024x1xf32> to vector<1024x128xf32>
    %mul3A_829 = vector.broadcast %get3A_827 : vector<1x128xf32> to vector<1024x128xf32>
    %mul3A_830 = arith.mulf %mul3A_828, %mul3A_829 : vector<1024x128xf32>
    %add3A_831 = arith.addf %add3A_824, %mul3A_830 : vector<1024x128xf32>
    %get3A_832 = arith.constant 0 : index
    %get3A_833 = arith.constant 0 : index
    %get3A_834 = vector.load %arg14[%get3A_832, %get3A_833] : memref<128x128xf32, #tpu.memory_space<vmem>>, vector<128x128xf32>
    %dot_general3A_835 = arith.constant dense<0.000000e+00> : vector<1024x128xf32>
    %dot_general3A_836 = tpu.matmul %get3A_772, %get3A_834, %dot_general3A_835 {dimension_numbers = #tpu.dot_dimension_numbers<[1], [0], [0], [1], [0, 0, 1, 1], [], []>, transpose_lhs_hint = false} : vector<1024x128xf32>, vector<128x128xf32>, vector<1024x128xf32> -> vector<1024x128xf32>
    %get3A_837 = arith.constant 0 : index
    %get3A_838 = arith.constant 0 : index
    %get3A_839 = vector.load %arg16[%get3A_837, %get3A_838] : memref<128x128xf32, #tpu.memory_space<vmem>>, vector<128x128xf32>
    %dot_general3A_840 = arith.constant dense<0.000000e+00> : vector<1024x128xf32>
    %dot_general3A_841 = tpu.matmul %add3A_810, %get3A_839, %dot_general3A_840 {dimension_numbers = #tpu.dot_dimension_numbers<[1], [0], [0], [1], [0, 0, 1, 1], [], []>, transpose_lhs_hint = false} : vector<1024x128xf32>, vector<128x128xf32>, vector<1024x128xf32> -> vector<1024x128xf32>
    %add3A_842 = arith.addf %dot_general3A_836, %dot_general3A_841 : vector<1024x128xf32>
    %get3A_843 = arith.constant 0 : index
    %get3A_844 = arith.constant 0 : index
    %get3A_845 = vector.load %arg15[%get3A_843, %get3A_844] : memref<1x128xf32, #tpu.memory_space<vmem>>, vector<1x128xf32>
    %mul3A_846 = vector.broadcast %get3A_813 : vector<1024x1xf32> to vector<1024x128xf32>
    %mul3A_847 = vector.broadcast %get3A_845 : vector<1x128xf32> to vector<1024x128xf32>
    %mul3A_848 = arith.mulf %mul3A_846, %mul3A_847 : vector<1024x128xf32>
    %add3A_849 = arith.addf %add3A_842, %mul3A_848 : vector<1024x128xf32>
    %swap3A_850 = arith.constant 0 : index
    %swap3A_851 = arith.constant 1024 : index
    %swap3A_852 = vector.load %arg22[%swap3A_850, %swap3A_851] : memref<1024x1280xf32, #tpu.memory_space<vmem>>, vector<1024x128xf32>
    tpu.vector_store %arg22[%swap3A_850, %swap3A_851], %add3A_849 {strides = array<i32>} : memref<1024x1280xf32, #tpu.memory_space<vmem>>, vector<1024x128xf32>,
    %mul3A_853 = arith.mulf %add3A_51, %add3A_831 : vector<1024x128xf32>
    %get3A_854 = arith.constant 1024 : index
    %get3A_855 = arith.constant 0 : index
    %get3A_856 = vector.load %arg8[%get3A_854, %get3A_855] : memref<1280x32xf32, #tpu.memory_space<vmem>>, vector<128x32xf32>
    %dot_general3A_857 = arith.constant dense<0.000000e+00> : vector<1024x32xf32>
    %dot_general3A_858 = tpu.matmul %mul3A_853, %get3A_856, %dot_general3A_857 {dimension_numbers = #tpu.dot_dimension_numbers<[1], [0], [0], [1], [0, 0, 1, 1], [], []>, transpose_lhs_hint = false} : vector<1024x128xf32>, vector<128x32xf32>, vector<1024x32xf32> -> vector<1024x32xf32>
    %add3A_859 = arith.addf %add3A_769, %dot_general3A_858 : vector<1024x32xf32>
    %get3A_860 = arith.constant 0 : index
    %get3A_861 = arith.constant 1152 : index
    %get3A_862 = vector.load %arg5[%get3A_860, %get3A_861] : memref<1024x1280xf32, #tpu.memory_space<vmem>>, vector<1024x128xf32>
    %get3A_863 = arith.constant 0 : index
    %get3A_864 = arith.constant 9 : index
    %get3A_865 = vector.load %arg2[%get3A_863, %get3A_864] : memref<1024x16xf32, #tpu.memory_space<vmem>>, vector<1024x1xf32>
    %sub3A_866 = arith.subf %get3A_10, %get3A_865 : vector<1024x1xf32>
    %mul3A_867 = vector.broadcast %sub3A_866 : vector<1024x1xf32> to vector<1024x128xf32>
    %mul3A_868 = vector.broadcast %mul3A_12 : vector<1x128xf32> to vector<1024x128xf32>
    %mul3A_869 = arith.mulf %mul3A_867, %mul3A_868 : vector<1024x128xf32>
    %add3A_870 = vector.broadcast %mul3A_15 : vector<1x128xf32> to vector<1024x128xf32>
    %add3A_871 = arith.addf %mul3A_869, %add3A_870 : vector<1024x128xf32>
    %round3A_872 = math.roundeven %add3A_871 : vector<1024x128xf32>
    %sub3A_873 = arith.subf %add3A_871, %round3A_872 : vector<1024x128xf32>
    %mul3A_874 = arith.mulf %sub3A_873, %sub3A_873 : vector<1024x128xf32>
    %broadcast_in_dim3A_875 = arith.constant 6.52865839 : f32
    %broadcast_in_dim3A_876 = vector.broadcast %broadcast_in_dim3A_875 : f32 to vector<1024x128xf32>
    %mul3A_877 = arith.mulf %broadcast_in_dim3A_876, %mul3A_874 : vector<1024x128xf32>
    %add3A_878 = arith.constant -2.596760e+01 : f32
    %add3A_879 = vector.broadcast %add3A_878 : f32 to vector<1024x128xf32>
    %add3A_880 = arith.addf %mul3A_877, %add3A_879 : vector<1024x128xf32>
    %mul3A_881 = arith.mulf %add3A_880, %mul3A_874 : vector<1024x128xf32>
    %add3A_882 = arith.constant 60.1676292 : f32
    %add3A_883 = vector.broadcast %add3A_882 : f32 to vector<1024x128xf32>
    %add3A_884 = arith.addf %mul3A_881, %add3A_883 : vector<1024x128xf32>
    %mul3A_885 = arith.mulf %add3A_884, %mul3A_874 : vector<1024x128xf32>
    %add3A_886 = arith.constant -85.4501419 : f32
    %add3A_887 = vector.broadcast %add3A_886 : f32 to vector<1024x128xf32>
    %add3A_888 = arith.addf %mul3A_885, %add3A_887 : vector<1024x128xf32>
    %mul3A_889 = arith.mulf %add3A_888, %mul3A_874 : vector<1024x128xf32>
    %add3A_890 = arith.constant 64.9391174 : f32
    %add3A_891 = vector.broadcast %add3A_890 : f32 to vector<1024x128xf32>
    %add3A_892 = arith.addf %mul3A_889, %add3A_891 : vector<1024x128xf32>
    %mul3A_893 = arith.mulf %add3A_892, %mul3A_874 : vector<1024x128xf32>
    %add3A_894 = arith.constant -19.7392044 : f32
    %add3A_895 = vector.broadcast %add3A_894 : f32 to vector<1024x128xf32>
    %add3A_896 = arith.addf %mul3A_893, %add3A_895 : vector<1024x128xf32>
    %mul3A_897 = arith.mulf %add3A_896, %mul3A_874 : vector<1024x128xf32>
    %add3A_898 = arith.constant 1.000000e+00 : f32
    %add3A_899 = vector.broadcast %add3A_898 : f32 to vector<1024x128xf32>
    %add3A_900 = arith.addf %mul3A_897, %add3A_899 : vector<1024x128xf32>
    %get3A_901 = arith.constant 0 : index
    %get3A_902 = arith.constant 9 : index
    %get3A_903 = vector.load %arg3[%get3A_901, %get3A_902] : memref<1024x16xf32, #tpu.memory_space<vmem>>, vector<1024x1xf32>
    %get3A_904 = arith.constant 0 : index
    %get3A_905 = arith.constant 0 : index
    %get3A_906 = vector.load %arg11[%get3A_904, %get3A_905] : memref<128x128xf32, #tpu.memory_space<vmem>>, vector<128x128xf32>
    %dot_general3A_907 = arith.constant dense<0.000000e+00> : vector<1024x128xf32>
    %dot_general3A_908 = tpu.matmul %get3A_862, %get3A_906, %dot_general3A_907 {dimension_numbers = #tpu.dot_dimension_numbers<[1], [0], [0], [1], [0, 0, 1, 1], [], []>, transpose_lhs_hint = false} : vector<1024x128xf32>, vector<128x128xf32>, vector<1024x128xf32> -> vector<1024x128xf32>
    %get3A_909 = arith.constant 0 : index
    %get3A_910 = arith.constant 0 : index
    %get3A_911 = vector.load %arg13[%get3A_909, %get3A_910] : memref<128x128xf32, #tpu.memory_space<vmem>>, vector<128x128xf32>
    %dot_general3A_912 = arith.constant dense<0.000000e+00> : vector<1024x128xf32>
    %dot_general3A_913 = tpu.matmul %add3A_900, %get3A_911, %dot_general3A_912 {dimension_numbers = #tpu.dot_dimension_numbers<[1], [0], [0], [1], [0, 0, 1, 1], [], []>, transpose_lhs_hint = false} : vector<1024x128xf32>, vector<128x128xf32>, vector<1024x128xf32> -> vector<1024x128xf32>
    %add3A_914 = arith.addf %dot_general3A_908, %dot_general3A_913 : vector<1024x128xf32>
    %get3A_915 = arith.constant 0 : index
    %get3A_916 = arith.constant 0 : index
    %get3A_917 = vector.load %arg12[%get3A_915, %get3A_916] : memref<1x128xf32, #tpu.memory_space<vmem>>, vector<1x128xf32>
    %mul3A_918 = vector.broadcast %get3A_903 : vector<1024x1xf32> to vector<1024x128xf32>
    %mul3A_919 = vector.broadcast %get3A_917 : vector<1x128xf32> to vector<1024x128xf32>
    %mul3A_920 = arith.mulf %mul3A_918, %mul3A_919 : vector<1024x128xf32>
    %add3A_921 = arith.addf %add3A_914, %mul3A_920 : vector<1024x128xf32>
    %get3A_922 = arith.constant 0 : index
    %get3A_923 = arith.constant 0 : index
    %get3A_924 = vector.load %arg14[%get3A_922, %get3A_923] : memref<128x128xf32, #tpu.memory_space<vmem>>, vector<128x128xf32>
    %dot_general3A_925 = arith.constant dense<0.000000e+00> : vector<1024x128xf32>
    %dot_general3A_926 = tpu.matmul %get3A_862, %get3A_924, %dot_general3A_925 {dimension_numbers = #tpu.dot_dimension_numbers<[1], [0], [0], [1], [0, 0, 1, 1], [], []>, transpose_lhs_hint = false} : vector<1024x128xf32>, vector<128x128xf32>, vector<1024x128xf32> -> vector<1024x128xf32>
    %get3A_927 = arith.constant 0 : index
    %get3A_928 = arith.constant 0 : index
    %get3A_929 = vector.load %arg16[%get3A_927, %get3A_928] : memref<128x128xf32, #tpu.memory_space<vmem>>, vector<128x128xf32>
    %dot_general3A_930 = arith.constant dense<0.000000e+00> : vector<1024x128xf32>
    %dot_general3A_931 = tpu.matmul %add3A_900, %get3A_929, %dot_general3A_930 {dimension_numbers = #tpu.dot_dimension_numbers<[1], [0], [0], [1], [0, 0, 1, 1], [], []>, transpose_lhs_hint = false} : vector<1024x128xf32>, vector<128x128xf32>, vector<1024x128xf32> -> vector<1024x128xf32>
    %add3A_932 = arith.addf %dot_general3A_926, %dot_general3A_931 : vector<1024x128xf32>
    %get3A_933 = arith.constant 0 : index
    %get3A_934 = arith.constant 0 : index
    %get3A_935 = vector.load %arg15[%get3A_933, %get3A_934] : memref<1x128xf32, #tpu.memory_space<vmem>>, vector<1x128xf32>
    %mul3A_936 = vector.broadcast %get3A_903 : vector<1024x1xf32> to vector<1024x128xf32>
    %mul3A_937 = vector.broadcast %get3A_935 : vector<1x128xf32> to vector<1024x128xf32>
    %mul3A_938 = arith.mulf %mul3A_936, %mul3A_937 : vector<1024x128xf32>
    %add3A_939 = arith.addf %add3A_932, %mul3A_938 : vector<1024x128xf32>
    %swap3A_940 = arith.constant 0 : index
    %swap3A_941 = arith.constant 1152 : index
    %swap3A_942 = vector.load %arg22[%swap3A_940, %swap3A_941] : memref<1024x1280xf32, #tpu.memory_space<vmem>>, vector<1024x128xf32>
    tpu.vector_store %arg22[%swap3A_940, %swap3A_941], %add3A_939 {strides = array<i32>} : memref<1024x1280xf32, #tpu.memory_space<vmem>>, vector<1024x128xf32>,
    %mul3A_943 = arith.mulf %add3A_51, %add3A_921 : vector<1024x128xf32>
    %get3A_944 = arith.constant 1152 : index
    %get3A_945 = arith.constant 0 : index
    %get3A_946 = vector.load %arg8[%get3A_944, %get3A_945] : memref<1280x32xf32, #tpu.memory_space<vmem>>, vector<128x32xf32>
    %dot_general3A_947 = arith.constant dense<0.000000e+00> : vector<1024x32xf32>
    %dot_general3A_948 = tpu.matmul %mul3A_943, %get3A_946, %dot_general3A_947 {dimension_numbers = #tpu.dot_dimension_numbers<[1], [0], [0], [1], [0, 0, 1, 1], [], []>, transpose_lhs_hint = false} : vector<1024x128xf32>, vector<128x32xf32>, vector<1024x32xf32> -> vector<1024x32xf32>
    %add3A_949 = arith.addf %add3A_859, %dot_general3A_948 : vector<1024x32xf32>
    %slice3A = vector.extract_strided_slice %add3A_949 {offsets = [0, 0], sizes = [1024, 10], strides = [1, 1]} : vector<1024x32xf32> to vector<1024x10xf32>
    %mul3A_950 = arith.constant 1.250000e-01 : f32
    %mul3A_951 = vector.broadcast %mul3A_950 : f32 to vector<1024x10xf32>
    %mul3A_952 = arith.mulf %slice3A, %mul3A_951 : vector<1024x10xf32>
    %slice3A_953 = vector.extract_strided_slice %add3A_949 {offsets = [0, 16], sizes = [1024, 10], strides = [1, 1]} : vector<1024x32xf32> to vector<1024x10xf32>
    %mul3A_954 = arith.constant 1.250000e-01 : f32
    %mul3A_955 = vector.broadcast %mul3A_954 : f32 to vector<1024x10xf32>
    %mul3A_956 = arith.mulf %slice3A_953, %mul3A_955 : vector<1024x10xf32>
    %reduce_max3A = arith.constant dense<0xFF800000> : vector<1024xf32>
    %reduce_max3A_957 = vector.multi_reduction <maximumf>, %mul3A_952, %reduce_max3A [1] : vector<1024x10xf32> to vector<1024xf32>
    %broadcast_in_dim3A_958 = vector.shape_cast %reduce_max3A_957 : vector<1024xf32> to vector<1024x1xf32>
    %sub3A_959 = vector.broadcast %broadcast_in_dim3A_958 : vector<1024x1xf32> to vector<1024x10xf32>
    %sub3A_960 = arith.subf %mul3A_952, %sub3A_959 : vector<1024x10xf32>
    %exp3A = math.exp %sub3A_960 : vector<1024x10xf32>
    %reduce_max3A_961 = arith.constant dense<0xFF800000> : vector<1024xf32>
    %reduce_max3A_962 = vector.multi_reduction <maximumf>, %mul3A_956, %reduce_max3A_961 [1] : vector<1024x10xf32> to vector<1024xf32>
    %broadcast_in_dim3A_963 = vector.shape_cast %reduce_max3A_962 : vector<1024xf32> to vector<1024x1xf32>
    %sub3A_964 = vector.broadcast %broadcast_in_dim3A_963 : vector<1024x1xf32> to vector<1024x10xf32>
    %sub3A_965 = arith.subf %mul3A_956, %sub3A_964 : vector<1024x10xf32>
    %exp3A_966 = math.exp %sub3A_965 : vector<1024x10xf32>
    %reduce_sum3A = arith.constant dense<0.000000e+00> : vector<1024xf32>
    %reduce_sum3A_967 = vector.multi_reduction <add>, %exp3A, %reduce_sum3A [1] : vector<1024x10xf32> to vector<1024xf32>
    %broadcast_in_dim3A_968 = vector.shape_cast %reduce_sum3A_967 : vector<1024xf32> to vector<1024x1xf32>
    %div3A = vector.broadcast %broadcast_in_dim3A_968 : vector<1024x1xf32> to vector<1024x10xf32>
    %div3A_969 = arith.divf %exp3A, %div3A : vector<1024x10xf32>
    %reduce_sum3A_970 = arith.constant dense<0.000000e+00> : vector<1024xf32>
    %reduce_sum3A_971 = vector.multi_reduction <add>, %exp3A_966, %reduce_sum3A_970 [1] : vector<1024x10xf32> to vector<1024xf32>
    %broadcast_in_dim3A_972 = vector.shape_cast %reduce_sum3A_971 : vector<1024xf32> to vector<1024x1xf32>
    %div3A_973 = vector.broadcast %broadcast_in_dim3A_972 : vector<1024x1xf32> to vector<1024x10xf32>
    %div3A_974 = arith.divf %exp3A_966, %div3A_973 : vector<1024x10xf32>
    %slice3A_975 = vector.extract_strided_slice %div3A_969 {offsets = [0, 0], sizes = [1024, 1], strides = [1, 1]} : vector<1024x10xf32> to vector<1024x1xf32>
    %get3A_976 = arith.constant 0 : index
    %get3A_977 = arith.constant 0 : index
    %get3A_978 = vector.load %arg22[%get3A_976, %get3A_977] : memref<1024x1280xf32, #tpu.memory_space<vmem>>, vector<1024x64xf32>
    %mul3A_979 = vector.broadcast %slice3A_975 : vector<1024x1xf32> to vector<1024x64xf32>
    %mul3A_980 = arith.mulf %mul3A_979, %get3A_978 : vector<1024x64xf32>
    %slice3A_981 = vector.extract_strided_slice %div3A_974 {offsets = [0, 0], sizes = [1024, 1], strides = [1, 1]} : vector<1024x10xf32> to vector<1024x1xf32>
    %get3A_982 = arith.constant 0 : index
    %get3A_983 = arith.constant 64 : index
    %get3A_984 = vector.load %arg22[%get3A_982, %get3A_983] : memref<1024x1280xf32, #tpu.memory_space<vmem>>, vector<1024x64xf32>
    %mul3A_985 = vector.broadcast %slice3A_981 : vector<1024x1xf32> to vector<1024x64xf32>
    %mul3A_986 = arith.mulf %mul3A_985, %get3A_984 : vector<1024x64xf32>
    %slice3A_987 = vector.extract_strided_slice %div3A_969 {offsets = [0, 1], sizes = [1024, 1], strides = [1, 1]} : vector<1024x10xf32> to vector<1024x1xf32>
    %get3A_988 = arith.constant 0 : index
    %get3A_989 = arith.constant 128 : index
    %get3A_990 = vector.load %arg22[%get3A_988, %get3A_989] : memref<1024x1280xf32, #tpu.memory_space<vmem>>, vector<1024x64xf32>
    %mul3A_991 = vector.broadcast %slice3A_987 : vector<1024x1xf32> to vector<1024x64xf32>
    %mul3A_992 = arith.mulf %mul3A_991, %get3A_990 : vector<1024x64xf32>
    %add3A_993 = arith.addf %mul3A_980, %mul3A_992 : vector<1024x64xf32>
    %slice3A_994 = vector.extract_strided_slice %div3A_974 {offsets = [0, 1], sizes = [1024, 1], strides = [1, 1]} : vector<1024x10xf32> to vector<1024x1xf32>
    %get3A_995 = arith.constant 0 : index
    %get3A_996 = arith.constant 192 : index
    %get3A_997 = vector.load %arg22[%get3A_995, %get3A_996] : memref<1024x1280xf32, #tpu.memory_space<vmem>>, vector<1024x64xf32>
    %mul3A_998 = vector.broadcast %slice3A_994 : vector<1024x1xf32> to vector<1024x64xf32>
    %mul3A_999 = arith.mulf %mul3A_998, %get3A_997 : vector<1024x64xf32>
    %add3A_1000 = arith.addf %mul3A_986, %mul3A_999 : vector<1024x64xf32>
    %slice3A_1001 = vector.extract_strided_slice %div3A_969 {offsets = [0, 2], sizes = [1024, 1], strides = [1, 1]} : vector<1024x10xf32> to vector<1024x1xf32>
    %get3A_1002 = arith.constant 0 : index
    %get3A_1003 = arith.constant 256 : index
    %get3A_1004 = vector.load %arg22[%get3A_1002, %get3A_1003] : memref<1024x1280xf32, #tpu.memory_space<vmem>>, vector<1024x64xf32>
    %mul3A_1005 = vector.broadcast %slice3A_1001 : vector<1024x1xf32> to vector<1024x64xf32>
    %mul3A_1006 = arith.mulf %mul3A_1005, %get3A_1004 : vector<1024x64xf32>
    %add3A_1007 = arith.addf %add3A_993, %mul3A_1006 : vector<1024x64xf32>
    %slice3A_1008 = vector.extract_strided_slice %div3A_974 {offsets = [0, 2], sizes = [1024, 1], strides = [1, 1]} : vector<1024x10xf32> to vector<1024x1xf32>
    %get3A_1009 = arith.constant 0 : index
    %get3A_1010 = arith.constant 320 : index
    %get3A_1011 = vector.load %arg22[%get3A_1009, %get3A_1010] : memref<1024x1280xf32, #tpu.memory_space<vmem>>, vector<1024x64xf32>
    %mul3A_1012 = vector.broadcast %slice3A_1008 : vector<1024x1xf32> to vector<1024x64xf32>
    %mul3A_1013 = arith.mulf %mul3A_1012, %get3A_1011 : vector<1024x64xf32>
    %add3A_1014 = arith.addf %add3A_1000, %mul3A_1013 : vector<1024x64xf32>
    %slice3A_1015 = vector.extract_strided_slice %div3A_969 {offsets = [0, 3], sizes = [1024, 1], strides = [1, 1]} : vector<1024x10xf32> to vector<1024x1xf32>
    %get3A_1016 = arith.constant 0 : index
    %get3A_1017 = arith.constant 384 : index
    %get3A_1018 = vector.load %arg22[%get3A_1016, %get3A_1017] : memref<1024x1280xf32, #tpu.memory_space<vmem>>, vector<1024x64xf32>
    %mul3A_1019 = vector.broadcast %slice3A_1015 : vector<1024x1xf32> to vector<1024x64xf32>
    %mul3A_1020 = arith.mulf %mul3A_1019, %get3A_1018 : vector<1024x64xf32>
    %add3A_1021 = arith.addf %add3A_1007, %mul3A_1020 : vector<1024x64xf32>
    %slice3A_1022 = vector.extract_strided_slice %div3A_974 {offsets = [0, 3], sizes = [1024, 1], strides = [1, 1]} : vector<1024x10xf32> to vector<1024x1xf32>
    %get3A_1023 = arith.constant 0 : index
    %get3A_1024 = arith.constant 448 : index
    %get3A_1025 = vector.load %arg22[%get3A_1023, %get3A_1024] : memref<1024x1280xf32, #tpu.memory_space<vmem>>, vector<1024x64xf32>
    %mul3A_1026 = vector.broadcast %slice3A_1022 : vector<1024x1xf32> to vector<1024x64xf32>
    %mul3A_1027 = arith.mulf %mul3A_1026, %get3A_1025 : vector<1024x64xf32>
    %add3A_1028 = arith.addf %add3A_1014, %mul3A_1027 : vector<1024x64xf32>
    %slice3A_1029 = vector.extract_strided_slice %div3A_969 {offsets = [0, 4], sizes = [1024, 1], strides = [1, 1]} : vector<1024x10xf32> to vector<1024x1xf32>
    %get3A_1030 = arith.constant 0 : index
    %get3A_1031 = arith.constant 512 : index
    %get3A_1032 = vector.load %arg22[%get3A_1030, %get3A_1031] : memref<1024x1280xf32, #tpu.memory_space<vmem>>, vector<1024x64xf32>
    %mul3A_1033 = vector.broadcast %slice3A_1029 : vector<1024x1xf32> to vector<1024x64xf32>
    %mul3A_1034 = arith.mulf %mul3A_1033, %get3A_1032 : vector<1024x64xf32>
    %add3A_1035 = arith.addf %add3A_1021, %mul3A_1034 : vector<1024x64xf32>
    %slice3A_1036 = vector.extract_strided_slice %div3A_974 {offsets = [0, 4], sizes = [1024, 1], strides = [1, 1]} : vector<1024x10xf32> to vector<1024x1xf32>
    %get3A_1037 = arith.constant 0 : index
    %get3A_1038 = arith.constant 576 : index
    %get3A_1039 = vector.load %arg22[%get3A_1037, %get3A_1038] : memref<1024x1280xf32, #tpu.memory_space<vmem>>, vector<1024x64xf32>
    %mul3A_1040 = vector.broadcast %slice3A_1036 : vector<1024x1xf32> to vector<1024x64xf32>
    %mul3A_1041 = arith.mulf %mul3A_1040, %get3A_1039 : vector<1024x64xf32>
    %add3A_1042 = arith.addf %add3A_1028, %mul3A_1041 : vector<1024x64xf32>
    %slice3A_1043 = vector.extract_strided_slice %div3A_969 {offsets = [0, 5], sizes = [1024, 1], strides = [1, 1]} : vector<1024x10xf32> to vector<1024x1xf32>
    %get3A_1044 = arith.constant 0 : index
    %get3A_1045 = arith.constant 640 : index
    %get3A_1046 = vector.load %arg22[%get3A_1044, %get3A_1045] : memref<1024x1280xf32, #tpu.memory_space<vmem>>, vector<1024x64xf32>
    %mul3A_1047 = vector.broadcast %slice3A_1043 : vector<1024x1xf32> to vector<1024x64xf32>
    %mul3A_1048 = arith.mulf %mul3A_1047, %get3A_1046 : vector<1024x64xf32>
    %add3A_1049 = arith.addf %add3A_1035, %mul3A_1048 : vector<1024x64xf32>
    %slice3A_1050 = vector.extract_strided_slice %div3A_974 {offsets = [0, 5], sizes = [1024, 1], strides = [1, 1]} : vector<1024x10xf32> to vector<1024x1xf32>
    %get3A_1051 = arith.constant 0 : index
    %get3A_1052 = arith.constant 704 : index
    %get3A_1053 = vector.load %arg22[%get3A_1051, %get3A_1052] : memref<1024x1280xf32, #tpu.memory_space<vmem>>, vector<1024x64xf32>
    %mul3A_1054 = vector.broadcast %slice3A_1050 : vector<1024x1xf32> to vector<1024x64xf32>
    %mul3A_1055 = arith.mulf %mul3A_1054, %get3A_1053 : vector<1024x64xf32>
    %add3A_1056 = arith.addf %add3A_1042, %mul3A_1055 : vector<1024x64xf32>
    %slice3A_1057 = vector.extract_strided_slice %div3A_969 {offsets = [0, 6], sizes = [1024, 1], strides = [1, 1]} : vector<1024x10xf32> to vector<1024x1xf32>
    %get3A_1058 = arith.constant 0 : index
    %get3A_1059 = arith.constant 768 : index
    %get3A_1060 = vector.load %arg22[%get3A_1058, %get3A_1059] : memref<1024x1280xf32, #tpu.memory_space<vmem>>, vector<1024x64xf32>
    %mul3A_1061 = vector.broadcast %slice3A_1057 : vector<1024x1xf32> to vector<1024x64xf32>
    %mul3A_1062 = arith.mulf %mul3A_1061, %get3A_1060 : vector<1024x64xf32>
    %add3A_1063 = arith.addf %add3A_1049, %mul3A_1062 : vector<1024x64xf32>
    %slice3A_1064 = vector.extract_strided_slice %div3A_974 {offsets = [0, 6], sizes = [1024, 1], strides = [1, 1]} : vector<1024x10xf32> to vector<1024x1xf32>
    %get3A_1065 = arith.constant 0 : index
    %get3A_1066 = arith.constant 832 : index
    %get3A_1067 = vector.load %arg22[%get3A_1065, %get3A_1066] : memref<1024x1280xf32, #tpu.memory_space<vmem>>, vector<1024x64xf32>
    %mul3A_1068 = vector.broadcast %slice3A_1064 : vector<1024x1xf32> to vector<1024x64xf32>
    %mul3A_1069 = arith.mulf %mul3A_1068, %get3A_1067 : vector<1024x64xf32>
    %add3A_1070 = arith.addf %add3A_1056, %mul3A_1069 : vector<1024x64xf32>
    %slice3A_1071 = vector.extract_strided_slice %div3A_969 {offsets = [0, 7], sizes = [1024, 1], strides = [1, 1]} : vector<1024x10xf32> to vector<1024x1xf32>
    %get3A_1072 = arith.constant 0 : index
    %get3A_1073 = arith.constant 896 : index
    %get3A_1074 = vector.load %arg22[%get3A_1072, %get3A_1073] : memref<1024x1280xf32, #tpu.memory_space<vmem>>, vector<1024x64xf32>
    %mul3A_1075 = vector.broadcast %slice3A_1071 : vector<1024x1xf32> to vector<1024x64xf32>
    %mul3A_1076 = arith.mulf %mul3A_1075, %get3A_1074 : vector<1024x64xf32>
    %add3A_1077 = arith.addf %add3A_1063, %mul3A_1076 : vector<1024x64xf32>
    %slice3A_1078 = vector.extract_strided_slice %div3A_974 {offsets = [0, 7], sizes = [1024, 1], strides = [1, 1]} : vector<1024x10xf32> to vector<1024x1xf32>
    %get3A_1079 = arith.constant 0 : index
    %get3A_1080 = arith.constant 960 : index
    %get3A_1081 = vector.load %arg22[%get3A_1079, %get3A_1080] : memref<1024x1280xf32, #tpu.memory_space<vmem>>, vector<1024x64xf32>
    %mul3A_1082 = vector.broadcast %slice3A_1078 : vector<1024x1xf32> to vector<1024x64xf32>
    %mul3A_1083 = arith.mulf %mul3A_1082, %get3A_1081 : vector<1024x64xf32>
    %add3A_1084 = arith.addf %add3A_1070, %mul3A_1083 : vector<1024x64xf32>
    %slice3A_1085 = vector.extract_strided_slice %div3A_969 {offsets = [0, 8], sizes = [1024, 1], strides = [1, 1]} : vector<1024x10xf32> to vector<1024x1xf32>
    %get3A_1086 = arith.constant 0 : index
    %get3A_1087 = arith.constant 1024 : index
    %get3A_1088 = vector.load %arg22[%get3A_1086, %get3A_1087] : memref<1024x1280xf32, #tpu.memory_space<vmem>>, vector<1024x64xf32>
    %mul3A_1089 = vector.broadcast %slice3A_1085 : vector<1024x1xf32> to vector<1024x64xf32>
    %mul3A_1090 = arith.mulf %mul3A_1089, %get3A_1088 : vector<1024x64xf32>
    %add3A_1091 = arith.addf %add3A_1077, %mul3A_1090 : vector<1024x64xf32>
    %slice3A_1092 = vector.extract_strided_slice %div3A_974 {offsets = [0, 8], sizes = [1024, 1], strides = [1, 1]} : vector<1024x10xf32> to vector<1024x1xf32>
    %get3A_1093 = arith.constant 0 : index
    %get3A_1094 = arith.constant 1088 : index
    %get3A_1095 = vector.load %arg22[%get3A_1093, %get3A_1094] : memref<1024x1280xf32, #tpu.memory_space<vmem>>, vector<1024x64xf32>
    %mul3A_1096 = vector.broadcast %slice3A_1092 : vector<1024x1xf32> to vector<1024x64xf32>
    %mul3A_1097 = arith.mulf %mul3A_1096, %get3A_1095 : vector<1024x64xf32>
    %add3A_1098 = arith.addf %add3A_1084, %mul3A_1097 : vector<1024x64xf32>
    %slice3A_1099 = vector.extract_strided_slice %div3A_969 {offsets = [0, 9], sizes = [1024, 1], strides = [1, 1]} : vector<1024x10xf32> to vector<1024x1xf32>
    %get3A_1100 = arith.constant 0 : index
    %get3A_1101 = arith.constant 1152 : index
    %get3A_1102 = vector.load %arg22[%get3A_1100, %get3A_1101] : memref<1024x1280xf32, #tpu.memory_space<vmem>>, vector<1024x64xf32>
    %mul3A_1103 = vector.broadcast %slice3A_1099 : vector<1024x1xf32> to vector<1024x64xf32>
    %mul3A_1104 = arith.mulf %mul3A_1103, %get3A_1102 : vector<1024x64xf32>
    %add3A_1105 = arith.addf %add3A_1091, %mul3A_1104 : vector<1024x64xf32>
    %slice3A_1106 = vector.extract_strided_slice %div3A_974 {offsets = [0, 9], sizes = [1024, 1], strides = [1, 1]} : vector<1024x10xf32> to vector<1024x1xf32>
    %get3A_1107 = arith.constant 0 : index
    %get3A_1108 = arith.constant 1216 : index
    %get3A_1109 = vector.load %arg22[%get3A_1107, %get3A_1108] : memref<1024x1280xf32, #tpu.memory_space<vmem>>, vector<1024x64xf32>
    %mul3A_1110 = vector.broadcast %slice3A_1106 : vector<1024x1xf32> to vector<1024x64xf32>
    %mul3A_1111 = arith.mulf %mul3A_1110, %get3A_1109 : vector<1024x64xf32>
    %add3A_1112 = arith.addf %add3A_1098, %mul3A_1111 : vector<1024x64xf32>
    %concatenate3A = tpu.concatenate %add3A_1105, %add3A_1112 in 1 : vector<1024x64xf32>, vector<1024x64xf32> -> vector<1024x128xf32>
    %get3A_1113 = arith.constant 0 : index
    %get3A_1114 = arith.constant 0 : index
    %get3A_1115 = vector.load %arg17[%get3A_1113, %get3A_1114] : memref<128x128xf32, #tpu.memory_space<vmem>>, vector<128x128xf32>
    %dot_general3A_1116 = arith.constant dense<0.000000e+00> : vector<1024x128xf32>
    %dot_general3A_1117 = tpu.matmul %concatenate3A, %get3A_1115, %dot_general3A_1116 {dimension_numbers = #tpu.dot_dimension_numbers<[1], [0], [0], [1], [0, 0, 1, 1], [], []>, transpose_lhs_hint = false} : vector<1024x128xf32>, vector<128x128xf32>, vector<1024x128xf32> -> vector<1024x128xf32>
    %get3A_1118 = arith.constant 0 : index
    %get3A_1119 = arith.constant 0 : index
    %get3A_1120 = vector.load %arg18[%get3A_1118, %get3A_1119] : memref<128x128xf32, #tpu.memory_space<vmem>>, vector<128x128xf32>
    %dot_general3A_1121 = arith.constant dense<0.000000e+00> : vector<1024x128xf32>
    %dot_general3A_1122 = tpu.matmul %dot_general3A_1117, %get3A_1120, %dot_general3A_1121 {dimension_numbers = #tpu.dot_dimension_numbers<[1], [0], [0], [1], [0, 0, 1, 1], [], []>, transpose_lhs_hint = false} : vector<1024x128xf32>, vector<128x128xf32>, vector<1024x128xf32> -> vector<1024x128xf32>
    %get3A_1123 = arith.constant 0 : index
    %get3A_1124 = arith.constant 0 : index
    %get3A_1125 = vector.load %arg19[%get3A_1123, %get3A_1124] : memref<128x128xf32, #tpu.memory_space<vmem>>, vector<128x128xf32>
    %dot_general3A_1126 = arith.constant dense<0.000000e+00> : vector<1024x128xf32>
    %dot_general3A_1127 = tpu.matmul %get3A_1, %get3A_1125, %dot_general3A_1126 {dimension_numbers = #tpu.dot_dimension_numbers<[1], [0], [0], [1], [0, 0, 1, 1], [], []>, transpose_lhs_hint = false} : vector<1024x128xf32>, vector<128x128xf32>, vector<1024x128xf32> -> vector<1024x128xf32>
    %add3A_1128 = arith.addf %dot_general3A_1122, %dot_general3A_1127 : vector<1024x128xf32>
    %max3A = arith.constant 0.000000e+00 : f32
    %max3A_1129 = vector.broadcast %max3A : f32 to vector<1024x128xf32>
    %max3A_1130 = arith.maximumf %add3A_1128, %max3A_1129 : vector<1024x128xf32>
    %get3A_1131 = arith.constant 0 : index
    %get3A_1132 = arith.constant 0 : index
    %get3A_1133 = vector.load %arg20[%get3A_1131, %get3A_1132] : memref<128x128xf32, #tpu.memory_space<vmem>>, vector<128x128xf32>
    %dot_general3A_1134 = arith.constant dense<0.000000e+00> : vector<1024x128xf32>
    %dot_general3A_1135 = tpu.matmul %max3A_1130, %get3A_1133, %dot_general3A_1134 {dimension_numbers = #tpu.dot_dimension_numbers<[1], [0], [0], [1], [0, 0, 1, 1], [], []>, transpose_lhs_hint = false} : vector<1024x128xf32>, vector<128x128xf32>, vector<1024x128xf32> -> vector<1024x128xf32>
    %swap3A_1136 = arith.constant 0 : index
    %swap3A_1137 = arith.constant 0 : index
    %swap3A_1138 = vector.load %arg21[%swap3A_1136, %swap3A_1137] : memref<1024x128xf32, #tpu.memory_space<vmem>>, vector<1024x128xf32>
    tpu.vector_store %arg21[%swap3A_1136, %swap3A_1137], %dot_general3A_1135 {strides = array<i32>} : memref<1024x128xf32, #tpu.memory_space<vmem>>, vector<1024x128xf32>,
    return
  }
  func.func @transform_0(%arg0: i32) -> (i32, i32) {
    %c0_i32 = arith.constant 0 : i32
    %c0_i32_0 = arith.constant 0 : i32
    return %arg0, %c0_i32 : i32, i32
  }
  func.func @transform_1(%arg0: i32) -> (i32, i32) {
    %c0_i32 = arith.constant 0 : i32
    %c0_i32_0 = arith.constant 0 : i32
    return %arg0, %c0_i32 : i32, i32
  }
  func.func @transform_2(%arg0: i32) -> (i32, i32) {
    %c0_i32 = arith.constant 0 : i32
    %c0_i32_0 = arith.constant 0 : i32
    return %arg0, %c0_i32 : i32, i32
  }
  func.func @transform_3(%arg0: i32) -> (i32, i32) {
    %c0_i32 = arith.constant 0 : i32
    %c0_i32_0 = arith.constant 0 : i32
    return %arg0, %c0_i32 : i32, i32
  }
  func.func @transform_4(%arg0: i32) -> (i32, i32) {
    %c0_i32 = arith.constant 0 : i32
    %c0_i32_0 = arith.constant 0 : i32
    return %arg0, %c0_i32 : i32, i32
  }
  func.func @transform_5(%arg0: i32) -> (i32, i32) {
    %c0_i32 = arith.constant 0 : i32
    %c0_i32_0 = arith.constant 0 : i32
    %c0_i32_1 = arith.constant 0 : i32
    return %c0_i32, %c0_i32_0 : i32, i32
  }
  func.func @transform_6(%arg0: i32) -> (i32, i32) {
    %c0_i32 = arith.constant 0 : i32
    %c0_i32_0 = arith.constant 0 : i32
    %c0_i32_1 = arith.constant 0 : i32
    return %c0_i32, %c0_i32_0 : i32, i32
  }
  func.func @transform_7(%arg0: i32) -> (i32, i32) {
    %c0_i32 = arith.constant 0 : i32
    %c0_i32_0 = arith.constant 0 : i32
    %c0_i32_1 = arith.constant 0 : i32
    return %c0_i32, %c0_i32_0 : i32, i32
  }
  func.func @transform_8(%arg0: i32) -> (i32, i32) {
    %c0_i32 = arith.constant 0 : i32
    %c0_i32_0 = arith.constant 0 : i32
    %c0_i32_1 = arith.constant 0 : i32
    return %c0_i32, %c0_i32_0 : i32, i32
  }
  func.func @transform_9(%arg0: i32) -> (i32, i32) {
    %c0_i32 = arith.constant 0 : i32
    %c0_i32_0 = arith.constant 0 : i32
    %c0_i32_1 = arith.constant 0 : i32
    return %c0_i32, %c0_i32_0 : i32, i32
  }
  func.func @transform_10(%arg0: i32) -> (i32, i32) {
    %c0_i32 = arith.constant 0 : i32
    %c0_i32_0 = arith.constant 0 : i32
    %c0_i32_1 = arith.constant 0 : i32
    return %c0_i32, %c0_i32_0 : i32, i32
  }
  func.func @transform_11(%arg0: i32) -> (i32, i32) {
    %c0_i32 = arith.constant 0 : i32
    %c0_i32_0 = arith.constant 0 : i32
    %c0_i32_1 = arith.constant 0 : i32
    return %c0_i32, %c0_i32_0 : i32, i32
  }
  func.func @transform_12(%arg0: i32) -> (i32, i32) {
    %c0_i32 = arith.constant 0 : i32
    %c0_i32_0 = arith.constant 0 : i32
    %c0_i32_1 = arith.constant 0 : i32
    return %c0_i32, %c0_i32_0 : i32, i32
  }
  func.func @transform_13(%arg0: i32) -> (i32, i32) {
    %c0_i32 = arith.constant 0 : i32
    %c0_i32_0 = arith.constant 0 : i32
    %c0_i32_1 = arith.constant 0 : i32
    return %c0_i32, %c0_i32_0 : i32, i32
  }
  func.func @transform_14(%arg0: i32) -> (i32, i32) {
    %c0_i32 = arith.constant 0 : i32
    %c0_i32_0 = arith.constant 0 : i32
    %c0_i32_1 = arith.constant 0 : i32
    return %c0_i32, %c0_i32_0 : i32, i32
  }
  func.func @transform_15(%arg0: i32) -> (i32, i32) {
    %c0_i32 = arith.constant 0 : i32
    %c0_i32_0 = arith.constant 0 : i32
    %c0_i32_1 = arith.constant 0 : i32
    return %c0_i32, %c0_i32_0 : i32, i32
  }
  func.func @transform_16(%arg0: i32) -> (i32, i32) {
    %c0_i32 = arith.constant 0 : i32
    %c0_i32_0 = arith.constant 0 : i32
    %c0_i32_1 = arith.constant 0 : i32
    return %c0_i32, %c0_i32_0 : i32, i32
  }
  func.func @transform_17(%arg0: i32) -> (i32, i32) {
    %c0_i32 = arith.constant 0 : i32
    %c0_i32_0 = arith.constant 0 : i32
    %c0_i32_1 = arith.constant 0 : i32
    return %c0_i32, %c0_i32_0 : i32, i32
  }
  func.func @transform_18(%arg0: i32) -> (i32, i32) {
    %c0_i32 = arith.constant 0 : i32
    %c0_i32_0 = arith.constant 0 : i32
    %c0_i32_1 = arith.constant 0 : i32
    return %c0_i32, %c0_i32_0 : i32, i32
  }
  func.func @transform_19(%arg0: i32) -> (i32, i32) {
    %c0_i32 = arith.constant 0 : i32
    %c0_i32_0 = arith.constant 0 : i32
    %c0_i32_1 = arith.constant 0 : i32
    return %c0_i32, %c0_i32_0 : i32, i32
  }
  func.func @transform_20(%arg0: i32) -> (i32, i32) {
    %c0_i32 = arith.constant 0 : i32
    %c0_i32_0 = arith.constant 0 : i32
    return %arg0, %c0_i32 : i32, i32
  }
}

</mosaic_0001>

<sc_bundles>
// kernel: kernel.11.cloned.1.call-start
scs
__scs_entry_jumppad:
0x0: {  	(pc) =	sbr.rel $0x88, $3  }
0x1: {  	(tag) =	ssettag $0x0;
	lr =	simm.s32 $0x1  }
0x2: {  	[smem:$0x3F90] =	sst lr;
	_ =	strace $0xD0000000  }
0x3: {  	_ = 	snop  }
0x4: {  	_ = 	snop  }
0x5: {  	_ = 	snop  }
0x6: {  	_ = 	snop  }
0x7: {  	_ = 	snop  }
__scs_overlays_trampoline_lowered:
0x8: {  	[smem:$0x3F9F] =	sst s0  }
0x9: {  	[smem:$0x3FA0] =	sst s1  }
0xa: {  	[smem:$0x3FA1] =	sst s2  }
0xb: {  	[smem:$0x3FA2] =	sst s3  }
0xc: {  	[smem:$0x3FA3] =	sst s4  }
0xd: {  	[smem:$0x3FA4] =	sst s5  }
0xe: {  	[smem:$0x3FA5] =	sst s6  }
0xf: {  	[smem:$0x3FA6] =	sst s7  }
0x10: {  	[smem:$0x3FA7] =	sst s8  }
0x11: {  	[smem:$0x3FA8] =	sst s9;
	s0 =	simm.s32 @!p0 $0x0  }
0x12: {  	s1 =	sld [smem:$0x3F8E];
	s0 =	simm.s32 @p0 $0x1  }
0x13: {  	[smem:$0x3FA9] =	sst s0;
	s0 =	simm.s32 @!p1 $0x0  }
0x14: {  	s2 =	sld [smem:$0x3F8D];
	s0 =	simm.s32 @p1 $0x1  }
0x15: {  	[smem:$0x3FAA] =	sst s0;
	s0 =	simm.s32 @!p2 $0x0  }
0x16: {  	s3 =	sld [smem:$0x3FDB];
	s0 =	simm.s32 @p2 $0x1  }
0x17: {  	s4 =	simm.s32 $0x1BF5;
	[smem:$0x3FAC] =	sst s0  }
0x18: {  	s0 =	sld [smem:$0x3F8F];
	_ =	swait.ge [sflag:s4], $0x0  }
0x19: {  	s7 =	sld [smem:$0x3F90]  }
0x1a: {  	s8 =	sadd.s32 $0xFFFFE003, lr  }
0x1b: {  	s9 =	sadd.s32 $0xFFFFFEF7, lr;
	s5 =	simm.s32 $0xFFFFFFFF;
	p2 =	slt.u32 s8, $0xFFFFF086  }
0x1c: {  	p1 =	slt.u32 s9, $0xF7A;
	s5 =	simm.s32 @!p2 $0x0  }
0x1d: {  	s5 =	simm.s32 @p1 $0x1;
	p0 =	seq.s32 s7, s2  }
0x1e: {  	s7 =	smul.u32 @!p0 $0xF7A, s2;
	p2 =	seq.s32 @!p0 s5, $0x0  }
0x1f: {  	s9 =	smul.u32 $0xF7A, s1;
	s8 =	simm.s32 @!p0 $0x1BF5;
	p2 =	por !p2, p0  }
0x20: {  	[sflag:s8] =	ssyncset.s32 @!p0 $0xFFFFF086;
	s6 =	sadd.s32 @!p0 s3, s7;
	s7 =	simm.s32 @!p0 $0x108  }
0x21: {  	s3 =	sadd.s32 s3, s9;
	s6 =	sadd.s32 @!p0 $0x88, s6;
	s7 =	simm.s32 @p2 $0x1082  }
0x22: {  	[simem:s7], [sflag:s8] =	dma.local @!p0 [hbm:s6], $0xF7A  }
0x23: {  	s9 =	sor.u32 $0xD0000000, s2;
	s6 =	simm.s32 $0x108;
	_ =	swait.ge @!p0 [sflag:s8], $0x0  }
0x24: {  	s3 =	sadd.s32 $0x88, s3;
	s6 =	simm.s32 @!p1 $0x1082;
	[sflag:s4] =	ssyncset.s32 $0xFFFFF086  }
0x25: {  	[simem:s6], [sflag:s4] =	dma.local [hbm:s3], $0xF7A  }
0x26: {  	[smem:$0x3F90] =	sst s1;
	(tag) =	ssettag s2;
	_ =	strace s9  }
0x27: {  	s1 =	sld [smem:$0x3FA0]  }
0x28: {  	s2 =	sld [smem:$0x3FA1]  }
0x29: {  	s4 =	sld [smem:$0x3FA3]  }
0x2a: {  	p0 =	seq.s32 s5, $0x0;
	s5 =	sld [smem:$0x3FA4]  }
0x2b: {  	s6 =	sld [smem:$0x3FA5]  }
0x2c: {  	s7 =	sld [smem:$0x3FA6]  }
0x2d: {  	s3 =	simm.s32 $0x108;
	s8 =	sld [smem:$0x3FA7]  }
0x2e: {  	s3 =	simm.s32 @!p0 $0x1082;
	s9 =	sld [smem:$0x3FA8]  }
0x2f: {  	lr =	sadd.s32 s0, s3;
	s0 =	sld [smem:$0x3F9F]  }
0x30: {  	s3 =	sld [smem:$0x3FA2]  }
0x31: {  	[smem:$0x3FAB] =	sst s10  }
0x32: {  	s10 =	sld [smem:$0x3FA9];
	_ =	sdelay $0x3  }
0x33: {  	p0 =	seq.s32 s10, $0x1;
	s10 =	sld [smem:$0x3FAB];
	_ =	sdelay $0x3  }
0x34: {  	[smem:$0x3FAB] =	sst s10  }
0x35: {  	s10 =	sld [smem:$0x3FAA];
	_ =	sdelay $0x3  }
0x36: {  	p1 =	seq.s32 s10, $0x1;
	s10 =	sld [smem:$0x3FAB];
	_ =	sdelay $0x3  }
0x37: {  	[smem:$0x3FAB] =	sst s10  }
0x38: {  	s10 =	sld [smem:$0x3FAC]  }
0x39: {  	_ = 	snop;
	(pc) =	sbr.ind lr, $3  }
0x3a: {  	_ = 	snop  }
0x3b: {  	_ = 	snop  }
0x3c: {  	p2 =	seq.s32 s10, $0x1;
	s10 =	sld [smem:$0x3FAB]  }
0x3d: {  	_ =	shalt  }
0x3e: {  	_ =	shalt  }
0x3f: {  	_ =	shalt  }
0x40: {  	_ =	shalt  }
0x41: {  	_ =	shalt  }
0x42: {  	_ =	shalt  }
0x43: {  	_ =	shalt  }
0x44: {  	_ =	shalt  }
0x45: {  	_ =	shalt  }
0x46: {  	_ =	shalt  }
0x47: {  	_ =	shalt  }
0x48: {  	_ =	shalt  }
0x49: {  	_ =	shalt  }
0x4a: {  	_ =	shalt  }
0x4b: {  	_ =	shalt  }
0x4c: {  	_ =	shalt  }
0x4d: {  	_ =	shalt  }
0x4e: {  	_ =	shalt  }
0x4f: {  	_ =	shalt  }
0x50: {  	_ =	shalt  }
0x51: {  	_ =	shalt  }
0x52: {  	_ =	shalt  }
0x53: {  	_ =	shalt  }
0x54: {  	_ =	shalt  }
0x55: {  	_ =	shalt  }
0x56: {  	_ =	shalt  }
0x57: {  	_ =	shalt  }
0x58: {  	_ =	shalt  }
0x59: {  	_ =	shalt  }
0x5a: {  	_ =	shalt  }
0x5b: {  	_ =	shalt  }
0x5c: {  	_ =	shalt  }
0x5d: {  	_ =	shalt  }
0x5e: {  	_ =	shalt  }
0x5f: {  	_ =	shalt  }
0x60: {  	_ =	shalt  }
0x61: {  	_ =	shalt  }
0x62: {  	_ =	shalt  }
0x63: {  	_ =	shalt  }
0x64: {  	_ =	shalt  }
0x65: {  	_ =	shalt  }
0x66: {  	_ =	shalt  }
0x67: {  	_ =	shalt  }
0x68: {  	_ =	shalt  }
0x69: {  	_ =	shalt  }
0x6a: {  	_ =	shalt  }
0x6b: {  	_ =	shalt  }
0x6c: {  	_ =	shalt  }
0x6d: {  	_ =	shalt  }
0x6e: {  	_ =	shalt  }
0x6f: {  	_ =	shalt  }
0x70: {  	_ =	shalt  }
0x71: {  	_ =	shalt  }
0x72: {  	_ =	shalt  }
0x73: {  	_ =	shalt  }
0x74: {  	_ =	shalt  }
0x75: {  	_ =	shalt  }
0x76: {  	_ =	shalt  }
0x77: {  	_ =	shalt  }
0x78: {  	_ =	shalt  }
0x79: {  	_ =	shalt  }
0x7a: {  	_ =	shalt  }
0x7b: {  	_ =	shalt  }
0x7c: {  	_ =	shalt  }
0x7d: {  	_ =	shalt  }
0x7e: {  	_ =	shalt  }
0x7f: {  	_ =	shalt  }
0x80: {  	_ =	shalt  }
0x81: {  	_ =	shalt  }
0x82: {  	_ =	shalt  }
0x83: {  	_ =	shalt  }
0x84: {  	_ =	shalt  }
0x85: {  	_ =	shalt  }
0x86: {  	_ =	shalt  }
0x87: {  	_ =	shalt  }
.Lfunc_end0:
.L_simem_size_0:
called_computation.1_lowered:
.L_overlay_start_0:
0x88: {  	s2 =	sld [smem:$0x3FD9]  }
0x89: {  	s3 =	sld [smem:$0x3FFE];
	_ =	sdelay $0x1  }
0x8a: {  	s1 =	srdreg.scid  }
0x8b: {  	s0 =	sand.u32 $0x1, s1  }
0x8c: {  	s14 =	sshll.u32 s0, $0xA;
	s2 =	sadd.s32 s3, s2  }
0x8d: {  	s2 =	sadd.s32 s2, s14  }
0x8e: {  	[smem:$0x3FB7] =	sst s2  }
0x8f: {  	_ = 	snop  }
0x90: {  	s2 =	sld [smem:$0x3FD0];
	_ =	sdelay $0x2  }
0x91: {  	s15 =	simm.s32 $0xA;
	s4 =	simm.s32 $0x10  }
0x92: {  	[smem:s4], [sflag:s15] =	dma.local [hbm:s2], $0x1  }
0x93: {  	_ =	swait.eq [sflag:s15], $0x1  }
0x94: {  	[sflag:s15] =	ssyncset.done $0x0  }
0x95: {  	[sflag:s15] =	ssyncadd.s32 $0xFFFFFFFF  }
0x96: {  	s16 =	sld [smem:$0x10];
	(tm) =	ssettm $0x1  }
0x97: {  	s17 =	sld [smem:$0x3FFB];
	_ =	sdelay $0x3  }
0x98: {  	_ =	strace s17  }
0x99: {  	s3 =	sld [smem:$0x3FFC];
	_ =	sdelay $0x3  }
0x9a: {  	_ =	strace s3  }
0x9b: {  	s3 =	sld [smem:$0x3FFD];
	_ =	sdelay $0x3  }
0x9c: {  	_ =	strace s3  }
0x9d: {  	_ =	strace $0x8FFFFFFF  }
0x9e: {  	s18 =	sld [smem:$0x3FDB];
	_ =	sdelay $0x1  }
0x9f: {  	s19 =	simm.s32 $_scs_section_size  }
0xa0: {  	s5 =	simm.s32 $_size__tile_overlayer_lowered;
	s6 =	simm.s32 $_tile_overlayer_lowered  }
0xa1: {  	s22 =	simm.s32 $0x1BFF;
	s21 =	sshll.u32 s6, $0x1;
	s3 =	sadd.s32 s19, s18  }
0xa2: {  	s7 =	simm.s32 $0x0;
	s20 =	sshll.u32 s5, $0x1;
	s5 =	sadd.s32 s21, s3  }
0xa3: {  	[timem:s7], [sflag:s22] =	dma.local [hbm:s5], s20  }
0xa4: {  	_ =	swait.ge [sflag:s22], s20  }
0xa5: {  	s4 =	ssub.s32 $0x0, s20;
	[sflag:s22] =	ssyncset.done $0x0  }
0xa6: {  	[sflag:s22] =	ssyncadd.s32 s4;
	_ =	sdelay $0x1  }
0xa7: {  	s23 =	simm.s32 $0x1B8B  }
0xa8: {  	_ =	swait.ge [sflag:s23], $0x1  }
0xa9: {  	[sflag:s23] =	ssyncset.done $0x0  }
0xaa: {  	s25 =	simm.s32 $0x1B8E;
	s24 =	sld [smem:$0x3FFE];
	[sflag:s23] =	ssyncadd.s32 $0xFFFFFFFF  }
0xab: {  	s26 =	simm.s32 $execute0_lowered;
	[smem:$0x3FD2] =	sst s25  }
0xac: {  	s5 =	sshll.u32 s26, $0x1;
	_ =	strace $0x80000049;
	[dreg:$0x1] =	wrdreg $0xFFFFFFFF  }
0xad: {  	s28 =	simm.s32 $_size_execute0_lowered;
	s3 =	sadd.s32 s3, s5;
	[dreg:$0x0] =	wrdreg $0x0  }
0xae: {  	s5 =	sshll.u32 s28, $0x1;
	[dreg:$0x2] =	wrdreg s3  }
0xaf: {  	[dreg:$0x3] =	wrdreg s5  }
0xb0: {  	[dreg:$0x4] =	wrdreg $0xC0  }
0xb1: {  	_ =	task [dreg:s7], $0x5FFFF  }
0xb2: {  	[dreg:$0x1] =	wrdreg $0xFFFFFFFF  }
0xb3: {  	[dreg:$0x0] =	wrdreg $0x60  }
0xb4: {  	[dreg:$0x2] =	wrdreg s24  }
0xb5: {  	[dreg:$0x3] =	wrdreg s16  }
0xb6: {  	[dreg:$0x4] =	wrdreg $0x9  }
0xb7: {  	_ =	task.clear_ibuf [dreg:s7], $0x5FFFF;
	_ =	strace $0x90000049  }
0xb8: {  	s29 =	simm.s32 $0x9;
	_ =	strace $0x8000004B  }
0xb9: {  	_ =	swait.ge [sflag:s29], $0x1  }
0xba: {  	[sflag:s29] =	ssyncadd.s32 $0xFFFFFFFF  }
0xbb: {  	_ =	strace $0x9000004B  }
0xbc: {  	_ =	sfence  }
0xbd: {  	s30 =	sld [smem:$0x0];
	_ =	sdelay $0x2  }
0xbe: {  	s31 =	sshll.u32 s1, $0xD;
	s1 =	sshrl.u32 s1, $0x2  }
0xbf: {  	s3 =	sand.u32 $0x4000, s31;
	s1 =	sadd.s32 s1, s30  }
0xc0: {  	s0 =	sor.u32 s3, s0;
	s1 =	sshll.u32 s1, $0x11  }
0xc1: {  	s0 =	sor.u32 s1, s0  }
0xc2: {  	s0 =	sadd.s32 $0x8F2B, s0  }
0xc3: {  	[sflag:s0] =	ssyncadd.remote.s32 $0x1  }
0xc4: {  	_ =	sfence.sel $0xFFFF  }
0xc5: {  	[dreg:$0x0] =	wrdreg $0xFFFFFFFF;
	(pc) =	sbr.abs _section_cstart, $3  }
0xc6: {  	[dreg:$0x1] =	wrdreg $0xFFFFFFFF  }
0xc7: {  	_ =	task.clear_ibuf [dreg:s7], $0x2FFFF;
	_ =	strace $0x9FFFFFFF  }
0xc8: {  	(tm) =	ssettm $0x7FFFFFFF  }
0xc9: {  	_ =	shalt  }
tec
execute0_lowered:
.L_overlay_start_1:
0x0: {  	(tag) =	ssettag $0x1  }
0x1: {  	s1 =	srdreg.scid;
	s0 =	stileid.u32  }
0x2: {  	s30 =	sand.u32 $0x1, s1;
	s24 =	sshll.u32 s0, $0x1  }
0x3: {  	s10 =	rddreg [dreg:$0x0];
	s11 =	sor.u32 s30, s24  }
0x4: {  	s3 =	rddreg [dreg:$0x1];
	s2 =	simm.s32 $0x0;
	s4 =	smul.u32 $0x50, s11  }
0x5: {  	[smem:$0x7FF] =	sst s2  }
0x6: {  	_ =	strace $0x8000004A;
	s3 =	sadd.s32 s3, s4;
	s4 =	simm.s32 $0x4  }
0x7: {  	[tilespmem:s2], [sflag:$0x4] =	stream.linear.gather [hbm4b:s3+s2], $0x280, $0x38;
	[tilespmem:$0x1280] =	vst v63  }
0x8: {  	_ =	swait.ge [sflag:s4], $0x280  }
0x9: {  	s6 =	simm.s32 $0x40;
	[sflag:s4] =	ssyncset.done $0x0  }
0xa: {  	s7 =	simm.s32 $0x280;
	s5 =	sadd.s32 $0x7E00, s10;
	[sflag:s4] =	ssyncadd.s32 $0xFFFFFD80  }
0xb: {  	[tilespmem:s7], [sflag:$0x1] =	stream.indirect.gather [hbm4b:s5+s6], $0x20, s2, s6, $0xb8;
	[tilespmem:$0x1280] =	vst v63  }
0xc: {  	s8 =	simm.s32 $0xA80;
	s9 =	simm.s32 $0x1;
	s12 =	smul.u32 $0x5000, s11  }
0xd: {  	[tilespmem:s8], [sflag:$0x2] =	stream.indirect.gather [hbm4b:s5+s6], $0x20, s6, s6, $0xb8;
	[tilespmem:$0x1280] =	vst v63  }
0xe: {  	s13 =	sadd.s32 $0x21E00, s10;
	_ =	swait.ge [sflag:s9], $0x800  }
0xf: {  	s26 =	smul.u32 $0xA00, s11;
	s25 =	sshrl.u32 s12, $0x3;
	[sflag:s9] =	ssyncset.done $0x0  }
0x10: {  	s11 =	simm.s32 $0x2;
	s10 =	sadd.s32 s13, s25;
	[sflag:s9] =	ssyncadd.s32 $0xFFFFF800  }
0x11: {  	[hbm4b:s10+s2] =	stream.linear.scatter [tilespmem:s7], [sflag:$0x3], $0x800, $0x38;
	[tilespmem:$0x1280] =	vst v63  }
0x12: {  	_ =	swait.ge [sflag:s11], $0x800  }
0x13: {  	s31 =	sadd.s32 s13, s26;
	[sflag:s11] =	ssyncset.done $0x0  }
0x14: {  	s12 =	simm.s32 $0x3;
	s13 =	sadd.s32 $0x100, s31;
	[sflag:s11] =	ssyncadd.s32 $0xFFFFF800  }
0x15: {  	[hbm4b:s13+s2] =	stream.linear.scatter [tilespmem:s8], [sflag:$0x3], $0x800, $0x38;
	[tilespmem:$0x1280] =	vst v63  }
0x16: {  	_ =	swait.ge [sflag:s12], $0x800  }
0x17: {  	[sflag:s12] =	ssyncset.done $0x0  }
0x18: {  	[sflag:s12] =	ssyncadd.s32 $0xFFFFF800  }
0x19: {  	_ =	swait.ge [sflag:s12], $0x800  }
0x1a: {  	[sflag:s12] =	ssyncset.done $0x0  }
0x1b: {  	s14 =	simm.s32 $0x80;
	[sflag:s12] =	ssyncadd.s32 $0xFFFFF800  }
0x1c: {  	[tilespmem:s7], [sflag:$0x1] =	stream.indirect.gather [hbm4b:s5+s6], $0x20, s14, s6, $0xb8;
	[tilespmem:$0x1280] =	vst v63  }
0x1d: {  	s15 =	simm.s32 $0xC0  }
0x1e: {  	[tilespmem:s8], [sflag:$0x2] =	stream.indirect.gather [hbm4b:s5+s6], $0x20, s15, s6, $0xb8;
	[tilespmem:$0x1280] =	vst v63  }
0x1f: {  	_ =	swait.ge [sflag:s9], $0x800  }
0x20: {  	[sflag:s9] =	ssyncset.done $0x0  }
0x21: {  	s16 =	sadd.s32 $0x200, s10;
	[sflag:s9] =	ssyncadd.s32 $0xFFFFF800  }
0x22: {  	[hbm4b:s16+s2] =	stream.linear.scatter [tilespmem:s7], [sflag:$0x3], $0x800, $0x38;
	[tilespmem:$0x1280] =	vst v63  }
0x23: {  	_ =	swait.ge [sflag:s11], $0x800  }
0x24: {  	[sflag:s11] =	ssyncset.done $0x0  }
0x25: {  	s17 =	sadd.s32 $0x300, s31;
	[sflag:s11] =	ssyncadd.s32 $0xFFFFF800  }
0x26: {  	[hbm4b:s17+s2] =	stream.linear.scatter [tilespmem:s8], [sflag:$0x3], $0x800, $0x38;
	[tilespmem:$0x1280] =	vst v63  }
0x27: {  	_ =	swait.ge [sflag:s12], $0x800  }
0x28: {  	[sflag:s12] =	ssyncset.done $0x0  }
0x29: {  	[sflag:s12] =	ssyncadd.s32 $0xFFFFF800  }
0x2a: {  	_ =	swait.ge [sflag:s12], $0x800  }
0x2b: {  	[sflag:s12] =	ssyncset.done $0x0  }
0x2c: {  	s18 =	simm.s32 $0x100;
	[sflag:s12] =	ssyncadd.s32 $0xFFFFF800  }
0x2d: {  	[tilespmem:s7], [sflag:$0x1] =	stream.indirect.gather [hbm4b:s5+s6], $0x20, s18, s6, $0xb8;
	[tilespmem:$0x1280] =	vst v63  }
0x2e: {  	s19 =	simm.s32 $0x140  }
0x2f: {  	[tilespmem:s8], [sflag:$0x2] =	stream.indirect.gather [hbm4b:s5+s6], $0x20, s19, s6, $0xb8;
	[tilespmem:$0x1280] =	vst v63  }
0x30: {  	_ =	swait.ge [sflag:s9], $0x800  }
0x31: {  	[sflag:s9] =	ssyncset.done $0x0  }
0x32: {  	s20 =	sadd.s32 $0x400, s10;
	[sflag:s9] =	ssyncadd.s32 $0xFFFFF800  }
0x33: {  	[hbm4b:s20+s2] =	stream.linear.scatter [tilespmem:s7], [sflag:$0x3], $0x800, $0x38;
	[tilespmem:$0x1280] =	vst v63  }
0x34: {  	_ =	swait.ge [sflag:s11], $0x800  }
0x35: {  	[sflag:s11] =	ssyncset.done $0x0  }
0x36: {  	s21 =	sadd.s32 $0x500, s31;
	[sflag:s11] =	ssyncadd.s32 $0xFFFFF800  }
0x37: {  	[hbm4b:s21+s2] =	stream.linear.scatter [tilespmem:s8], [sflag:$0x3], $0x800, $0x38;
	[tilespmem:$0x1280] =	vst v63  }
0x38: {  	_ =	swait.ge [sflag:s12], $0x800  }
0x39: {  	[sflag:s12] =	ssyncset.done $0x0  }
0x3a: {  	[sflag:s12] =	ssyncadd.s32 $0xFFFFF800  }
0x3b: {  	_ =	swait.ge [sflag:s12], $0x800  }
0x3c: {  	[sflag:s12] =	ssyncset.done $0x0  }
0x3d: {  	s22 =	simm.s32 $0x180;
	[sflag:s12] =	ssyncadd.s32 $0xFFFFF800  }
0x3e: {  	[tilespmem:s7], [sflag:$0x1] =	stream.indirect.gather [hbm4b:s5+s6], $0x20, s22, s6, $0xb8;
	[tilespmem:$0x1280] =	vst v63  }
0x3f: {  	s23 =	simm.s32 $0x1C0  }
0x40: {  	[tilespmem:s8], [sflag:$0x2] =	stream.indirect.gather [hbm4b:s5+s6], $0x20, s23, s6, $0xb8;
	[tilespmem:$0x1280] =	vst v63  }
0x41: {  	_ =	swait.ge [sflag:s9], $0x800  }
0x42: {  	[sflag:s9] =	ssyncset.done $0x0  }
0x43: {  	s24 =	sadd.s32 $0x600, s10;
	[sflag:s9] =	ssyncadd.s32 $0xFFFFF800  }
0x44: {  	[hbm4b:s24+s2] =	stream.linear.scatter [tilespmem:s7], [sflag:$0x3], $0x800, $0x38;
	[tilespmem:$0x1280] =	vst v63  }
0x45: {  	_ =	swait.ge [sflag:s11], $0x800  }
0x46: {  	[sflag:s11] =	ssyncset.done $0x0  }
0x47: {  	s25 =	sadd.s32 $0x700, s31;
	[sflag:s11] =	ssyncadd.s32 $0xFFFFF800  }
0x48: {  	[hbm4b:s25+s2] =	stream.linear.scatter [tilespmem:s8], [sflag:$0x3], $0x800, $0x38;
	[tilespmem:$0x1280] =	vst v63  }
0x49: {  	_ =	swait.ge [sflag:s12], $0x800  }
0x4a: {  	[sflag:s12] =	ssyncset.done $0x0  }
0x4b: {  	[sflag:s12] =	ssyncadd.s32 $0xFFFFF800  }
0x4c: {  	_ =	swait.ge [sflag:s12], $0x800  }
0x4d: {  	[sflag:s12] =	ssyncset.done $0x0  }
0x4e: {  	s26 =	simm.s32 $0x200;
	[sflag:s12] =	ssyncadd.s32 $0xFFFFF800  }
0x4f: {  	[tilespmem:s7], [sflag:$0x1] =	stream.indirect.gather [hbm4b:s5+s6], $0x20, s26, s6, $0xb8;
	[tilespmem:$0x1280] =	vst v63  }
0x50: {  	s28 =	simm.s32 $0x240  }
0x51: {  	[tilespmem:s8], [sflag:$0x2] =	stream.indirect.gather [hbm4b:s5+s6], $0x20, s28, s6, $0xb8;
	[tilespmem:$0x1280] =	vst v63  }
0x52: {  	_ =	swait.ge [sflag:s9], $0x800  }
0x53: {  	s1 =	ssub.s32 $0x2, s30;
	s30 =	sadd.s32 $0x900, s31;
	[sflag:s9] =	ssyncset.done $0x0  }
0x54: {  	s31 =	sshrl.u32 s1, $0x1;
	s29 =	sadd.s32 $0x800, s10;
	[sflag:s9] =	ssyncadd.s32 $0xFFFFF800  }
0x55: {  	[hbm4b:s29+s2] =	stream.linear.scatter [tilespmem:s7], [sflag:$0x3], $0x800, $0x38;
	[tilespmem:$0x1280] =	vst v63  }
0x56: {  	s1 =	ssub.s32 s1, s31;
	_ =	swait.ge [sflag:s11], $0x800  }
0x57: {  	s1 =	smax.u32 s1, $0x1;
	[sflag:s11] =	ssyncset.done $0x0  }
0x58: {  	p0 =	sne.s32 s1, $0x1;
	[sflag:s11] =	ssyncadd.s32 $0xFFFFF800  }
0x59: {  	[hbm4b:s30+s2] =	stream.linear.scatter [tilespmem:s8], [sflag:$0x3], $0x800, $0x38;
	[tilespmem:$0x1280] =	vst v63  }
.Ltmp0:
0x5a: {  	_ =	swait.ge [sflag:s12], $0x800;
	(pc) =	sbr.rel @!p0 .LBB2_2-.Ltmp0, $4  }
0x5b: {  	[sflag:s12] =	ssyncset.done $0x0  }
0x5c: {  	[sflag:s12] =	ssyncadd.s32 $0xFFFFF800  }
0x5d: {  	_ =	swait.ge [sflag:s12], $0x800  }
0x5e: {  	s31 =	sadd.s32 $0xFFFFFFFF, s1;
	[sflag:s12] =	ssyncset.done $0x0  }
.LBB2_1:
0x5f: {  	p0 =	sne.s32 s31, $0x1;
	s31 =	sadd.s32 $0xFFFFFFFF, s31;
	[sflag:s12] =	ssyncadd.s32 $0xFFFFF800  }
0x60: {  	[tilespmem:s2], [sflag:$0x4] =	stream.linear.gather [hbm4b:s3+s2], $0x280, $0x38;
	[tilespmem:$0x1280] =	vst v63  }
0x61: {  	_ =	swait.ge [sflag:s4], $0x280  }
0x62: {  	[sflag:s4] =	ssyncset.done $0x0  }
0x63: {  	[sflag:s4] =	ssyncadd.s32 $0xFFFFFD80  }
0x64: {  	[tilespmem:s7], [sflag:$0x1] =	stream.indirect.gather [hbm4b:s5+s6], $0x20, s2, s6, $0xb8;
	[tilespmem:$0x1280] =	vst v63  }
0x65: {  	_ = 	snop  }
0x66: {  	[tilespmem:s8], [sflag:$0x2] =	stream.indirect.gather [hbm4b:s5+s6], $0x20, s6, s6, $0xb8;
	[tilespmem:$0x1280] =	vst v63  }
0x67: {  	_ =	swait.ge [sflag:s9], $0x800  }
0x68: {  	[sflag:s9] =	ssyncset.done $0x0  }
0x69: {  	[sflag:s9] =	ssyncadd.s32 $0xFFFFF800  }
0x6a: {  	[hbm4b:s10+s2] =	stream.linear.scatter [tilespmem:s7], [sflag:$0x3], $0x800, $0x38;
	[tilespmem:$0x1280] =	vst v63  }
0x6b: {  	_ =	swait.ge [sflag:s11], $0x800  }
0x6c: {  	[sflag:s11] =	ssyncset.done $0x0  }
0x6d: {  	[sflag:s11] =	ssyncadd.s32 $0xFFFFF800  }
0x6e: {  	[hbm4b:s13+s2] =	stream.linear.scatter [tilespmem:s8], [sflag:$0x3], $0x800, $0x38;
	[tilespmem:$0x1280] =	vst v63  }
0x6f: {  	_ =	swait.ge [sflag:s12], $0x800  }
0x70: {  	[sflag:s12] =	ssyncset.done $0x0  }
0x71: {  	[sflag:s12] =	ssyncadd.s32 $0xFFFFF800  }
0x72: {  	_ =	swait.ge [sflag:s12], $0x800  }
0x73: {  	[sflag:s12] =	ssyncset.done $0x0  }
0x74: {  	[sflag:s12] =	ssyncadd.s32 $0xFFFFF800  }
0x75: {  	[tilespmem:s7], [sflag:$0x1] =	stream.indirect.gather [hbm4b:s5+s6], $0x20, s14, s6, $0xb8;
	[tilespmem:$0x1280] =	vst v63  }
0x76: {  	_ = 	snop  }
0x77: {  	[tilespmem:s8], [sflag:$0x2] =	stream.indirect.gather [hbm4b:s5+s6], $0x20, s15, s6, $0xb8;
	[tilespmem:$0x1280] =	vst v63  }
0x78: {  	_ =	swait.ge [sflag:s9], $0x800  }
0x79: {  	[sflag:s9] =	ssyncset.done $0x0  }
0x7a: {  	[sflag:s9] =	ssyncadd.s32 $0xFFFFF800  }
0x7b: {  	[hbm4b:s16+s2] =	stream.linear.scatter [tilespmem:s7], [sflag:$0x3], $0x800, $0x38;
	[tilespmem:$0x1280] =	vst v63  }
0x7c: {  	_ =	swait.ge [sflag:s11], $0x800  }
0x7d: {  	[sflag:s11] =	ssyncset.done $0x0  }
0x7e: {  	[sflag:s11] =	ssyncadd.s32 $0xFFFFF800  }
0x7f: {  	[hbm4b:s17+s2] =	stream.linear.scatter [tilespmem:s8], [sflag:$0x3], $0x800, $0x38;
	[tilespmem:$0x1280] =	vst v63  }
0x80: {  	_ =	swait.ge [sflag:s12], $0x800  }
0x81: {  	[sflag:s12] =	ssyncset.done $0x0  }
0x82: {  	[sflag:s12] =	ssyncadd.s32 $0xFFFFF800  }
0x83: {  	_ =	swait.ge [sflag:s12], $0x800  }
0x84: {  	[sflag:s12] =	ssyncset.done $0x0  }
0x85: {  	[sflag:s12] =	ssyncadd.s32 $0xFFFFF800  }
0x86: {  	[tilespmem:s7], [sflag:$0x1] =	stream.indirect.gather [hbm4b:s5+s6], $0x20, s18, s6, $0xb8;
	[tilespmem:$0x1280] =	vst v63  }
0x87: {  	_ = 	snop  }
0x88: {  	[tilespmem:s8], [sflag:$0x2] =	stream.indirect.gather [hbm4b:s5+s6], $0x20, s19, s6, $0xb8;
	[tilespmem:$0x1280] =	vst v63  }
0x89: {  	_ =	swait.ge [sflag:s9], $0x800  }
0x8a: {  	[sflag:s9] =	ssyncset.done $0x0  }
0x8b: {  	[sflag:s9] =	ssyncadd.s32 $0xFFFFF800  }
0x8c: {  	[hbm4b:s20+s2] =	stream.linear.scatter [tilespmem:s7], [sflag:$0x3], $0x800, $0x38;
	[tilespmem:$0x1280] =	vst v63  }
0x8d: {  	_ =	swait.ge [sflag:s11], $0x800  }
0x8e: {  	[sflag:s11] =	ssyncset.done $0x0  }
0x8f: {  	[sflag:s11] =	ssyncadd.s32 $0xFFFFF800  }
0x90: {  	[hbm4b:s21+s2] =	stream.linear.scatter [tilespmem:s8], [sflag:$0x3], $0x800, $0x38;
	[tilespmem:$0x1280] =	vst v63  }
0x91: {  	_ =	swait.ge [sflag:s12], $0x800  }
0x92: {  	[sflag:s12] =	ssyncset.done $0x0  }
0x93: {  	[sflag:s12] =	ssyncadd.s32 $0xFFFFF800  }
0x94: {  	_ =	swait.ge [sflag:s12], $0x800  }
0x95: {  	[sflag:s12] =	ssyncset.done $0x0  }
0x96: {  	[sflag:s12] =	ssyncadd.s32 $0xFFFFF800  }
0x97: {  	[tilespmem:s7], [sflag:$0x1] =	stream.indirect.gather [hbm4b:s5+s6], $0x20, s22, s6, $0xb8;
	[tilespmem:$0x1280] =	vst v63  }
0x98: {  	_ = 	snop  }
0x99: {  	[tilespmem:s8], [sflag:$0x2] =	stream.indirect.gather [hbm4b:s5+s6], $0x20, s23, s6, $0xb8;
	[tilespmem:$0x1280] =	vst v63  }
0x9a: {  	_ =	swait.ge [sflag:s9], $0x800  }
0x9b: {  	[sflag:s9] =	ssyncset.done $0x0  }
0x9c: {  	[sflag:s9] =	ssyncadd.s32 $0xFFFFF800  }
0x9d: {  	[hbm4b:s24+s2] =	stream.linear.scatter [tilespmem:s7], [sflag:$0x3], $0x800, $0x38;
	[tilespmem:$0x1280] =	vst v63  }
0x9e: {  	_ =	swait.ge [sflag:s11], $0x800  }
0x9f: {  	[sflag:s11] =	ssyncset.done $0x0  }
0xa0: {  	[sflag:s11] =	ssyncadd.s32 $0xFFFFF800  }
0xa1: {  	[hbm4b:s25+s2] =	stream.linear.scatter [tilespmem:s8], [sflag:$0x3], $0x800, $0x38;
	[tilespmem:$0x1280] =	vst v63  }
0xa2: {  	_ =	swait.ge [sflag:s12], $0x800  }
0xa3: {  	[sflag:s12] =	ssyncset.done $0x0  }
0xa4: {  	[sflag:s12] =	ssyncadd.s32 $0xFFFFF800  }
0xa5: {  	_ =	swait.ge [sflag:s12], $0x800  }
0xa6: {  	[sflag:s12] =	ssyncset.done $0x0  }
0xa7: {  	[sflag:s12] =	ssyncadd.s32 $0xFFFFF800  }
0xa8: {  	[tilespmem:s7], [sflag:$0x1] =	stream.indirect.gather [hbm4b:s5+s6], $0x20, s26, s6, $0xb8;
	[tilespmem:$0x1280] =	vst v63  }
0xa9: {  	_ = 	snop  }
0xaa: {  	[tilespmem:s8], [sflag:$0x2] =	stream.indirect.gather [hbm4b:s5+s6], $0x20, s28, s6, $0xb8;
	[tilespmem:$0x1280] =	vst v63  }
0xab: {  	_ =	swait.ge [sflag:s9], $0x800  }
0xac: {  	[sflag:s9] =	ssyncset.done $0x0  }
0xad: {  	[sflag:s9] =	ssyncadd.s32 $0xFFFFF800  }
0xae: {  	[hbm4b:s29+s2] =	stream.linear.scatter [tilespmem:s7], [sflag:$0x3], $0x800, $0x38;
	[tilespmem:$0x1280] =	vst v63  }
0xaf: {  	_ =	swait.ge [sflag:s11], $0x800  }
0xb0: {  	[sflag:s11] =	ssyncset.done $0x0  }
0xb1: {  	[sflag:s11] =	ssyncadd.s32 $0xFFFFF800  }
0xb2: {  	[hbm4b:s30+s2] =	stream.linear.scatter [tilespmem:s8], [sflag:$0x3], $0x800, $0x38;
	[tilespmem:$0x1280] =	vst v63  }
.Ltmp1:
0xb3: {  	_ =	swait.ge [sflag:s12], $0x800;
	(pc) =	sbr.rel @p0 .LBB2_1-.Ltmp1, $4  }
0xb4: {  	[sflag:s12] =	ssyncset.done $0x0  }
0xb5: {  	[sflag:s12] =	ssyncadd.s32 $0xFFFFF800  }
0xb6: {  	_ =	swait.ge [sflag:s12], $0x800  }
0xb7: {  	[sflag:s12] =	ssyncset.done $0x0  }
.LBB2_2:
0xb8: {  	[sflag:s12] =	ssyncadd.s32 $0xFFFFF800  }
0xb9: {  	_ =	sfence.sel $0x180000  }
0xba: {  	[bflag:$0x0] =	sbarrier.arrive $0xFFFF  }
0xbb: {  	_ =	strace $0x9000004A  }
0xbc: {  	[bflag:$0x2] =	sbarrier.arrive $0xFFFF  }
0xbd: {  	p0 =	sne.s32 s0, $0x0;
	s0 =	rddreg [dreg:$0x2]  }
0xbe: {  	s0 =	sadd.s32 @!p0 $0x100000, s0  }
0xbf: {  	[sflag:s0] =	ssyncadd.tile.s32 @!p0 $0x1;
	_ =	shalt  }
.Lfunc_end2:
_tile_overlayer_lowered:
.L_overlay_start_2:
0xc0: {  	(tag) =	ssettag $0x2  }
0xc1: {  	s0 =	rddreg [dreg:$0x0];
	s2 =	stileid.u32  }
0xc2: {  	s1 =	rddreg [dreg:$0x1];
	p0 =	sne.s32 s2, $0x0  }
0xc3: {  	s3 =	rddreg [dreg:$0x2];
	[bflag:$0x3] =	sbarrier.arrive $0xFFFF;
	s2 =	simm.s32 @!p0 $0x1C04  }
0xc4: {  	[timem:s3], [sflag:s2] =	dma.local @!p0 [hbm:s0], s1  }
0xc5: {  	s0 =	simm.s32 @!p0 $0x4  }
0xc6: {  	_ =	swait.ge @!p0 [sflag:s0], s1  }
0xc7: {  	s1 =	ssub.s32 @!p0 $0x0, s1;
	[sflag:s0] =	ssyncset.done @!p0 $0x0  }
0xc8: {  	[sflag:s0] =	ssyncadd.s32 @!p0 s1  }
0xc9: {  	[bflag:$0x3] =	sbarrier.arrive $0xFFFF  }
0xca: {  	_ =	shalt  }

// kernel: kernel.14.cloned.1.call-start
scs
__scs_entry_jumppad:
0x0: {  	(pc) =	sbr.rel $0x88, $3  }
0x1: {  	(tag) =	ssettag $0x0;
	lr =	simm.s32 $0x1  }
0x2: {  	[smem:$0x3F90] =	sst lr;
	_ =	strace $0xD0000000  }
0x3: {  	_ = 	snop  }
0x4: {  	_ = 	snop  }
0x5: {  	_ = 	snop  }
0x6: {  	_ = 	snop  }
0x7: {  	_ = 	snop  }
__scs_overlays_trampoline_lowered:
0x8: {  	[smem:$0x3F9F] =	sst s0  }
0x9: {  	[smem:$0x3FA0] =	sst s1  }
0xa: {  	[smem:$0x3FA1] =	sst s2  }
0xb: {  	[smem:$0x3FA2] =	sst s3  }
0xc: {  	[smem:$0x3FA3] =	sst s4  }
0xd: {  	[smem:$0x3FA4] =	sst s5  }
0xe: {  	[smem:$0x3FA5] =	sst s6  }
0xf: {  	[smem:$0x3FA6] =	sst s7  }
0x10: {  	[smem:$0x3FA7] =	sst s8  }
0x11: {  	[smem:$0x3FA8] =	sst s9;
	s0 =	simm.s32 @!p0 $0x0  }
0x12: {  	s1 =	sld [smem:$0x3F8E];
	s0 =	simm.s32 @p0 $0x1  }
0x13: {  	[smem:$0x3FA9] =	sst s0;
	s0 =	simm.s32 @!p1 $0x0  }
0x14: {  	s2 =	sld [smem:$0x3F8D];
	s0 =	simm.s32 @p1 $0x1  }
0x15: {  	[smem:$0x3FAA] =	sst s0;
	s0 =	simm.s32 @!p2 $0x0  }
0x16: {  	s3 =	sld [smem:$0x3FDB];
	s0 =	simm.s32 @p2 $0x1  }
0x17: {  	s4 =	simm.s32 $0x1BF5;
	[smem:$0x3FAC] =	sst s0  }
0x18: {  	s0 =	sld [smem:$0x3F8F];
	_ =	swait.ge [sflag:s4], $0x0  }
0x19: {  	s7 =	sld [smem:$0x3F90]  }
0x1a: {  	s8 =	sadd.s32 $0xFFFFE003, lr  }
0x1b: {  	s9 =	sadd.s32 $0xFFFFFEF7, lr;
	s5 =	simm.s32 $0xFFFFFFFF;
	p2 =	slt.u32 s8, $0xFFFFF086  }
0x1c: {  	p1 =	slt.u32 s9, $0xF7A;
	s5 =	simm.s32 @!p2 $0x0  }
0x1d: {  	s5 =	simm.s32 @p1 $0x1;
	p0 =	seq.s32 s7, s2  }
0x1e: {  	s7 =	smul.u32 @!p0 $0xF7A, s2;
	p2 =	seq.s32 @!p0 s5, $0x0  }
0x1f: {  	s9 =	smul.u32 $0xF7A, s1;
	s8 =	simm.s32 @!p0 $0x1BF5;
	p2 =	por !p2, p0  }
0x20: {  	[sflag:s8] =	ssyncset.s32 @!p0 $0xFFFFF086;
	s6 =	sadd.s32 @!p0 s3, s7;
	s7 =	simm.s32 @!p0 $0x108  }
0x21: {  	s3 =	sadd.s32 s3, s9;
	s6 =	sadd.s32 @!p0 $0x88, s6;
	s7 =	simm.s32 @p2 $0x1082  }
0x22: {  	[simem:s7], [sflag:s8] =	dma.local @!p0 [hbm:s6], $0xF7A  }
0x23: {  	s9 =	sor.u32 $0xD0000000, s2;
	s6 =	simm.s32 $0x108;
	_ =	swait.ge @!p0 [sflag:s8], $0x0  }
0x24: {  	s3 =	sadd.s32 $0x88, s3;
	s6 =	simm.s32 @!p1 $0x1082;
	[sflag:s4] =	ssyncset.s32 $0xFFFFF086  }
0x25: {  	[simem:s6], [sflag:s4] =	dma.local [hbm:s3], $0xF7A  }
0x26: {  	[smem:$0x3F90] =	sst s1;
	(tag) =	ssettag s2;
	_ =	strace s9  }
0x27: {  	s1 =	sld [smem:$0x3FA0]  }
0x28: {  	s2 =	sld [smem:$0x3FA1]  }
0x29: {  	s4 =	sld [smem:$0x3FA3]  }
0x2a: {  	p0 =	seq.s32 s5, $0x0;
	s5 =	sld [smem:$0x3FA4]  }
0x2b: {  	s6 =	sld [smem:$0x3FA5]  }
0x2c: {  	s7 =	sld [smem:$0x3FA6]  }
0x2d: {  	s3 =	simm.s32 $0x108;
	s8 =	sld [smem:$0x3FA7]  }
0x2e: {  	s3 =	simm.s32 @!p0 $0x1082;
	s9 =	sld [smem:$0x3FA8]  }
0x2f: {  	lr =	sadd.s32 s0, s3;
	s0 =	sld [smem:$0x3F9F]  }
0x30: {  	s3 =	sld [smem:$0x3FA2]  }
0x31: {  	[smem:$0x3FAB] =	sst s10  }
0x32: {  	s10 =	sld [smem:$0x3FA9];
	_ =	sdelay $0x3  }
0x33: {  	p0 =	seq.s32 s10, $0x1;
	s10 =	sld [smem:$0x3FAB];
	_ =	sdelay $0x3  }
0x34: {  	[smem:$0x3FAB] =	sst s10  }
0x35: {  	s10 =	sld [smem:$0x3FAA];
	_ =	sdelay $0x3  }
0x36: {  	p1 =	seq.s32 s10, $0x1;
	s10 =	sld [smem:$0x3FAB];
	_ =	sdelay $0x3  }
0x37: {  	[smem:$0x3FAB] =	sst s10  }
0x38: {  	s10 =	sld [smem:$0x3FAC]  }
0x39: {  	_ = 	snop;
	(pc) =	sbr.ind lr, $3  }
0x3a: {  	_ = 	snop  }
0x3b: {  	_ = 	snop  }
0x3c: {  	p2 =	seq.s32 s10, $0x1;
	s10 =	sld [smem:$0x3FAB]  }
0x3d: {  	_ =	shalt  }
0x3e: {  	_ =	shalt  }
0x3f: {  	_ =	shalt  }
0x40: {  	_ =	shalt  }
0x41: {  	_ =	shalt  }
0x42: {  	_ =	shalt  }
0x43: {  	_ =	shalt  }
0x44: {  	_ =	shalt  }
0x45: {  	_ =	shalt  }
0x46: {  	_ =	shalt  }
0x47: {  	_ =	shalt  }
0x48: {  	_ =	shalt  }
0x49: {  	_ =	shalt  }
0x4a: {  	_ =	shalt  }
0x4b: {  	_ =	shalt  }
0x4c: {  	_ =	shalt  }
0x4d: {  	_ =	shalt  }
0x4e: {  	_ =	shalt  }
0x4f: {  	_ =	shalt  }
0x50: {  	_ =	shalt  }
0x51: {  	_ =	shalt  }
0x52: {  	_ =	shalt  }
0x53: {  	_ =	shalt  }
0x54: {  	_ =	shalt  }
0x55: {  	_ =	shalt  }
0x56: {  	_ =	shalt  }
0x57: {  	_ =	shalt  }
0x58: {  	_ =	shalt  }
0x59: {  	_ =	shalt  }
0x5a: {  	_ =	shalt  }
0x5b: {  	_ =	shalt  }
0x5c: {  	_ =	shalt  }
0x5d: {  	_ =	shalt  }
0x5e: {  	_ =	shalt  }
0x5f: {  	_ =	shalt  }
0x60: {  	_ =	shalt  }
0x61: {  	_ =	shalt  }
0x62: {  	_ =	shalt  }
0x63: {  	_ =	shalt  }
0x64: {  	_ =	shalt  }
0x65: {  	_ =	shalt  }
0x66: {  	_ =	shalt  }
0x67: {  	_ =	shalt  }
0x68: {  	_ =	shalt  }
0x69: {  	_ =	shalt  }
0x6a: {  	_ =	shalt  }
0x6b: {  	_ =	shalt  }
0x6c: {  	_ =	shalt  }
0x6d: {  	_ =	shalt  }
0x6e: {  	_ =	shalt  }
0x6f: {  	_ =	shalt  }
0x70: {  	_ =	shalt  }
0x71: {  	_ =	shalt  }
0x72: {  	_ =	shalt  }
0x73: {  	_ =	shalt  }
0x74: {  	_ =	shalt  }
0x75: {  	_ =	shalt  }
0x76: {  	_ =	shalt  }
0x77: {  	_ =	shalt  }
0x78: {  	_ =	shalt  }
0x79: {  	_ =	shalt  }
0x7a: {  	_ =	shalt  }
0x7b: {  	_ =	shalt  }
0x7c: {  	_ =	shalt  }
0x7d: {  	_ =	shalt  }
0x7e: {  	_ =	shalt  }
0x7f: {  	_ =	shalt  }
0x80: {  	_ =	shalt  }
0x81: {  	_ =	shalt  }
0x82: {  	_ =	shalt  }
0x83: {  	_ =	shalt  }
0x84: {  	_ =	shalt  }
0x85: {  	_ =	shalt  }
0x86: {  	_ =	shalt  }
0x87: {  	_ =	shalt  }
.Lfunc_end0:
.L_simem_size_0:
called_computation.2_lowered:
.L_overlay_start_0:
0x88: {  	s2 =	sld [smem:$0x3FD9]  }
0x89: {  	s3 =	sld [smem:$0x3FFE];
	_ =	sdelay $0x1  }
0x8a: {  	s1 =	srdreg.scid  }
0x8b: {  	s0 =	sand.u32 $0x1, s1  }
0x8c: {  	s14 =	sshll.u32 s0, $0xA;
	s2 =	sadd.s32 s3, s2  }
0x8d: {  	s2 =	sadd.s32 s2, s14  }
0x8e: {  	[smem:$0x3FB7] =	sst s2  }
0x8f: {  	_ = 	snop  }
0x90: {  	s2 =	sld [smem:$0x3FD0];
	_ =	sdelay $0x2  }
0x91: {  	s15 =	simm.s32 $0xA;
	s4 =	simm.s32 $0x10  }
0x92: {  	[smem:s4], [sflag:s15] =	dma.local [hbm:s2], $0x1  }
0x93: {  	_ =	swait.eq [sflag:s15], $0x1  }
0x94: {  	[sflag:s15] =	ssyncset.done $0x0  }
0x95: {  	[sflag:s15] =	ssyncadd.s32 $0xFFFFFFFF  }
0x96: {  	s16 =	sld [smem:$0x10];
	(tm) =	ssettm $0x1  }
0x97: {  	s17 =	sld [smem:$0x3FFB];
	_ =	sdelay $0x3  }
0x98: {  	_ =	strace s17  }
0x99: {  	s3 =	sld [smem:$0x3FFC];
	_ =	sdelay $0x3  }
0x9a: {  	_ =	strace s3  }
0x9b: {  	s3 =	sld [smem:$0x3FFD];
	_ =	sdelay $0x3  }
0x9c: {  	_ =	strace s3  }
0x9d: {  	_ =	strace $0x8FFFFFFF  }
0x9e: {  	s18 =	sld [smem:$0x3FDB];
	_ =	sdelay $0x1  }
0x9f: {  	s19 =	simm.s32 $_scs_section_size  }
0xa0: {  	s5 =	simm.s32 $_size__tile_overlayer_lowered;
	s6 =	simm.s32 $_tile_overlayer_lowered  }
0xa1: {  	s22 =	simm.s32 $0x1BFF;
	s21 =	sshll.u32 s6, $0x1;
	s3 =	sadd.s32 s19, s18  }
0xa2: {  	s7 =	simm.s32 $0x0;
	s20 =	sshll.u32 s5, $0x1;
	s5 =	sadd.s32 s21, s3  }
0xa3: {  	[timem:s7], [sflag:s22] =	dma.local [hbm:s5], s20  }
0xa4: {  	_ =	swait.ge [sflag:s22], s20  }
0xa5: {  	s4 =	ssub.s32 $0x0, s20;
	[sflag:s22] =	ssyncset.done $0x0  }
0xa6: {  	[sflag:s22] =	ssyncadd.s32 s4;
	_ =	sdelay $0x1  }
0xa7: {  	s23 =	simm.s32 $0x1B8B  }
0xa8: {  	_ =	swait.ge [sflag:s23], $0x1  }
0xa9: {  	[sflag:s23] =	ssyncset.done $0x0  }
0xaa: {  	s25 =	simm.s32 $0x1B8E;
	s24 =	sld [smem:$0x3FFE];
	[sflag:s23] =	ssyncadd.s32 $0xFFFFFFFF  }
0xab: {  	s26 =	simm.s32 $execute0_lowered;
	[smem:$0x3FD2] =	sst s25  }
0xac: {  	s5 =	sshll.u32 s26, $0x1;
	_ =	strace $0x8000004C;
	[dreg:$0x1] =	wrdreg $0xFFFFFFFF  }
0xad: {  	s28 =	simm.s32 $_size_execute0_lowered;
	s3 =	sadd.s32 s3, s5;
	[dreg:$0x0] =	wrdreg $0x0  }
0xae: {  	s5 =	sshll.u32 s28, $0x1;
	[dreg:$0x2] =	wrdreg s3  }
0xaf: {  	[dreg:$0x3] =	wrdreg s5  }
0xb0: {  	[dreg:$0x4] =	wrdreg $0xC0  }
0xb1: {  	_ =	task [dreg:s7], $0x5FFFF  }
0xb2: {  	[dreg:$0x1] =	wrdreg $0xFFFFFFFF  }
0xb3: {  	[dreg:$0x0] =	wrdreg $0x60  }
0xb4: {  	[dreg:$0x2] =	wrdreg s24  }
0xb5: {  	[dreg:$0x3] =	wrdreg s16  }
0xb6: {  	[dreg:$0x4] =	wrdreg $0x9  }
0xb7: {  	_ =	task.clear_ibuf [dreg:s7], $0x5FFFF;
	_ =	strace $0x9000004C  }
0xb8: {  	s29 =	simm.s32 $0x9;
	_ =	strace $0x8000004E  }
0xb9: {  	_ =	swait.ge [sflag:s29], $0x1  }
0xba: {  	[sflag:s29] =	ssyncadd.s32 $0xFFFFFFFF  }
0xbb: {  	_ =	strace $0x9000004E  }
0xbc: {  	_ =	sfence  }
0xbd: {  	s30 =	sld [smem:$0x0];
	_ =	sdelay $0x2  }
0xbe: {  	s31 =	sshll.u32 s1, $0xD;
	s1 =	sshrl.u32 s1, $0x2  }
0xbf: {  	s3 =	sand.u32 $0x4000, s31;
	s1 =	sadd.s32 s1, s30  }
0xc0: {  	s0 =	sor.u32 s3, s0;
	s1 =	sshll.u32 s1, $0x11  }
0xc1: {  	s0 =	sor.u32 s1, s0  }
0xc2: {  	s0 =	sadd.s32 $0x8F2B, s0  }
0xc3: {  	[sflag:s0] =	ssyncadd.remote.s32 $0x1  }
0xc4: {  	_ =	sfence.sel $0xFFFF  }
0xc5: {  	[dreg:$0x0] =	wrdreg $0xFFFFFFFF;
	(pc) =	sbr.abs _section_cstart, $3  }
0xc6: {  	[dreg:$0x1] =	wrdreg $0xFFFFFFFF  }
0xc7: {  	_ =	task.clear_ibuf [dreg:s7], $0x2FFFF;
	_ =	strace $0x9FFFFFFF  }
0xc8: {  	(tm) =	ssettm $0x7FFFFFFF  }
0xc9: {  	_ =	shalt  }
tec
execute0_lowered:
.L_overlay_start_1:
0x0: {  	(tag) =	ssettag $0x1  }
0x1: {  	s0 =	rddreg [dreg:$0x0]  }
0x2: {  	s1 =	rddreg [dreg:$0x1];
	s3 =	srdreg.scid  }
0x3: {  	s21 =	stileid.u32;
	s2 =	simm.s32 $0x0;
	s28 =	simm.s32 $0x9740  }
0x4: {  	s29 =	simm.s32 $0x2;
	s30 =	simm.s32 $0x3;
	s19 =	smul.u32 $0x190000, s21  }
0x5: {  	s5 =	sand.u32 $0x1, s3;
	s24 =	sshll.u32 s21, $0x1;
	s23 =	smul.u32 $0x3200, s21  }
0x6: {  	s31 =	simm.s32 $0x50;
	s6 =	sor.u32 s5, s24;
	s20 =	smul.u32 $0xC8000, s5  }
0x7: {  	[smem:$0x7FF] =	sst s2;
	s13 =	sadd.s32 $0x487400, s0;
	s7 =	smul.u32 $0x320, s6  }
0x8: {  	s3 =	sadd.s32 $0xD2200, s0;
	s17 =	sadd.s32 $0x167400, s0;
	s9 =	smul.u32 $0x370, s6  }
0x9: {  	s4 =	sadd.s32 $0x35E00, s0;
	_ =	strace $0x8000004D;
	s12 =	smul.u32 $0x50, s6  }
0xa: {  	s26 =	ssub.s32 $0x2, s5;
	s8 =	sshll.u32 s6, $0x3;
	s15 =	smul.u32 $0x14000, s6  }
0xb: {  	s10 =	sshll.u32 s6, $0xA;
	s14 =	sshrl.u32 s26, $0x1;
	s6 =	smul.u32 $0x2800, s6  }
0xc: {  	s8 =	sadd.s32 s8, s0;
	s25 =	sadd.s32 s10, s0;
	s14 =	ssub.s32 s26, s14  }
0xd: {  	s7 =	sadd.s32 s7, s0;
	s11 =	sadd.s32 s9, s0;
	s0 =	sadd.s32 $0xF9400, s0  }
0xe: {  	s8 =	sadd.s32 $0x11C00, s8;
	s16 =	sadd.s32 $0x20C00, s25;
	s18 =	sshrl.u32 s15, $0x3  }
0xf: {  	s1 =	sadd.s32 s1, s12;
	s12 =	smax.u32 s14, $0x1;
	[dreg:$0x3] =	wrdreg s8  }
0x10: {  	s6 =	sadd.s32 s13, s6;
	s25 =	smul.u32 $0x6E00, s21;
	[dreg:$0x4] =	wrdreg s16  }
0x11: {  	[dreg:$0x5] =	wrdreg s1;
	s8 =	sadd.s32 s13, s18;
	s18 =	smul.u32 $0x1900, s5  }
0x12: {  	s7 =	sadd.s32 $0x7E00, s7;
	s1 =	sadd.s32 s20, s19;
	s19 =	smul.u32 $0x3700, s21  }
0x13: {  	s11 =	sadd.s32 $0x19E00, s11;
	s13 =	sadd.s32 $0x800, s6;
	s20 =	smul.u32 $0x1B80, s5  }
0x14: {  	s15 =	sadd.s32 $0x1800, s6;
	s5 =	smul.u32 $0x3700, s5;
	s21 =	simm.s32 $0x40  }
0x15: {  	s22 =	sadd.s32 $0x2000, s8;
	[dreg:$0x7] =	wrdreg s7;
	s1 =	sshrl.u32 s1, $0x3  }
0x16: {  	s14 =	sadd.s32 $0x1000, s8;
	s6 =	sadd.s32 s25, s0;
	s25 =	simm.s32 $0x5740  }
0x17: {  	[dreg:$0x6] =	wrdreg s22;
	s16 =	sadd.s32 s1, s17;
	s24 =	sadd.s32 s18, s23  }
0x18: {  	s26 =	sadd.s32 s20, s19;
	s18 =	sadd.s32 s5, s6;
	s20 =	simm.s32 $0x4  }
0x19: {  	s22 =	simm.s32 $0x3740;
	s23 =	simm.s32 $0x1;
	s1 =	sshll.u32 s24, $0x4  }
0x1a: {  	s7 =	sshll.u32 s26, $0x1;
	s24 =	simm.s32 $0x80;
	s1 =	sadd.s32 s1, s17  }
0x1b: {  	s26 =	simm.s32 $0x0;
	s0 =	sadd.s32 s7, s0;
	s17 =	sadd.s32 $0x800, s1  }
0x1c: {  	s19 =	sadd.s32 $0xA0, s0;
	s0 =	simm.s32 $0xD740;
	s1 =	simm.s32 $0xDC40  }
.LBB2_1:
0x1d: {  	s5 =	rddreg [dreg:$0x3]  }
0x1e: {  	[tilespmem:s2], [sflag:$0x4] =	stream.linear.gather [hbm4b:s5+s2], $0x40, $0x38;
	[tilespmem:$0xE140] =	vst v63  }
0x1f: {  	_ =	swait.ge [sflag:s20], $0x40  }
0x20: {  	[sflag:s20] =	ssyncset.done $0x0  }
0x21: {  	[sflag:s20] =	ssyncadd.s32 $0xFFFFFFC0  }
0x22: {  	[tilespmem:s22], [sflag:$0x1] =	stream.indirect.gather [hbm4b:s3+s21], $0x80, s2, s21, $0xb8;
	[tilespmem:$0xE140] =	vst v63  }
0x23: {  	_ =	swait.ge [sflag:s23], $0x2000  }
0x24: {  	[sflag:s23] =	ssyncset.done $0x0  }
0x25: {  	s9 =	rddreg [dreg:$0x4];
	[sflag:s23] =	ssyncadd.s32 $0xFFFFE000  }
0x26: {  	[hbm4b:s9+s2] =	stream.linear.scatter [tilespmem:s22], [sflag:$0x4], $0x2000, $0x38;
	[tilespmem:$0xE140] =	vst v63  }
0x27: {  	_ =	swait.ge [sflag:s20], $0x2000  }
0x28: {  	[sflag:s20] =	ssyncset.done $0x0  }
0x29: {  	s10 =	rddreg [dreg:$0x5];
	[sflag:s20] =	ssyncadd.s32 $0xFFFFE000  }
0x2a: {  	[tilespmem:s21], [sflag:$0x4] =	stream.linear.gather [hbm4b:s10+s2], $0x280, $0x38;
	[tilespmem:$0xE140] =	vst v63  }
0x2b: {  	_ =	swait.ge [sflag:s20], $0x280  }
0x2c: {  	[sflag:s20] =	ssyncset.done $0x0  }
0x2d: {  	[sflag:s20] =	ssyncadd.s32 $0xFFFFFD80  }
0x2e: {  	[tilespmem:s25], [sflag:$0x1] =	stream.indirect.gather [hbm4b:s3+s24], $0x80, s21, s24, $0xb8;
	[tilespmem:$0xE140] =	vst v63  }
0x2f: {  	s6 =	simm.s32 $0xC0  }
0x30: {  	[tilespmem:s28], [sflag:$0x2] =	stream.indirect.gather [hbm4b:s3+s24], $0x80, s6, s24, $0xb8;
	[tilespmem:$0xE140] =	vst v63  }
0x31: {  	_ =	swait.ge [sflag:s23], $0x4000  }
0x32: {  	[sflag:s23] =	ssyncset.done $0x0  }
0x33: {  	[sflag:s23] =	ssyncadd.s32 $0xFFFFC000  }
0x34: {  	[hbm4b:s8+s2] =	stream.linear.scatter [tilespmem:s25], [sflag:$0x3], $0x4000, $0x38;
	[tilespmem:$0xE140] =	vst v63  }
0x35: {  	_ =	swait.ge [sflag:s29], $0x4000  }
0x36: {  	[sflag:s29] =	ssyncset.done $0x0  }
0x37: {  	[sflag:s29] =	ssyncadd.s32 $0xFFFFC000  }
0x38: {  	[hbm4b:s13+s2] =	stream.linear.scatter [tilespmem:s28], [sflag:$0x3], $0x4000, $0x38;
	[tilespmem:$0xE140] =	vst v63  }
0x39: {  	_ =	swait.ge [sflag:s30], $0x4000  }
0x3a: {  	[sflag:s30] =	ssyncset.done $0x0  }
0x3b: {  	[sflag:s30] =	ssyncadd.s32 $0xFFFFC000  }
0x3c: {  	_ =	swait.ge [sflag:s30], $0x4000  }
0x3d: {  	[sflag:s30] =	ssyncset.done $0x0  }
0x3e: {  	s7 =	simm.s32 $0x140;
	[sflag:s30] =	ssyncadd.s32 $0xFFFFC000  }
0x3f: {  	[tilespmem:s25], [sflag:$0x1] =	stream.indirect.gather [hbm4b:s3+s24], $0x80, s7, s24, $0xb8;
	[tilespmem:$0xE140] =	vst v63  }
0x40: {  	s9 =	simm.s32 $0x1C0  }
0x41: {  	[tilespmem:s28], [sflag:$0x2] =	stream.indirect.gather [hbm4b:s3+s24], $0x80, s9, s24, $0xb8;
	[tilespmem:$0xE140] =	vst v63  }
0x42: {  	_ =	swait.ge [sflag:s23], $0x4000  }
0x43: {  	[sflag:s23] =	ssyncset.done $0x0  }
0x44: {  	[sflag:s23] =	ssyncadd.s32 $0xFFFFC000  }
0x45: {  	[hbm4b:s14+s2] =	stream.linear.scatter [tilespmem:s25], [sflag:$0x3], $0x4000, $0x38;
	[tilespmem:$0xE140] =	vst v63  }
0x46: {  	_ =	swait.ge [sflag:s29], $0x4000  }
0x47: {  	[sflag:s29] =	ssyncset.done $0x0  }
0x48: {  	[sflag:s29] =	ssyncadd.s32 $0xFFFFC000  }
0x49: {  	[hbm4b:s15+s2] =	stream.linear.scatter [tilespmem:s28], [sflag:$0x3], $0x4000, $0x38;
	[tilespmem:$0xE140] =	vst v63  }
0x4a: {  	_ =	swait.ge [sflag:s30], $0x4000  }
0x4b: {  	[sflag:s30] =	ssyncset.done $0x0  }
0x4c: {  	[sflag:s30] =	ssyncadd.s32 $0xFFFFC000  }
0x4d: {  	_ =	swait.ge [sflag:s30], $0x4000  }
0x4e: {  	[sflag:s30] =	ssyncset.done $0x0  }
0x4f: {  	s10 =	simm.s32 $0x240;
	[sflag:s30] =	ssyncadd.s32 $0xFFFFC000  }
0x50: {  	[tilespmem:s25], [sflag:$0x1] =	stream.indirect.gather [hbm4b:s3+s24], $0x80, s10, s24, $0xb8;
	[tilespmem:$0xE140] =	vst v63  }
0x51: {  	_ =	swait.ge [sflag:s23], $0x4000  }
0x52: {  	[sflag:s23] =	ssyncset.done $0x0  }
0x53: {  	s6 =	rddreg [dreg:$0x6];
	[sflag:s23] =	ssyncadd.s32 $0xFFFFC000  }
0x54: {  	[hbm4b:s6+s2] =	stream.linear.scatter [tilespmem:s25], [sflag:$0x4], $0x4000, $0x38;
	[tilespmem:$0xE140] =	vst v63  }
0x55: {  	_ =	swait.ge [sflag:s20], $0x4000  }
0x56: {  	[sflag:s20] =	ssyncset.done $0x0  }
0x57: {  	s5 =	simm.s32 $0x2C0;
	s6 =	rddreg [dreg:$0x7];
	[sflag:s20] =	ssyncadd.s32 $0xFFFFC000  }
0x58: {  	[tilespmem:s5], [sflag:$0x4] =	stream.linear.gather [hbm4b:s6+s2], $0x1900, $0x38;
	[tilespmem:$0xE140] =	vst v63  }
0x59: {  	_ =	swait.ge [sflag:s20], $0x1900  }
0x5a: {  	[sflag:s20] =	ssyncset.done $0x0  }
0x5b: {  	[sflag:s20] =	ssyncadd.s32 $0xFFFFE700  }
0x5c: {  	[tilespmem:s25], [sflag:$0x1] =	stream.indirect.gather [hbm4b:s3+s24], $0x80, s5, s24, $0xb8;
	[tilespmem:$0xE140] =	vst v63  }
0x5d: {  	s7 =	simm.s32 $0x340  }
0x5e: {  	[tilespmem:s28], [sflag:$0x2] =	stream.indirect.gather [hbm4b:s3+s24], $0x80, s7, s24, $0xb8;
	[tilespmem:$0xE140] =	vst v63  }
0x5f: {  	_ =	swait.ge [sflag:s23], $0x4000  }
0x60: {  	[sflag:s23] =	ssyncset.done $0x0  }
0x61: {  	s9 =	sadd.s32 $0x0, s16;
	[sflag:s23] =	ssyncadd.s32 $0xFFFFC000  }
0x62: {  	[hbm4b:s9+s2] =	stream.linear.scatter [tilespmem:s25], [sflag:$0x3], $0x4000, $0x38;
	[tilespmem:$0xE140] =	vst v63  }
0x63: {  	_ =	swait.ge [sflag:s29], $0x4000  }
0x64: {  	[sflag:s29] =	ssyncset.done $0x0  }
0x65: {  	s10 =	sadd.s32 $0x0, s17;
	[sflag:s29] =	ssyncadd.s32 $0xFFFFC000  }
0x66: {  	[hbm4b:s10+s2] =	stream.linear.scatter [tilespmem:s28], [sflag:$0x3], $0x4000, $0x38;
	[tilespmem:$0xE140] =	vst v63  }
0x67: {  	_ =	swait.ge [sflag:s30], $0x4000  }
0x68: {  	[sflag:s30] =	ssyncset.done $0x0  }
0x69: {  	[sflag:s30] =	ssyncadd.s32 $0xFFFFC000  }
0x6a: {  	_ =	swait.ge [sflag:s30], $0x4000  }
0x6b: {  	s6 =	simm.s32 $0x1000;
	[sflag:s30] =	ssyncset.done $0x0  }
.LBB2_2:
0x6c: {  	p0 =	sne.s32 s6, $0x18000;
	[sflag:s30] =	ssyncadd.s32 $0xFFFFC000;
	s5 =	sadd.s32 $0x100, s5  }
0x6d: {  	[tilespmem:s25], [sflag:$0x1] =	stream.indirect.gather [hbm4b:s3+s24], $0x80, s5, s24, $0xb8;
	[tilespmem:$0xE140] =	vst v63  }
0x6e: {  	s9 =	smov.u32 s6;
	s6 =	sadd.s32 $0x1000, s6;
	s7 =	sadd.s32 $0x80, s5  }
0x6f: {  	[tilespmem:s28], [sflag:$0x2] =	stream.indirect.gather [hbm4b:s3+s24], $0x80, s7, s24, $0xb8;
	[tilespmem:$0xE140] =	vst v63  }
0x70: {  	_ =	swait.ge [sflag:s23], $0x4000  }
0x71: {  	[sflag:s23] =	ssyncset.done $0x0  }
0x72: {  	s7 =	sadd.s32 s9, s16;
	[sflag:s23] =	ssyncadd.s32 $0xFFFFC000  }
0x73: {  	[hbm4b:s7+s2] =	stream.linear.scatter [tilespmem:s25], [sflag:$0x3], $0x4000, $0x38;
	[tilespmem:$0xE140] =	vst v63  }
0x74: {  	_ =	swait.ge [sflag:s29], $0x4000  }
0x75: {  	[sflag:s29] =	ssyncset.done $0x0  }
0x76: {  	s7 =	sadd.s32 s9, s17;
	[sflag:s29] =	ssyncadd.s32 $0xFFFFC000  }
0x77: {  	[hbm4b:s7+s2] =	stream.linear.scatter [tilespmem:s28], [sflag:$0x3], $0x4000, $0x38;
	[tilespmem:$0xE140] =	vst v63  }
.Ltmp0:
0x78: {  	_ =	swait.ge [sflag:s30], $0x4000;
	(pc) =	sbr.rel @p0 .LBB2_2-.Ltmp0, $4  }
0x79: {  	[sflag:s30] =	ssyncset.done $0x0  }
0x7a: {  	[sflag:s30] =	ssyncadd.s32 $0xFFFFC000  }
0x7b: {  	_ =	swait.ge [sflag:s30], $0x4000  }
0x7c: {  	[sflag:s30] =	ssyncset.done $0x0  }
0x7d: {  	[sflag:s30] =	ssyncadd.s32 $0xFFFFC000;
	s5 =	simm.s32 $0x0;
	s6 =	simm.s32 $0x1BC0  }
0x7e: {  	[tilespmem:s6], [sflag:$0x4] =	stream.linear.gather [hbm4b:s11+s5], $0x1B80, $0x38;
	[tilespmem:$0xE140] =	vst v63  }
0x7f: {  	_ =	swait.ge [sflag:s20], $0x1B80  }
0x80: {  	[sflag:s20] =	ssyncset.done $0x0  }
0x81: {  	s6 =	simm.s32 $0x1BC0;
	[sflag:s20] =	ssyncadd.s32 $0xFFFFE480  }
0x82: {  	[tilespmem:s0], [sflag:$0x1] =	stream.indirect.gather [hbm4b:s4+s31], $0x10, s6, s31, $0xb8;
	[tilespmem:$0xE140] =	vst v63  }
0x83: {  	s7 =	simm.s32 $0x1C10  }
0x84: {  	[tilespmem:s1], [sflag:$0x2] =	stream.indirect.gather [hbm4b:s4+s31], $0x10, s7, s31, $0xb8;
	[tilespmem:$0xE140] =	vst v63  }
0x85: {  	_ =	swait.ge [sflag:s23], $0x500  }
0x86: {  	[sflag:s23] =	ssyncset.done $0x0  }
0x87: {  	s9 =	sadd.s32 $0x0, s18;
	[sflag:s23] =	ssyncadd.s32 $0xFFFFFB00  }
0x88: {  	[hbm4b:s9+s2] =	stream.linear.scatter [tilespmem:s0], [sflag:$0x3], $0x500, $0x38;
	[tilespmem:$0xE140] =	vst v63  }
0x89: {  	_ =	swait.ge [sflag:s29], $0x500  }
0x8a: {  	[sflag:s29] =	ssyncset.done $0x0  }
0x8b: {  	s10 =	sadd.s32 $0x0, s19;
	[sflag:s29] =	ssyncadd.s32 $0xFFFFFB00  }
0x8c: {  	[hbm4b:s10+s2] =	stream.linear.scatter [tilespmem:s1], [sflag:$0x3], $0x500, $0x38;
	[tilespmem:$0xE140] =	vst v63  }
0x8d: {  	_ =	swait.ge [sflag:s30], $0x500  }
0x8e: {  	[sflag:s30] =	ssyncset.done $0x0  }
0x8f: {  	[sflag:s30] =	ssyncadd.s32 $0xFFFFFB00  }
0x90: {  	s5 =	simm.s32 $0x140;
	_ =	swait.ge [sflag:s30], $0x500  }
0x91: {  	s6 =	simm.s32 $0x1CB0;
	s7 =	simm.s32 $0x280;
	[sflag:s30] =	ssyncset.done $0x0  }
.LBB2_4:
0x92: {  	p0 =	sne.s32 s7, $0x35C0;
	s9 =	sadd.s32 $0xFFFFFFB0, s6;
	[sflag:s30] =	ssyncadd.s32 $0xFFFFFB00  }
0x93: {  	[tilespmem:s0], [sflag:$0x1] =	stream.indirect.gather [hbm4b:s4+s31], $0x10, s9, s31, $0xb8;
	[tilespmem:$0xE140] =	vst v63  }
0x94: {  	s9 =	smov.u32 s7;
	s7 =	sadd.s32 $0x140, s7  }
0x95: {  	[tilespmem:s1], [sflag:$0x2] =	stream.indirect.gather [hbm4b:s4+s31], $0x10, s6, s31, $0xb8;
	[tilespmem:$0xE140] =	vst v63  }
0x96: {  	_ =	swait.ge [sflag:s23], $0x500  }
0x97: {  	[sflag:s23] =	ssyncset.done $0x0  }
0x98: {  	s10 =	sadd.s32 s5, s18;
	[sflag:s23] =	ssyncadd.s32 $0xFFFFFB00  }
0x99: {  	[hbm4b:s10+s2] =	stream.linear.scatter [tilespmem:s0], [sflag:$0x3], $0x500, $0x38;
	[tilespmem:$0xE140] =	vst v63  }
0x9a: {  	_ =	swait.ge [sflag:s29], $0x500  }
0x9b: {  	[sflag:s29] =	ssyncset.done $0x0  }
0x9c: {  	s10 =	sadd.s32 s5, s19;
	s5 =	smov.u32 s9;
	[sflag:s29] =	ssyncadd.s32 $0xFFFFFB00  }
0x9d: {  	[hbm4b:s10+s2] =	stream.linear.scatter [tilespmem:s1], [sflag:$0x3], $0x500, $0x38;
	[tilespmem:$0xE140] =	vst v63  }
.Ltmp1:
0x9e: {  	_ =	swait.ge [sflag:s30], $0x500;
	(pc) =	sbr.rel @p0 .LBB2_4-.Ltmp1, $4  }
0x9f: {  	[sflag:s30] =	ssyncset.done $0x0  }
0xa0: {  	[sflag:s30] =	ssyncadd.s32 $0xFFFFFB00  }
0xa1: {  	_ =	swait.ge [sflag:s30], $0x500  }
0xa2: {  	s6 =	sadd.s32 $0xA0, s6;
	[sflag:s30] =	ssyncset.done $0x0  }
0xa3: {  	s7 =	sadd.s32 $0xFFFFFFB0, s6;
	[sflag:s30] =	ssyncadd.s32 $0xFFFFFB00  }
0xa4: {  	[tilespmem:s0], [sflag:$0x1] =	stream.indirect.gather [hbm4b:s4+s31], $0x10, s7, s31, $0xb8;
	[tilespmem:$0xE140] =	vst v63  }
0xa5: {  	_ = 	snop  }
0xa6: {  	[tilespmem:s1], [sflag:$0x2] =	stream.indirect.gather [hbm4b:s4+s31], $0x10, s6, s31, $0xb8;
	[tilespmem:$0xE140] =	vst v63  }
0xa7: {  	_ =	swait.ge [sflag:s23], $0x500  }
0xa8: {  	[sflag:s23] =	ssyncset.done $0x0  }
0xa9: {  	s9 =	sadd.s32 s5, s18;
	[sflag:s23] =	ssyncadd.s32 $0xFFFFFB00  }
0xaa: {  	[hbm4b:s9+s2] =	stream.linear.scatter [tilespmem:s0], [sflag:$0x3], $0x500, $0x38;
	[tilespmem:$0xE140] =	vst v63  }
0xab: {  	_ =	swait.ge [sflag:s29], $0x500  }
0xac: {  	[sflag:s29] =	ssyncset.done $0x0  }
0xad: {  	s10 =	sadd.s32 s5, s19;
	s26 =	sadd.s32 $0x1, s26;
	[sflag:s29] =	ssyncadd.s32 $0xFFFFFB00  }
0xae: {  	[hbm4b:s10+s2] =	stream.linear.scatter [tilespmem:s1], [sflag:$0x3], $0x500, $0x38;
	[tilespmem:$0xE140] =	vst v63  }
0xaf: {  	p0 =	sne.s32 s26, s12;
	_ =	swait.ge [sflag:s30], $0x500  }
.Ltmp2:
0xb0: {  	[sflag:s30] =	ssyncset.done $0x0;
	(pc) =	sbr.rel @p0 .LBB2_1-.Ltmp2, $4  }
0xb1: {  	[sflag:s30] =	ssyncadd.s32 $0xFFFFFB00  }
0xb2: {  	_ =	swait.ge [sflag:s30], $0x500  }
0xb3: {  	[sflag:s30] =	ssyncset.done $0x0  }
0xb4: {  	[sflag:s30] =	ssyncadd.s32 $0xFFFFFB00  }
0xb5: {  	_ =	sfence.sel $0x180000  }
0xb6: {  	[bflag:$0x0] =	sbarrier.arrive $0xFFFF  }
0xb7: {  	_ =	strace $0x9000004D  }
0xb8: {  	s0 =	stileid.u32;
	[bflag:$0x2] =	sbarrier.arrive $0xFFFF  }
0xb9: {  	p0 =	sne.s32 s0, $0x0;
	s0 =	rddreg [dreg:$0x2]  }
0xba: {  	s0 =	sadd.s32 @!p0 $0x100000, s0  }
0xbb: {  	[sflag:s0] =	ssyncadd.tile.s32 @!p0 $0x1;
	_ =	shalt  }
.Lfunc_end2:
_tile_overlayer_lowered:
.L_overlay_start_2:
0xbc: {  	(tag) =	ssettag $0x2  }
0xbd: {  	s0 =	rddreg [dreg:$0x0];
	s2 =	stileid.u32  }
0xbe: {  	s1 =	rddreg [dreg:$0x1];
	p0 =	sne.s32 s2, $0x0  }
0xbf: {  	s3 =	rddreg [dreg:$0x2];
	[bflag:$0x3] =	sbarrier.arrive $0xFFFF;
	s2 =	simm.s32 @!p0 $0x1C04  }
0xc0: {  	[timem:s3], [sflag:s2] =	dma.local @!p0 [hbm:s0], s1  }
0xc1: {  	s0 =	simm.s32 @!p0 $0x4  }
0xc2: {  	_ =	swait.ge @!p0 [sflag:s0], s1  }
0xc3: {  	s1 =	ssub.s32 @!p0 $0x0, s1;
	[sflag:s0] =	ssyncset.done @!p0 $0x0  }
0xc4: {  	[sflag:s0] =	ssyncadd.s32 @!p0 s1  }
0xc5: {  	[bflag:$0x3] =	sbarrier.arrive $0xFFFF  }
0xc6: {  	_ =	shalt  }

// kernel: kernel.8.cloned.1.call-start
scs
__scs_entry_jumppad:
0x0: {  	(pc) =	sbr.rel $0x88, $3  }
0x1: {  	(tag) =	ssettag $0x0;
	lr =	simm.s32 $0x1  }
0x2: {  	[smem:$0x3F90] =	sst lr;
	_ =	strace $0xD0000000  }
0x3: {  	_ = 	snop  }
0x4: {  	_ = 	snop  }
0x5: {  	_ = 	snop  }
0x6: {  	_ = 	snop  }
0x7: {  	_ = 	snop  }
__scs_overlays_trampoline_lowered:
0x8: {  	[smem:$0x3F9F] =	sst s0  }
0x9: {  	[smem:$0x3FA0] =	sst s1  }
0xa: {  	[smem:$0x3FA1] =	sst s2  }
0xb: {  	[smem:$0x3FA2] =	sst s3  }
0xc: {  	[smem:$0x3FA3] =	sst s4  }
0xd: {  	[smem:$0x3FA4] =	sst s5  }
0xe: {  	[smem:$0x3FA5] =	sst s6  }
0xf: {  	[smem:$0x3FA6] =	sst s7  }
0x10: {  	[smem:$0x3FA7] =	sst s8  }
0x11: {  	[smem:$0x3FA8] =	sst s9;
	s0 =	simm.s32 @!p0 $0x0  }
0x12: {  	s1 =	sld [smem:$0x3F8E];
	s0 =	simm.s32 @p0 $0x1  }
0x13: {  	[smem:$0x3FA9] =	sst s0;
	s0 =	simm.s32 @!p1 $0x0  }
0x14: {  	s2 =	sld [smem:$0x3F8D];
	s0 =	simm.s32 @p1 $0x1  }
0x15: {  	[smem:$0x3FAA] =	sst s0;
	s0 =	simm.s32 @!p2 $0x0  }
0x16: {  	s3 =	sld [smem:$0x3FDB];
	s0 =	simm.s32 @p2 $0x1  }
0x17: {  	s4 =	simm.s32 $0x1BF5;
	[smem:$0x3FAC] =	sst s0  }
0x18: {  	s0 =	sld [smem:$0x3F8F];
	_ =	swait.ge [sflag:s4], $0x0  }
0x19: {  	s7 =	sld [smem:$0x3F90]  }
0x1a: {  	s8 =	sadd.s32 $0xFFFFE003, lr  }
0x1b: {  	s9 =	sadd.s32 $0xFFFFFEF7, lr;
	s5 =	simm.s32 $0xFFFFFFFF;
	p2 =	slt.u32 s8, $0xFFFFF086  }
0x1c: {  	p1 =	slt.u32 s9, $0xF7A;
	s5 =	simm.s32 @!p2 $0x0  }
0x1d: {  	s5 =	simm.s32 @p1 $0x1;
	p0 =	seq.s32 s7, s2  }
0x1e: {  	s7 =	smul.u32 @!p0 $0xF7A, s2;
	p2 =	seq.s32 @!p0 s5, $0x0  }
0x1f: {  	s9 =	smul.u32 $0xF7A, s1;
	s8 =	simm.s32 @!p0 $0x1BF5;
	p2 =	por !p2, p0  }
0x20: {  	[sflag:s8] =	ssyncset.s32 @!p0 $0xFFFFF086;
	s6 =	sadd.s32 @!p0 s3, s7;
	s7 =	simm.s32 @!p0 $0x108  }
0x21: {  	s3 =	sadd.s32 s3, s9;
	s6 =	sadd.s32 @!p0 $0x88, s6;
	s7 =	simm.s32 @p2 $0x1082  }
0x22: {  	[simem:s7], [sflag:s8] =	dma.local @!p0 [hbm:s6], $0xF7A  }
0x23: {  	s9 =	sor.u32 $0xD0000000, s2;
	s6 =	simm.s32 $0x108;
	_ =	swait.ge @!p0 [sflag:s8], $0x0  }
0x24: {  	s3 =	sadd.s32 $0x88, s3;
	s6 =	simm.s32 @!p1 $0x1082;
	[sflag:s4] =	ssyncset.s32 $0xFFFFF086  }
0x25: {  	[simem:s6], [sflag:s4] =	dma.local [hbm:s3], $0xF7A  }
0x26: {  	[smem:$0x3F90] =	sst s1;
	(tag) =	ssettag s2;
	_ =	strace s9  }
0x27: {  	s1 =	sld [smem:$0x3FA0]  }
0x28: {  	s2 =	sld [smem:$0x3FA1]  }
0x29: {  	s4 =	sld [smem:$0x3FA3]  }
0x2a: {  	p0 =	seq.s32 s5, $0x0;
	s5 =	sld [smem:$0x3FA4]  }
0x2b: {  	s6 =	sld [smem:$0x3FA5]  }
0x2c: {  	s7 =	sld [smem:$0x3FA6]  }
0x2d: {  	s3 =	simm.s32 $0x108;
	s8 =	sld [smem:$0x3FA7]  }
0x2e: {  	s3 =	simm.s32 @!p0 $0x1082;
	s9 =	sld [smem:$0x3FA8]  }
0x2f: {  	lr =	sadd.s32 s0, s3;
	s0 =	sld [smem:$0x3F9F]  }
0x30: {  	s3 =	sld [smem:$0x3FA2]  }
0x31: {  	[smem:$0x3FAB] =	sst s10  }
0x32: {  	s10 =	sld [smem:$0x3FA9];
	_ =	sdelay $0x3  }
0x33: {  	p0 =	seq.s32 s10, $0x1;
	s10 =	sld [smem:$0x3FAB];
	_ =	sdelay $0x3  }
0x34: {  	[smem:$0x3FAB] =	sst s10  }
0x35: {  	s10 =	sld [smem:$0x3FAA];
	_ =	sdelay $0x3  }
0x36: {  	p1 =	seq.s32 s10, $0x1;
	s10 =	sld [smem:$0x3FAB];
	_ =	sdelay $0x3  }
0x37: {  	[smem:$0x3FAB] =	sst s10  }
0x38: {  	s10 =	sld [smem:$0x3FAC]  }
0x39: {  	_ = 	snop;
	(pc) =	sbr.ind lr, $3  }
0x3a: {  	_ = 	snop  }
0x3b: {  	_ = 	snop  }
0x3c: {  	p2 =	seq.s32 s10, $0x1;
	s10 =	sld [smem:$0x3FAB]  }
0x3d: {  	_ =	shalt  }
0x3e: {  	_ =	shalt  }
0x3f: {  	_ =	shalt  }
0x40: {  	_ =	shalt  }
0x41: {  	_ =	shalt  }
0x42: {  	_ =	shalt  }
0x43: {  	_ =	shalt  }
0x44: {  	_ =	shalt  }
0x45: {  	_ =	shalt  }
0x46: {  	_ =	shalt  }
0x47: {  	_ =	shalt  }
0x48: {  	_ =	shalt  }
0x49: {  	_ =	shalt  }
0x4a: {  	_ =	shalt  }
0x4b: {  	_ =	shalt  }
0x4c: {  	_ =	shalt  }
0x4d: {  	_ =	shalt  }
0x4e: {  	_ =	shalt  }
0x4f: {  	_ =	shalt  }
0x50: {  	_ =	shalt  }
0x51: {  	_ =	shalt  }
0x52: {  	_ =	shalt  }
0x53: {  	_ =	shalt  }
0x54: {  	_ =	shalt  }
0x55: {  	_ =	shalt  }
0x56: {  	_ =	shalt  }
0x57: {  	_ =	shalt  }
0x58: {  	_ =	shalt  }
0x59: {  	_ =	shalt  }
0x5a: {  	_ =	shalt  }
0x5b: {  	_ =	shalt  }
0x5c: {  	_ =	shalt  }
0x5d: {  	_ =	shalt  }
0x5e: {  	_ =	shalt  }
0x5f: {  	_ =	shalt  }
0x60: {  	_ =	shalt  }
0x61: {  	_ =	shalt  }
0x62: {  	_ =	shalt  }
0x63: {  	_ =	shalt  }
0x64: {  	_ =	shalt  }
0x65: {  	_ =	shalt  }
0x66: {  	_ =	shalt  }
0x67: {  	_ =	shalt  }
0x68: {  	_ =	shalt  }
0x69: {  	_ =	shalt  }
0x6a: {  	_ =	shalt  }
0x6b: {  	_ =	shalt  }
0x6c: {  	_ =	shalt  }
0x6d: {  	_ =	shalt  }
0x6e: {  	_ =	shalt  }
0x6f: {  	_ =	shalt  }
0x70: {  	_ =	shalt  }
0x71: {  	_ =	shalt  }
0x72: {  	_ =	shalt  }
0x73: {  	_ =	shalt  }
0x74: {  	_ =	shalt  }
0x75: {  	_ =	shalt  }
0x76: {  	_ =	shalt  }
0x77: {  	_ =	shalt  }
0x78: {  	_ =	shalt  }
0x79: {  	_ =	shalt  }
0x7a: {  	_ =	shalt  }
0x7b: {  	_ =	shalt  }
0x7c: {  	_ =	shalt  }
0x7d: {  	_ =	shalt  }
0x7e: {  	_ =	shalt  }
0x7f: {  	_ =	shalt  }
0x80: {  	_ =	shalt  }
0x81: {  	_ =	shalt  }
0x82: {  	_ =	shalt  }
0x83: {  	_ =	shalt  }
0x84: {  	_ =	shalt  }
0x85: {  	_ =	shalt  }
0x86: {  	_ =	shalt  }
0x87: {  	_ =	shalt  }
.Lfunc_end0:
.L_simem_size_0:
called_computation_lowered:
.L_overlay_start_0:
0x88: {  	s2 =	sld [smem:$0x3FD9]  }
0x89: {  	s3 =	sld [smem:$0x3FFE];
	_ =	sdelay $0x1  }
0x8a: {  	s1 =	srdreg.scid  }
0x8b: {  	s0 =	sand.u32 $0x1, s1  }
0x8c: {  	s14 =	sshll.u32 s0, $0xA;
	s2 =	sadd.s32 s3, s2  }
0x8d: {  	s2 =	sadd.s32 s2, s14  }
0x8e: {  	[smem:$0x3FB7] =	sst s2  }
0x8f: {  	_ = 	snop  }
0x90: {  	s2 =	sld [smem:$0x3FD0];
	_ =	sdelay $0x2  }
0x91: {  	s15 =	simm.s32 $0xA;
	s4 =	simm.s32 $0x10  }
0x92: {  	[smem:s4], [sflag:s15] =	dma.local [hbm:s2], $0x1  }
0x93: {  	_ =	swait.eq [sflag:s15], $0x1  }
0x94: {  	[sflag:s15] =	ssyncset.done $0x0  }
0x95: {  	[sflag:s15] =	ssyncadd.s32 $0xFFFFFFFF  }
0x96: {  	s16 =	sld [smem:$0x10];
	(tm) =	ssettm $0x1  }
0x97: {  	s17 =	sld [smem:$0x3FFB];
	_ =	sdelay $0x3  }
0x98: {  	_ =	strace s17  }
0x99: {  	s3 =	sld [smem:$0x3FFC];
	_ =	sdelay $0x3  }
0x9a: {  	_ =	strace s3  }
0x9b: {  	s3 =	sld [smem:$0x3FFD];
	_ =	sdelay $0x3  }
0x9c: {  	_ =	strace s3  }
0x9d: {  	_ =	strace $0x8FFFFFFF  }
0x9e: {  	s18 =	sld [smem:$0x3FDB];
	_ =	sdelay $0x1  }
0x9f: {  	s19 =	simm.s32 $_scs_section_size  }
0xa0: {  	s5 =	simm.s32 $_size__tile_overlayer_lowered;
	s6 =	simm.s32 $_tile_overlayer_lowered  }
0xa1: {  	s22 =	simm.s32 $0x1BFF;
	s21 =	sshll.u32 s6, $0x1;
	s3 =	sadd.s32 s19, s18  }
0xa2: {  	s7 =	simm.s32 $0x0;
	s20 =	sshll.u32 s5, $0x1;
	s5 =	sadd.s32 s21, s3  }
0xa3: {  	[timem:s7], [sflag:s22] =	dma.local [hbm:s5], s20  }
0xa4: {  	_ =	swait.ge [sflag:s22], s20  }
0xa5: {  	s4 =	ssub.s32 $0x0, s20;
	[sflag:s22] =	ssyncset.done $0x0  }
0xa6: {  	[sflag:s22] =	ssyncadd.s32 s4;
	_ =	sdelay $0x1  }
0xa7: {  	s23 =	simm.s32 $0x1B8B  }
0xa8: {  	_ =	swait.ge [sflag:s23], $0x1  }
0xa9: {  	[sflag:s23] =	ssyncset.done $0x0  }
0xaa: {  	s25 =	simm.s32 $0x1B8E;
	s24 =	sld [smem:$0x3FFE];
	[sflag:s23] =	ssyncadd.s32 $0xFFFFFFFF  }
0xab: {  	s26 =	simm.s32 $execute0_lowered;
	[smem:$0x3FD2] =	sst s25  }
0xac: {  	s5 =	sshll.u32 s26, $0x1;
	_ =	strace $0x80000046;
	[dreg:$0x1] =	wrdreg $0xFFFFFFFF  }
0xad: {  	s28 =	simm.s32 $_size_execute0_lowered;
	s3 =	sadd.s32 s3, s5;
	[dreg:$0x0] =	wrdreg $0x0  }
0xae: {  	s5 =	sshll.u32 s28, $0x1;
	[dreg:$0x2] =	wrdreg s3  }
0xaf: {  	[dreg:$0x3] =	wrdreg s5  }
0xb0: {  	[dreg:$0x4] =	wrdreg $0xC0  }
0xb1: {  	_ =	task [dreg:s7], $0x5FFFF  }
0xb2: {  	[dreg:$0x1] =	wrdreg $0xFFFFFFFF  }
0xb3: {  	[dreg:$0x0] =	wrdreg $0x60  }
0xb4: {  	[dreg:$0x2] =	wrdreg s24  }
0xb5: {  	[dreg:$0x3] =	wrdreg s16  }
0xb6: {  	[dreg:$0x4] =	wrdreg $0x9  }
0xb7: {  	_ =	task.clear_ibuf [dreg:s7], $0x5FFFF;
	_ =	strace $0x90000046  }
0xb8: {  	s29 =	simm.s32 $0x9;
	_ =	strace $0x80000048  }
0xb9: {  	_ =	swait.ge [sflag:s29], $0x1  }
0xba: {  	[sflag:s29] =	ssyncadd.s32 $0xFFFFFFFF  }
0xbb: {  	_ =	strace $0x90000048  }
0xbc: {  	_ =	sfence  }
0xbd: {  	s30 =	sld [smem:$0x0];
	_ =	sdelay $0x2  }
0xbe: {  	s31 =	sshll.u32 s1, $0xD;
	s1 =	sshrl.u32 s1, $0x2  }
0xbf: {  	s3 =	sand.u32 $0x4000, s31;
	s1 =	sadd.s32 s1, s30  }
0xc0: {  	s0 =	sor.u32 s3, s0;
	s1 =	sshll.u32 s1, $0x11  }
0xc1: {  	s0 =	sor.u32 s1, s0  }
0xc2: {  	s0 =	sadd.s32 $0x8F2B, s0  }
0xc3: {  	[sflag:s0] =	ssyncadd.remote.s32 $0x1  }
0xc4: {  	_ =	sfence.sel $0xFFFF  }
0xc5: {  	[dreg:$0x0] =	wrdreg $0xFFFFFFFF;
	(pc) =	sbr.abs _section_cstart, $3  }
0xc6: {  	[dreg:$0x1] =	wrdreg $0xFFFFFFFF  }
0xc7: {  	_ =	task.clear_ibuf [dreg:s7], $0x2FFFF;
	_ =	strace $0x9FFFFFFF  }
0xc8: {  	(tm) =	ssettm $0x7FFFFFFF  }
0xc9: {  	_ =	shalt  }
tec
execute0_lowered:
.L_overlay_start_1:
0x0: {  	(tag) =	ssettag $0x1  }
0x1: {  	s1 =	srdreg.scid  }
0x2: {  	s0 =	stileid.u32;
	s6 =	sand.u32 $0x1, s1  }
0x3: {  	s5 =	rddreg [dreg:$0x0];
	s30 =	sshll.u32 s0, $0x7;
	s2 =	sshll.u32 s6, $0x6  }
0x4: {  	s8 =	rddreg [dreg:$0x1];
	s9 =	sor.u32 s2, s30  }
0x5: {  	s1 =	rddreg [dreg:$0x2];
	s2 =	simm.s32 $0x0;
	s3 =	sshrl.u32 s9, $0x3  }
0x6: {  	s10 =	ssub.s32 $0x2, s6;
	[smem:$0x7FF] =	sst s2;
	s3 =	sadd.s32 s3, s5  }
0x7: {  	_ =	strace $0x80000047;
	s4 =	sadd.s32 $0x11C00, s3;
	s3 =	simm.s32 $0x2  }
0x8: {  	[tilespmem:s2], [sflag:$0x2] =	stream.linear.gather [hbm4b:s4+s2], $0x40, $0x38;
	[tilespmem:$0x840] =	vst v63  }
0x9: {  	s7 =	simm.s32 $0x1;
	s11 =	sshrl.u32 s10, $0x1;
	_ =	swait.ge [sflag:s3], $0x40  }
0xa: {  	s6 =	simm.s32 $0x40;
	s10 =	ssub.s32 s10, s11;
	[sflag:s3] =	ssyncset.done $0x0  }
0xb: {  	s5 =	sadd.s32 $0x7E00, s5;
	s31 =	smax.u32 s10, $0x1;
	[sflag:s3] =	ssyncadd.s32 $0xFFFFFFC0  }
0xc: {  	[tilespmem:s6], [sflag:$0x1] =	stream.indirect.gather [hbm4b:s5+s6], $0x20, s2, s6, $0xb8;
	[tilespmem:$0x840] =	vst v63  }
0xd: {  	p0 =	sne.s32 s31, $0x1;
	_ =	swait.ge [sflag:s7], $0x800  }
.Ltmp0:
0xe: {  	s9 =	sshll.u32 s9, $0x2;
	[sflag:s7] =	ssyncset.done $0x0;
	(pc) =	sbr.rel @!p0 .LBB2_2-.Ltmp0, $4  }
0xf: {  	s8 =	sadd.s32 s8, s9;
	[sflag:s7] =	ssyncadd.s32 $0xFFFFF800  }
0x10: {  	[hbm4b:s8+s2] =	stream.linear.scatter [tilespmem:s6], [sflag:$0x2], $0x800, $0x38;
	[tilespmem:$0x840] =	vst v63  }
0x11: {  	_ =	swait.ge [sflag:s3], $0x800  }
0x12: {  	s9 =	sadd.s32 $0xFFFFFFFF, s31;
	[sflag:s3] =	ssyncset.done $0x0  }
.LBB2_1:
0x13: {  	p0 =	sne.s32 s9, $0x1;
	s9 =	sadd.s32 $0xFFFFFFFF, s9;
	[sflag:s3] =	ssyncadd.s32 $0xFFFFF800  }
0x14: {  	[tilespmem:s2], [sflag:$0x2] =	stream.linear.gather [hbm4b:s4+s2], $0x40, $0x38;
	[tilespmem:$0x840] =	vst v63  }
0x15: {  	_ =	swait.ge [sflag:s3], $0x40  }
0x16: {  	[sflag:s3] =	ssyncset.done $0x0  }
0x17: {  	[sflag:s3] =	ssyncadd.s32 $0xFFFFFFC0  }
0x18: {  	[tilespmem:s6], [sflag:$0x1] =	stream.indirect.gather [hbm4b:s5+s6], $0x20, s2, s6, $0xb8;
	[tilespmem:$0x840] =	vst v63  }
0x19: {  	_ =	swait.ge [sflag:s7], $0x800  }
.Ltmp1:
0x1a: {  	[sflag:s7] =	ssyncset.done $0x0;
	(pc) =	sbr.rel @p0 .LBB2_1-.Ltmp1, $4  }
0x1b: {  	[sflag:s7] =	ssyncadd.s32 $0xFFFFF800  }
0x1c: {  	[hbm4b:s8+s2] =	stream.linear.scatter [tilespmem:s6], [sflag:$0x2], $0x800, $0x38;
	[tilespmem:$0x840] =	vst v63  }
0x1d: {  	_ =	swait.ge [sflag:s3], $0x800  }
0x1e: {  	[sflag:s3] =	ssyncset.done $0x0  }
.LBB2_2:
0x1f: {  	[sflag:s3] =	ssyncadd.s32 $0xFFFFF800  }
0x20: {  	_ =	sfence.sel $0x180000  }
0x21: {  	[bflag:$0x0] =	sbarrier.arrive $0xFFFF  }
0x22: {  	p0 =	sne.s32 s0, $0x0;
	_ =	strace $0x90000047  }
0x23: {  	s0 =	sadd.s32 @!p0 $0x100000, s1;
	[bflag:$0x2] =	sbarrier.arrive $0xFFFF  }
0x24: {  	[sflag:s0] =	ssyncadd.tile.s32 @!p0 $0x1;
	_ =	shalt  }
.Lfunc_end2:
_tile_overlayer_lowered:
.L_overlay_start_2:
0x25: {  	(tag) =	ssettag $0x2  }
0x26: {  	s0 =	rddreg [dreg:$0x0];
	s2 =	stileid.u32  }
0x27: {  	s1 =	rddreg [dreg:$0x1];
	p0 =	sne.s32 s2, $0x0  }
0x28: {  	s3 =	rddreg [dreg:$0x2];
	[bflag:$0x3] =	sbarrier.arrive $0xFFFF;
	s2 =	simm.s32 @!p0 $0x1C02  }
0x29: {  	[timem:s3], [sflag:s2] =	dma.local @!p0 [hbm:s0], s1  }
0x2a: {  	s0 =	simm.s32 @!p0 $0x2  }
0x2b: {  	_ =	swait.ge @!p0 [sflag:s0], s1  }
0x2c: {  	s1 =	ssub.s32 @!p0 $0x0, s1;
	[sflag:s0] =	ssyncset.done @!p0 $0x0  }
0x2d: {  	[sflag:s0] =	ssyncadd.s32 @!p0 s1  }
0x2e: {  	[bflag:$0x3] =	sbarrier.arrive $0xFFFF  }
0x2f: {  	_ =	shalt  }

</sc_bundles>
